<compile_context>
chip_gen: v7x
topology: tpu7x:2x2x1
jax: 0.10.2.dev20260603
libtpu: 0.0.44.dev20260713+nightly
codegen_flags: <defaults>
</compile_context>

<pallas_src>
import functools

import jax
import jax.numpy as jnp
from jax import lax
from jax.experimental import pallas as pl
from jax.experimental.pallas import tpu as pltpu
from jax.experimental.pallas import tpu_sc as plsc

NC = 2
NS = 16
L = 16

f32 = jnp.float32
i32 = jnp.int32


def _rsqrt16(x):
  i = lax.bitcast_convert_type(x, i32)
  i = 0x5F3759DF - lax.shift_right_arithmetic(i, 1)
  y = lax.bitcast_convert_type(i, f32)
  for _ in range(3):
    y = y * (1.5 - 0.5 * x * y * y)
  return y


def _fill_vmem(ref, rows, cols, value):
  v = jnp.full((L,), value, f32)

  def body(it, _):
    r = it // (cols // L)
    k = it % (cols // L)
    ref[r, pl.ds(k * L, L)] = v
    return 0

  lax.fori_loop(0, rows * (cols // L), body, 0)


def _mm_body(x_ref, w_ref, o_ref):
  o_ref[...] = jnp.dot(x_ref[...], w_ref[...], preferred_element_type=f32)


def _matmul(x_pad, w, n_pad, d, h):
  blk = n_pad // 8
  return pl.pallas_call(
      _mm_body,
      grid=(8,),
      in_specs=[
          pl.BlockSpec((blk, d), lambda i: (i, 0)),
          pl.BlockSpec((d, h), lambda i: (0, 0)),
      ],
      out_specs=pl.BlockSpec((blk, h), lambda i: (i, 0)),
      out_shape=jax.ShapeDtypeStruct((n_pad, h), f32),
  )(x_pad, w)


def _make_mesh():
  return plsc.VectorSubcoreMesh(
      core_axis_name="c", subcore_axis_name="s", num_cores=NC,
      num_subcores=NS)


def _make_hist(n_pad, e_pad):
  kb = 112
  nblk_hist = e_pad // NS // kb
  rows_w = n_pad // (NC * NS)
  mesh = _make_mesh()

  @functools.partial(
      pl.kernel,
      out_type=(
          jax.ShapeDtypeStruct((n_pad,), f32),
          jax.ShapeDtypeStruct((n_pad,), f32),
      ),
      mesh=mesh,
      scratch_types=[
          [pltpu.VMEM((kb,), i32) for _ in range(4)],
          pltpu.VMEM((kb,), f32),
          pltpu.VMEM((rows_w,), f32),
          pltpu.VMEM((rows_w,), f32),
          pltpu.VMEM((rows_w,), f32),
          pltpu.VMEM_SHARED((n_pad,), f32),
          [pltpu.SemaphoreType.DMA for _ in range(4)],
          [pltpu.SemaphoreType.DMA for _ in range(4)],
      ],
  )
  def hist(col_hbm, d1_hbm, d2_hbm,
           cidx, ones_v, degv, d1v, d2v, deg_sh, isem, ssem):
    c = lax.axis_index("c")
    s = lax.axis_index("s")
    wid = s * NC + c

    nz = n_pad // NS
    def zfill(it, _):
      degv[pl.ds(it * L, L)] = jnp.zeros((L,), f32)
      return 0
    lax.fori_loop(0, rows_w // L, zfill, 0)
    for rep in range(nz // rows_w):
      pltpu.sync_copy(degv, deg_sh.at[pl.ds(s * nz + rep * rows_w, rows_w)])
    plsc.subcore_barrier()

    def ofill(it, _):
      ones_v[pl.ds(it * L, L)] = jnp.ones((L,), f32)
      return 0
    lax.fori_loop(0, kb // L, ofill, 0)
    ebase = s * (nblk_hist * kb)

    def stage(j, b):
      pltpu.async_copy(col_hbm.at[pl.ds(ebase + j * kb, kb)], cidx[b],
                       isem[b])

    def wait_stage(b):
      pltpu.make_async_copy(col_hbm.at[pl.ds(0, kb)], cidx[b],
                            isem[b]).wait()

    def hscat(b):
      pltpu.async_copy(ones_v, deg_sh.at[cidx[b]], ssem[b], add=True)

    def wait_hscat(b):
      pltpu.make_async_copy(ones_v, deg_sh.at[cidx[0]], ssem[b]).wait()

    for b in range(3):
      stage(b, b)

    def hbody(g, _):
      for b in range(4):
        j = g * 4 + b
        wait_stage(b)
        hscat(b)
        bq = (b + 3) % 4

        @pl.when(j - 1 >= 0)
        def _():
          wait_hscat(bq)

        @pl.when(j + 3 < nblk_hist)
        def _():
          stage(j + 3, bq)
      return 0
    lax.fori_loop(0, nblk_hist // 4, hbody, 0)
    wait_hscat((nblk_hist - 1) % 4)
    plsc.subcore_barrier()

    base_r = wid * rows_w
    pltpu.sync_copy(deg_sh.at[pl.ds(base_r, rows_w)], degv)

    def dbody(i, _):
      dg = degv[pl.ds(i * L, L)]
      d1 = _rsqrt16(dg + 1.0)
      d2 = jnp.where(dg > 0.0, _rsqrt16(jnp.maximum(dg, 1.0)), 0.0)
      d1v[pl.ds(i * L, L)] = d1
      d2v[pl.ds(i * L, L)] = d2
      return 0
    lax.fori_loop(0, rows_w // L, dbody, 0)
    pltpu.sync_copy(d1v, d1_hbm.at[pl.ds(base_r, rows_w)])
    pltpu.sync_copy(d2v, d2_hbm.at[pl.ds(base_r, rows_w)])

  return hist


KB = 112
NBR = 3
NBI = 6
WS = 1


def _make_propagate(n_pad, e_pad, d):
  kb, nbr, nbi, w = KB, NBR, NBI, WS
  nblk_t = e_pad // NS // kb
  nb0 = (nblk_t // 2) // nbi * nbi
  nb1 = nblk_t - nb0
  assert nb1 % nbi == 0 and nb0 >= nbi and nb1 >= nbi
  for k in range(1, w + 1):
    assert (nb0 - k) % nbr == (nb1 - k) % nbr
  mesh = _make_mesh()

  @functools.partial(
      pl.kernel,
      out_type=(
          jax.ShapeDtypeStruct((n_pad, d), f32),
          jax.ShapeDtypeStruct((n_pad, d), f32),
      ),
      mesh=mesh,
      scratch_types=[
          [pltpu.VMEM((2, kb), i32) for _ in range(nbi)],
          [pltpu.VMEM((kb, d), f32) for _ in range(nbr)],
          pltpu.VMEM_SHARED((n_pad, d), f32),
          [pltpu.SemaphoreType.DMA for _ in range(nbi)],
          [pltpu.SemaphoreType.DMA for _ in range(nbr)],
          [pltpu.SemaphoreType.DMA for _ in range(nbr)],
      ],
  )
  def propagate(rc_hbm, src_hbm, out0_hbm, out1_hbm,
                idxs, rows, acc_sh, isem, gsem, ssem):
    c = lax.axis_index("c")
    s = lax.axis_index("s")

    _fill_vmem(rows[0], kb, d, 0.0)
    nz = n_pad // NS
    for rep in range(nz // kb):
      pltpu.sync_copy(rows[0], acc_sh.at[pl.ds(s * nz + rep * kb, kb)])
    rem = nz % kb
    if rem:
      pltpu.sync_copy(rows[0].at[pl.ds(0, rem)],
                      acc_sh.at[pl.ds(s * nz + (nz // kb) * kb, rem)])

    nb = jnp.where(c == 0, nb0, nb1)
    ng = jnp.where(c == 0, nb0 // nbi, nb1 // nbi)
    base_b = jnp.where(c == 0, s * nb0, NS * nb0 + s * nb1)

    def stage(j, bi):
      pltpu.async_copy(rc_hbm.at[base_b + j], idxs[bi], isem[bi])

    def wait_stage(bi):
      pltpu.make_async_copy(rc_hbm.at[0], idxs[bi], isem[bi]).wait()

    def gather(br, bi):
      pltpu.async_copy(src_hbm.at[idxs[bi].at[0]], rows[br], gsem[br])

    def wait_gather(br):
      pltpu.make_async_copy(src_hbm.at[idxs[0].at[0]], rows[br],
                            gsem[br]).wait()

    def scatter(br, bi):
      pltpu.async_copy(rows[br], acc_sh.at[idxs[bi].at[1]], ssem[br],
                       add=True)

    def wait_scatter(br):
      pltpu.make_async_copy(rows[br], acc_sh.at[idxs[0].at[1]],
                            ssem[br]).wait()

    plsc.subcore_barrier()

    for b in range(nbi - w):
      stage(b, b)
    for b in range(nbr - w):
      wait_stage(b)
      gather(b, b)

    def gbody(g, _):
      for b in range(nbi):
        j = g * nbi + b
        br = b % nbr
        wait_gather(br)
        scatter(br, b)
        brq = (br + nbr - w) % nbr
        biq = (b + nbi - w) % nbi

        @pl.when(j - w >= 0)
        def _():
          wait_scatter(brq)

        @pl.when(j + nbi - w < nb)
        def _():
          stage(j + nbi - w, biq)

        bi_g = (b + nbr - w) % nbi

        @pl.when(j + nbr - w < nb)
        def _():
          wait_stage(bi_g)
          gather(brq, bi_g)
      return 0
    lax.fori_loop(0, ng, gbody, 0)

    for k in range(w, 0, -1):
      wait_scatter((nb0 - k) % nbr)
    plsc.subcore_barrier()

    nd = n_pad // NS

    @pl.when(c == 0)
    def _():
      pltpu.sync_copy(acc_sh.at[pl.ds(s * nd, nd)],
                      out0_hbm.at[pl.ds(s * nd, nd)])

    @pl.when(c == 1)
    def _():
      pltpu.sync_copy(acc_sh.at[pl.ds(s * nd, nd)],
                      out1_hbm.at[pl.ds(s * nd, nd)])

  return propagate


def _sc_body(xw_ref, d1_ref, u_ref):
  u_ref[...] = xw_ref[...] * d1_ref[...]


def _tc_scale(xw, d1c, n_pad, d):
  blk = n_pad // 8
  row_spec = pl.BlockSpec((blk, d), lambda i: (i, 0))
  col_spec = pl.BlockSpec((blk, 1), lambda i: (i, 0))
  return pl.pallas_call(
      _sc_body,
      grid=(8,),
      in_specs=[row_spec, col_spec],
      out_specs=row_spec,
      out_shape=jax.ShapeDtypeStruct((n_pad, d), f32),
  )(xw, d1c)


def _c1_body(pa_ref, pb_ref, xw_ref, d1_ref, d2_ref, a0_ref, v_ref, r0_ref):
  d1 = d1_ref[...]
  h = d1 * (pa_ref[...] + pb_ref[...]) + xw_ref[...] * d1 * d1
  v_ref[...] = h * d2_ref[...]
  r0_ref[...] = h * a0_ref[...]


def _tc_combine1(pa, pb, xw, d1c, d2c, a0r, n_pad, d):
  blk = n_pad // 8
  row_spec = pl.BlockSpec((blk, d), lambda i: (i, 0))
  col_spec = pl.BlockSpec((blk, 1), lambda i: (i, 0))
  one_spec = pl.BlockSpec((1, d), lambda i: (0, 0))
  return pl.pallas_call(
      _c1_body,
      grid=(8,),
      in_specs=[row_spec, row_spec, row_spec, col_spec, col_spec, one_spec],
      out_specs=(row_spec, row_spec),
      out_shape=(jax.ShapeDtypeStruct((n_pad, d), f32),
                 jax.ShapeDtypeStruct((n_pad, d), f32)),
  )(pa, pb, xw, d1c, d2c, a0r)


def _c2_body(qa_ref, qb_ref, r0_ref, d2_ref, a1_ref, res_ref):
  res_ref[...] = r0_ref[...] + a1_ref[...] * d2_ref[...] * (
      qa_ref[...] + qb_ref[...])


def _tc_combine2(qa, qb, r0, d2c, a1r, n_real, d):
  blk = n_real // 10
  row_spec = pl.BlockSpec((blk, d), lambda i: (i, 0))
  col_spec = pl.BlockSpec((blk, 1), lambda i: (i, 0))
  one_spec = pl.BlockSpec((1, d), lambda i: (0, 0))
  return pl.pallas_call(
      _c2_body,
      grid=(10,),
      in_specs=[row_spec, row_spec, row_spec, col_spec, one_spec],
      out_specs=row_spec,
      out_shape=jax.ShapeDtypeStruct((n_real, d), f32),
  )(qa, qb, r0, d2c, a1r)


def kernel(edge_index, in_feat, W, alphas):
  n, d = in_feat.shape
  h = W.shape[1]
  e = edge_index.shape[1]

  n_pad = ((n + (NC * NS * 16) - 1) // (NC * NS * 16)) * (NC * NS * 16)
  eblk = NS * KB * NBI * 2
  e_pad = ((e + eblk - 1) // eblk) * eblk

  row = edge_index[0].astype(i32)
  col = edge_index[1].astype(i32)
  if n_pad == n:
    n_pad += NC * NS * 16
  pad_e = e_pad - e
  dummies = n + (jnp.arange(pad_e, dtype=i32) % (n_pad - n))
  row_p = jnp.concatenate([row, dummies])
  col_p = jnp.concatenate([col, dummies])
  rc = jnp.stack([row_p.reshape(e_pad // KB, KB),
                  col_p.reshape(e_pad // KB, KB)], axis=1)
  x_pad = jnp.zeros((n_pad, d), f32).at[:n].set(in_feat)

  alpha = jax.nn.softmax(alphas.astype(f32), axis=0)

  xw = _matmul(x_pad, W.astype(f32), n_pad, d, h)

  prop = _make_propagate(n_pad, e_pad, h)
  d1, d2 = _make_hist(n_pad, e_pad)(col_p)
  d1c = d1.reshape(n_pad, 1)
  d2c = d2.reshape(n_pad, 1)
  a0r = jnp.full((1, h), alpha[0], f32)
  a1r = jnp.full((1, h), alpha[1], f32)
  u = _tc_scale(xw, d1c, n_pad, h)
  pa, pb = prop(rc, u)
  v, r0 = _tc_combine1(pa, pb, xw, d1c, d2c, a0r, n_pad, h)
  qa, qb = prop(rc, v)
  return _tc_combine2(qa, qb, r0, d2c, a1r, n, h)

# --- scband reference (transcript-rebuilt; emitter-appended) ---
"""Pipeline reference for scband-light-gcn-79147657330993 (READ-ONLY COPY).

The authoritative reference and input builder live on the scoring server;
editing this copy changes nothing except your own understanding.
"""

import jax, jax.numpy as jnp
import numpy as np

N = 10000
E = 320000
D = 128
H = 128


def setup_inputs(seed: int = 0) -> dict:
    key = jax.random.key(seed)
    k1, k2, k3 = jax.random.split(key, 3)
    edge_index = jax.random.randint(k1, (2, E), 0, N)
    in_feat = jax.random.normal(k2, (N, D), dtype=jnp.float32)
    # Learned params: GCNConv weight (bias=False), LightGCN alphas (init ones since exp=False)
    W = jax.random.normal(k3, (D, H), dtype=jnp.float32) * (1.0 / np.sqrt(D))
    alphas = jnp.ones((2,), dtype=jnp.float32)
    return {"edge_index": edge_index, "in_feat": in_feat, "W": W, "alphas": alphas}


def _gcn_norm(edge_index, num_nodes, add_self_loops):
    row, col = edge_index[0], edge_index[1]
    if add_self_loops:
        loop = jnp.arange(num_nodes, dtype=row.dtype)
        row = jnp.concatenate([row, loop])
        col = jnp.concatenate([col, loop])
    ew = jnp.ones(row.shape[0], dtype=jnp.float32)
    deg = jnp.zeros((num_nodes,), jnp.float32).at[col].add(ew)
    dinv = jnp.where(deg > 0, 1.0 / jnp.sqrt(deg), 0.0)
    norm = dinv[row] * ew * dinv[col]
    return row, col, norm


def _propagate(x, row, col, norm, num_nodes):
    msg = x[row] * norm[:, None]
    return jnp.zeros((num_nodes, x.shape[1]), x.dtype).at[col].add(msg)


def reference(edge_index, in_feat, W, alphas):
    alpha = jax.nn.softmax(alphas, axis=0)
    n = in_feat.shape[0]
    # conv1 = GCNConv(in_feats, h_feats, bias=False): linear -> gcn_norm(self-loops) -> scatter-add
    r1, c1, n1 = _gcn_norm(edge_index, n, True)
    h = _propagate(in_feat @ W, r1, c1, n1, n)
    res = h * alpha[0]
    # conv2 = LGConv(): gcn_norm WITHOUT self-loops -> scatter-add (no weights)
    r2, c2, n2 = _gcn_norm(edge_index, n, False)
    h = _propagate(h, r2, c2, n2, n)
    res = res + h * alpha[1]
    return res

if __name__ == "__main__":
    import jax
    _d = setup_inputs()
    print(jax.jit(kernel)(*tuple(_d.values())))

</pallas_src>

<mosaic_0001>
#map = affine_map<(d0, d1) -> (0, 0, 0)>
#map1 = affine_map<(d0, d1) -> (0, 0)>
module attributes {stable_mosaic.version = 14 : i64} {
  func.func @propagate(%arg0: i32, %arg1: i32, %arg2: memref<2880x2x112xi32, #tpu.memory_space<hbm>>, %arg3: memref<10240x128xf32, #tpu.memory_space<hbm>>, %arg4: memref<10240x128xf32, #tpu.memory_space<hbm>>, %arg5: memref<10240x128xf32, #tpu.memory_space<hbm>>, %arg6: memref<2x112xi32, #tpu.memory_space<vmem>>, %arg7: memref<2x112xi32, #tpu.memory_space<vmem>>, %arg8: memref<2x112xi32, #tpu.memory_space<vmem>>, %arg9: memref<2x112xi32, #tpu.memory_space<vmem>>, %arg10: memref<2x112xi32, #tpu.memory_space<vmem>>, %arg11: memref<2x112xi32, #tpu.memory_space<vmem>>, %arg12: memref<112x128xf32, #tpu.memory_space<vmem>>, %arg13: memref<112x128xf32, #tpu.memory_space<vmem>>, %arg14: memref<112x128xf32, #tpu.memory_space<vmem>>, %arg15: memref<10240x128xf32, #tpu.memory_space<vmem_shared>>, %arg16: memref<!tpu.dma_semaphore, #tpu.memory_space<semaphore_mem>>, %arg17: memref<!tpu.dma_semaphore, #tpu.memory_space<semaphore_mem>>, %arg18: memref<!tpu.dma_semaphore, #tpu.memory_space<semaphore_mem>>, %arg19: memref<!tpu.dma_semaphore, #tpu.memory_space<semaphore_mem>>, %arg20: memref<!tpu.dma_semaphore, #tpu.memory_space<semaphore_mem>>, %arg21: memref<!tpu.dma_semaphore, #tpu.memory_space<semaphore_mem>>, %arg22: memref<!tpu.dma_semaphore, #tpu.memory_space<semaphore_mem>>, %arg23: memref<!tpu.dma_semaphore, #tpu.memory_space<semaphore_mem>>, %arg24: memref<!tpu.dma_semaphore, #tpu.memory_space<semaphore_mem>>, %arg25: memref<!tpu.dma_semaphore, #tpu.memory_space<semaphore_mem>>, %arg26: memref<!tpu.dma_semaphore, #tpu.memory_space<semaphore_mem>>, %arg27: memref<!tpu.dma_semaphore, #tpu.memory_space<semaphore_mem>>) attributes {dimension_semantics = [#tpu.dimension_semantics<core_parallel>, #tpu.dimension_semantics<subcore_parallel>], iteration_bounds = array<i64: 2, 16>, scalar_prefetch = 0 : i64, scratch_operands = 22 : i64, tpu.core_type = #tpu.core_type<sc_vector_subcore>, window_params = [{transform_indices = #map}, {transform_indices = #map1}, {transform_indices = #map1}, {transform_indices = #map1}]} {
    %broadcast_in_dim3A = arith.constant 0.000000e+00 : f32
    %broadcast_in_dim3A_0 = vector.broadcast %broadcast_in_dim3A : f32 to vector<16xf32>
    %scan3A = arith.constant 0 : i32
    %scan3A_1 = arith.constant 0 : i32
    %scan3A_2 = arith.constant 896 : i32
    %scan3A_3 = arith.addi %scan3A_1, %scan3A_2 : i32
    %scan3A_4 = arith.constant 1 : i32
    %scan3A_5 = scf.for %scan3A_152 = %scan3A_1 to %scan3A_3 step %scan3A_4 iter_args(%scan3A_153 = %scan3A) -> (i32)  : i32 {
      %jit3A_154 = arith.constant 8 : i32
      %div3A = arith.divsi %scan3A_152, %jit3A_154 : i32
      %sign3A = arith.constant 0 : i32
      %sign3A_155 = arith.cmpi sgt, %scan3A_152, %sign3A : i32
      %sign3A_156 = arith.extui %sign3A_155 : i1 to i32
      %sign3A_157 = arith.constant 0 : i32
      %sign3A_158 = arith.cmpi slt, %scan3A_152, %sign3A_157 : i32
      %sign3A_159 = arith.extui %sign3A_158 : i1 to i32
      %sign3A_160 = arith.subi %sign3A_156, %sign3A_159 : i32
      %sign3A_161 = arith.constant 0 : i32
      %sign3A_162 = arith.cmpi sgt, %jit3A_154, %sign3A_161 : i32
      %sign3A_163 = arith.extui %sign3A_162 : i1 to i32
      %sign3A_164 = arith.constant 0 : i32
      %sign3A_165 = arith.cmpi slt, %jit3A_154, %sign3A_164 : i32
      %sign3A_166 = arith.extui %sign3A_165 : i1 to i32
      %sign3A_167 = arith.subi %sign3A_163, %sign3A_166 : i32
      %ne3A = arith.cmpi ne, %sign3A_160, %sign3A_167 : i32
      %rem3A = arith.remsi %scan3A_152, %jit3A_154 : i32
      %ne3A_168 = arith.constant 0 : i32
      %ne3A_169 = arith.cmpi ne, %rem3A, %ne3A_168 : i32
      %and3A = arith.andi %ne3A, %ne3A_169 : i1
      %sub3A = arith.constant 1 : i32
      %sub3A_170 = arith.subi %div3A, %sub3A : i32
      %select_n3A_171 = arith.select %and3A, %sub3A_170, %div3A : i32
      %jit3A_172 = arith.constant 8 : i32
      %eq3A_173 = arith.constant 0 : i32
      %eq3A_174 = arith.cmpi eq, %jit3A_172, %eq3A_173 : i32
      %jit3A_175 = arith.constant 1 : i32
      %select_n3A_176 = arith.select %eq3A_174, %jit3A_175, %jit3A_172 : i32
      %rem3A_177 = arith.remsi %scan3A_152, %select_n3A_176 : i32
      %ne3A_178 = arith.constant 0 : i32
      %ne3A_179 = arith.cmpi ne, %rem3A_177, %ne3A_178 : i32
      %lt3A = arith.constant 0 : i32
      %lt3A_180 = arith.cmpi slt, %rem3A_177, %lt3A : i32
      %lt3A_181 = arith.constant 0 : i32
      %lt3A_182 = arith.cmpi slt, %select_n3A_176, %lt3A_181 : i32
      %ne3A_183 = arith.xori %lt3A_180, %lt3A_182 : i1
      %and3A_184 = arith.andi %ne3A_183, %ne3A_179 : i1
      %add3A_185 = arith.addi %rem3A_177, %select_n3A_176 : i32
      %select_n3A_186 = arith.select %and3A_184, %add3A_185, %rem3A_177 : i32
      %mul3A_187 = arith.constant 16 : i32
      %mul3A_188 = arith.muli %select_n3A_186, %mul3A_187 : i32
      %swap3A = arith.index_cast %select_n3A_171 : i32 to index
      %swap3A_189 = arith.index_cast %mul3A_188 : i32 to index
      %swap3A_190 = tpu.vector_load %arg12[%swap3A, %swap3A_189] {strides = array<i32>} : memref<112x128xf32, #tpu.memory_space<vmem>>, vector<1x16xf32>,
      %swap3A_191 = vector.shape_cast %swap3A_190 : vector<1x16xf32> to vector<16xf32>
      %swap3A_192 = vector.shape_cast %broadcast_in_dim3A_0 : vector<16xf32> to vector<1x16xf32>
      tpu.vector_store %arg12[%swap3A, %swap3A_189], %swap3A_192 {strides = array<i32>} : memref<112x128xf32, #tpu.memory_space<vmem>>, vector<1x16xf32>,
      %scan3A_193 = arith.constant 0 : i32
      scf.yield %scan3A_193 : i32
    }
    %scan3A_6 = arith.constant 896 : i32
    %mul3A = arith.constant 640 : i32
    %mul3A_7 = arith.muli %arg1, %mul3A : i32
    %add3A = arith.constant 0 : i32
    %add3A_8 = arith.addi %mul3A_7, %add3A : i32
    "tpu.region"() ({
      %run_scoped3A = tpu.sem_alloc : memref<!tpu.dma_semaphore, #tpu.memory_space<semaphore_mem>>
      %dma_start3A_152 = arith.constant 0 : i32
      %dma_start3A_153 = tpu.memref_slice %arg15[%add3A_8, %dma_start3A_152] : memref<10240x128xf32, #tpu.memory_space<vmem_shared>> -> memref<112x128xf32, #tpu.memory_space<vmem_shared>>
      %dma_start3A_154 = arith.constant 0 : i32
      %dma_start3A_155 = tpu.memref_slice %arg15[%add3A_8, %dma_start3A_154] : memref<10240x128xf32, #tpu.memory_space<vmem_shared>> -> memref<112x128xf32, #tpu.memory_space<vmem_shared>>
      tpu.enqueue_dma source(%arg12 : memref<112x128xf32, #tpu.memory_space<vmem>>) target(%dma_start3A_155 : memref<112x128xf32, #tpu.memory_space<vmem_shared>>) target_semaphore(%run_scoped3A : memref<!tpu.dma_semaphore, #tpu.memory_space<semaphore_mem>>)
      %dma_wait3A_156 = arith.constant 0 : i32
      %dma_wait3A_157 = tpu.memref_slice %arg15[%add3A_8, %dma_wait3A_156] : memref<10240x128xf32, #tpu.memory_space<vmem_shared>> -> memref<112x128xf32, #tpu.memory_space<vmem_shared>>
      %dma_wait3A_158 = arith.constant 0 : i32
      %dma_wait3A_159 = tpu.memref_slice %arg15[%add3A_8, %dma_wait3A_158] : memref<10240x128xf32, #tpu.memory_space<vmem_shared>> -> memref<112x128xf32, #tpu.memory_space<vmem_shared>>
      tpu.wait_dma2 semaphore(%run_scoped3A : memref<!tpu.dma_semaphore, #tpu.memory_space<semaphore_mem>>) src(%arg12 : memref<112x128xf32, #tpu.memory_space<vmem>>) dst(%dma_wait3A_159 : memref<112x128xf32, #tpu.memory_space<vmem_shared>>)
      tpu.yield
    }) : () -> ()
    %mul3A_9 = arith.constant 640 : i32
    %mul3A_10 = arith.muli %arg1, %mul3A_9 : i32
    %add3A_11 = arith.constant 112 : i32
    %add3A_12 = arith.addi %mul3A_10, %add3A_11 : i32
    "tpu.region"() ({
      %run_scoped3A = tpu.sem_alloc : memref<!tpu.dma_semaphore, #tpu.memory_space<semaphore_mem>>
      %dma_start3A_152 = arith.constant 0 : i32
      %dma_start3A_153 = tpu.memref_slice %arg15[%add3A_12, %dma_start3A_152] : memref<10240x128xf32, #tpu.memory_space<vmem_shared>> -> memref<112x128xf32, #tpu.memory_space<vmem_shared>>
      %dma_start3A_154 = arith.constant 0 : i32
      %dma_start3A_155 = tpu.memref_slice %arg15[%add3A_12, %dma_start3A_154] : memref<10240x128xf32, #tpu.memory_space<vmem_shared>> -> memref<112x128xf32, #tpu.memory_space<vmem_shared>>
      tpu.enqueue_dma source(%arg12 : memref<112x128xf32, #tpu.memory_space<vmem>>) target(%dma_start3A_155 : memref<112x128xf32, #tpu.memory_space<vmem_shared>>) target_semaphore(%run_scoped3A : memref<!tpu.dma_semaphore, #tpu.memory_space<semaphore_mem>>)
      %dma_wait3A_156 = arith.constant 0 : i32
      %dma_wait3A_157 = tpu.memref_slice %arg15[%add3A_12, %dma_wait3A_156] : memref<10240x128xf32, #tpu.memory_space<vmem_shared>> -> memref<112x128xf32, #tpu.memory_space<vmem_shared>>
      %dma_wait3A_158 = arith.constant 0 : i32
      %dma_wait3A_159 = tpu.memref_slice %arg15[%add3A_12, %dma_wait3A_158] : memref<10240x128xf32, #tpu.memory_space<vmem_shared>> -> memref<112x128xf32, #tpu.memory_space<vmem_shared>>
      tpu.wait_dma2 semaphore(%run_scoped3A : memref<!tpu.dma_semaphore, #tpu.memory_space<semaphore_mem>>) src(%arg12 : memref<112x128xf32, #tpu.memory_space<vmem>>) dst(%dma_wait3A_159 : memref<112x128xf32, #tpu.memory_space<vmem_shared>>)
      tpu.yield
    }) : () -> ()
    %mul3A_13 = arith.constant 640 : i32
    %mul3A_14 = arith.muli %arg1, %mul3A_13 : i32
    %add3A_15 = arith.constant 224 : i32
    %add3A_16 = arith.addi %mul3A_14, %add3A_15 : i32
    "tpu.region"() ({
      %run_scoped3A = tpu.sem_alloc : memref<!tpu.dma_semaphore, #tpu.memory_space<semaphore_mem>>
      %dma_start3A_152 = arith.constant 0 : i32
      %dma_start3A_153 = tpu.memref_slice %arg15[%add3A_16, %dma_start3A_152] : memref<10240x128xf32, #tpu.memory_space<vmem_shared>> -> memref<112x128xf32, #tpu.memory_space<vmem_shared>>
      %dma_start3A_154 = arith.constant 0 : i32
      %dma_start3A_155 = tpu.memref_slice %arg15[%add3A_16, %dma_start3A_154] : memref<10240x128xf32, #tpu.memory_space<vmem_shared>> -> memref<112x128xf32, #tpu.memory_space<vmem_shared>>
      tpu.enqueue_dma source(%arg12 : memref<112x128xf32, #tpu.memory_space<vmem>>) target(%dma_start3A_155 : memref<112x128xf32, #tpu.memory_space<vmem_shared>>) target_semaphore(%run_scoped3A : memref<!tpu.dma_semaphore, #tpu.memory_space<semaphore_mem>>)
      %dma_wait3A_156 = arith.constant 0 : i32
      %dma_wait3A_157 = tpu.memref_slice %arg15[%add3A_16, %dma_wait3A_156] : memref<10240x128xf32, #tpu.memory_space<vmem_shared>> -> memref<112x128xf32, #tpu.memory_space<vmem_shared>>
      %dma_wait3A_158 = arith.constant 0 : i32
      %dma_wait3A_159 = tpu.memref_slice %arg15[%add3A_16, %dma_wait3A_158] : memref<10240x128xf32, #tpu.memory_space<vmem_shared>> -> memref<112x128xf32, #tpu.memory_space<vmem_shared>>
      tpu.wait_dma2 semaphore(%run_scoped3A : memref<!tpu.dma_semaphore, #tpu.memory_space<semaphore_mem>>) src(%arg12 : memref<112x128xf32, #tpu.memory_space<vmem>>) dst(%dma_wait3A_159 : memref<112x128xf32, #tpu.memory_space<vmem_shared>>)
      tpu.yield
    }) : () -> ()
    %mul3A_17 = arith.constant 640 : i32
    %mul3A_18 = arith.muli %arg1, %mul3A_17 : i32
    %add3A_19 = arith.constant 336 : i32
    %add3A_20 = arith.addi %mul3A_18, %add3A_19 : i32
    "tpu.region"() ({
      %run_scoped3A = tpu.sem_alloc : memref<!tpu.dma_semaphore, #tpu.memory_space<semaphore_mem>>
      %dma_start3A_152 = arith.constant 0 : i32
      %dma_start3A_153 = tpu.memref_slice %arg15[%add3A_20, %dma_start3A_152] : memref<10240x128xf32, #tpu.memory_space<vmem_shared>> -> memref<112x128xf32, #tpu.memory_space<vmem_shared>>
      %dma_start3A_154 = arith.constant 0 : i32
      %dma_start3A_155 = tpu.memref_slice %arg15[%add3A_20, %dma_start3A_154] : memref<10240x128xf32, #tpu.memory_space<vmem_shared>> -> memref<112x128xf32, #tpu.memory_space<vmem_shared>>
      tpu.enqueue_dma source(%arg12 : memref<112x128xf32, #tpu.memory_space<vmem>>) target(%dma_start3A_155 : memref<112x128xf32, #tpu.memory_space<vmem_shared>>) target_semaphore(%run_scoped3A : memref<!tpu.dma_semaphore, #tpu.memory_space<semaphore_mem>>)
      %dma_wait3A_156 = arith.constant 0 : i32
      %dma_wait3A_157 = tpu.memref_slice %arg15[%add3A_20, %dma_wait3A_156] : memref<10240x128xf32, #tpu.memory_space<vmem_shared>> -> memref<112x128xf32, #tpu.memory_space<vmem_shared>>
      %dma_wait3A_158 = arith.constant 0 : i32
      %dma_wait3A_159 = tpu.memref_slice %arg15[%add3A_20, %dma_wait3A_158] : memref<10240x128xf32, #tpu.memory_space<vmem_shared>> -> memref<112x128xf32, #tpu.memory_space<vmem_shared>>
      tpu.wait_dma2 semaphore(%run_scoped3A : memref<!tpu.dma_semaphore, #tpu.memory_space<semaphore_mem>>) src(%arg12 : memref<112x128xf32, #tpu.memory_space<vmem>>) dst(%dma_wait3A_159 : memref<112x128xf32, #tpu.memory_space<vmem_shared>>)
      tpu.yield
    }) : () -> ()
    %mul3A_21 = arith.constant 640 : i32
    %mul3A_22 = arith.muli %arg1, %mul3A_21 : i32
    %add3A_23 = arith.constant 448 : i32
    %add3A_24 = arith.addi %mul3A_22, %add3A_23 : i32
    "tpu.region"() ({
      %run_scoped3A = tpu.sem_alloc : memref<!tpu.dma_semaphore, #tpu.memory_space<semaphore_mem>>
      %dma_start3A_152 = arith.constant 0 : i32
      %dma_start3A_153 = tpu.memref_slice %arg15[%add3A_24, %dma_start3A_152] : memref<10240x128xf32, #tpu.memory_space<vmem_shared>> -> memref<112x128xf32, #tpu.memory_space<vmem_shared>>
      %dma_start3A_154 = arith.constant 0 : i32
      %dma_start3A_155 = tpu.memref_slice %arg15[%add3A_24, %dma_start3A_154] : memref<10240x128xf32, #tpu.memory_space<vmem_shared>> -> memref<112x128xf32, #tpu.memory_space<vmem_shared>>
      tpu.enqueue_dma source(%arg12 : memref<112x128xf32, #tpu.memory_space<vmem>>) target(%dma_start3A_155 : memref<112x128xf32, #tpu.memory_space<vmem_shared>>) target_semaphore(%run_scoped3A : memref<!tpu.dma_semaphore, #tpu.memory_space<semaphore_mem>>)
      %dma_wait3A_156 = arith.constant 0 : i32
      %dma_wait3A_157 = tpu.memref_slice %arg15[%add3A_24, %dma_wait3A_156] : memref<10240x128xf32, #tpu.memory_space<vmem_shared>> -> memref<112x128xf32, #tpu.memory_space<vmem_shared>>
      %dma_wait3A_158 = arith.constant 0 : i32
      %dma_wait3A_159 = tpu.memref_slice %arg15[%add3A_24, %dma_wait3A_158] : memref<10240x128xf32, #tpu.memory_space<vmem_shared>> -> memref<112x128xf32, #tpu.memory_space<vmem_shared>>
      tpu.wait_dma2 semaphore(%run_scoped3A : memref<!tpu.dma_semaphore, #tpu.memory_space<semaphore_mem>>) src(%arg12 : memref<112x128xf32, #tpu.memory_space<vmem>>) dst(%dma_wait3A_159 : memref<112x128xf32, #tpu.memory_space<vmem_shared>>)
      tpu.yield
    }) : () -> ()
    %mul3A_25 = arith.constant 640 : i32
    %mul3A_26 = arith.muli %arg1, %mul3A_25 : i32
    %add3A_27 = arith.constant 560 : i32
    %add3A_28 = arith.addi %mul3A_26, %add3A_27 : i32
    "tpu.region"() ({
      %run_scoped3A = tpu.sem_alloc : memref<!tpu.dma_semaphore, #tpu.memory_space<semaphore_mem>>
      %dma_start3A_152 = arith.constant 0 : i32
      %dma_start3A_153 = arith.constant 0 : i32
      %dma_start3A_154 = tpu.memref_slice %arg12[%dma_start3A_152, %dma_start3A_153] : memref<112x128xf32, #tpu.memory_space<vmem>> -> memref<80x128xf32, #tpu.memory_space<vmem>>
      %dma_start3A_155 = arith.constant 0 : i32
      %dma_start3A_156 = tpu.memref_slice %arg15[%add3A_28, %dma_start3A_155] : memref<10240x128xf32, #tpu.memory_space<vmem_shared>> -> memref<80x128xf32, #tpu.memory_space<vmem_shared>>
      %dma_start3A_157 = arith.constant 0 : i32
      %dma_start3A_158 = tpu.memref_slice %arg15[%add3A_28, %dma_start3A_157] : memref<10240x128xf32, #tpu.memory_space<vmem_shared>> -> memref<80x128xf32, #tpu.memory_space<vmem_shared>>
      %dma_start3A_159 = arith.constant 0 : i32
      %dma_start3A_160 = arith.constant 0 : i32
      %dma_start3A_161 = tpu.memref_slice %arg12[%dma_start3A_159, %dma_start3A_160] : memref<112x128xf32, #tpu.memory_space<vmem>> -> memref<80x128xf32, #tpu.memory_space<vmem>>
      tpu.enqueue_dma source(%dma_start3A_161 : memref<80x128xf32, #tpu.memory_space<vmem>>) target(%dma_start3A_158 : memref<80x128xf32, #tpu.memory_space<vmem_shared>>) target_semaphore(%run_scoped3A : memref<!tpu.dma_semaphore, #tpu.memory_space<semaphore_mem>>)
      %dma_wait3A_162 = arith.constant 0 : i32
      %dma_wait3A_163 = arith.constant 0 : i32
      %dma_wait3A_164 = tpu.memref_slice %arg12[%dma_wait3A_162, %dma_wait3A_163] : memref<112x128xf32, #tpu.memory_space<vmem>> -> memref<80x128xf32, #tpu.memory_space<vmem>>
      %dma_wait3A_165 = arith.constant 0 : i32
      %dma_wait3A_166 = tpu.memref_slice %arg15[%add3A_28, %dma_wait3A_165] : memref<10240x128xf32, #tpu.memory_space<vmem_shared>> -> memref<80x128xf32, #tpu.memory_space<vmem_shared>>
      %dma_wait3A_167 = arith.constant 0 : i32
      %dma_wait3A_168 = tpu.memref_slice %arg15[%add3A_28, %dma_wait3A_167] : memref<10240x128xf32, #tpu.memory_space<vmem_shared>> -> memref<80x128xf32, #tpu.memory_space<vmem_shared>>
      %dma_wait3A_169 = arith.constant 0 : i32
      %dma_wait3A_170 = arith.constant 0 : i32
      %dma_wait3A_171 = tpu.memref_slice %arg12[%dma_wait3A_169, %dma_wait3A_170] : memref<112x128xf32, #tpu.memory_space<vmem>> -> memref<80x128xf32, #tpu.memory_space<vmem>>
      tpu.wait_dma2 semaphore(%run_scoped3A : memref<!tpu.dma_semaphore, #tpu.memory_space<semaphore_mem>>) src(%dma_wait3A_171 : memref<80x128xf32, #tpu.memory_space<vmem>>) dst(%dma_wait3A_168 : memref<80x128xf32, #tpu.memory_space<vmem_shared>>)
      tpu.yield
    }) : () -> ()
    %eq3A = arith.constant 0 : i32
    %eq3A_29 = arith.cmpi eq, %arg0, %eq3A : i32
    %jit3A = arith.constant 90 : i32
    %jit3A_30 = arith.constant 90 : i32
    %select_n3A = arith.select %eq3A_29, %jit3A, %jit3A_30 : i32
    %eq3A_31 = arith.constant 0 : i32
    %eq3A_32 = arith.cmpi eq, %arg0, %eq3A_31 : i32
    %jit3A_33 = arith.constant 15 : i32
    %jit3A_34 = arith.constant 15 : i32
    %select_n3A_35 = arith.select %eq3A_32, %jit3A_33, %jit3A_34 : i32
    %eq3A_36 = arith.constant 0 : i32
    %eq3A_37 = arith.cmpi eq, %arg0, %eq3A_36 : i32
    %mul3A_38 = arith.constant 90 : i32
    %mul3A_39 = arith.muli %arg1, %mul3A_38 : i32
    %mul3A_40 = arith.constant 90 : i32
    %mul3A_41 = arith.muli %arg1, %mul3A_40 : i32
    %add3A_42 = arith.constant 1440 : i32
    %add3A_43 = arith.addi %add3A_42, %mul3A_41 : i32
    %select_n3A_44 = arith.select %eq3A_37, %mul3A_39, %add3A_43 : i32
    %barrier3A = arith.constant 0 : index
    tpu.barrier barrier_id(%barrier3A)
    %add3A_45 = arith.constant 0 : i32
    %add3A_46 = arith.addi %select_n3A_44, %add3A_45 : i32
    %dma_start3A = arith.constant 0 : i32
    %dma_start3A_47 = arith.constant 0 : i32
    %dma_start3A_48 = tpu.memref_slice %arg2[%add3A_46, %dma_start3A, %dma_start3A_47] : memref<2880x2x112xi32, #tpu.memory_space<hbm>> -> memref<1x2x112xi32, #tpu.memory_space<hbm>>
    %dma_start3A_49 = tpu.memref_squeeze %dma_start3A_48 : memref<1x2x112xi32, #tpu.memory_space<hbm>> -> memref<2x112xi32, #tpu.memory_space<hbm>>
    %dma_start3A_50 = arith.constant 0 : i32
    %dma_start3A_51 = arith.constant 0 : i32
    %dma_start3A_52 = tpu.memref_slice %arg2[%add3A_46, %dma_start3A_50, %dma_start3A_51] : memref<2880x2x112xi32, #tpu.memory_space<hbm>> -> memref<1x2x112xi32, #tpu.memory_space<hbm>>
    %dma_start3A_53 = tpu.memref_squeeze %dma_start3A_52 : memref<1x2x112xi32, #tpu.memory_space<hbm>> -> memref<2x112xi32, #tpu.memory_space<hbm>>
    tpu.enqueue_dma source(%dma_start3A_53 : memref<2x112xi32, #tpu.memory_space<hbm>>) target(%arg6 : memref<2x112xi32, #tpu.memory_space<vmem>>) target_semaphore(%arg16 : memref<!tpu.dma_semaphore, #tpu.memory_space<semaphore_mem>>)
    %add3A_54 = arith.constant 1 : i32
    %add3A_55 = arith.addi %select_n3A_44, %add3A_54 : i32
    %dma_start3A_56 = arith.constant 0 : i32
    %dma_start3A_57 = arith.constant 0 : i32
    %dma_start3A_58 = tpu.memref_slice %arg2[%add3A_55, %dma_start3A_56, %dma_start3A_57] : memref<2880x2x112xi32, #tpu.memory_space<hbm>> -> memref<1x2x112xi32, #tpu.memory_space<hbm>>
    %dma_start3A_59 = tpu.memref_squeeze %dma_start3A_58 : memref<1x2x112xi32, #tpu.memory_space<hbm>> -> memref<2x112xi32, #tpu.memory_space<hbm>>
    %dma_start3A_60 = arith.constant 0 : i32
    %dma_start3A_61 = arith.constant 0 : i32
    %dma_start3A_62 = tpu.memref_slice %arg2[%add3A_55, %dma_start3A_60, %dma_start3A_61] : memref<2880x2x112xi32, #tpu.memory_space<hbm>> -> memref<1x2x112xi32, #tpu.memory_space<hbm>>
    %dma_start3A_63 = tpu.memref_squeeze %dma_start3A_62 : memref<1x2x112xi32, #tpu.memory_space<hbm>> -> memref<2x112xi32, #tpu.memory_space<hbm>>
    tpu.enqueue_dma source(%dma_start3A_63 : memref<2x112xi32, #tpu.memory_space<hbm>>) target(%arg7 : memref<2x112xi32, #tpu.memory_space<vmem>>) target_semaphore(%arg17 : memref<!tpu.dma_semaphore, #tpu.memory_space<semaphore_mem>>)
    %add3A_64 = arith.constant 2 : i32
    %add3A_65 = arith.addi %select_n3A_44, %add3A_64 : i32
    %dma_start3A_66 = arith.constant 0 : i32
    %dma_start3A_67 = arith.constant 0 : i32
    %dma_start3A_68 = tpu.memref_slice %arg2[%add3A_65, %dma_start3A_66, %dma_start3A_67] : memref<2880x2x112xi32, #tpu.memory_space<hbm>> -> memref<1x2x112xi32, #tpu.memory_space<hbm>>
    %dma_start3A_69 = tpu.memref_squeeze %dma_start3A_68 : memref<1x2x112xi32, #tpu.memory_space<hbm>> -> memref<2x112xi32, #tpu.memory_space<hbm>>
    %dma_start3A_70 = arith.constant 0 : i32
    %dma_start3A_71 = arith.constant 0 : i32
    %dma_start3A_72 = tpu.memref_slice %arg2[%add3A_65, %dma_start3A_70, %dma_start3A_71] : memref<2880x2x112xi32, #tpu.memory_space<hbm>> -> memref<1x2x112xi32, #tpu.memory_space<hbm>>
    %dma_start3A_73 = tpu.memref_squeeze %dma_start3A_72 : memref<1x2x112xi32, #tpu.memory_space<hbm>> -> memref<2x112xi32, #tpu.memory_space<hbm>>
    tpu.enqueue_dma source(%dma_start3A_73 : memref<2x112xi32, #tpu.memory_space<hbm>>) target(%arg8 : memref<2x112xi32, #tpu.memory_space<vmem>>) target_semaphore(%arg18 : memref<!tpu.dma_semaphore, #tpu.memory_space<semaphore_mem>>)
    %add3A_74 = arith.constant 3 : i32
    %add3A_75 = arith.addi %select_n3A_44, %add3A_74 : i32
    %dma_start3A_76 = arith.constant 0 : i32
    %dma_start3A_77 = arith.constant 0 : i32
    %dma_start3A_78 = tpu.memref_slice %arg2[%add3A_75, %dma_start3A_76, %dma_start3A_77] : memref<2880x2x112xi32, #tpu.memory_space<hbm>> -> memref<1x2x112xi32, #tpu.memory_space<hbm>>
    %dma_start3A_79 = tpu.memref_squeeze %dma_start3A_78 : memref<1x2x112xi32, #tpu.memory_space<hbm>> -> memref<2x112xi32, #tpu.memory_space<hbm>>
    %dma_start3A_80 = arith.constant 0 : i32
    %dma_start3A_81 = arith.constant 0 : i32
    %dma_start3A_82 = tpu.memref_slice %arg2[%add3A_75, %dma_start3A_80, %dma_start3A_81] : memref<2880x2x112xi32, #tpu.memory_space<hbm>> -> memref<1x2x112xi32, #tpu.memory_space<hbm>>
    %dma_start3A_83 = tpu.memref_squeeze %dma_start3A_82 : memref<1x2x112xi32, #tpu.memory_space<hbm>> -> memref<2x112xi32, #tpu.memory_space<hbm>>
    tpu.enqueue_dma source(%dma_start3A_83 : memref<2x112xi32, #tpu.memory_space<hbm>>) target(%arg9 : memref<2x112xi32, #tpu.memory_space<vmem>>) target_semaphore(%arg19 : memref<!tpu.dma_semaphore, #tpu.memory_space<semaphore_mem>>)
    %add3A_84 = arith.constant 4 : i32
    %add3A_85 = arith.addi %select_n3A_44, %add3A_84 : i32
    %dma_start3A_86 = arith.constant 0 : i32
    %dma_start3A_87 = arith.constant 0 : i32
    %dma_start3A_88 = tpu.memref_slice %arg2[%add3A_85, %dma_start3A_86, %dma_start3A_87] : memref<2880x2x112xi32, #tpu.memory_space<hbm>> -> memref<1x2x112xi32, #tpu.memory_space<hbm>>
    %dma_start3A_89 = tpu.memref_squeeze %dma_start3A_88 : memref<1x2x112xi32, #tpu.memory_space<hbm>> -> memref<2x112xi32, #tpu.memory_space<hbm>>
    %dma_start3A_90 = arith.constant 0 : i32
    %dma_start3A_91 = arith.constant 0 : i32
    %dma_start3A_92 = tpu.memref_slice %arg2[%add3A_85, %dma_start3A_90, %dma_start3A_91] : memref<2880x2x112xi32, #tpu.memory_space<hbm>> -> memref<1x2x112xi32, #tpu.memory_space<hbm>>
    %dma_start3A_93 = tpu.memref_squeeze %dma_start3A_92 : memref<1x2x112xi32, #tpu.memory_space<hbm>> -> memref<2x112xi32, #tpu.memory_space<hbm>>
    tpu.enqueue_dma source(%dma_start3A_93 : memref<2x112xi32, #tpu.memory_space<hbm>>) target(%arg10 : memref<2x112xi32, #tpu.memory_space<vmem>>) target_semaphore(%arg20 : memref<!tpu.dma_semaphore, #tpu.memory_space<semaphore_mem>>)
    %dma_wait3A = arith.constant 0 : i32
    %dma_wait3A_94 = arith.constant 0 : i32
    %dma_wait3A_95 = arith.constant 0 : i32
    %dma_wait3A_96 = tpu.memref_slice %arg2[%dma_wait3A, %dma_wait3A_94, %dma_wait3A_95] : memref<2880x2x112xi32, #tpu.memory_space<hbm>> -> memref<1x2x112xi32, #tpu.memory_space<hbm>>
    %dma_wait3A_97 = tpu.memref_squeeze %dma_wait3A_96 : memref<1x2x112xi32, #tpu.memory_space<hbm>> -> memref<2x112xi32, #tpu.memory_space<hbm>>
    %dma_wait3A_98 = arith.constant 0 : i32
    %dma_wait3A_99 = arith.constant 0 : i32
    %dma_wait3A_100 = tpu.memref_slice %arg2[%dma_wait3A, %dma_wait3A_98, %dma_wait3A_99] : memref<2880x2x112xi32, #tpu.memory_space<hbm>> -> memref<1x2x112xi32, #tpu.memory_space<hbm>>
    %dma_wait3A_101 = tpu.memref_squeeze %dma_wait3A_100 : memref<1x2x112xi32, #tpu.memory_space<hbm>> -> memref<2x112xi32, #tpu.memory_space<hbm>>
    tpu.wait_dma2 semaphore(%arg16 : memref<!tpu.dma_semaphore, #tpu.memory_space<semaphore_mem>>) src(%dma_wait3A_101 : memref<2x112xi32, #tpu.memory_space<hbm>>) dst(%arg6 : memref<2x112xi32, #tpu.memory_space<vmem>>)
    %dma_start3A_102 = arith.constant 0 : i32
    %dma_start3A_103 = arith.constant 0 : i32
    %dma_start3A_104 = tpu.memref_slice %arg6[%dma_start3A_102, %dma_start3A_103] : memref<2x112xi32, #tpu.memory_space<vmem>> -> memref<1x112xi32, #tpu.memory_space<vmem>>
    %dma_start3A_105 = tpu.memref_squeeze %dma_start3A_104 : memref<1x112xi32, #tpu.memory_space<vmem>> -> memref<112xi32, #tpu.memory_space<vmem>>
    %dma_start3A_106 = arith.constant 0 : i32
    %dma_start3A_107 = arith.constant 0 : i32
    %dma_start3A_108 = tpu.memref_slice %arg3[%dma_start3A_106, %dma_start3A_107] : memref<10240x128xf32, #tpu.memory_space<hbm>> -> memref<10240x128xf32, #tpu.memory_space<hbm>>
    tpu.enqueue_indirect_dma source(%dma_start3A_108 : memref<10240x128xf32, #tpu.memory_space<hbm>>) target(%arg12 : memref<112x128xf32, #tpu.memory_space<vmem>>) offsets(%dma_start3A_105 : memref<112xi32, #tpu.memory_space<vmem>>) semaphore(%arg22 : memref<!tpu.dma_semaphore, #tpu.memory_space<semaphore_mem>>)
    %dma_wait3A_109 = arith.constant 0 : i32
    %dma_wait3A_110 = arith.constant 0 : i32
    %dma_wait3A_111 = arith.constant 0 : i32
    %dma_wait3A_112 = tpu.memref_slice %arg2[%dma_wait3A_109, %dma_wait3A_110, %dma_wait3A_111] : memref<2880x2x112xi32, #tpu.memory_space<hbm>> -> memref<1x2x112xi32, #tpu.memory_space<hbm>>
    %dma_wait3A_113 = tpu.memref_squeeze %dma_wait3A_112 : memref<1x2x112xi32, #tpu.memory_space<hbm>> -> memref<2x112xi32, #tpu.memory_space<hbm>>
    %dma_wait3A_114 = arith.constant 0 : i32
    %dma_wait3A_115 = arith.constant 0 : i32
    %dma_wait3A_116 = tpu.memref_slice %arg2[%dma_wait3A_109, %dma_wait3A_114, %dma_wait3A_115] : memref<2880x2x112xi32, #tpu.memory_space<hbm>> -> memref<1x2x112xi32, #tpu.memory_space<hbm>>
    %dma_wait3A_117 = tpu.memref_squeeze %dma_wait3A_116 : memref<1x2x112xi32, #tpu.memory_space<hbm>> -> memref<2x112xi32, #tpu.memory_space<hbm>>
    tpu.wait_dma2 semaphore(%arg17 : memref<!tpu.dma_semaphore, #tpu.memory_space<semaphore_mem>>) src(%dma_wait3A_117 : memref<2x112xi32, #tpu.memory_space<hbm>>) dst(%arg7 : memref<2x112xi32, #tpu.memory_space<vmem>>)
    %dma_start3A_118 = arith.constant 0 : i32
    %dma_start3A_119 = arith.constant 0 : i32
    %dma_start3A_120 = tpu.memref_slice %arg7[%dma_start3A_118, %dma_start3A_119] : memref<2x112xi32, #tpu.memory_space<vmem>> -> memref<1x112xi32, #tpu.memory_space<vmem>>
    %dma_start3A_121 = tpu.memref_squeeze %dma_start3A_120 : memref<1x112xi32, #tpu.memory_space<vmem>> -> memref<112xi32, #tpu.memory_space<vmem>>
    %dma_start3A_122 = arith.constant 0 : i32
    %dma_start3A_123 = arith.constant 0 : i32
    %dma_start3A_124 = tpu.memref_slice %arg3[%dma_start3A_122, %dma_start3A_123] : memref<10240x128xf32, #tpu.memory_space<hbm>> -> memref<10240x128xf32, #tpu.memory_space<hbm>>
    tpu.enqueue_indirect_dma source(%dma_start3A_124 : memref<10240x128xf32, #tpu.memory_space<hbm>>) target(%arg13 : memref<112x128xf32, #tpu.memory_space<vmem>>) offsets(%dma_start3A_121 : memref<112xi32, #tpu.memory_space<vmem>>) semaphore(%arg23 : memref<!tpu.dma_semaphore, #tpu.memory_space<semaphore_mem>>)
    %while3A = arith.constant 0 : i32
    %while3A_125 = arith.constant 0 : i32
    %while3A_126 = arith.subi %select_n3A_35, %while3A : i32
    %while3A_127 = arith.addi %while3A, %while3A_126 : i32
    %while3A_128 = arith.constant 1 : i32
    %while3A_129 = arith.divsi %while3A_126, %while3A_128 : i32
    %while3A_130 = arith.muli %while3A_129, %while3A_128 : i32
    %while3A_131 = arith.addi %while3A, %while3A_130 : i32
    %while3A_132 = arith.constant 1 : i32
    %while3A_133 = scf.for %while3A_152 = %while3A to %while3A_131 step %while3A_132 iter_args(%while3A_153 = %while3A_125) -> (i32)  : i32 {
      %mul3A_154 = arith.constant 6 : i32
      %mul3A_155 = arith.muli %while3A_152, %mul3A_154 : i32
      %add3A_156 = arith.constant 0 : i32
      %add3A_157 = arith.addi %mul3A_155, %add3A_156 : i32
      %dma_wait3A_158 = arith.constant 0 : i32
      %dma_wait3A_159 = arith.constant 0 : i32
      %dma_wait3A_160 = tpu.memref_slice %arg6[%dma_wait3A_158, %dma_wait3A_159] : memref<2x112xi32, #tpu.memory_space<vmem>> -> memref<1x112xi32, #tpu.memory_space<vmem>>
      %dma_wait3A_161 = tpu.memref_squeeze %dma_wait3A_160 : memref<1x112xi32, #tpu.memory_space<vmem>> -> memref<112xi32, #tpu.memory_space<vmem>>
      %dma_wait3A_162 = arith.constant 0 : i32
      %dma_wait3A_163 = arith.constant 0 : i32
      %dma_wait3A_164 = tpu.memref_slice %arg3[%dma_wait3A_162, %dma_wait3A_163] : memref<10240x128xf32, #tpu.memory_space<hbm>> -> memref<10240x128xf32, #tpu.memory_space<hbm>>
      tpu.wait_indirect_dma semaphore(%arg22 : memref<!tpu.dma_semaphore, #tpu.memory_space<semaphore_mem>>) src(%dma_wait3A_164 : memref<10240x128xf32, #tpu.memory_space<hbm>>) dst(%arg12 : memref<112x128xf32, #tpu.memory_space<vmem>>)
      %dma_start3A_165 = arith.constant 1 : i32
      %dma_start3A_166 = arith.constant 0 : i32
      %dma_start3A_167 = tpu.memref_slice %arg6[%dma_start3A_165, %dma_start3A_166] : memref<2x112xi32, #tpu.memory_space<vmem>> -> memref<1x112xi32, #tpu.memory_space<vmem>>
      %dma_start3A_168 = tpu.memref_squeeze %dma_start3A_167 : memref<1x112xi32, #tpu.memory_space<vmem>> -> memref<112xi32, #tpu.memory_space<vmem>>
      %dma_start3A_169 = arith.constant 0 : i32
      %dma_start3A_170 = arith.constant 0 : i32
      %dma_start3A_171 = tpu.memref_slice %arg15[%dma_start3A_169, %dma_start3A_170] : memref<10240x128xf32, #tpu.memory_space<vmem_shared>> -> memref<10240x128xf32, #tpu.memory_space<vmem_shared>>
      tpu.enqueue_indirect_dma source(%arg12 : memref<112x128xf32, #tpu.memory_space<vmem>>) target(%dma_start3A_171 : memref<10240x128xf32, #tpu.memory_space<vmem_shared>>) offsets(%dma_start3A_168 : memref<112xi32, #tpu.memory_space<vmem>>) semaphore(%arg25 : memref<!tpu.dma_semaphore, #tpu.memory_space<semaphore_mem>>) {add = true}
      %sub3A = arith.constant 1 : i32
      %sub3A_172 = arith.subi %add3A_157, %sub3A : i32
      %ge3A = arith.constant 0 : i32
      %ge3A_173 = arith.cmpi sge, %sub3A_172, %ge3A : i32
      %convert_element_type3A_174 = arith.extui %ge3A_173 : i1 to i32
      %cond3A_175 = arith.constant 0 : i32
      %cond3A_176 = arith.cmpi ne, %convert_element_type3A_174, %cond3A_175 : i32
      scf.if %cond3A_176 {
        %dma_wait3A_398 = arith.constant 1 : i32
        %dma_wait3A_399 = arith.constant 0 : i32
        %dma_wait3A_400 = tpu.memref_slice %arg6[%dma_wait3A_398, %dma_wait3A_399] : memref<2x112xi32, #tpu.memory_space<vmem>> -> memref<1x112xi32, #tpu.memory_space<vmem>>
        %dma_wait3A_401 = tpu.memref_squeeze %dma_wait3A_400 : memref<1x112xi32, #tpu.memory_space<vmem>> -> memref<112xi32, #tpu.memory_space<vmem>>
        %dma_wait3A_402 = arith.constant 0 : i32
        %dma_wait3A_403 = arith.constant 0 : i32
        %dma_wait3A_404 = tpu.memref_slice %arg15[%dma_wait3A_402, %dma_wait3A_403] : memref<10240x128xf32, #tpu.memory_space<vmem_shared>> -> memref<10240x128xf32, #tpu.memory_space<vmem_shared>>
        tpu.wait_indirect_dma semaphore(%arg27 : memref<!tpu.dma_semaphore, #tpu.memory_space<semaphore_mem>>) src(%arg14 : memref<112x128xf32, #tpu.memory_space<vmem>>) dst(%dma_wait3A_404 : memref<10240x128xf32, #tpu.memory_space<vmem_shared>>)
      } else {
      }
      %add3A_177 = arith.constant 6 : i32
      %add3A_178 = arith.addi %add3A_157, %add3A_177 : i32
      %sub3A_179 = arith.constant 1 : i32
      %sub3A_180 = arith.subi %add3A_178, %sub3A_179 : i32
      %lt3A = arith.cmpi slt, %sub3A_180, %select_n3A : i32
      %convert_element_type3A_181 = arith.extui %lt3A : i1 to i32
      %cond3A_182 = arith.constant 0 : i32
      %cond3A_183 = arith.cmpi ne, %convert_element_type3A_181, %cond3A_182 : i32
      scf.if %cond3A_183 {
        %add3A_398 = arith.constant 6 : i32
        %add3A_399 = arith.addi %add3A_157, %add3A_398 : i32
        %sub3A_400 = arith.constant 1 : i32
        %sub3A_401 = arith.subi %add3A_399, %sub3A_400 : i32
        %add3A_402 = arith.addi %select_n3A_44, %sub3A_401 : i32
        %dma_start3A_403 = arith.constant 0 : i32
        %dma_start3A_404 = arith.constant 0 : i32
        %dma_start3A_405 = tpu.memref_slice %arg2[%add3A_402, %dma_start3A_403, %dma_start3A_404] : memref<2880x2x112xi32, #tpu.memory_space<hbm>> -> memref<1x2x112xi32, #tpu.memory_space<hbm>>
        %dma_start3A_406 = tpu.memref_squeeze %dma_start3A_405 : memref<1x2x112xi32, #tpu.memory_space<hbm>> -> memref<2x112xi32, #tpu.memory_space<hbm>>
        %dma_start3A_407 = arith.constant 0 : i32
        %dma_start3A_408 = arith.constant 0 : i32
        %dma_start3A_409 = tpu.memref_slice %arg2[%add3A_402, %dma_start3A_407, %dma_start3A_408] : memref<2880x2x112xi32, #tpu.memory_space<hbm>> -> memref<1x2x112xi32, #tpu.memory_space<hbm>>
        %dma_start3A_410 = tpu.memref_squeeze %dma_start3A_409 : memref<1x2x112xi32, #tpu.memory_space<hbm>> -> memref<2x112xi32, #tpu.memory_space<hbm>>
        tpu.enqueue_dma source(%dma_start3A_410 : memref<2x112xi32, #tpu.memory_space<hbm>>) target(%arg11 : memref<2x112xi32, #tpu.memory_space<vmem>>) target_semaphore(%arg21 : memref<!tpu.dma_semaphore, #tpu.memory_space<semaphore_mem>>)
      } else {
      }
      %add3A_184 = arith.constant 3 : i32
      %add3A_185 = arith.addi %add3A_157, %add3A_184 : i32
      %sub3A_186 = arith.constant 1 : i32
      %sub3A_187 = arith.subi %add3A_185, %sub3A_186 : i32
      %lt3A_188 = arith.cmpi slt, %sub3A_187, %select_n3A : i32
      %convert_element_type3A_189 = arith.extui %lt3A_188 : i1 to i32
      %cond3A_190 = arith.constant 0 : i32
      %cond3A_191 = arith.cmpi ne, %convert_element_type3A_189, %cond3A_190 : i32
      scf.if %cond3A_191 {
        %dma_wait3A_398 = arith.constant 0 : i32
        %dma_wait3A_399 = arith.constant 0 : i32
        %dma_wait3A_400 = arith.constant 0 : i32
        %dma_wait3A_401 = tpu.memref_slice %arg2[%dma_wait3A_398, %dma_wait3A_399, %dma_wait3A_400] : memref<2880x2x112xi32, #tpu.memory_space<hbm>> -> memref<1x2x112xi32, #tpu.memory_space<hbm>>
        %dma_wait3A_402 = tpu.memref_squeeze %dma_wait3A_401 : memref<1x2x112xi32, #tpu.memory_space<hbm>> -> memref<2x112xi32, #tpu.memory_space<hbm>>
        %dma_wait3A_403 = arith.constant 0 : i32
        %dma_wait3A_404 = arith.constant 0 : i32
        %dma_wait3A_405 = tpu.memref_slice %arg2[%dma_wait3A_398, %dma_wait3A_403, %dma_wait3A_404] : memref<2880x2x112xi32, #tpu.memory_space<hbm>> -> memref<1x2x112xi32, #tpu.memory_space<hbm>>
        %dma_wait3A_406 = tpu.memref_squeeze %dma_wait3A_405 : memref<1x2x112xi32, #tpu.memory_space<hbm>> -> memref<2x112xi32, #tpu.memory_space<hbm>>
        tpu.wait_dma2 semaphore(%arg18 : memref<!tpu.dma_semaphore, #tpu.memory_space<semaphore_mem>>) src(%dma_wait3A_406 : memref<2x112xi32, #tpu.memory_space<hbm>>) dst(%arg8 : memref<2x112xi32, #tpu.memory_space<vmem>>)
        %dma_start3A_407 = arith.constant 0 : i32
        %dma_start3A_408 = arith.constant 0 : i32
        %dma_start3A_409 = tpu.memref_slice %arg8[%dma_start3A_407, %dma_start3A_408] : memref<2x112xi32, #tpu.memory_space<vmem>> -> memref<1x112xi32, #tpu.memory_space<vmem>>
        %dma_start3A_410 = tpu.memref_squeeze %dma_start3A_409 : memref<1x112xi32, #tpu.memory_space<vmem>> -> memref<112xi32, #tpu.memory_space<vmem>>
        %dma_start3A_411 = arith.constant 0 : i32
        %dma_start3A_412 = arith.constant 0 : i32
        %dma_start3A_413 = tpu.memref_slice %arg3[%dma_start3A_411, %dma_start3A_412] : memref<10240x128xf32, #tpu.memory_space<hbm>> -> memref<10240x128xf32, #tpu.memory_space<hbm>>
        tpu.enqueue_indirect_dma source(%dma_start3A_413 : memref<10240x128xf32, #tpu.memory_space<hbm>>) target(%arg14 : memref<112x128xf32, #tpu.memory_space<vmem>>) offsets(%dma_start3A_410 : memref<112xi32, #tpu.memory_space<vmem>>) semaphore(%arg24 : memref<!tpu.dma_semaphore, #tpu.memory_space<semaphore_mem>>)
      } else {
      }
      %mul3A_192 = arith.constant 6 : i32
      %mul3A_193 = arith.muli %while3A_152, %mul3A_192 : i32
      %add3A_194 = arith.constant 1 : i32
      %add3A_195 = arith.addi %mul3A_193, %add3A_194 : i32
      %dma_wait3A_196 = arith.constant 0 : i32
      %dma_wait3A_197 = arith.constant 0 : i32
      %dma_wait3A_198 = tpu.memref_slice %arg6[%dma_wait3A_196, %dma_wait3A_197] : memref<2x112xi32, #tpu.memory_space<vmem>> -> memref<1x112xi32, #tpu.memory_space<vmem>>
      %dma_wait3A_199 = tpu.memref_squeeze %dma_wait3A_198 : memref<1x112xi32, #tpu.memory_space<vmem>> -> memref<112xi32, #tpu.memory_space<vmem>>
      %dma_wait3A_200 = arith.constant 0 : i32
      %dma_wait3A_201 = arith.constant 0 : i32
      %dma_wait3A_202 = tpu.memref_slice %arg3[%dma_wait3A_200, %dma_wait3A_201] : memref<10240x128xf32, #tpu.memory_space<hbm>> -> memref<10240x128xf32, #tpu.memory_space<hbm>>
      tpu.wait_indirect_dma semaphore(%arg23 : memref<!tpu.dma_semaphore, #tpu.memory_space<semaphore_mem>>) src(%dma_wait3A_202 : memref<10240x128xf32, #tpu.memory_space<hbm>>) dst(%arg13 : memref<112x128xf32, #tpu.memory_space<vmem>>)
      %dma_start3A_203 = arith.constant 1 : i32
      %dma_start3A_204 = arith.constant 0 : i32
      %dma_start3A_205 = tpu.memref_slice %arg7[%dma_start3A_203, %dma_start3A_204] : memref<2x112xi32, #tpu.memory_space<vmem>> -> memref<1x112xi32, #tpu.memory_space<vmem>>
      %dma_start3A_206 = tpu.memref_squeeze %dma_start3A_205 : memref<1x112xi32, #tpu.memory_space<vmem>> -> memref<112xi32, #tpu.memory_space<vmem>>
      %dma_start3A_207 = arith.constant 0 : i32
      %dma_start3A_208 = arith.constant 0 : i32
      %dma_start3A_209 = tpu.memref_slice %arg15[%dma_start3A_207, %dma_start3A_208] : memref<10240x128xf32, #tpu.memory_space<vmem_shared>> -> memref<10240x128xf32, #tpu.memory_space<vmem_shared>>
      tpu.enqueue_indirect_dma source(%arg13 : memref<112x128xf32, #tpu.memory_space<vmem>>) target(%dma_start3A_209 : memref<10240x128xf32, #tpu.memory_space<vmem_shared>>) offsets(%dma_start3A_206 : memref<112xi32, #tpu.memory_space<vmem>>) semaphore(%arg26 : memref<!tpu.dma_semaphore, #tpu.memory_space<semaphore_mem>>) {add = true}
      %sub3A_210 = arith.constant 1 : i32
      %sub3A_211 = arith.subi %add3A_195, %sub3A_210 : i32
      %ge3A_212 = arith.constant 0 : i32
      %ge3A_213 = arith.cmpi sge, %sub3A_211, %ge3A_212 : i32
      %convert_element_type3A_214 = arith.extui %ge3A_213 : i1 to i32
      %cond3A_215 = arith.constant 0 : i32
      %cond3A_216 = arith.cmpi ne, %convert_element_type3A_214, %cond3A_215 : i32
      scf.if %cond3A_216 {
        %dma_wait3A_398 = arith.constant 1 : i32
        %dma_wait3A_399 = arith.constant 0 : i32
        %dma_wait3A_400 = tpu.memref_slice %arg6[%dma_wait3A_398, %dma_wait3A_399] : memref<2x112xi32, #tpu.memory_space<vmem>> -> memref<1x112xi32, #tpu.memory_space<vmem>>
        %dma_wait3A_401 = tpu.memref_squeeze %dma_wait3A_400 : memref<1x112xi32, #tpu.memory_space<vmem>> -> memref<112xi32, #tpu.memory_space<vmem>>
        %dma_wait3A_402 = arith.constant 0 : i32
        %dma_wait3A_403 = arith.constant 0 : i32
        %dma_wait3A_404 = tpu.memref_slice %arg15[%dma_wait3A_402, %dma_wait3A_403] : memref<10240x128xf32, #tpu.memory_space<vmem_shared>> -> memref<10240x128xf32, #tpu.memory_space<vmem_shared>>
        tpu.wait_indirect_dma semaphore(%arg25 : memref<!tpu.dma_semaphore, #tpu.memory_space<semaphore_mem>>) src(%arg12 : memref<112x128xf32, #tpu.memory_space<vmem>>) dst(%dma_wait3A_404 : memref<10240x128xf32, #tpu.memory_space<vmem_shared>>)
      } else {
      }
      %add3A_217 = arith.constant 6 : i32
      %add3A_218 = arith.addi %add3A_195, %add3A_217 : i32
      %sub3A_219 = arith.constant 1 : i32
      %sub3A_220 = arith.subi %add3A_218, %sub3A_219 : i32
      %lt3A_221 = arith.cmpi slt, %sub3A_220, %select_n3A : i32
      %convert_element_type3A_222 = arith.extui %lt3A_221 : i1 to i32
      %cond3A_223 = arith.constant 0 : i32
      %cond3A_224 = arith.cmpi ne, %convert_element_type3A_222, %cond3A_223 : i32
      scf.if %cond3A_224 {
        %add3A_398 = arith.constant 6 : i32
        %add3A_399 = arith.addi %add3A_195, %add3A_398 : i32
        %sub3A_400 = arith.constant 1 : i32
        %sub3A_401 = arith.subi %add3A_399, %sub3A_400 : i32
        %add3A_402 = arith.addi %select_n3A_44, %sub3A_401 : i32
        %dma_start3A_403 = arith.constant 0 : i32
        %dma_start3A_404 = arith.constant 0 : i32
        %dma_start3A_405 = tpu.memref_slice %arg2[%add3A_402, %dma_start3A_403, %dma_start3A_404] : memref<2880x2x112xi32, #tpu.memory_space<hbm>> -> memref<1x2x112xi32, #tpu.memory_space<hbm>>
        %dma_start3A_406 = tpu.memref_squeeze %dma_start3A_405 : memref<1x2x112xi32, #tpu.memory_space<hbm>> -> memref<2x112xi32, #tpu.memory_space<hbm>>
        %dma_start3A_407 = arith.constant 0 : i32
        %dma_start3A_408 = arith.constant 0 : i32
        %dma_start3A_409 = tpu.memref_slice %arg2[%add3A_402, %dma_start3A_407, %dma_start3A_408] : memref<2880x2x112xi32, #tpu.memory_space<hbm>> -> memref<1x2x112xi32, #tpu.memory_space<hbm>>
        %dma_start3A_410 = tpu.memref_squeeze %dma_start3A_409 : memref<1x2x112xi32, #tpu.memory_space<hbm>> -> memref<2x112xi32, #tpu.memory_space<hbm>>
        tpu.enqueue_dma source(%dma_start3A_410 : memref<2x112xi32, #tpu.memory_space<hbm>>) target(%arg6 : memref<2x112xi32, #tpu.memory_space<vmem>>) target_semaphore(%arg16 : memref<!tpu.dma_semaphore, #tpu.memory_space<semaphore_mem>>)
      } else {
      }
      %add3A_225 = arith.constant 3 : i32
      %add3A_226 = arith.addi %add3A_195, %add3A_225 : i32
      %sub3A_227 = arith.constant 1 : i32
      %sub3A_228 = arith.subi %add3A_226, %sub3A_227 : i32
      %lt3A_229 = arith.cmpi slt, %sub3A_228, %select_n3A : i32
      %convert_element_type3A_230 = arith.extui %lt3A_229 : i1 to i32
      %cond3A_231 = arith.constant 0 : i32
      %cond3A_232 = arith.cmpi ne, %convert_element_type3A_230, %cond3A_231 : i32
      scf.if %cond3A_232 {
        %dma_wait3A_398 = arith.constant 0 : i32
        %dma_wait3A_399 = arith.constant 0 : i32
        %dma_wait3A_400 = arith.constant 0 : i32
        %dma_wait3A_401 = tpu.memref_slice %arg2[%dma_wait3A_398, %dma_wait3A_399, %dma_wait3A_400] : memref<2880x2x112xi32, #tpu.memory_space<hbm>> -> memref<1x2x112xi32, #tpu.memory_space<hbm>>
        %dma_wait3A_402 = tpu.memref_squeeze %dma_wait3A_401 : memref<1x2x112xi32, #tpu.memory_space<hbm>> -> memref<2x112xi32, #tpu.memory_space<hbm>>
        %dma_wait3A_403 = arith.constant 0 : i32
        %dma_wait3A_404 = arith.constant 0 : i32
        %dma_wait3A_405 = tpu.memref_slice %arg2[%dma_wait3A_398, %dma_wait3A_403, %dma_wait3A_404] : memref<2880x2x112xi32, #tpu.memory_space<hbm>> -> memref<1x2x112xi32, #tpu.memory_space<hbm>>
        %dma_wait3A_406 = tpu.memref_squeeze %dma_wait3A_405 : memref<1x2x112xi32, #tpu.memory_space<hbm>> -> memref<2x112xi32, #tpu.memory_space<hbm>>
        tpu.wait_dma2 semaphore(%arg19 : memref<!tpu.dma_semaphore, #tpu.memory_space<semaphore_mem>>) src(%dma_wait3A_406 : memref<2x112xi32, #tpu.memory_space<hbm>>) dst(%arg9 : memref<2x112xi32, #tpu.memory_space<vmem>>)
        %dma_start3A_407 = arith.constant 0 : i32
        %dma_start3A_408 = arith.constant 0 : i32
        %dma_start3A_409 = tpu.memref_slice %arg9[%dma_start3A_407, %dma_start3A_408] : memref<2x112xi32, #tpu.memory_space<vmem>> -> memref<1x112xi32, #tpu.memory_space<vmem>>
        %dma_start3A_410 = tpu.memref_squeeze %dma_start3A_409 : memref<1x112xi32, #tpu.memory_space<vmem>> -> memref<112xi32, #tpu.memory_space<vmem>>
        %dma_start3A_411 = arith.constant 0 : i32
        %dma_start3A_412 = arith.constant 0 : i32
        %dma_start3A_413 = tpu.memref_slice %arg3[%dma_start3A_411, %dma_start3A_412] : memref<10240x128xf32, #tpu.memory_space<hbm>> -> memref<10240x128xf32, #tpu.memory_space<hbm>>
        tpu.enqueue_indirect_dma source(%dma_start3A_413 : memref<10240x128xf32, #tpu.memory_space<hbm>>) target(%arg12 : memref<112x128xf32, #tpu.memory_space<vmem>>) offsets(%dma_start3A_410 : memref<112xi32, #tpu.memory_space<vmem>>) semaphore(%arg22 : memref<!tpu.dma_semaphore, #tpu.memory_space<semaphore_mem>>)
      } else {
      }
      %mul3A_233 = arith.constant 6 : i32
      %mul3A_234 = arith.muli %while3A_152, %mul3A_233 : i32
      %add3A_235 = arith.constant 2 : i32
      %add3A_236 = arith.addi %mul3A_234, %add3A_235 : i32
      %dma_wait3A_237 = arith.constant 0 : i32
      %dma_wait3A_238 = arith.constant 0 : i32
      %dma_wait3A_239 = tpu.memref_slice %arg6[%dma_wait3A_237, %dma_wait3A_238] : memref<2x112xi32, #tpu.memory_space<vmem>> -> memref<1x112xi32, #tpu.memory_space<vmem>>
      %dma_wait3A_240 = tpu.memref_squeeze %dma_wait3A_239 : memref<1x112xi32, #tpu.memory_space<vmem>> -> memref<112xi32, #tpu.memory_space<vmem>>
      %dma_wait3A_241 = arith.constant 0 : i32
      %dma_wait3A_242 = arith.constant 0 : i32
      %dma_wait3A_243 = tpu.memref_slice %arg3[%dma_wait3A_241, %dma_wait3A_242] : memref<10240x128xf32, #tpu.memory_space<hbm>> -> memref<10240x128xf32, #tpu.memory_space<hbm>>
      tpu.wait_indirect_dma semaphore(%arg24 : memref<!tpu.dma_semaphore, #tpu.memory_space<semaphore_mem>>) src(%dma_wait3A_243 : memref<10240x128xf32, #tpu.memory_space<hbm>>) dst(%arg14 : memref<112x128xf32, #tpu.memory_space<vmem>>)
      %dma_start3A_244 = arith.constant 1 : i32
      %dma_start3A_245 = arith.constant 0 : i32
      %dma_start3A_246 = tpu.memref_slice %arg8[%dma_start3A_244, %dma_start3A_245] : memref<2x112xi32, #tpu.memory_space<vmem>> -> memref<1x112xi32, #tpu.memory_space<vmem>>
      %dma_start3A_247 = tpu.memref_squeeze %dma_start3A_246 : memref<1x112xi32, #tpu.memory_space<vmem>> -> memref<112xi32, #tpu.memory_space<vmem>>
      %dma_start3A_248 = arith.constant 0 : i32
      %dma_start3A_249 = arith.constant 0 : i32
      %dma_start3A_250 = tpu.memref_slice %arg15[%dma_start3A_248, %dma_start3A_249] : memref<10240x128xf32, #tpu.memory_space<vmem_shared>> -> memref<10240x128xf32, #tpu.memory_space<vmem_shared>>
      tpu.enqueue_indirect_dma source(%arg14 : memref<112x128xf32, #tpu.memory_space<vmem>>) target(%dma_start3A_250 : memref<10240x128xf32, #tpu.memory_space<vmem_shared>>) offsets(%dma_start3A_247 : memref<112xi32, #tpu.memory_space<vmem>>) semaphore(%arg27 : memref<!tpu.dma_semaphore, #tpu.memory_space<semaphore_mem>>) {add = true}
      %sub3A_251 = arith.constant 1 : i32
      %sub3A_252 = arith.subi %add3A_236, %sub3A_251 : i32
      %ge3A_253 = arith.constant 0 : i32
      %ge3A_254 = arith.cmpi sge, %sub3A_252, %ge3A_253 : i32
      %convert_element_type3A_255 = arith.extui %ge3A_254 : i1 to i32
      %cond3A_256 = arith.constant 0 : i32
      %cond3A_257 = arith.cmpi ne, %convert_element_type3A_255, %cond3A_256 : i32
      scf.if %cond3A_257 {
        %dma_wait3A_398 = arith.constant 1 : i32
        %dma_wait3A_399 = arith.constant 0 : i32
        %dma_wait3A_400 = tpu.memref_slice %arg6[%dma_wait3A_398, %dma_wait3A_399] : memref<2x112xi32, #tpu.memory_space<vmem>> -> memref<1x112xi32, #tpu.memory_space<vmem>>
        %dma_wait3A_401 = tpu.memref_squeeze %dma_wait3A_400 : memref<1x112xi32, #tpu.memory_space<vmem>> -> memref<112xi32, #tpu.memory_space<vmem>>
        %dma_wait3A_402 = arith.constant 0 : i32
        %dma_wait3A_403 = arith.constant 0 : i32
        %dma_wait3A_404 = tpu.memref_slice %arg15[%dma_wait3A_402, %dma_wait3A_403] : memref<10240x128xf32, #tpu.memory_space<vmem_shared>> -> memref<10240x128xf32, #tpu.memory_space<vmem_shared>>
        tpu.wait_indirect_dma semaphore(%arg26 : memref<!tpu.dma_semaphore, #tpu.memory_space<semaphore_mem>>) src(%arg13 : memref<112x128xf32, #tpu.memory_space<vmem>>) dst(%dma_wait3A_404 : memref<10240x128xf32, #tpu.memory_space<vmem_shared>>)
      } else {
      }
      %add3A_258 = arith.constant 6 : i32
      %add3A_259 = arith.addi %add3A_236, %add3A_258 : i32
      %sub3A_260 = arith.constant 1 : i32
      %sub3A_261 = arith.subi %add3A_259, %sub3A_260 : i32
      %lt3A_262 = arith.cmpi slt, %sub3A_261, %select_n3A : i32
      %convert_element_type3A_263 = arith.extui %lt3A_262 : i1 to i32
      %cond3A_264 = arith.constant 0 : i32
      %cond3A_265 = arith.cmpi ne, %convert_element_type3A_263, %cond3A_264 : i32
      scf.if %cond3A_265 {
        %add3A_398 = arith.constant 6 : i32
        %add3A_399 = arith.addi %add3A_236, %add3A_398 : i32
        %sub3A_400 = arith.constant 1 : i32
        %sub3A_401 = arith.subi %add3A_399, %sub3A_400 : i32
        %add3A_402 = arith.addi %select_n3A_44, %sub3A_401 : i32
        %dma_start3A_403 = arith.constant 0 : i32
        %dma_start3A_404 = arith.constant 0 : i32
        %dma_start3A_405 = tpu.memref_slice %arg2[%add3A_402, %dma_start3A_403, %dma_start3A_404] : memref<2880x2x112xi32, #tpu.memory_space<hbm>> -> memref<1x2x112xi32, #tpu.memory_space<hbm>>
        %dma_start3A_406 = tpu.memref_squeeze %dma_start3A_405 : memref<1x2x112xi32, #tpu.memory_space<hbm>> -> memref<2x112xi32, #tpu.memory_space<hbm>>
        %dma_start3A_407 = arith.constant 0 : i32
        %dma_start3A_408 = arith.constant 0 : i32
        %dma_start3A_409 = tpu.memref_slice %arg2[%add3A_402, %dma_start3A_407, %dma_start3A_408] : memref<2880x2x112xi32, #tpu.memory_space<hbm>> -> memref<1x2x112xi32, #tpu.memory_space<hbm>>
        %dma_start3A_410 = tpu.memref_squeeze %dma_start3A_409 : memref<1x2x112xi32, #tpu.memory_space<hbm>> -> memref<2x112xi32, #tpu.memory_space<hbm>>
        tpu.enqueue_dma source(%dma_start3A_410 : memref<2x112xi32, #tpu.memory_space<hbm>>) target(%arg7 : memref<2x112xi32, #tpu.memory_space<vmem>>) target_semaphore(%arg17 : memref<!tpu.dma_semaphore, #tpu.memory_space<semaphore_mem>>)
      } else {
      }
      %add3A_266 = arith.constant 3 : i32
      %add3A_267 = arith.addi %add3A_236, %add3A_266 : i32
      %sub3A_268 = arith.constant 1 : i32
      %sub3A_269 = arith.subi %add3A_267, %sub3A_268 : i32
      %lt3A_270 = arith.cmpi slt, %sub3A_269, %select_n3A : i32
      %convert_element_type3A_271 = arith.extui %lt3A_270 : i1 to i32
      %cond3A_272 = arith.constant 0 : i32
      %cond3A_273 = arith.cmpi ne, %convert_element_type3A_271, %cond3A_272 : i32
      scf.if %cond3A_273 {
        %dma_wait3A_398 = arith.constant 0 : i32
        %dma_wait3A_399 = arith.constant 0 : i32
        %dma_wait3A_400 = arith.constant 0 : i32
        %dma_wait3A_401 = tpu.memref_slice %arg2[%dma_wait3A_398, %dma_wait3A_399, %dma_wait3A_400] : memref<2880x2x112xi32, #tpu.memory_space<hbm>> -> memref<1x2x112xi32, #tpu.memory_space<hbm>>
        %dma_wait3A_402 = tpu.memref_squeeze %dma_wait3A_401 : memref<1x2x112xi32, #tpu.memory_space<hbm>> -> memref<2x112xi32, #tpu.memory_space<hbm>>
        %dma_wait3A_403 = arith.constant 0 : i32
        %dma_wait3A_404 = arith.constant 0 : i32
        %dma_wait3A_405 = tpu.memref_slice %arg2[%dma_wait3A_398, %dma_wait3A_403, %dma_wait3A_404] : memref<2880x2x112xi32, #tpu.memory_space<hbm>> -> memref<1x2x112xi32, #tpu.memory_space<hbm>>
        %dma_wait3A_406 = tpu.memref_squeeze %dma_wait3A_405 : memref<1x2x112xi32, #tpu.memory_space<hbm>> -> memref<2x112xi32, #tpu.memory_space<hbm>>
        tpu.wait_dma2 semaphore(%arg20 : memref<!tpu.dma_semaphore, #tpu.memory_space<semaphore_mem>>) src(%dma_wait3A_406 : memref<2x112xi32, #tpu.memory_space<hbm>>) dst(%arg10 : memref<2x112xi32, #tpu.memory_space<vmem>>)
        %dma_start3A_407 = arith.constant 0 : i32
        %dma_start3A_408 = arith.constant 0 : i32
        %dma_start3A_409 = tpu.memref_slice %arg10[%dma_start3A_407, %dma_start3A_408] : memref<2x112xi32, #tpu.memory_space<vmem>> -> memref<1x112xi32, #tpu.memory_space<vmem>>
        %dma_start3A_410 = tpu.memref_squeeze %dma_start3A_409 : memref<1x112xi32, #tpu.memory_space<vmem>> -> memref<112xi32, #tpu.memory_space<vmem>>
        %dma_start3A_411 = arith.constant 0 : i32
        %dma_start3A_412 = arith.constant 0 : i32
        %dma_start3A_413 = tpu.memref_slice %arg3[%dma_start3A_411, %dma_start3A_412] : memref<10240x128xf32, #tpu.memory_space<hbm>> -> memref<10240x128xf32, #tpu.memory_space<hbm>>
        tpu.enqueue_indirect_dma source(%dma_start3A_413 : memref<10240x128xf32, #tpu.memory_space<hbm>>) target(%arg13 : memref<112x128xf32, #tpu.memory_space<vmem>>) offsets(%dma_start3A_410 : memref<112xi32, #tpu.memory_space<vmem>>) semaphore(%arg23 : memref<!tpu.dma_semaphore, #tpu.memory_space<semaphore_mem>>)
      } else {
      }
      %mul3A_274 = arith.constant 6 : i32
      %mul3A_275 = arith.muli %while3A_152, %mul3A_274 : i32
      %add3A_276 = arith.constant 3 : i32
      %add3A_277 = arith.addi %mul3A_275, %add3A_276 : i32
      %dma_wait3A_278 = arith.constant 0 : i32
      %dma_wait3A_279 = arith.constant 0 : i32
      %dma_wait3A_280 = tpu.memref_slice %arg6[%dma_wait3A_278, %dma_wait3A_279] : memref<2x112xi32, #tpu.memory_space<vmem>> -> memref<1x112xi32, #tpu.memory_space<vmem>>
      %dma_wait3A_281 = tpu.memref_squeeze %dma_wait3A_280 : memref<1x112xi32, #tpu.memory_space<vmem>> -> memref<112xi32, #tpu.memory_space<vmem>>
      %dma_wait3A_282 = arith.constant 0 : i32
      %dma_wait3A_283 = arith.constant 0 : i32
      %dma_wait3A_284 = tpu.memref_slice %arg3[%dma_wait3A_282, %dma_wait3A_283] : memref<10240x128xf32, #tpu.memory_space<hbm>> -> memref<10240x128xf32, #tpu.memory_space<hbm>>
      tpu.wait_indirect_dma semaphore(%arg22 : memref<!tpu.dma_semaphore, #tpu.memory_space<semaphore_mem>>) src(%dma_wait3A_284 : memref<10240x128xf32, #tpu.memory_space<hbm>>) dst(%arg12 : memref<112x128xf32, #tpu.memory_space<vmem>>)
      %dma_start3A_285 = arith.constant 1 : i32
      %dma_start3A_286 = arith.constant 0 : i32
      %dma_start3A_287 = tpu.memref_slice %arg9[%dma_start3A_285, %dma_start3A_286] : memref<2x112xi32, #tpu.memory_space<vmem>> -> memref<1x112xi32, #tpu.memory_space<vmem>>
      %dma_start3A_288 = tpu.memref_squeeze %dma_start3A_287 : memref<1x112xi32, #tpu.memory_space<vmem>> -> memref<112xi32, #tpu.memory_space<vmem>>
      %dma_start3A_289 = arith.constant 0 : i32
      %dma_start3A_290 = arith.constant 0 : i32
      %dma_start3A_291 = tpu.memref_slice %arg15[%dma_start3A_289, %dma_start3A_290] : memref<10240x128xf32, #tpu.memory_space<vmem_shared>> -> memref<10240x128xf32, #tpu.memory_space<vmem_shared>>
      tpu.enqueue_indirect_dma source(%arg12 : memref<112x128xf32, #tpu.memory_space<vmem>>) target(%dma_start3A_291 : memref<10240x128xf32, #tpu.memory_space<vmem_shared>>) offsets(%dma_start3A_288 : memref<112xi32, #tpu.memory_space<vmem>>) semaphore(%arg25 : memref<!tpu.dma_semaphore, #tpu.memory_space<semaphore_mem>>) {add = true}
      %sub3A_292 = arith.constant 1 : i32
      %sub3A_293 = arith.subi %add3A_277, %sub3A_292 : i32
      %ge3A_294 = arith.constant 0 : i32
      %ge3A_295 = arith.cmpi sge, %sub3A_293, %ge3A_294 : i32
      %convert_element_type3A_296 = arith.extui %ge3A_295 : i1 to i32
      %cond3A_297 = arith.constant 0 : i32
      %cond3A_298 = arith.cmpi ne, %convert_element_type3A_296, %cond3A_297 : i32
      scf.if %cond3A_298 {
        %dma_wait3A_398 = arith.constant 1 : i32
        %dma_wait3A_399 = arith.constant 0 : i32
        %dma_wait3A_400 = tpu.memref_slice %arg6[%dma_wait3A_398, %dma_wait3A_399] : memref<2x112xi32, #tpu.memory_space<vmem>> -> memref<1x112xi32, #tpu.memory_space<vmem>>
        %dma_wait3A_401 = tpu.memref_squeeze %dma_wait3A_400 : memref<1x112xi32, #tpu.memory_space<vmem>> -> memref<112xi32, #tpu.memory_space<vmem>>
        %dma_wait3A_402 = arith.constant 0 : i32
        %dma_wait3A_403 = arith.constant 0 : i32
        %dma_wait3A_404 = tpu.memref_slice %arg15[%dma_wait3A_402, %dma_wait3A_403] : memref<10240x128xf32, #tpu.memory_space<vmem_shared>> -> memref<10240x128xf32, #tpu.memory_space<vmem_shared>>
        tpu.wait_indirect_dma semaphore(%arg27 : memref<!tpu.dma_semaphore, #tpu.memory_space<semaphore_mem>>) src(%arg14 : memref<112x128xf32, #tpu.memory_space<vmem>>) dst(%dma_wait3A_404 : memref<10240x128xf32, #tpu.memory_space<vmem_shared>>)
      } else {
      }
      %add3A_299 = arith.constant 6 : i32
      %add3A_300 = arith.addi %add3A_277, %add3A_299 : i32
      %sub3A_301 = arith.constant 1 : i32
      %sub3A_302 = arith.subi %add3A_300, %sub3A_301 : i32
      %lt3A_303 = arith.cmpi slt, %sub3A_302, %select_n3A : i32
      %convert_element_type3A_304 = arith.extui %lt3A_303 : i1 to i32
      %cond3A_305 = arith.constant 0 : i32
      %cond3A_306 = arith.cmpi ne, %convert_element_type3A_304, %cond3A_305 : i32
      scf.if %cond3A_306 {
        %add3A_398 = arith.constant 6 : i32
        %add3A_399 = arith.addi %add3A_277, %add3A_398 : i32
        %sub3A_400 = arith.constant 1 : i32
        %sub3A_401 = arith.subi %add3A_399, %sub3A_400 : i32
        %add3A_402 = arith.addi %select_n3A_44, %sub3A_401 : i32
        %dma_start3A_403 = arith.constant 0 : i32
        %dma_start3A_404 = arith.constant 0 : i32
        %dma_start3A_405 = tpu.memref_slice %arg2[%add3A_402, %dma_start3A_403, %dma_start3A_404] : memref<2880x2x112xi32, #tpu.memory_space<hbm>> -> memref<1x2x112xi32, #tpu.memory_space<hbm>>
        %dma_start3A_406 = tpu.memref_squeeze %dma_start3A_405 : memref<1x2x112xi32, #tpu.memory_space<hbm>> -> memref<2x112xi32, #tpu.memory_space<hbm>>
        %dma_start3A_407 = arith.constant 0 : i32
        %dma_start3A_408 = arith.constant 0 : i32
        %dma_start3A_409 = tpu.memref_slice %arg2[%add3A_402, %dma_start3A_407, %dma_start3A_408] : memref<2880x2x112xi32, #tpu.memory_space<hbm>> -> memref<1x2x112xi32, #tpu.memory_space<hbm>>
        %dma_start3A_410 = tpu.memref_squeeze %dma_start3A_409 : memref<1x2x112xi32, #tpu.memory_space<hbm>> -> memref<2x112xi32, #tpu.memory_space<hbm>>
        tpu.enqueue_dma source(%dma_start3A_410 : memref<2x112xi32, #tpu.memory_space<hbm>>) target(%arg8 : memref<2x112xi32, #tpu.memory_space<vmem>>) target_semaphore(%arg18 : memref<!tpu.dma_semaphore, #tpu.memory_space<semaphore_mem>>)
      } else {
      }
      %add3A_307 = arith.constant 3 : i32
      %add3A_308 = arith.addi %add3A_277, %add3A_307 : i32
      %sub3A_309 = arith.constant 1 : i32
      %sub3A_310 = arith.subi %add3A_308, %sub3A_309 : i32
      %lt3A_311 = arith.cmpi slt, %sub3A_310, %select_n3A : i32
      %convert_element_type3A_312 = arith.extui %lt3A_311 : i1 to i32
      %cond3A_313 = arith.constant 0 : i32
      %cond3A_314 = arith.cmpi ne, %convert_element_type3A_312, %cond3A_313 : i32
      scf.if %cond3A_314 {
        %dma_wait3A_398 = arith.constant 0 : i32
        %dma_wait3A_399 = arith.constant 0 : i32
        %dma_wait3A_400 = arith.constant 0 : i32
        %dma_wait3A_401 = tpu.memref_slice %arg2[%dma_wait3A_398, %dma_wait3A_399, %dma_wait3A_400] : memref<2880x2x112xi32, #tpu.memory_space<hbm>> -> memref<1x2x112xi32, #tpu.memory_space<hbm>>
        %dma_wait3A_402 = tpu.memref_squeeze %dma_wait3A_401 : memref<1x2x112xi32, #tpu.memory_space<hbm>> -> memref<2x112xi32, #tpu.memory_space<hbm>>
        %dma_wait3A_403 = arith.constant 0 : i32
        %dma_wait3A_404 = arith.constant 0 : i32
        %dma_wait3A_405 = tpu.memref_slice %arg2[%dma_wait3A_398, %dma_wait3A_403, %dma_wait3A_404] : memref<2880x2x112xi32, #tpu.memory_space<hbm>> -> memref<1x2x112xi32, #tpu.memory_space<hbm>>
        %dma_wait3A_406 = tpu.memref_squeeze %dma_wait3A_405 : memref<1x2x112xi32, #tpu.memory_space<hbm>> -> memref<2x112xi32, #tpu.memory_space<hbm>>
        tpu.wait_dma2 semaphore(%arg21 : memref<!tpu.dma_semaphore, #tpu.memory_space<semaphore_mem>>) src(%dma_wait3A_406 : memref<2x112xi32, #tpu.memory_space<hbm>>) dst(%arg11 : memref<2x112xi32, #tpu.memory_space<vmem>>)
        %dma_start3A_407 = arith.constant 0 : i32
        %dma_start3A_408 = arith.constant 0 : i32
        %dma_start3A_409 = tpu.memref_slice %arg11[%dma_start3A_407, %dma_start3A_408] : memref<2x112xi32, #tpu.memory_space<vmem>> -> memref<1x112xi32, #tpu.memory_space<vmem>>
        %dma_start3A_410 = tpu.memref_squeeze %dma_start3A_409 : memref<1x112xi32, #tpu.memory_space<vmem>> -> memref<112xi32, #tpu.memory_space<vmem>>
        %dma_start3A_411 = arith.constant 0 : i32
        %dma_start3A_412 = arith.constant 0 : i32
        %dma_start3A_413 = tpu.memref_slice %arg3[%dma_start3A_411, %dma_start3A_412] : memref<10240x128xf32, #tpu.memory_space<hbm>> -> memref<10240x128xf32, #tpu.memory_space<hbm>>
        tpu.enqueue_indirect_dma source(%dma_start3A_413 : memref<10240x128xf32, #tpu.memory_space<hbm>>) target(%arg14 : memref<112x128xf32, #tpu.memory_space<vmem>>) offsets(%dma_start3A_410 : memref<112xi32, #tpu.memory_space<vmem>>) semaphore(%arg24 : memref<!tpu.dma_semaphore, #tpu.memory_space<semaphore_mem>>)
      } else {
      }
      %mul3A_315 = arith.constant 6 : i32
      %mul3A_316 = arith.muli %while3A_152, %mul3A_315 : i32
      %add3A_317 = arith.constant 4 : i32
      %add3A_318 = arith.addi %mul3A_316, %add3A_317 : i32
      %dma_wait3A_319 = arith.constant 0 : i32
      %dma_wait3A_320 = arith.constant 0 : i32
      %dma_wait3A_321 = tpu.memref_slice %arg6[%dma_wait3A_319, %dma_wait3A_320] : memref<2x112xi32, #tpu.memory_space<vmem>> -> memref<1x112xi32, #tpu.memory_space<vmem>>
      %dma_wait3A_322 = tpu.memref_squeeze %dma_wait3A_321 : memref<1x112xi32, #tpu.memory_space<vmem>> -> memref<112xi32, #tpu.memory_space<vmem>>
      %dma_wait3A_323 = arith.constant 0 : i32
      %dma_wait3A_324 = arith.constant 0 : i32
      %dma_wait3A_325 = tpu.memref_slice %arg3[%dma_wait3A_323, %dma_wait3A_324] : memref<10240x128xf32, #tpu.memory_space<hbm>> -> memref<10240x128xf32, #tpu.memory_space<hbm>>
      tpu.wait_indirect_dma semaphore(%arg23 : memref<!tpu.dma_semaphore, #tpu.memory_space<semaphore_mem>>) src(%dma_wait3A_325 : memref<10240x128xf32, #tpu.memory_space<hbm>>) dst(%arg13 : memref<112x128xf32, #tpu.memory_space<vmem>>)
      %dma_start3A_326 = arith.constant 1 : i32
      %dma_start3A_327 = arith.constant 0 : i32
      %dma_start3A_328 = tpu.memref_slice %arg10[%dma_start3A_326, %dma_start3A_327] : memref<2x112xi32, #tpu.memory_space<vmem>> -> memref<1x112xi32, #tpu.memory_space<vmem>>
      %dma_start3A_329 = tpu.memref_squeeze %dma_start3A_328 : memref<1x112xi32, #tpu.memory_space<vmem>> -> memref<112xi32, #tpu.memory_space<vmem>>
      %dma_start3A_330 = arith.constant 0 : i32
      %dma_start3A_331 = arith.constant 0 : i32
      %dma_start3A_332 = tpu.memref_slice %arg15[%dma_start3A_330, %dma_start3A_331] : memref<10240x128xf32, #tpu.memory_space<vmem_shared>> -> memref<10240x128xf32, #tpu.memory_space<vmem_shared>>
      tpu.enqueue_indirect_dma source(%arg13 : memref<112x128xf32, #tpu.memory_space<vmem>>) target(%dma_start3A_332 : memref<10240x128xf32, #tpu.memory_space<vmem_shared>>) offsets(%dma_start3A_329 : memref<112xi32, #tpu.memory_space<vmem>>) semaphore(%arg26 : memref<!tpu.dma_semaphore, #tpu.memory_space<semaphore_mem>>) {add = true}
      %sub3A_333 = arith.constant 1 : i32
      %sub3A_334 = arith.subi %add3A_318, %sub3A_333 : i32
      %ge3A_335 = arith.constant 0 : i32
      %ge3A_336 = arith.cmpi sge, %sub3A_334, %ge3A_335 : i32
      %convert_element_type3A_337 = arith.extui %ge3A_336 : i1 to i32
      %cond3A_338 = arith.constant 0 : i32
      %cond3A_339 = arith.cmpi ne, %convert_element_type3A_337, %cond3A_338 : i32
      scf.if %cond3A_339 {
        %dma_wait3A_398 = arith.constant 1 : i32
        %dma_wait3A_399 = arith.constant 0 : i32
        %dma_wait3A_400 = tpu.memref_slice %arg6[%dma_wait3A_398, %dma_wait3A_399] : memref<2x112xi32, #tpu.memory_space<vmem>> -> memref<1x112xi32, #tpu.memory_space<vmem>>
        %dma_wait3A_401 = tpu.memref_squeeze %dma_wait3A_400 : memref<1x112xi32, #tpu.memory_space<vmem>> -> memref<112xi32, #tpu.memory_space<vmem>>
        %dma_wait3A_402 = arith.constant 0 : i32
        %dma_wait3A_403 = arith.constant 0 : i32
        %dma_wait3A_404 = tpu.memref_slice %arg15[%dma_wait3A_402, %dma_wait3A_403] : memref<10240x128xf32, #tpu.memory_space<vmem_shared>> -> memref<10240x128xf32, #tpu.memory_space<vmem_shared>>
        tpu.wait_indirect_dma semaphore(%arg25 : memref<!tpu.dma_semaphore, #tpu.memory_space<semaphore_mem>>) src(%arg12 : memref<112x128xf32, #tpu.memory_space<vmem>>) dst(%dma_wait3A_404 : memref<10240x128xf32, #tpu.memory_space<vmem_shared>>)
      } else {
      }
      %add3A_340 = arith.constant 6 : i32
      %add3A_341 = arith.addi %add3A_318, %add3A_340 : i32
      %sub3A_342 = arith.constant 1 : i32
      %sub3A_343 = arith.subi %add3A_341, %sub3A_342 : i32
      %lt3A_344 = arith.cmpi slt, %sub3A_343, %select_n3A : i32
      %convert_element_type3A_345 = arith.extui %lt3A_344 : i1 to i32
      %cond3A_346 = arith.constant 0 : i32
      %cond3A_347 = arith.cmpi ne, %convert_element_type3A_345, %cond3A_346 : i32
      scf.if %cond3A_347 {
        %add3A_398 = arith.constant 6 : i32
        %add3A_399 = arith.addi %add3A_318, %add3A_398 : i32
        %sub3A_400 = arith.constant 1 : i32
        %sub3A_401 = arith.subi %add3A_399, %sub3A_400 : i32
        %add3A_402 = arith.addi %select_n3A_44, %sub3A_401 : i32
        %dma_start3A_403 = arith.constant 0 : i32
        %dma_start3A_404 = arith.constant 0 : i32
        %dma_start3A_405 = tpu.memref_slice %arg2[%add3A_402, %dma_start3A_403, %dma_start3A_404] : memref<2880x2x112xi32, #tpu.memory_space<hbm>> -> memref<1x2x112xi32, #tpu.memory_space<hbm>>
        %dma_start3A_406 = tpu.memref_squeeze %dma_start3A_405 : memref<1x2x112xi32, #tpu.memory_space<hbm>> -> memref<2x112xi32, #tpu.memory_space<hbm>>
        %dma_start3A_407 = arith.constant 0 : i32
        %dma_start3A_408 = arith.constant 0 : i32
        %dma_start3A_409 = tpu.memref_slice %arg2[%add3A_402, %dma_start3A_407, %dma_start3A_408] : memref<2880x2x112xi32, #tpu.memory_space<hbm>> -> memref<1x2x112xi32, #tpu.memory_space<hbm>>
        %dma_start3A_410 = tpu.memref_squeeze %dma_start3A_409 : memref<1x2x112xi32, #tpu.memory_space<hbm>> -> memref<2x112xi32, #tpu.memory_space<hbm>>
        tpu.enqueue_dma source(%dma_start3A_410 : memref<2x112xi32, #tpu.memory_space<hbm>>) target(%arg9 : memref<2x112xi32, #tpu.memory_space<vmem>>) target_semaphore(%arg19 : memref<!tpu.dma_semaphore, #tpu.memory_space<semaphore_mem>>)
      } else {
      }
      %add3A_348 = arith.constant 3 : i32
      %add3A_349 = arith.addi %add3A_318, %add3A_348 : i32
      %sub3A_350 = arith.constant 1 : i32
      %sub3A_351 = arith.subi %add3A_349, %sub3A_350 : i32
      %lt3A_352 = arith.cmpi slt, %sub3A_351, %select_n3A : i32
      %convert_element_type3A_353 = arith.extui %lt3A_352 : i1 to i32
      %cond3A_354 = arith.constant 0 : i32
      %cond3A_355 = arith.cmpi ne, %convert_element_type3A_353, %cond3A_354 : i32
      scf.if %cond3A_355 {
        %dma_wait3A_398 = arith.constant 0 : i32
        %dma_wait3A_399 = arith.constant 0 : i32
        %dma_wait3A_400 = arith.constant 0 : i32
        %dma_wait3A_401 = tpu.memref_slice %arg2[%dma_wait3A_398, %dma_wait3A_399, %dma_wait3A_400] : memref<2880x2x112xi32, #tpu.memory_space<hbm>> -> memref<1x2x112xi32, #tpu.memory_space<hbm>>
        %dma_wait3A_402 = tpu.memref_squeeze %dma_wait3A_401 : memref<1x2x112xi32, #tpu.memory_space<hbm>> -> memref<2x112xi32, #tpu.memory_space<hbm>>
        %dma_wait3A_403 = arith.constant 0 : i32
        %dma_wait3A_404 = arith.constant 0 : i32
        %dma_wait3A_405 = tpu.memref_slice %arg2[%dma_wait3A_398, %dma_wait3A_403, %dma_wait3A_404] : memref<2880x2x112xi32, #tpu.memory_space<hbm>> -> memref<1x2x112xi32, #tpu.memory_space<hbm>>
        %dma_wait3A_406 = tpu.memref_squeeze %dma_wait3A_405 : memref<1x2x112xi32, #tpu.memory_space<hbm>> -> memref<2x112xi32, #tpu.memory_space<hbm>>
        tpu.wait_dma2 semaphore(%arg16 : memref<!tpu.dma_semaphore, #tpu.memory_space<semaphore_mem>>) src(%dma_wait3A_406 : memref<2x112xi32, #tpu.memory_space<hbm>>) dst(%arg6 : memref<2x112xi32, #tpu.memory_space<vmem>>)
        %dma_start3A_407 = arith.constant 0 : i32
        %dma_start3A_408 = arith.constant 0 : i32
        %dma_start3A_409 = tpu.memref_slice %arg6[%dma_start3A_407, %dma_start3A_408] : memref<2x112xi32, #tpu.memory_space<vmem>> -> memref<1x112xi32, #tpu.memory_space<vmem>>
        %dma_start3A_410 = tpu.memref_squeeze %dma_start3A_409 : memref<1x112xi32, #tpu.memory_space<vmem>> -> memref<112xi32, #tpu.memory_space<vmem>>
        %dma_start3A_411 = arith.constant 0 : i32
        %dma_start3A_412 = arith.constant 0 : i32
        %dma_start3A_413 = tpu.memref_slice %arg3[%dma_start3A_411, %dma_start3A_412] : memref<10240x128xf32, #tpu.memory_space<hbm>> -> memref<10240x128xf32, #tpu.memory_space<hbm>>
        tpu.enqueue_indirect_dma source(%dma_start3A_413 : memref<10240x128xf32, #tpu.memory_space<hbm>>) target(%arg12 : memref<112x128xf32, #tpu.memory_space<vmem>>) offsets(%dma_start3A_410 : memref<112xi32, #tpu.memory_space<vmem>>) semaphore(%arg22 : memref<!tpu.dma_semaphore, #tpu.memory_space<semaphore_mem>>)
      } else {
      }
      %mul3A_356 = arith.constant 6 : i32
      %mul3A_357 = arith.muli %while3A_152, %mul3A_356 : i32
      %add3A_358 = arith.constant 5 : i32
      %add3A_359 = arith.addi %mul3A_357, %add3A_358 : i32
      %dma_wait3A_360 = arith.constant 0 : i32
      %dma_wait3A_361 = arith.constant 0 : i32
      %dma_wait3A_362 = tpu.memref_slice %arg6[%dma_wait3A_360, %dma_wait3A_361] : memref<2x112xi32, #tpu.memory_space<vmem>> -> memref<1x112xi32, #tpu.memory_space<vmem>>
      %dma_wait3A_363 = tpu.memref_squeeze %dma_wait3A_362 : memref<1x112xi32, #tpu.memory_space<vmem>> -> memref<112xi32, #tpu.memory_space<vmem>>
      %dma_wait3A_364 = arith.constant 0 : i32
      %dma_wait3A_365 = arith.constant 0 : i32
      %dma_wait3A_366 = tpu.memref_slice %arg3[%dma_wait3A_364, %dma_wait3A_365] : memref<10240x128xf32, #tpu.memory_space<hbm>> -> memref<10240x128xf32, #tpu.memory_space<hbm>>
      tpu.wait_indirect_dma semaphore(%arg24 : memref<!tpu.dma_semaphore, #tpu.memory_space<semaphore_mem>>) src(%dma_wait3A_366 : memref<10240x128xf32, #tpu.memory_space<hbm>>) dst(%arg14 : memref<112x128xf32, #tpu.memory_space<vmem>>)
      %dma_start3A_367 = arith.constant 1 : i32
      %dma_start3A_368 = arith.constant 0 : i32
      %dma_start3A_369 = tpu.memref_slice %arg11[%dma_start3A_367, %dma_start3A_368] : memref<2x112xi32, #tpu.memory_space<vmem>> -> memref<1x112xi32, #tpu.memory_space<vmem>>
      %dma_start3A_370 = tpu.memref_squeeze %dma_start3A_369 : memref<1x112xi32, #tpu.memory_space<vmem>> -> memref<112xi32, #tpu.memory_space<vmem>>
      %dma_start3A_371 = arith.constant 0 : i32
      %dma_start3A_372 = arith.constant 0 : i32
      %dma_start3A_373 = tpu.memref_slice %arg15[%dma_start3A_371, %dma_start3A_372] : memref<10240x128xf32, #tpu.memory_space<vmem_shared>> -> memref<10240x128xf32, #tpu.memory_space<vmem_shared>>
      tpu.enqueue_indirect_dma source(%arg14 : memref<112x128xf32, #tpu.memory_space<vmem>>) target(%dma_start3A_373 : memref<10240x128xf32, #tpu.memory_space<vmem_shared>>) offsets(%dma_start3A_370 : memref<112xi32, #tpu.memory_space<vmem>>) semaphore(%arg27 : memref<!tpu.dma_semaphore, #tpu.memory_space<semaphore_mem>>) {add = true}
      %sub3A_374 = arith.constant 1 : i32
      %sub3A_375 = arith.subi %add3A_359, %sub3A_374 : i32
      %ge3A_376 = arith.constant 0 : i32
      %ge3A_377 = arith.cmpi sge, %sub3A_375, %ge3A_376 : i32
      %convert_element_type3A_378 = arith.extui %ge3A_377 : i1 to i32
      %cond3A_379 = arith.constant 0 : i32
      %cond3A_380 = arith.cmpi ne, %convert_element_type3A_378, %cond3A_379 : i32
      scf.if %cond3A_380 {
        %dma_wait3A_398 = arith.constant 1 : i32
        %dma_wait3A_399 = arith.constant 0 : i32
        %dma_wait3A_400 = tpu.memref_slice %arg6[%dma_wait3A_398, %dma_wait3A_399] : memref<2x112xi32, #tpu.memory_space<vmem>> -> memref<1x112xi32, #tpu.memory_space<vmem>>
        %dma_wait3A_401 = tpu.memref_squeeze %dma_wait3A_400 : memref<1x112xi32, #tpu.memory_space<vmem>> -> memref<112xi32, #tpu.memory_space<vmem>>
        %dma_wait3A_402 = arith.constant 0 : i32
        %dma_wait3A_403 = arith.constant 0 : i32
        %dma_wait3A_404 = tpu.memref_slice %arg15[%dma_wait3A_402, %dma_wait3A_403] : memref<10240x128xf32, #tpu.memory_space<vmem_shared>> -> memref<10240x128xf32, #tpu.memory_space<vmem_shared>>
        tpu.wait_indirect_dma semaphore(%arg26 : memref<!tpu.dma_semaphore, #tpu.memory_space<semaphore_mem>>) src(%arg13 : memref<112x128xf32, #tpu.memory_space<vmem>>) dst(%dma_wait3A_404 : memref<10240x128xf32, #tpu.memory_space<vmem_shared>>)
      } else {
      }
      %add3A_381 = arith.constant 6 : i32
      %add3A_382 = arith.addi %add3A_359, %add3A_381 : i32
      %sub3A_383 = arith.constant 1 : i32
      %sub3A_384 = arith.subi %add3A_382, %sub3A_383 : i32
      %lt3A_385 = arith.cmpi slt, %sub3A_384, %select_n3A : i32
      %convert_element_type3A_386 = arith.extui %lt3A_385 : i1 to i32
      %cond3A_387 = arith.constant 0 : i32
      %cond3A_388 = arith.cmpi ne, %convert_element_type3A_386, %cond3A_387 : i32
      scf.if %cond3A_388 {
        %add3A_398 = arith.constant 6 : i32
        %add3A_399 = arith.addi %add3A_359, %add3A_398 : i32
        %sub3A_400 = arith.constant 1 : i32
        %sub3A_401 = arith.subi %add3A_399, %sub3A_400 : i32
        %add3A_402 = arith.addi %select_n3A_44, %sub3A_401 : i32
        %dma_start3A_403 = arith.constant 0 : i32
        %dma_start3A_404 = arith.constant 0 : i32
        %dma_start3A_405 = tpu.memref_slice %arg2[%add3A_402, %dma_start3A_403, %dma_start3A_404] : memref<2880x2x112xi32, #tpu.memory_space<hbm>> -> memref<1x2x112xi32, #tpu.memory_space<hbm>>
        %dma_start3A_406 = tpu.memref_squeeze %dma_start3A_405 : memref<1x2x112xi32, #tpu.memory_space<hbm>> -> memref<2x112xi32, #tpu.memory_space<hbm>>
        %dma_start3A_407 = arith.constant 0 : i32
        %dma_start3A_408 = arith.constant 0 : i32
        %dma_start3A_409 = tpu.memref_slice %arg2[%add3A_402, %dma_start3A_407, %dma_start3A_408] : memref<2880x2x112xi32, #tpu.memory_space<hbm>> -> memref<1x2x112xi32, #tpu.memory_space<hbm>>
        %dma_start3A_410 = tpu.memref_squeeze %dma_start3A_409 : memref<1x2x112xi32, #tpu.memory_space<hbm>> -> memref<2x112xi32, #tpu.memory_space<hbm>>
        tpu.enqueue_dma source(%dma_start3A_410 : memref<2x112xi32, #tpu.memory_space<hbm>>) target(%arg10 : memref<2x112xi32, #tpu.memory_space<vmem>>) target_semaphore(%arg20 : memref<!tpu.dma_semaphore, #tpu.memory_space<semaphore_mem>>)
      } else {
      }
      %add3A_389 = arith.constant 3 : i32
      %add3A_390 = arith.addi %add3A_359, %add3A_389 : i32
      %sub3A_391 = arith.constant 1 : i32
      %sub3A_392 = arith.subi %add3A_390, %sub3A_391 : i32
      %lt3A_393 = arith.cmpi slt, %sub3A_392, %select_n3A : i32
      %convert_element_type3A_394 = arith.extui %lt3A_393 : i1 to i32
      %cond3A_395 = arith.constant 0 : i32
      %cond3A_396 = arith.cmpi ne, %convert_element_type3A_394, %cond3A_395 : i32
      scf.if %cond3A_396 {
        %dma_wait3A_398 = arith.constant 0 : i32
        %dma_wait3A_399 = arith.constant 0 : i32
        %dma_wait3A_400 = arith.constant 0 : i32
        %dma_wait3A_401 = tpu.memref_slice %arg2[%dma_wait3A_398, %dma_wait3A_399, %dma_wait3A_400] : memref<2880x2x112xi32, #tpu.memory_space<hbm>> -> memref<1x2x112xi32, #tpu.memory_space<hbm>>
        %dma_wait3A_402 = tpu.memref_squeeze %dma_wait3A_401 : memref<1x2x112xi32, #tpu.memory_space<hbm>> -> memref<2x112xi32, #tpu.memory_space<hbm>>
        %dma_wait3A_403 = arith.constant 0 : i32
        %dma_wait3A_404 = arith.constant 0 : i32
        %dma_wait3A_405 = tpu.memref_slice %arg2[%dma_wait3A_398, %dma_wait3A_403, %dma_wait3A_404] : memref<2880x2x112xi32, #tpu.memory_space<hbm>> -> memref<1x2x112xi32, #tpu.memory_space<hbm>>
        %dma_wait3A_406 = tpu.memref_squeeze %dma_wait3A_405 : memref<1x2x112xi32, #tpu.memory_space<hbm>> -> memref<2x112xi32, #tpu.memory_space<hbm>>
        tpu.wait_dma2 semaphore(%arg17 : memref<!tpu.dma_semaphore, #tpu.memory_space<semaphore_mem>>) src(%dma_wait3A_406 : memref<2x112xi32, #tpu.memory_space<hbm>>) dst(%arg7 : memref<2x112xi32, #tpu.memory_space<vmem>>)
        %dma_start3A_407 = arith.constant 0 : i32
        %dma_start3A_408 = arith.constant 0 : i32
        %dma_start3A_409 = tpu.memref_slice %arg7[%dma_start3A_407, %dma_start3A_408] : memref<2x112xi32, #tpu.memory_space<vmem>> -> memref<1x112xi32, #tpu.memory_space<vmem>>
        %dma_start3A_410 = tpu.memref_squeeze %dma_start3A_409 : memref<1x112xi32, #tpu.memory_space<vmem>> -> memref<112xi32, #tpu.memory_space<vmem>>
        %dma_start3A_411 = arith.constant 0 : i32
        %dma_start3A_412 = arith.constant 0 : i32
        %dma_start3A_413 = tpu.memref_slice %arg3[%dma_start3A_411, %dma_start3A_412] : memref<10240x128xf32, #tpu.memory_space<hbm>> -> memref<10240x128xf32, #tpu.memory_space<hbm>>
        tpu.enqueue_indirect_dma source(%dma_start3A_413 : memref<10240x128xf32, #tpu.memory_space<hbm>>) target(%arg13 : memref<112x128xf32, #tpu.memory_space<vmem>>) offsets(%dma_start3A_410 : memref<112xi32, #tpu.memory_space<vmem>>) semaphore(%arg23 : memref<!tpu.dma_semaphore, #tpu.memory_space<semaphore_mem>>)
      } else {
      }
      %while3A_397 = arith.constant 0 : i32
      scf.yield %while3A_397 : i32
    }
    %while3A_134 = arith.constant 1 : i32
    %while3A_135 = scf.for %while3A_152 = %while3A_131 to %while3A_127 step %while3A_134 iter_args(%while3A_153 = %while3A_133) -> (i32)  : i32 {
      %mul3A_154 = arith.constant 6 : i32
      %mul3A_155 = arith.muli %while3A_152, %mul3A_154 : i32
      %add3A_156 = arith.constant 0 : i32
      %add3A_157 = arith.addi %mul3A_155, %add3A_156 : i32
      %dma_wait3A_158 = arith.constant 0 : i32
      %dma_wait3A_159 = arith.constant 0 : i32
      %dma_wait3A_160 = tpu.memref_slice %arg6[%dma_wait3A_158, %dma_wait3A_159] : memref<2x112xi32, #tpu.memory_space<vmem>> -> memref<1x112xi32, #tpu.memory_space<vmem>>
      %dma_wait3A_161 = tpu.memref_squeeze %dma_wait3A_160 : memref<1x112xi32, #tpu.memory_space<vmem>> -> memref<112xi32, #tpu.memory_space<vmem>>
      %dma_wait3A_162 = arith.constant 0 : i32
      %dma_wait3A_163 = arith.constant 0 : i32
      %dma_wait3A_164 = tpu.memref_slice %arg3[%dma_wait3A_162, %dma_wait3A_163] : memref<10240x128xf32, #tpu.memory_space<hbm>> -> memref<10240x128xf32, #tpu.memory_space<hbm>>
      tpu.wait_indirect_dma semaphore(%arg22 : memref<!tpu.dma_semaphore, #tpu.memory_space<semaphore_mem>>) src(%dma_wait3A_164 : memref<10240x128xf32, #tpu.memory_space<hbm>>) dst(%arg12 : memref<112x128xf32, #tpu.memory_space<vmem>>)
      %dma_start3A_165 = arith.constant 1 : i32
      %dma_start3A_166 = arith.constant 0 : i32
      %dma_start3A_167 = tpu.memref_slice %arg6[%dma_start3A_165, %dma_start3A_166] : memref<2x112xi32, #tpu.memory_space<vmem>> -> memref<1x112xi32, #tpu.memory_space<vmem>>
      %dma_start3A_168 = tpu.memref_squeeze %dma_start3A_167 : memref<1x112xi32, #tpu.memory_space<vmem>> -> memref<112xi32, #tpu.memory_space<vmem>>
      %dma_start3A_169 = arith.constant 0 : i32
      %dma_start3A_170 = arith.constant 0 : i32
      %dma_start3A_171 = tpu.memref_slice %arg15[%dma_start3A_169, %dma_start3A_170] : memref<10240x128xf32, #tpu.memory_space<vmem_shared>> -> memref<10240x128xf32, #tpu.memory_space<vmem_shared>>
      tpu.enqueue_indirect_dma source(%arg12 : memref<112x128xf32, #tpu.memory_space<vmem>>) target(%dma_start3A_171 : memref<10240x128xf32, #tpu.memory_space<vmem_shared>>) offsets(%dma_start3A_168 : memref<112xi32, #tpu.memory_space<vmem>>) semaphore(%arg25 : memref<!tpu.dma_semaphore, #tpu.memory_space<semaphore_mem>>) {add = true}
      %sub3A = arith.constant 1 : i32
      %sub3A_172 = arith.subi %add3A_157, %sub3A : i32
      %ge3A = arith.constant 0 : i32
      %ge3A_173 = arith.cmpi sge, %sub3A_172, %ge3A : i32
      %convert_element_type3A_174 = arith.extui %ge3A_173 : i1 to i32
      %cond3A_175 = arith.constant 0 : i32
      %cond3A_176 = arith.cmpi ne, %convert_element_type3A_174, %cond3A_175 : i32
      scf.if %cond3A_176 {
        %dma_wait3A_398 = arith.constant 1 : i32
        %dma_wait3A_399 = arith.constant 0 : i32
        %dma_wait3A_400 = tpu.memref_slice %arg6[%dma_wait3A_398, %dma_wait3A_399] : memref<2x112xi32, #tpu.memory_space<vmem>> -> memref<1x112xi32, #tpu.memory_space<vmem>>
        %dma_wait3A_401 = tpu.memref_squeeze %dma_wait3A_400 : memref<1x112xi32, #tpu.memory_space<vmem>> -> memref<112xi32, #tpu.memory_space<vmem>>
        %dma_wait3A_402 = arith.constant 0 : i32
        %dma_wait3A_403 = arith.constant 0 : i32
        %dma_wait3A_404 = tpu.memref_slice %arg15[%dma_wait3A_402, %dma_wait3A_403] : memref<10240x128xf32, #tpu.memory_space<vmem_shared>> -> memref<10240x128xf32, #tpu.memory_space<vmem_shared>>
        tpu.wait_indirect_dma semaphore(%arg27 : memref<!tpu.dma_semaphore, #tpu.memory_space<semaphore_mem>>) src(%arg14 : memref<112x128xf32, #tpu.memory_space<vmem>>) dst(%dma_wait3A_404 : memref<10240x128xf32, #tpu.memory_space<vmem_shared>>)
      } else {
      }
      %add3A_177 = arith.constant 6 : i32
      %add3A_178 = arith.addi %add3A_157, %add3A_177 : i32
      %sub3A_179 = arith.constant 1 : i32
      %sub3A_180 = arith.subi %add3A_178, %sub3A_179 : i32
      %lt3A = arith.cmpi slt, %sub3A_180, %select_n3A : i32
      %convert_element_type3A_181 = arith.extui %lt3A : i1 to i32
      %cond3A_182 = arith.constant 0 : i32
      %cond3A_183 = arith.cmpi ne, %convert_element_type3A_181, %cond3A_182 : i32
      scf.if %cond3A_183 {
        %add3A_398 = arith.constant 6 : i32
        %add3A_399 = arith.addi %add3A_157, %add3A_398 : i32
        %sub3A_400 = arith.constant 1 : i32
        %sub3A_401 = arith.subi %add3A_399, %sub3A_400 : i32
        %add3A_402 = arith.addi %select_n3A_44, %sub3A_401 : i32
        %dma_start3A_403 = arith.constant 0 : i32
        %dma_start3A_404 = arith.constant 0 : i32
        %dma_start3A_405 = tpu.memref_slice %arg2[%add3A_402, %dma_start3A_403, %dma_start3A_404] : memref<2880x2x112xi32, #tpu.memory_space<hbm>> -> memref<1x2x112xi32, #tpu.memory_space<hbm>>
        %dma_start3A_406 = tpu.memref_squeeze %dma_start3A_405 : memref<1x2x112xi32, #tpu.memory_space<hbm>> -> memref<2x112xi32, #tpu.memory_space<hbm>>
        %dma_start3A_407 = arith.constant 0 : i32
        %dma_start3A_408 = arith.constant 0 : i32
        %dma_start3A_409 = tpu.memref_slice %arg2[%add3A_402, %dma_start3A_407, %dma_start3A_408] : memref<2880x2x112xi32, #tpu.memory_space<hbm>> -> memref<1x2x112xi32, #tpu.memory_space<hbm>>
        %dma_start3A_410 = tpu.memref_squeeze %dma_start3A_409 : memref<1x2x112xi32, #tpu.memory_space<hbm>> -> memref<2x112xi32, #tpu.memory_space<hbm>>
        tpu.enqueue_dma source(%dma_start3A_410 : memref<2x112xi32, #tpu.memory_space<hbm>>) target(%arg11 : memref<2x112xi32, #tpu.memory_space<vmem>>) target_semaphore(%arg21 : memref<!tpu.dma_semaphore, #tpu.memory_space<semaphore_mem>>)
      } else {
      }
      %add3A_184 = arith.constant 3 : i32
      %add3A_185 = arith.addi %add3A_157, %add3A_184 : i32
      %sub3A_186 = arith.constant 1 : i32
      %sub3A_187 = arith.subi %add3A_185, %sub3A_186 : i32
      %lt3A_188 = arith.cmpi slt, %sub3A_187, %select_n3A : i32
      %convert_element_type3A_189 = arith.extui %lt3A_188 : i1 to i32
      %cond3A_190 = arith.constant 0 : i32
      %cond3A_191 = arith.cmpi ne, %convert_element_type3A_189, %cond3A_190 : i32
      scf.if %cond3A_191 {
        %dma_wait3A_398 = arith.constant 0 : i32
        %dma_wait3A_399 = arith.constant 0 : i32
        %dma_wait3A_400 = arith.constant 0 : i32
        %dma_wait3A_401 = tpu.memref_slice %arg2[%dma_wait3A_398, %dma_wait3A_399, %dma_wait3A_400] : memref<2880x2x112xi32, #tpu.memory_space<hbm>> -> memref<1x2x112xi32, #tpu.memory_space<hbm>>
        %dma_wait3A_402 = tpu.memref_squeeze %dma_wait3A_401 : memref<1x2x112xi32, #tpu.memory_space<hbm>> -> memref<2x112xi32, #tpu.memory_space<hbm>>
        %dma_wait3A_403 = arith.constant 0 : i32
        %dma_wait3A_404 = arith.constant 0 : i32
        %dma_wait3A_405 = tpu.memref_slice %arg2[%dma_wait3A_398, %dma_wait3A_403, %dma_wait3A_404] : memref<2880x2x112xi32, #tpu.memory_space<hbm>> -> memref<1x2x112xi32, #tpu.memory_space<hbm>>
        %dma_wait3A_406 = tpu.memref_squeeze %dma_wait3A_405 : memref<1x2x112xi32, #tpu.memory_space<hbm>> -> memref<2x112xi32, #tpu.memory_space<hbm>>
        tpu.wait_dma2 semaphore(%arg18 : memref<!tpu.dma_semaphore, #tpu.memory_space<semaphore_mem>>) src(%dma_wait3A_406 : memref<2x112xi32, #tpu.memory_space<hbm>>) dst(%arg8 : memref<2x112xi32, #tpu.memory_space<vmem>>)
        %dma_start3A_407 = arith.constant 0 : i32
        %dma_start3A_408 = arith.constant 0 : i32
        %dma_start3A_409 = tpu.memref_slice %arg8[%dma_start3A_407, %dma_start3A_408] : memref<2x112xi32, #tpu.memory_space<vmem>> -> memref<1x112xi32, #tpu.memory_space<vmem>>
        %dma_start3A_410 = tpu.memref_squeeze %dma_start3A_409 : memref<1x112xi32, #tpu.memory_space<vmem>> -> memref<112xi32, #tpu.memory_space<vmem>>
        %dma_start3A_411 = arith.constant 0 : i32
        %dma_start3A_412 = arith.constant 0 : i32
        %dma_start3A_413 = tpu.memref_slice %arg3[%dma_start3A_411, %dma_start3A_412] : memref<10240x128xf32, #tpu.memory_space<hbm>> -> memref<10240x128xf32, #tpu.memory_space<hbm>>
        tpu.enqueue_indirect_dma source(%dma_start3A_413 : memref<10240x128xf32, #tpu.memory_space<hbm>>) target(%arg14 : memref<112x128xf32, #tpu.memory_space<vmem>>) offsets(%dma_start3A_410 : memref<112xi32, #tpu.memory_space<vmem>>) semaphore(%arg24 : memref<!tpu.dma_semaphore, #tpu.memory_space<semaphore_mem>>)
      } else {
      }
      %mul3A_192 = arith.constant 6 : i32
      %mul3A_193 = arith.muli %while3A_152, %mul3A_192 : i32
      %add3A_194 = arith.constant 1 : i32
      %add3A_195 = arith.addi %mul3A_193, %add3A_194 : i32
      %dma_wait3A_196 = arith.constant 0 : i32
      %dma_wait3A_197 = arith.constant 0 : i32
      %dma_wait3A_198 = tpu.memref_slice %arg6[%dma_wait3A_196, %dma_wait3A_197] : memref<2x112xi32, #tpu.memory_space<vmem>> -> memref<1x112xi32, #tpu.memory_space<vmem>>
      %dma_wait3A_199 = tpu.memref_squeeze %dma_wait3A_198 : memref<1x112xi32, #tpu.memory_space<vmem>> -> memref<112xi32, #tpu.memory_space<vmem>>
      %dma_wait3A_200 = arith.constant 0 : i32
      %dma_wait3A_201 = arith.constant 0 : i32
      %dma_wait3A_202 = tpu.memref_slice %arg3[%dma_wait3A_200, %dma_wait3A_201] : memref<10240x128xf32, #tpu.memory_space<hbm>> -> memref<10240x128xf32, #tpu.memory_space<hbm>>
      tpu.wait_indirect_dma semaphore(%arg23 : memref<!tpu.dma_semaphore, #tpu.memory_space<semaphore_mem>>) src(%dma_wait3A_202 : memref<10240x128xf32, #tpu.memory_space<hbm>>) dst(%arg13 : memref<112x128xf32, #tpu.memory_space<vmem>>)
      %dma_start3A_203 = arith.constant 1 : i32
      %dma_start3A_204 = arith.constant 0 : i32
      %dma_start3A_205 = tpu.memref_slice %arg7[%dma_start3A_203, %dma_start3A_204] : memref<2x112xi32, #tpu.memory_space<vmem>> -> memref<1x112xi32, #tpu.memory_space<vmem>>
      %dma_start3A_206 = tpu.memref_squeeze %dma_start3A_205 : memref<1x112xi32, #tpu.memory_space<vmem>> -> memref<112xi32, #tpu.memory_space<vmem>>
      %dma_start3A_207 = arith.constant 0 : i32
      %dma_start3A_208 = arith.constant 0 : i32
      %dma_start3A_209 = tpu.memref_slice %arg15[%dma_start3A_207, %dma_start3A_208] : memref<10240x128xf32, #tpu.memory_space<vmem_shared>> -> memref<10240x128xf32, #tpu.memory_space<vmem_shared>>
      tpu.enqueue_indirect_dma source(%arg13 : memref<112x128xf32, #tpu.memory_space<vmem>>) target(%dma_start3A_209 : memref<10240x128xf32, #tpu.memory_space<vmem_shared>>) offsets(%dma_start3A_206 : memref<112xi32, #tpu.memory_space<vmem>>) semaphore(%arg26 : memref<!tpu.dma_semaphore, #tpu.memory_space<semaphore_mem>>) {add = true}
      %sub3A_210 = arith.constant 1 : i32
      %sub3A_211 = arith.subi %add3A_195, %sub3A_210 : i32
      %ge3A_212 = arith.constant 0 : i32
      %ge3A_213 = arith.cmpi sge, %sub3A_211, %ge3A_212 : i32
      %convert_element_type3A_214 = arith.extui %ge3A_213 : i1 to i32
      %cond3A_215 = arith.constant 0 : i32
      %cond3A_216 = arith.cmpi ne, %convert_element_type3A_214, %cond3A_215 : i32
      scf.if %cond3A_216 {
        %dma_wait3A_398 = arith.constant 1 : i32
        %dma_wait3A_399 = arith.constant 0 : i32
        %dma_wait3A_400 = tpu.memref_slice %arg6[%dma_wait3A_398, %dma_wait3A_399] : memref<2x112xi32, #tpu.memory_space<vmem>> -> memref<1x112xi32, #tpu.memory_space<vmem>>
        %dma_wait3A_401 = tpu.memref_squeeze %dma_wait3A_400 : memref<1x112xi32, #tpu.memory_space<vmem>> -> memref<112xi32, #tpu.memory_space<vmem>>
        %dma_wait3A_402 = arith.constant 0 : i32
        %dma_wait3A_403 = arith.constant 0 : i32
        %dma_wait3A_404 = tpu.memref_slice %arg15[%dma_wait3A_402, %dma_wait3A_403] : memref<10240x128xf32, #tpu.memory_space<vmem_shared>> -> memref<10240x128xf32, #tpu.memory_space<vmem_shared>>
        tpu.wait_indirect_dma semaphore(%arg25 : memref<!tpu.dma_semaphore, #tpu.memory_space<semaphore_mem>>) src(%arg12 : memref<112x128xf32, #tpu.memory_space<vmem>>) dst(%dma_wait3A_404 : memref<10240x128xf32, #tpu.memory_space<vmem_shared>>)
      } else {
      }
      %add3A_217 = arith.constant 6 : i32
      %add3A_218 = arith.addi %add3A_195, %add3A_217 : i32
      %sub3A_219 = arith.constant 1 : i32
      %sub3A_220 = arith.subi %add3A_218, %sub3A_219 : i32
      %lt3A_221 = arith.cmpi slt, %sub3A_220, %select_n3A : i32
      %convert_element_type3A_222 = arith.extui %lt3A_221 : i1 to i32
      %cond3A_223 = arith.constant 0 : i32
      %cond3A_224 = arith.cmpi ne, %convert_element_type3A_222, %cond3A_223 : i32
      scf.if %cond3A_224 {
        %add3A_398 = arith.constant 6 : i32
        %add3A_399 = arith.addi %add3A_195, %add3A_398 : i32
        %sub3A_400 = arith.constant 1 : i32
        %sub3A_401 = arith.subi %add3A_399, %sub3A_400 : i32
        %add3A_402 = arith.addi %select_n3A_44, %sub3A_401 : i32
        %dma_start3A_403 = arith.constant 0 : i32
        %dma_start3A_404 = arith.constant 0 : i32
        %dma_start3A_405 = tpu.memref_slice %arg2[%add3A_402, %dma_start3A_403, %dma_start3A_404] : memref<2880x2x112xi32, #tpu.memory_space<hbm>> -> memref<1x2x112xi32, #tpu.memory_space<hbm>>
        %dma_start3A_406 = tpu.memref_squeeze %dma_start3A_405 : memref<1x2x112xi32, #tpu.memory_space<hbm>> -> memref<2x112xi32, #tpu.memory_space<hbm>>
        %dma_start3A_407 = arith.constant 0 : i32
        %dma_start3A_408 = arith.constant 0 : i32
        %dma_start3A_409 = tpu.memref_slice %arg2[%add3A_402, %dma_start3A_407, %dma_start3A_408] : memref<2880x2x112xi32, #tpu.memory_space<hbm>> -> memref<1x2x112xi32, #tpu.memory_space<hbm>>
        %dma_start3A_410 = tpu.memref_squeeze %dma_start3A_409 : memref<1x2x112xi32, #tpu.memory_space<hbm>> -> memref<2x112xi32, #tpu.memory_space<hbm>>
        tpu.enqueue_dma source(%dma_start3A_410 : memref<2x112xi32, #tpu.memory_space<hbm>>) target(%arg6 : memref<2x112xi32, #tpu.memory_space<vmem>>) target_semaphore(%arg16 : memref<!tpu.dma_semaphore, #tpu.memory_space<semaphore_mem>>)
      } else {
      }
      %add3A_225 = arith.constant 3 : i32
      %add3A_226 = arith.addi %add3A_195, %add3A_225 : i32
      %sub3A_227 = arith.constant 1 : i32
      %sub3A_228 = arith.subi %add3A_226, %sub3A_227 : i32
      %lt3A_229 = arith.cmpi slt, %sub3A_228, %select_n3A : i32
      %convert_element_type3A_230 = arith.extui %lt3A_229 : i1 to i32
      %cond3A_231 = arith.constant 0 : i32
      %cond3A_232 = arith.cmpi ne, %convert_element_type3A_230, %cond3A_231 : i32
      scf.if %cond3A_232 {
        %dma_wait3A_398 = arith.constant 0 : i32
        %dma_wait3A_399 = arith.constant 0 : i32
        %dma_wait3A_400 = arith.constant 0 : i32
        %dma_wait3A_401 = tpu.memref_slice %arg2[%dma_wait3A_398, %dma_wait3A_399, %dma_wait3A_400] : memref<2880x2x112xi32, #tpu.memory_space<hbm>> -> memref<1x2x112xi32, #tpu.memory_space<hbm>>
        %dma_wait3A_402 = tpu.memref_squeeze %dma_wait3A_401 : memref<1x2x112xi32, #tpu.memory_space<hbm>> -> memref<2x112xi32, #tpu.memory_space<hbm>>
        %dma_wait3A_403 = arith.constant 0 : i32
        %dma_wait3A_404 = arith.constant 0 : i32
        %dma_wait3A_405 = tpu.memref_slice %arg2[%dma_wait3A_398, %dma_wait3A_403, %dma_wait3A_404] : memref<2880x2x112xi32, #tpu.memory_space<hbm>> -> memref<1x2x112xi32, #tpu.memory_space<hbm>>
        %dma_wait3A_406 = tpu.memref_squeeze %dma_wait3A_405 : memref<1x2x112xi32, #tpu.memory_space<hbm>> -> memref<2x112xi32, #tpu.memory_space<hbm>>
        tpu.wait_dma2 semaphore(%arg19 : memref<!tpu.dma_semaphore, #tpu.memory_space<semaphore_mem>>) src(%dma_wait3A_406 : memref<2x112xi32, #tpu.memory_space<hbm>>) dst(%arg9 : memref<2x112xi32, #tpu.memory_space<vmem>>)
        %dma_start3A_407 = arith.constant 0 : i32
        %dma_start3A_408 = arith.constant 0 : i32
        %dma_start3A_409 = tpu.memref_slice %arg9[%dma_start3A_407, %dma_start3A_408] : memref<2x112xi32, #tpu.memory_space<vmem>> -> memref<1x112xi32, #tpu.memory_space<vmem>>
        %dma_start3A_410 = tpu.memref_squeeze %dma_start3A_409 : memref<1x112xi32, #tpu.memory_space<vmem>> -> memref<112xi32, #tpu.memory_space<vmem>>
        %dma_start3A_411 = arith.constant 0 : i32
        %dma_start3A_412 = arith.constant 0 : i32
        %dma_start3A_413 = tpu.memref_slice %arg3[%dma_start3A_411, %dma_start3A_412] : memref<10240x128xf32, #tpu.memory_space<hbm>> -> memref<10240x128xf32, #tpu.memory_space<hbm>>
        tpu.enqueue_indirect_dma source(%dma_start3A_413 : memref<10240x128xf32, #tpu.memory_space<hbm>>) target(%arg12 : memref<112x128xf32, #tpu.memory_space<vmem>>) offsets(%dma_start3A_410 : memref<112xi32, #tpu.memory_space<vmem>>) semaphore(%arg22 : memref<!tpu.dma_semaphore, #tpu.memory_space<semaphore_mem>>)
      } else {
      }
      %mul3A_233 = arith.constant 6 : i32
      %mul3A_234 = arith.muli %while3A_152, %mul3A_233 : i32
      %add3A_235 = arith.constant 2 : i32
      %add3A_236 = arith.addi %mul3A_234, %add3A_235 : i32
      %dma_wait3A_237 = arith.constant 0 : i32
      %dma_wait3A_238 = arith.constant 0 : i32
      %dma_wait3A_239 = tpu.memref_slice %arg6[%dma_wait3A_237, %dma_wait3A_238] : memref<2x112xi32, #tpu.memory_space<vmem>> -> memref<1x112xi32, #tpu.memory_space<vmem>>
      %dma_wait3A_240 = tpu.memref_squeeze %dma_wait3A_239 : memref<1x112xi32, #tpu.memory_space<vmem>> -> memref<112xi32, #tpu.memory_space<vmem>>
      %dma_wait3A_241 = arith.constant 0 : i32
      %dma_wait3A_242 = arith.constant 0 : i32
      %dma_wait3A_243 = tpu.memref_slice %arg3[%dma_wait3A_241, %dma_wait3A_242] : memref<10240x128xf32, #tpu.memory_space<hbm>> -> memref<10240x128xf32, #tpu.memory_space<hbm>>
      tpu.wait_indirect_dma semaphore(%arg24 : memref<!tpu.dma_semaphore, #tpu.memory_space<semaphore_mem>>) src(%dma_wait3A_243 : memref<10240x128xf32, #tpu.memory_space<hbm>>) dst(%arg14 : memref<112x128xf32, #tpu.memory_space<vmem>>)
      %dma_start3A_244 = arith.constant 1 : i32
      %dma_start3A_245 = arith.constant 0 : i32
      %dma_start3A_246 = tpu.memref_slice %arg8[%dma_start3A_244, %dma_start3A_245] : memref<2x112xi32, #tpu.memory_space<vmem>> -> memref<1x112xi32, #tpu.memory_space<vmem>>
      %dma_start3A_247 = tpu.memref_squeeze %dma_start3A_246 : memref<1x112xi32, #tpu.memory_space<vmem>> -> memref<112xi32, #tpu.memory_space<vmem>>
      %dma_start3A_248 = arith.constant 0 : i32
      %dma_start3A_249 = arith.constant 0 : i32
      %dma_start3A_250 = tpu.memref_slice %arg15[%dma_start3A_248, %dma_start3A_249] : memref<10240x128xf32, #tpu.memory_space<vmem_shared>> -> memref<10240x128xf32, #tpu.memory_space<vmem_shared>>
      tpu.enqueue_indirect_dma source(%arg14 : memref<112x128xf32, #tpu.memory_space<vmem>>) target(%dma_start3A_250 : memref<10240x128xf32, #tpu.memory_space<vmem_shared>>) offsets(%dma_start3A_247 : memref<112xi32, #tpu.memory_space<vmem>>) semaphore(%arg27 : memref<!tpu.dma_semaphore, #tpu.memory_space<semaphore_mem>>) {add = true}
      %sub3A_251 = arith.constant 1 : i32
      %sub3A_252 = arith.subi %add3A_236, %sub3A_251 : i32
      %ge3A_253 = arith.constant 0 : i32
      %ge3A_254 = arith.cmpi sge, %sub3A_252, %ge3A_253 : i32
      %convert_element_type3A_255 = arith.extui %ge3A_254 : i1 to i32
      %cond3A_256 = arith.constant 0 : i32
      %cond3A_257 = arith.cmpi ne, %convert_element_type3A_255, %cond3A_256 : i32
      scf.if %cond3A_257 {
        %dma_wait3A_398 = arith.constant 1 : i32
        %dma_wait3A_399 = arith.constant 0 : i32
        %dma_wait3A_400 = tpu.memref_slice %arg6[%dma_wait3A_398, %dma_wait3A_399] : memref<2x112xi32, #tpu.memory_space<vmem>> -> memref<1x112xi32, #tpu.memory_space<vmem>>
        %dma_wait3A_401 = tpu.memref_squeeze %dma_wait3A_400 : memref<1x112xi32, #tpu.memory_space<vmem>> -> memref<112xi32, #tpu.memory_space<vmem>>
        %dma_wait3A_402 = arith.constant 0 : i32
        %dma_wait3A_403 = arith.constant 0 : i32
        %dma_wait3A_404 = tpu.memref_slice %arg15[%dma_wait3A_402, %dma_wait3A_403] : memref<10240x128xf32, #tpu.memory_space<vmem_shared>> -> memref<10240x128xf32, #tpu.memory_space<vmem_shared>>
        tpu.wait_indirect_dma semaphore(%arg26 : memref<!tpu.dma_semaphore, #tpu.memory_space<semaphore_mem>>) src(%arg13 : memref<112x128xf32, #tpu.memory_space<vmem>>) dst(%dma_wait3A_404 : memref<10240x128xf32, #tpu.memory_space<vmem_shared>>)
      } else {
      }
      %add3A_258 = arith.constant 6 : i32
      %add3A_259 = arith.addi %add3A_236, %add3A_258 : i32
      %sub3A_260 = arith.constant 1 : i32
      %sub3A_261 = arith.subi %add3A_259, %sub3A_260 : i32
      %lt3A_262 = arith.cmpi slt, %sub3A_261, %select_n3A : i32
      %convert_element_type3A_263 = arith.extui %lt3A_262 : i1 to i32
      %cond3A_264 = arith.constant 0 : i32
      %cond3A_265 = arith.cmpi ne, %convert_element_type3A_263, %cond3A_264 : i32
      scf.if %cond3A_265 {
        %add3A_398 = arith.constant 6 : i32
        %add3A_399 = arith.addi %add3A_236, %add3A_398 : i32
        %sub3A_400 = arith.constant 1 : i32
        %sub3A_401 = arith.subi %add3A_399, %sub3A_400 : i32
        %add3A_402 = arith.addi %select_n3A_44, %sub3A_401 : i32
        %dma_start3A_403 = arith.constant 0 : i32
        %dma_start3A_404 = arith.constant 0 : i32
        %dma_start3A_405 = tpu.memref_slice %arg2[%add3A_402, %dma_start3A_403, %dma_start3A_404] : memref<2880x2x112xi32, #tpu.memory_space<hbm>> -> memref<1x2x112xi32, #tpu.memory_space<hbm>>
        %dma_start3A_406 = tpu.memref_squeeze %dma_start3A_405 : memref<1x2x112xi32, #tpu.memory_space<hbm>> -> memref<2x112xi32, #tpu.memory_space<hbm>>
        %dma_start3A_407 = arith.constant 0 : i32
        %dma_start3A_408 = arith.constant 0 : i32
        %dma_start3A_409 = tpu.memref_slice %arg2[%add3A_402, %dma_start3A_407, %dma_start3A_408] : memref<2880x2x112xi32, #tpu.memory_space<hbm>> -> memref<1x2x112xi32, #tpu.memory_space<hbm>>
        %dma_start3A_410 = tpu.memref_squeeze %dma_start3A_409 : memref<1x2x112xi32, #tpu.memory_space<hbm>> -> memref<2x112xi32, #tpu.memory_space<hbm>>
        tpu.enqueue_dma source(%dma_start3A_410 : memref<2x112xi32, #tpu.memory_space<hbm>>) target(%arg7 : memref<2x112xi32, #tpu.memory_space<vmem>>) target_semaphore(%arg17 : memref<!tpu.dma_semaphore, #tpu.memory_space<semaphore_mem>>)
      } else {
      }
      %add3A_266 = arith.constant 3 : i32
      %add3A_267 = arith.addi %add3A_236, %add3A_266 : i32
      %sub3A_268 = arith.constant 1 : i32
      %sub3A_269 = arith.subi %add3A_267, %sub3A_268 : i32
      %lt3A_270 = arith.cmpi slt, %sub3A_269, %select_n3A : i32
      %convert_element_type3A_271 = arith.extui %lt3A_270 : i1 to i32
      %cond3A_272 = arith.constant 0 : i32
      %cond3A_273 = arith.cmpi ne, %convert_element_type3A_271, %cond3A_272 : i32
      scf.if %cond3A_273 {
        %dma_wait3A_398 = arith.constant 0 : i32
        %dma_wait3A_399 = arith.constant 0 : i32
        %dma_wait3A_400 = arith.constant 0 : i32
        %dma_wait3A_401 = tpu.memref_slice %arg2[%dma_wait3A_398, %dma_wait3A_399, %dma_wait3A_400] : memref<2880x2x112xi32, #tpu.memory_space<hbm>> -> memref<1x2x112xi32, #tpu.memory_space<hbm>>
        %dma_wait3A_402 = tpu.memref_squeeze %dma_wait3A_401 : memref<1x2x112xi32, #tpu.memory_space<hbm>> -> memref<2x112xi32, #tpu.memory_space<hbm>>
        %dma_wait3A_403 = arith.constant 0 : i32
        %dma_wait3A_404 = arith.constant 0 : i32
        %dma_wait3A_405 = tpu.memref_slice %arg2[%dma_wait3A_398, %dma_wait3A_403, %dma_wait3A_404] : memref<2880x2x112xi32, #tpu.memory_space<hbm>> -> memref<1x2x112xi32, #tpu.memory_space<hbm>>
        %dma_wait3A_406 = tpu.memref_squeeze %dma_wait3A_405 : memref<1x2x112xi32, #tpu.memory_space<hbm>> -> memref<2x112xi32, #tpu.memory_space<hbm>>
        tpu.wait_dma2 semaphore(%arg20 : memref<!tpu.dma_semaphore, #tpu.memory_space<semaphore_mem>>) src(%dma_wait3A_406 : memref<2x112xi32, #tpu.memory_space<hbm>>) dst(%arg10 : memref<2x112xi32, #tpu.memory_space<vmem>>)
        %dma_start3A_407 = arith.constant 0 : i32
        %dma_start3A_408 = arith.constant 0 : i32
        %dma_start3A_409 = tpu.memref_slice %arg10[%dma_start3A_407, %dma_start3A_408] : memref<2x112xi32, #tpu.memory_space<vmem>> -> memref<1x112xi32, #tpu.memory_space<vmem>>
        %dma_start3A_410 = tpu.memref_squeeze %dma_start3A_409 : memref<1x112xi32, #tpu.memory_space<vmem>> -> memref<112xi32, #tpu.memory_space<vmem>>
        %dma_start3A_411 = arith.constant 0 : i32
        %dma_start3A_412 = arith.constant 0 : i32
        %dma_start3A_413 = tpu.memref_slice %arg3[%dma_start3A_411, %dma_start3A_412] : memref<10240x128xf32, #tpu.memory_space<hbm>> -> memref<10240x128xf32, #tpu.memory_space<hbm>>
        tpu.enqueue_indirect_dma source(%dma_start3A_413 : memref<10240x128xf32, #tpu.memory_space<hbm>>) target(%arg13 : memref<112x128xf32, #tpu.memory_space<vmem>>) offsets(%dma_start3A_410 : memref<112xi32, #tpu.memory_space<vmem>>) semaphore(%arg23 : memref<!tpu.dma_semaphore, #tpu.memory_space<semaphore_mem>>)
      } else {
      }
      %mul3A_274 = arith.constant 6 : i32
      %mul3A_275 = arith.muli %while3A_152, %mul3A_274 : i32
      %add3A_276 = arith.constant 3 : i32
      %add3A_277 = arith.addi %mul3A_275, %add3A_276 : i32
      %dma_wait3A_278 = arith.constant 0 : i32
      %dma_wait3A_279 = arith.constant 0 : i32
      %dma_wait3A_280 = tpu.memref_slice %arg6[%dma_wait3A_278, %dma_wait3A_279] : memref<2x112xi32, #tpu.memory_space<vmem>> -> memref<1x112xi32, #tpu.memory_space<vmem>>
      %dma_wait3A_281 = tpu.memref_squeeze %dma_wait3A_280 : memref<1x112xi32, #tpu.memory_space<vmem>> -> memref<112xi32, #tpu.memory_space<vmem>>
      %dma_wait3A_282 = arith.constant 0 : i32
      %dma_wait3A_283 = arith.constant 0 : i32
      %dma_wait3A_284 = tpu.memref_slice %arg3[%dma_wait3A_282, %dma_wait3A_283] : memref<10240x128xf32, #tpu.memory_space<hbm>> -> memref<10240x128xf32, #tpu.memory_space<hbm>>
      tpu.wait_indirect_dma semaphore(%arg22 : memref<!tpu.dma_semaphore, #tpu.memory_space<semaphore_mem>>) src(%dma_wait3A_284 : memref<10240x128xf32, #tpu.memory_space<hbm>>) dst(%arg12 : memref<112x128xf32, #tpu.memory_space<vmem>>)
      %dma_start3A_285 = arith.constant 1 : i32
      %dma_start3A_286 = arith.constant 0 : i32
      %dma_start3A_287 = tpu.memref_slice %arg9[%dma_start3A_285, %dma_start3A_286] : memref<2x112xi32, #tpu.memory_space<vmem>> -> memref<1x112xi32, #tpu.memory_space<vmem>>
      %dma_start3A_288 = tpu.memref_squeeze %dma_start3A_287 : memref<1x112xi32, #tpu.memory_space<vmem>> -> memref<112xi32, #tpu.memory_space<vmem>>
      %dma_start3A_289 = arith.constant 0 : i32
      %dma_start3A_290 = arith.constant 0 : i32
      %dma_start3A_291 = tpu.memref_slice %arg15[%dma_start3A_289, %dma_start3A_290] : memref<10240x128xf32, #tpu.memory_space<vmem_shared>> -> memref<10240x128xf32, #tpu.memory_space<vmem_shared>>
      tpu.enqueue_indirect_dma source(%arg12 : memref<112x128xf32, #tpu.memory_space<vmem>>) target(%dma_start3A_291 : memref<10240x128xf32, #tpu.memory_space<vmem_shared>>) offsets(%dma_start3A_288 : memref<112xi32, #tpu.memory_space<vmem>>) semaphore(%arg25 : memref<!tpu.dma_semaphore, #tpu.memory_space<semaphore_mem>>) {add = true}
      %sub3A_292 = arith.constant 1 : i32
      %sub3A_293 = arith.subi %add3A_277, %sub3A_292 : i32
      %ge3A_294 = arith.constant 0 : i32
      %ge3A_295 = arith.cmpi sge, %sub3A_293, %ge3A_294 : i32
      %convert_element_type3A_296 = arith.extui %ge3A_295 : i1 to i32
      %cond3A_297 = arith.constant 0 : i32
      %cond3A_298 = arith.cmpi ne, %convert_element_type3A_296, %cond3A_297 : i32
      scf.if %cond3A_298 {
        %dma_wait3A_398 = arith.constant 1 : i32
        %dma_wait3A_399 = arith.constant 0 : i32
        %dma_wait3A_400 = tpu.memref_slice %arg6[%dma_wait3A_398, %dma_wait3A_399] : memref<2x112xi32, #tpu.memory_space<vmem>> -> memref<1x112xi32, #tpu.memory_space<vmem>>
        %dma_wait3A_401 = tpu.memref_squeeze %dma_wait3A_400 : memref<1x112xi32, #tpu.memory_space<vmem>> -> memref<112xi32, #tpu.memory_space<vmem>>
        %dma_wait3A_402 = arith.constant 0 : i32
        %dma_wait3A_403 = arith.constant 0 : i32
        %dma_wait3A_404 = tpu.memref_slice %arg15[%dma_wait3A_402, %dma_wait3A_403] : memref<10240x128xf32, #tpu.memory_space<vmem_shared>> -> memref<10240x128xf32, #tpu.memory_space<vmem_shared>>
        tpu.wait_indirect_dma semaphore(%arg27 : memref<!tpu.dma_semaphore, #tpu.memory_space<semaphore_mem>>) src(%arg14 : memref<112x128xf32, #tpu.memory_space<vmem>>) dst(%dma_wait3A_404 : memref<10240x128xf32, #tpu.memory_space<vmem_shared>>)
      } else {
      }
      %add3A_299 = arith.constant 6 : i32
      %add3A_300 = arith.addi %add3A_277, %add3A_299 : i32
      %sub3A_301 = arith.constant 1 : i32
      %sub3A_302 = arith.subi %add3A_300, %sub3A_301 : i32
      %lt3A_303 = arith.cmpi slt, %sub3A_302, %select_n3A : i32
      %convert_element_type3A_304 = arith.extui %lt3A_303 : i1 to i32
      %cond3A_305 = arith.constant 0 : i32
      %cond3A_306 = arith.cmpi ne, %convert_element_type3A_304, %cond3A_305 : i32
      scf.if %cond3A_306 {
        %add3A_398 = arith.constant 6 : i32
        %add3A_399 = arith.addi %add3A_277, %add3A_398 : i32
        %sub3A_400 = arith.constant 1 : i32
        %sub3A_401 = arith.subi %add3A_399, %sub3A_400 : i32
        %add3A_402 = arith.addi %select_n3A_44, %sub3A_401 : i32
        %dma_start3A_403 = arith.constant 0 : i32
        %dma_start3A_404 = arith.constant 0 : i32
        %dma_start3A_405 = tpu.memref_slice %arg2[%add3A_402, %dma_start3A_403, %dma_start3A_404] : memref<2880x2x112xi32, #tpu.memory_space<hbm>> -> memref<1x2x112xi32, #tpu.memory_space<hbm>>
        %dma_start3A_406 = tpu.memref_squeeze %dma_start3A_405 : memref<1x2x112xi32, #tpu.memory_space<hbm>> -> memref<2x112xi32, #tpu.memory_space<hbm>>
        %dma_start3A_407 = arith.constant 0 : i32
        %dma_start3A_408 = arith.constant 0 : i32
        %dma_start3A_409 = tpu.memref_slice %arg2[%add3A_402, %dma_start3A_407, %dma_start3A_408] : memref<2880x2x112xi32, #tpu.memory_space<hbm>> -> memref<1x2x112xi32, #tpu.memory_space<hbm>>
        %dma_start3A_410 = tpu.memref_squeeze %dma_start3A_409 : memref<1x2x112xi32, #tpu.memory_space<hbm>> -> memref<2x112xi32, #tpu.memory_space<hbm>>
        tpu.enqueue_dma source(%dma_start3A_410 : memref<2x112xi32, #tpu.memory_space<hbm>>) target(%arg8 : memref<2x112xi32, #tpu.memory_space<vmem>>) target_semaphore(%arg18 : memref<!tpu.dma_semaphore, #tpu.memory_space<semaphore_mem>>)
      } else {
      }
      %add3A_307 = arith.constant 3 : i32
      %add3A_308 = arith.addi %add3A_277, %add3A_307 : i32
      %sub3A_309 = arith.constant 1 : i32
      %sub3A_310 = arith.subi %add3A_308, %sub3A_309 : i32
      %lt3A_311 = arith.cmpi slt, %sub3A_310, %select_n3A : i32
      %convert_element_type3A_312 = arith.extui %lt3A_311 : i1 to i32
      %cond3A_313 = arith.constant 0 : i32
      %cond3A_314 = arith.cmpi ne, %convert_element_type3A_312, %cond3A_313 : i32
      scf.if %cond3A_314 {
        %dma_wait3A_398 = arith.constant 0 : i32
        %dma_wait3A_399 = arith.constant 0 : i32
        %dma_wait3A_400 = arith.constant 0 : i32
        %dma_wait3A_401 = tpu.memref_slice %arg2[%dma_wait3A_398, %dma_wait3A_399, %dma_wait3A_400] : memref<2880x2x112xi32, #tpu.memory_space<hbm>> -> memref<1x2x112xi32, #tpu.memory_space<hbm>>
        %dma_wait3A_402 = tpu.memref_squeeze %dma_wait3A_401 : memref<1x2x112xi32, #tpu.memory_space<hbm>> -> memref<2x112xi32, #tpu.memory_space<hbm>>
        %dma_wait3A_403 = arith.constant 0 : i32
        %dma_wait3A_404 = arith.constant 0 : i32
        %dma_wait3A_405 = tpu.memref_slice %arg2[%dma_wait3A_398, %dma_wait3A_403, %dma_wait3A_404] : memref<2880x2x112xi32, #tpu.memory_space<hbm>> -> memref<1x2x112xi32, #tpu.memory_space<hbm>>
        %dma_wait3A_406 = tpu.memref_squeeze %dma_wait3A_405 : memref<1x2x112xi32, #tpu.memory_space<hbm>> -> memref<2x112xi32, #tpu.memory_space<hbm>>
        tpu.wait_dma2 semaphore(%arg21 : memref<!tpu.dma_semaphore, #tpu.memory_space<semaphore_mem>>) src(%dma_wait3A_406 : memref<2x112xi32, #tpu.memory_space<hbm>>) dst(%arg11 : memref<2x112xi32, #tpu.memory_space<vmem>>)
        %dma_start3A_407 = arith.constant 0 : i32
        %dma_start3A_408 = arith.constant 0 : i32
        %dma_start3A_409 = tpu.memref_slice %arg11[%dma_start3A_407, %dma_start3A_408] : memref<2x112xi32, #tpu.memory_space<vmem>> -> memref<1x112xi32, #tpu.memory_space<vmem>>
        %dma_start3A_410 = tpu.memref_squeeze %dma_start3A_409 : memref<1x112xi32, #tpu.memory_space<vmem>> -> memref<112xi32, #tpu.memory_space<vmem>>
        %dma_start3A_411 = arith.constant 0 : i32
        %dma_start3A_412 = arith.constant 0 : i32
        %dma_start3A_413 = tpu.memref_slice %arg3[%dma_start3A_411, %dma_start3A_412] : memref<10240x128xf32, #tpu.memory_space<hbm>> -> memref<10240x128xf32, #tpu.memory_space<hbm>>
        tpu.enqueue_indirect_dma source(%dma_start3A_413 : memref<10240x128xf32, #tpu.memory_space<hbm>>) target(%arg14 : memref<112x128xf32, #tpu.memory_space<vmem>>) offsets(%dma_start3A_410 : memref<112xi32, #tpu.memory_space<vmem>>) semaphore(%arg24 : memref<!tpu.dma_semaphore, #tpu.memory_space<semaphore_mem>>)
      } else {
      }
      %mul3A_315 = arith.constant 6 : i32
      %mul3A_316 = arith.muli %while3A_152, %mul3A_315 : i32
      %add3A_317 = arith.constant 4 : i32
      %add3A_318 = arith.addi %mul3A_316, %add3A_317 : i32
      %dma_wait3A_319 = arith.constant 0 : i32
      %dma_wait3A_320 = arith.constant 0 : i32
      %dma_wait3A_321 = tpu.memref_slice %arg6[%dma_wait3A_319, %dma_wait3A_320] : memref<2x112xi32, #tpu.memory_space<vmem>> -> memref<1x112xi32, #tpu.memory_space<vmem>>
      %dma_wait3A_322 = tpu.memref_squeeze %dma_wait3A_321 : memref<1x112xi32, #tpu.memory_space<vmem>> -> memref<112xi32, #tpu.memory_space<vmem>>
      %dma_wait3A_323 = arith.constant 0 : i32
      %dma_wait3A_324 = arith.constant 0 : i32
      %dma_wait3A_325 = tpu.memref_slice %arg3[%dma_wait3A_323, %dma_wait3A_324] : memref<10240x128xf32, #tpu.memory_space<hbm>> -> memref<10240x128xf32, #tpu.memory_space<hbm>>
      tpu.wait_indirect_dma semaphore(%arg23 : memref<!tpu.dma_semaphore, #tpu.memory_space<semaphore_mem>>) src(%dma_wait3A_325 : memref<10240x128xf32, #tpu.memory_space<hbm>>) dst(%arg13 : memref<112x128xf32, #tpu.memory_space<vmem>>)
      %dma_start3A_326 = arith.constant 1 : i32
      %dma_start3A_327 = arith.constant 0 : i32
      %dma_start3A_328 = tpu.memref_slice %arg10[%dma_start3A_326, %dma_start3A_327] : memref<2x112xi32, #tpu.memory_space<vmem>> -> memref<1x112xi32, #tpu.memory_space<vmem>>
      %dma_start3A_329 = tpu.memref_squeeze %dma_start3A_328 : memref<1x112xi32, #tpu.memory_space<vmem>> -> memref<112xi32, #tpu.memory_space<vmem>>
      %dma_start3A_330 = arith.constant 0 : i32
      %dma_start3A_331 = arith.constant 0 : i32
      %dma_start3A_332 = tpu.memref_slice %arg15[%dma_start3A_330, %dma_start3A_331] : memref<10240x128xf32, #tpu.memory_space<vmem_shared>> -> memref<10240x128xf32, #tpu.memory_space<vmem_shared>>
      tpu.enqueue_indirect_dma source(%arg13 : memref<112x128xf32, #tpu.memory_space<vmem>>) target(%dma_start3A_332 : memref<10240x128xf32, #tpu.memory_space<vmem_shared>>) offsets(%dma_start3A_329 : memref<112xi32, #tpu.memory_space<vmem>>) semaphore(%arg26 : memref<!tpu.dma_semaphore, #tpu.memory_space<semaphore_mem>>) {add = true}
      %sub3A_333 = arith.constant 1 : i32
      %sub3A_334 = arith.subi %add3A_318, %sub3A_333 : i32
      %ge3A_335 = arith.constant 0 : i32
      %ge3A_336 = arith.cmpi sge, %sub3A_334, %ge3A_335 : i32
      %convert_element_type3A_337 = arith.extui %ge3A_336 : i1 to i32
      %cond3A_338 = arith.constant 0 : i32
      %cond3A_339 = arith.cmpi ne, %convert_element_type3A_337, %cond3A_338 : i32
      scf.if %cond3A_339 {
        %dma_wait3A_398 = arith.constant 1 : i32
        %dma_wait3A_399 = arith.constant 0 : i32
        %dma_wait3A_400 = tpu.memref_slice %arg6[%dma_wait3A_398, %dma_wait3A_399] : memref<2x112xi32, #tpu.memory_space<vmem>> -> memref<1x112xi32, #tpu.memory_space<vmem>>
        %dma_wait3A_401 = tpu.memref_squeeze %dma_wait3A_400 : memref<1x112xi32, #tpu.memory_space<vmem>> -> memref<112xi32, #tpu.memory_space<vmem>>
        %dma_wait3A_402 = arith.constant 0 : i32
        %dma_wait3A_403 = arith.constant 0 : i32
        %dma_wait3A_404 = tpu.memref_slice %arg15[%dma_wait3A_402, %dma_wait3A_403] : memref<10240x128xf32, #tpu.memory_space<vmem_shared>> -> memref<10240x128xf32, #tpu.memory_space<vmem_shared>>
        tpu.wait_indirect_dma semaphore(%arg25 : memref<!tpu.dma_semaphore, #tpu.memory_space<semaphore_mem>>) src(%arg12 : memref<112x128xf32, #tpu.memory_space<vmem>>) dst(%dma_wait3A_404 : memref<10240x128xf32, #tpu.memory_space<vmem_shared>>)
      } else {
      }
      %add3A_340 = arith.constant 6 : i32
      %add3A_341 = arith.addi %add3A_318, %add3A_340 : i32
      %sub3A_342 = arith.constant 1 : i32
      %sub3A_343 = arith.subi %add3A_341, %sub3A_342 : i32
      %lt3A_344 = arith.cmpi slt, %sub3A_343, %select_n3A : i32
      %convert_element_type3A_345 = arith.extui %lt3A_344 : i1 to i32
      %cond3A_346 = arith.constant 0 : i32
      %cond3A_347 = arith.cmpi ne, %convert_element_type3A_345, %cond3A_346 : i32
      scf.if %cond3A_347 {
        %add3A_398 = arith.constant 6 : i32
        %add3A_399 = arith.addi %add3A_318, %add3A_398 : i32
        %sub3A_400 = arith.constant 1 : i32
        %sub3A_401 = arith.subi %add3A_399, %sub3A_400 : i32
        %add3A_402 = arith.addi %select_n3A_44, %sub3A_401 : i32
        %dma_start3A_403 = arith.constant 0 : i32
        %dma_start3A_404 = arith.constant 0 : i32
        %dma_start3A_405 = tpu.memref_slice %arg2[%add3A_402, %dma_start3A_403, %dma_start3A_404] : memref<2880x2x112xi32, #tpu.memory_space<hbm>> -> memref<1x2x112xi32, #tpu.memory_space<hbm>>
        %dma_start3A_406 = tpu.memref_squeeze %dma_start3A_405 : memref<1x2x112xi32, #tpu.memory_space<hbm>> -> memref<2x112xi32, #tpu.memory_space<hbm>>
        %dma_start3A_407 = arith.constant 0 : i32
        %dma_start3A_408 = arith.constant 0 : i32
        %dma_start3A_409 = tpu.memref_slice %arg2[%add3A_402, %dma_start3A_407, %dma_start3A_408] : memref<2880x2x112xi32, #tpu.memory_space<hbm>> -> memref<1x2x112xi32, #tpu.memory_space<hbm>>
        %dma_start3A_410 = tpu.memref_squeeze %dma_start3A_409 : memref<1x2x112xi32, #tpu.memory_space<hbm>> -> memref<2x112xi32, #tpu.memory_space<hbm>>
        tpu.enqueue_dma source(%dma_start3A_410 : memref<2x112xi32, #tpu.memory_space<hbm>>) target(%arg9 : memref<2x112xi32, #tpu.memory_space<vmem>>) target_semaphore(%arg19 : memref<!tpu.dma_semaphore, #tpu.memory_space<semaphore_mem>>)
      } else {
      }
      %add3A_348 = arith.constant 3 : i32
      %add3A_349 = arith.addi %add3A_318, %add3A_348 : i32
      %sub3A_350 = arith.constant 1 : i32
      %sub3A_351 = arith.subi %add3A_349, %sub3A_350 : i32
      %lt3A_352 = arith.cmpi slt, %sub3A_351, %select_n3A : i32
      %convert_element_type3A_353 = arith.extui %lt3A_352 : i1 to i32
      %cond3A_354 = arith.constant 0 : i32
      %cond3A_355 = arith.cmpi ne, %convert_element_type3A_353, %cond3A_354 : i32
      scf.if %cond3A_355 {
        %dma_wait3A_398 = arith.constant 0 : i32
        %dma_wait3A_399 = arith.constant 0 : i32
        %dma_wait3A_400 = arith.constant 0 : i32
        %dma_wait3A_401 = tpu.memref_slice %arg2[%dma_wait3A_398, %dma_wait3A_399, %dma_wait3A_400] : memref<2880x2x112xi32, #tpu.memory_space<hbm>> -> memref<1x2x112xi32, #tpu.memory_space<hbm>>
        %dma_wait3A_402 = tpu.memref_squeeze %dma_wait3A_401 : memref<1x2x112xi32, #tpu.memory_space<hbm>> -> memref<2x112xi32, #tpu.memory_space<hbm>>
        %dma_wait3A_403 = arith.constant 0 : i32
        %dma_wait3A_404 = arith.constant 0 : i32
        %dma_wait3A_405 = tpu.memref_slice %arg2[%dma_wait3A_398, %dma_wait3A_403, %dma_wait3A_404] : memref<2880x2x112xi32, #tpu.memory_space<hbm>> -> memref<1x2x112xi32, #tpu.memory_space<hbm>>
        %dma_wait3A_406 = tpu.memref_squeeze %dma_wait3A_405 : memref<1x2x112xi32, #tpu.memory_space<hbm>> -> memref<2x112xi32, #tpu.memory_space<hbm>>
        tpu.wait_dma2 semaphore(%arg16 : memref<!tpu.dma_semaphore, #tpu.memory_space<semaphore_mem>>) src(%dma_wait3A_406 : memref<2x112xi32, #tpu.memory_space<hbm>>) dst(%arg6 : memref<2x112xi32, #tpu.memory_space<vmem>>)
        %dma_start3A_407 = arith.constant 0 : i32
        %dma_start3A_408 = arith.constant 0 : i32
        %dma_start3A_409 = tpu.memref_slice %arg6[%dma_start3A_407, %dma_start3A_408] : memref<2x112xi32, #tpu.memory_space<vmem>> -> memref<1x112xi32, #tpu.memory_space<vmem>>
        %dma_start3A_410 = tpu.memref_squeeze %dma_start3A_409 : memref<1x112xi32, #tpu.memory_space<vmem>> -> memref<112xi32, #tpu.memory_space<vmem>>
        %dma_start3A_411 = arith.constant 0 : i32
        %dma_start3A_412 = arith.constant 0 : i32
        %dma_start3A_413 = tpu.memref_slice %arg3[%dma_start3A_411, %dma_start3A_412] : memref<10240x128xf32, #tpu.memory_space<hbm>> -> memref<10240x128xf32, #tpu.memory_space<hbm>>
        tpu.enqueue_indirect_dma source(%dma_start3A_413 : memref<10240x128xf32, #tpu.memory_space<hbm>>) target(%arg12 : memref<112x128xf32, #tpu.memory_space<vmem>>) offsets(%dma_start3A_410 : memref<112xi32, #tpu.memory_space<vmem>>) semaphore(%arg22 : memref<!tpu.dma_semaphore, #tpu.memory_space<semaphore_mem>>)
      } else {
      }
      %mul3A_356 = arith.constant 6 : i32
      %mul3A_357 = arith.muli %while3A_152, %mul3A_356 : i32
      %add3A_358 = arith.constant 5 : i32
      %add3A_359 = arith.addi %mul3A_357, %add3A_358 : i32
      %dma_wait3A_360 = arith.constant 0 : i32
      %dma_wait3A_361 = arith.constant 0 : i32
      %dma_wait3A_362 = tpu.memref_slice %arg6[%dma_wait3A_360, %dma_wait3A_361] : memref<2x112xi32, #tpu.memory_space<vmem>> -> memref<1x112xi32, #tpu.memory_space<vmem>>
      %dma_wait3A_363 = tpu.memref_squeeze %dma_wait3A_362 : memref<1x112xi32, #tpu.memory_space<vmem>> -> memref<112xi32, #tpu.memory_space<vmem>>
      %dma_wait3A_364 = arith.constant 0 : i32
      %dma_wait3A_365 = arith.constant 0 : i32
      %dma_wait3A_366 = tpu.memref_slice %arg3[%dma_wait3A_364, %dma_wait3A_365] : memref<10240x128xf32, #tpu.memory_space<hbm>> -> memref<10240x128xf32, #tpu.memory_space<hbm>>
      tpu.wait_indirect_dma semaphore(%arg24 : memref<!tpu.dma_semaphore, #tpu.memory_space<semaphore_mem>>) src(%dma_wait3A_366 : memref<10240x128xf32, #tpu.memory_space<hbm>>) dst(%arg14 : memref<112x128xf32, #tpu.memory_space<vmem>>)
      %dma_start3A_367 = arith.constant 1 : i32
      %dma_start3A_368 = arith.constant 0 : i32
      %dma_start3A_369 = tpu.memref_slice %arg11[%dma_start3A_367, %dma_start3A_368] : memref<2x112xi32, #tpu.memory_space<vmem>> -> memref<1x112xi32, #tpu.memory_space<vmem>>
      %dma_start3A_370 = tpu.memref_squeeze %dma_start3A_369 : memref<1x112xi32, #tpu.memory_space<vmem>> -> memref<112xi32, #tpu.memory_space<vmem>>
      %dma_start3A_371 = arith.constant 0 : i32
      %dma_start3A_372 = arith.constant 0 : i32
      %dma_start3A_373 = tpu.memref_slice %arg15[%dma_start3A_371, %dma_start3A_372] : memref<10240x128xf32, #tpu.memory_space<vmem_shared>> -> memref<10240x128xf32, #tpu.memory_space<vmem_shared>>
      tpu.enqueue_indirect_dma source(%arg14 : memref<112x128xf32, #tpu.memory_space<vmem>>) target(%dma_start3A_373 : memref<10240x128xf32, #tpu.memory_space<vmem_shared>>) offsets(%dma_start3A_370 : memref<112xi32, #tpu.memory_space<vmem>>) semaphore(%arg27 : memref<!tpu.dma_semaphore, #tpu.memory_space<semaphore_mem>>) {add = true}
      %sub3A_374 = arith.constant 1 : i32
      %sub3A_375 = arith.subi %add3A_359, %sub3A_374 : i32
      %ge3A_376 = arith.constant 0 : i32
      %ge3A_377 = arith.cmpi sge, %sub3A_375, %ge3A_376 : i32
      %convert_element_type3A_378 = arith.extui %ge3A_377 : i1 to i32
      %cond3A_379 = arith.constant 0 : i32
      %cond3A_380 = arith.cmpi ne, %convert_element_type3A_378, %cond3A_379 : i32
      scf.if %cond3A_380 {
        %dma_wait3A_398 = arith.constant 1 : i32
        %dma_wait3A_399 = arith.constant 0 : i32
        %dma_wait3A_400 = tpu.memref_slice %arg6[%dma_wait3A_398, %dma_wait3A_399] : memref<2x112xi32, #tpu.memory_space<vmem>> -> memref<1x112xi32, #tpu.memory_space<vmem>>
        %dma_wait3A_401 = tpu.memref_squeeze %dma_wait3A_400 : memref<1x112xi32, #tpu.memory_space<vmem>> -> memref<112xi32, #tpu.memory_space<vmem>>
        %dma_wait3A_402 = arith.constant 0 : i32
        %dma_wait3A_403 = arith.constant 0 : i32
        %dma_wait3A_404 = tpu.memref_slice %arg15[%dma_wait3A_402, %dma_wait3A_403] : memref<10240x128xf32, #tpu.memory_space<vmem_shared>> -> memref<10240x128xf32, #tpu.memory_space<vmem_shared>>
        tpu.wait_indirect_dma semaphore(%arg26 : memref<!tpu.dma_semaphore, #tpu.memory_space<semaphore_mem>>) src(%arg13 : memref<112x128xf32, #tpu.memory_space<vmem>>) dst(%dma_wait3A_404 : memref<10240x128xf32, #tpu.memory_space<vmem_shared>>)
      } else {
      }
      %add3A_381 = arith.constant 6 : i32
      %add3A_382 = arith.addi %add3A_359, %add3A_381 : i32
      %sub3A_383 = arith.constant 1 : i32
      %sub3A_384 = arith.subi %add3A_382, %sub3A_383 : i32
      %lt3A_385 = arith.cmpi slt, %sub3A_384, %select_n3A : i32
      %convert_element_type3A_386 = arith.extui %lt3A_385 : i1 to i32
      %cond3A_387 = arith.constant 0 : i32
      %cond3A_388 = arith.cmpi ne, %convert_element_type3A_386, %cond3A_387 : i32
      scf.if %cond3A_388 {
        %add3A_398 = arith.constant 6 : i32
        %add3A_399 = arith.addi %add3A_359, %add3A_398 : i32
        %sub3A_400 = arith.constant 1 : i32
        %sub3A_401 = arith.subi %add3A_399, %sub3A_400 : i32
        %add3A_402 = arith.addi %select_n3A_44, %sub3A_401 : i32
        %dma_start3A_403 = arith.constant 0 : i32
        %dma_start3A_404 = arith.constant 0 : i32
        %dma_start3A_405 = tpu.memref_slice %arg2[%add3A_402, %dma_start3A_403, %dma_start3A_404] : memref<2880x2x112xi32, #tpu.memory_space<hbm>> -> memref<1x2x112xi32, #tpu.memory_space<hbm>>
        %dma_start3A_406 = tpu.memref_squeeze %dma_start3A_405 : memref<1x2x112xi32, #tpu.memory_space<hbm>> -> memref<2x112xi32, #tpu.memory_space<hbm>>
        %dma_start3A_407 = arith.constant 0 : i32
        %dma_start3A_408 = arith.constant 0 : i32
        %dma_start3A_409 = tpu.memref_slice %arg2[%add3A_402, %dma_start3A_407, %dma_start3A_408] : memref<2880x2x112xi32, #tpu.memory_space<hbm>> -> memref<1x2x112xi32, #tpu.memory_space<hbm>>
        %dma_start3A_410 = tpu.memref_squeeze %dma_start3A_409 : memref<1x2x112xi32, #tpu.memory_space<hbm>> -> memref<2x112xi32, #tpu.memory_space<hbm>>
        tpu.enqueue_dma source(%dma_start3A_410 : memref<2x112xi32, #tpu.memory_space<hbm>>) target(%arg10 : memref<2x112xi32, #tpu.memory_space<vmem>>) target_semaphore(%arg20 : memref<!tpu.dma_semaphore, #tpu.memory_space<semaphore_mem>>)
      } else {
      }
      %add3A_389 = arith.constant 3 : i32
      %add3A_390 = arith.addi %add3A_359, %add3A_389 : i32
      %sub3A_391 = arith.constant 1 : i32
      %sub3A_392 = arith.subi %add3A_390, %sub3A_391 : i32
      %lt3A_393 = arith.cmpi slt, %sub3A_392, %select_n3A : i32
      %convert_element_type3A_394 = arith.extui %lt3A_393 : i1 to i32
      %cond3A_395 = arith.constant 0 : i32
      %cond3A_396 = arith.cmpi ne, %convert_element_type3A_394, %cond3A_395 : i32
      scf.if %cond3A_396 {
        %dma_wait3A_398 = arith.constant 0 : i32
        %dma_wait3A_399 = arith.constant 0 : i32
        %dma_wait3A_400 = arith.constant 0 : i32
        %dma_wait3A_401 = tpu.memref_slice %arg2[%dma_wait3A_398, %dma_wait3A_399, %dma_wait3A_400] : memref<2880x2x112xi32, #tpu.memory_space<hbm>> -> memref<1x2x112xi32, #tpu.memory_space<hbm>>
        %dma_wait3A_402 = tpu.memref_squeeze %dma_wait3A_401 : memref<1x2x112xi32, #tpu.memory_space<hbm>> -> memref<2x112xi32, #tpu.memory_space<hbm>>
        %dma_wait3A_403 = arith.constant 0 : i32
        %dma_wait3A_404 = arith.constant 0 : i32
        %dma_wait3A_405 = tpu.memref_slice %arg2[%dma_wait3A_398, %dma_wait3A_403, %dma_wait3A_404] : memref<2880x2x112xi32, #tpu.memory_space<hbm>> -> memref<1x2x112xi32, #tpu.memory_space<hbm>>
        %dma_wait3A_406 = tpu.memref_squeeze %dma_wait3A_405 : memref<1x2x112xi32, #tpu.memory_space<hbm>> -> memref<2x112xi32, #tpu.memory_space<hbm>>
        tpu.wait_dma2 semaphore(%arg17 : memref<!tpu.dma_semaphore, #tpu.memory_space<semaphore_mem>>) src(%dma_wait3A_406 : memref<2x112xi32, #tpu.memory_space<hbm>>) dst(%arg7 : memref<2x112xi32, #tpu.memory_space<vmem>>)
        %dma_start3A_407 = arith.constant 0 : i32
        %dma_start3A_408 = arith.constant 0 : i32
        %dma_start3A_409 = tpu.memref_slice %arg7[%dma_start3A_407, %dma_start3A_408] : memref<2x112xi32, #tpu.memory_space<vmem>> -> memref<1x112xi32, #tpu.memory_space<vmem>>
        %dma_start3A_410 = tpu.memref_squeeze %dma_start3A_409 : memref<1x112xi32, #tpu.memory_space<vmem>> -> memref<112xi32, #tpu.memory_space<vmem>>
        %dma_start3A_411 = arith.constant 0 : i32
        %dma_start3A_412 = arith.constant 0 : i32
        %dma_start3A_413 = tpu.memref_slice %arg3[%dma_start3A_411, %dma_start3A_412] : memref<10240x128xf32, #tpu.memory_space<hbm>> -> memref<10240x128xf32, #tpu.memory_space<hbm>>
        tpu.enqueue_indirect_dma source(%dma_start3A_413 : memref<10240x128xf32, #tpu.memory_space<hbm>>) target(%arg13 : memref<112x128xf32, #tpu.memory_space<vmem>>) offsets(%dma_start3A_410 : memref<112xi32, #tpu.memory_space<vmem>>) semaphore(%arg23 : memref<!tpu.dma_semaphore, #tpu.memory_space<semaphore_mem>>)
      } else {
      }
      %while3A_397 = arith.constant 0 : i32
      scf.yield %while3A_397 : i32
    }
    %dma_wait3A_136 = arith.constant 1 : i32
    %dma_wait3A_137 = arith.constant 0 : i32
    %dma_wait3A_138 = tpu.memref_slice %arg6[%dma_wait3A_136, %dma_wait3A_137] : memref<2x112xi32, #tpu.memory_space<vmem>> -> memref<1x112xi32, #tpu.memory_space<vmem>>
    %dma_wait3A_139 = tpu.memref_squeeze %dma_wait3A_138 : memref<1x112xi32, #tpu.memory_space<vmem>> -> memref<112xi32, #tpu.memory_space<vmem>>
    %dma_wait3A_140 = arith.constant 0 : i32
    %dma_wait3A_141 = arith.constant 0 : i32
    %dma_wait3A_142 = tpu.memref_slice %arg15[%dma_wait3A_140, %dma_wait3A_141] : memref<10240x128xf32, #tpu.memory_space<vmem_shared>> -> memref<10240x128xf32, #tpu.memory_space<vmem_shared>>
    tpu.wait_indirect_dma semaphore(%arg27 : memref<!tpu.dma_semaphore, #tpu.memory_space<semaphore_mem>>) src(%arg14 : memref<112x128xf32, #tpu.memory_space<vmem>>) dst(%dma_wait3A_142 : memref<10240x128xf32, #tpu.memory_space<vmem_shared>>)
    %barrier3A_143 = arith.constant 0 : index
    tpu.barrier barrier_id(%barrier3A_143)
    %eq3A_144 = arith.constant 0 : i32
    %eq3A_145 = arith.cmpi eq, %arg0, %eq3A_144 : i32
    %convert_element_type3A = arith.extui %eq3A_145 : i1 to i32
    %cond3A = arith.constant 0 : i32
    %cond3A_146 = arith.cmpi ne, %convert_element_type3A, %cond3A : i32
    scf.if %cond3A_146 {
      %mul3A_152 = arith.constant 640 : i32
      %mul3A_153 = arith.muli %arg1, %mul3A_152 : i32
      %mul3A_154 = arith.constant 640 : i32
      %mul3A_155 = arith.muli %arg1, %mul3A_154 : i32
      "tpu.region"() ({
        %run_scoped3A = tpu.sem_alloc : memref<!tpu.dma_semaphore, #tpu.memory_space<semaphore_mem>>
        %dma_start3A_156 = arith.constant 0 : i32
        %dma_start3A_157 = tpu.memref_slice %arg4[%mul3A_155, %dma_start3A_156] : memref<10240x128xf32, #tpu.memory_space<hbm>> -> memref<640x128xf32, #tpu.memory_space<hbm>>
        %dma_start3A_158 = arith.constant 0 : i32
        %dma_start3A_159 = tpu.memref_slice %arg15[%mul3A_153, %dma_start3A_158] : memref<10240x128xf32, #tpu.memory_space<vmem_shared>> -> memref<640x128xf32, #tpu.memory_space<vmem_shared>>
        tpu.enqueue_dma source(%dma_start3A_159 : memref<640x128xf32, #tpu.memory_space<vmem_shared>>) target(%dma_start3A_157 : memref<640x128xf32, #tpu.memory_space<hbm>>) target_semaphore(%run_scoped3A : memref<!tpu.dma_semaphore, #tpu.memory_space<semaphore_mem>>)
        %dma_wait3A_160 = arith.constant 0 : i32
        %dma_wait3A_161 = tpu.memref_slice %arg4[%mul3A_155, %dma_wait3A_160] : memref<10240x128xf32, #tpu.memory_space<hbm>> -> memref<640x128xf32, #tpu.memory_space<hbm>>
        %dma_wait3A_162 = arith.constant 0 : i32
        %dma_wait3A_163 = tpu.memref_slice %arg15[%mul3A_153, %dma_wait3A_162] : memref<10240x128xf32, #tpu.memory_space<vmem_shared>> -> memref<640x128xf32, #tpu.memory_space<vmem_shared>>
        tpu.wait_dma2 semaphore(%run_scoped3A : memref<!tpu.dma_semaphore, #tpu.memory_space<semaphore_mem>>) src(%dma_wait3A_163 : memref<640x128xf32, #tpu.memory_space<vmem_shared>>) dst(%dma_wait3A_161 : memref<640x128xf32, #tpu.memory_space<hbm>>)
        tpu.yield
      }) : () -> ()
    } else {
    }
    %eq3A_147 = arith.constant 1 : i32
    %eq3A_148 = arith.cmpi eq, %arg0, %eq3A_147 : i32
    %convert_element_type3A_149 = arith.extui %eq3A_148 : i1 to i32
    %cond3A_150 = arith.constant 0 : i32
    %cond3A_151 = arith.cmpi ne, %convert_element_type3A_149, %cond3A_150 : i32
    scf.if %cond3A_151 {
      %mul3A_152 = arith.constant 640 : i32
      %mul3A_153 = arith.muli %arg1, %mul3A_152 : i32
      %mul3A_154 = arith.constant 640 : i32
      %mul3A_155 = arith.muli %arg1, %mul3A_154 : i32
      "tpu.region"() ({
        %run_scoped3A = tpu.sem_alloc : memref<!tpu.dma_semaphore, #tpu.memory_space<semaphore_mem>>
        %dma_start3A_156 = arith.constant 0 : i32
        %dma_start3A_157 = tpu.memref_slice %arg5[%mul3A_155, %dma_start3A_156] : memref<10240x128xf32, #tpu.memory_space<hbm>> -> memref<640x128xf32, #tpu.memory_space<hbm>>
        %dma_start3A_158 = arith.constant 0 : i32
        %dma_start3A_159 = tpu.memref_slice %arg15[%mul3A_153, %dma_start3A_158] : memref<10240x128xf32, #tpu.memory_space<vmem_shared>> -> memref<640x128xf32, #tpu.memory_space<vmem_shared>>
        tpu.enqueue_dma source(%dma_start3A_159 : memref<640x128xf32, #tpu.memory_space<vmem_shared>>) target(%dma_start3A_157 : memref<640x128xf32, #tpu.memory_space<hbm>>) target_semaphore(%run_scoped3A : memref<!tpu.dma_semaphore, #tpu.memory_space<semaphore_mem>>)
        %dma_wait3A_160 = arith.constant 0 : i32
        %dma_wait3A_161 = tpu.memref_slice %arg5[%mul3A_155, %dma_wait3A_160] : memref<10240x128xf32, #tpu.memory_space<hbm>> -> memref<640x128xf32, #tpu.memory_space<hbm>>
        %dma_wait3A_162 = arith.constant 0 : i32
        %dma_wait3A_163 = tpu.memref_slice %arg15[%mul3A_153, %dma_wait3A_162] : memref<10240x128xf32, #tpu.memory_space<vmem_shared>> -> memref<640x128xf32, #tpu.memory_space<vmem_shared>>
        tpu.wait_dma2 semaphore(%run_scoped3A : memref<!tpu.dma_semaphore, #tpu.memory_space<semaphore_mem>>) src(%dma_wait3A_163 : memref<640x128xf32, #tpu.memory_space<vmem_shared>>) dst(%dma_wait3A_161 : memref<640x128xf32, #tpu.memory_space<hbm>>)
        tpu.yield
      }) : () -> ()
    } else {
    }
    return
  }
}

#map = affine_map<(d0, d1) -> (0)>
module attributes {stable_mosaic.version = 14 : i64} {
  func.func @hist(%arg0: i32, %arg1: i32, %arg2: memref<322560xi32, #tpu.memory_space<hbm>>, %arg3: memref<10240xf32, #tpu.memory_space<hbm>>, %arg4: memref<10240xf32, #tpu.memory_space<hbm>>, %arg5: memref<112xi32, #tpu.memory_space<vmem>>, %arg6: memref<112xi32, #tpu.memory_space<vmem>>, %arg7: memref<112xi32, #tpu.memory_space<vmem>>, %arg8: memref<112xi32, #tpu.memory_space<vmem>>, %arg9: memref<112xf32, #tpu.memory_space<vmem>>, %arg10: memref<320xf32, #tpu.memory_space<vmem>>, %arg11: memref<320xf32, #tpu.memory_space<vmem>>, %arg12: memref<320xf32, #tpu.memory_space<vmem>>, %arg13: memref<10240xf32, #tpu.memory_space<vmem_shared>>, %arg14: memref<!tpu.dma_semaphore, #tpu.memory_space<semaphore_mem>>, %arg15: memref<!tpu.dma_semaphore, #tpu.memory_space<semaphore_mem>>, %arg16: memref<!tpu.dma_semaphore, #tpu.memory_space<semaphore_mem>>, %arg17: memref<!tpu.dma_semaphore, #tpu.memory_space<semaphore_mem>>, %arg18: memref<!tpu.dma_semaphore, #tpu.memory_space<semaphore_mem>>, %arg19: memref<!tpu.dma_semaphore, #tpu.memory_space<semaphore_mem>>, %arg20: memref<!tpu.dma_semaphore, #tpu.memory_space<semaphore_mem>>, %arg21: memref<!tpu.dma_semaphore, #tpu.memory_space<semaphore_mem>>) attributes {dimension_semantics = [#tpu.dimension_semantics<core_parallel>, #tpu.dimension_semantics<subcore_parallel>], iteration_bounds = array<i64: 2, 16>, scalar_prefetch = 0 : i64, scratch_operands = 17 : i64, tpu.core_type = #tpu.core_type<sc_vector_subcore>, window_params = [{transform_indices = #map}, {transform_indices = #map}, {transform_indices = #map}]} {
    %mul3A = arith.constant 2 : i32
    %mul3A_0 = arith.muli %arg1, %mul3A : i32
    %add3A = arith.addi %mul3A_0, %arg0 : i32
    %scan3A = arith.constant 0 : i32
    %scan3A_1 = arith.constant 0 : i32
    %scan3A_2 = arith.constant 20 : i32
    %scan3A_3 = arith.addi %scan3A_1, %scan3A_2 : i32
    %scan3A_4 = arith.constant 1 : i32
    %scan3A_5 = scf.for %scan3A_53 = %scan3A_1 to %scan3A_3 step %scan3A_4 iter_args(%scan3A_54 = %scan3A) -> (i32)  : i32 {
      %broadcast_in_dim3A = arith.constant 0.000000e+00 : f32
      %broadcast_in_dim3A_55 = vector.broadcast %broadcast_in_dim3A : f32 to vector<16xf32>
      %mul3A_56 = arith.constant 16 : i32
      %mul3A_57 = arith.muli %scan3A_53, %mul3A_56 : i32
      %swap3A = arith.index_cast %mul3A_57 : i32 to index
      %swap3A_58 = tpu.vector_load %arg10[%swap3A] {strides = array<i32>} : memref<320xf32, #tpu.memory_space<vmem>>, vector<16xf32>,
      %swap3A_59 = vector.shape_cast %swap3A_58 : vector<16xf32> to vector<16xf32>
      %swap3A_60 = vector.shape_cast %broadcast_in_dim3A_55 : vector<16xf32> to vector<16xf32>
      tpu.vector_store %arg10[%swap3A], %swap3A_60 {strides = array<i32>} : memref<320xf32, #tpu.memory_space<vmem>>, vector<16xf32>,
      %scan3A_61 = arith.constant 0 : i32
      scf.yield %scan3A_61 : i32
    }
    %scan3A_6 = arith.constant 20 : i32
    %mul3A_7 = arith.constant 640 : i32
    %mul3A_8 = arith.muli %arg1, %mul3A_7 : i32
    %add3A_9 = arith.constant 0 : i32
    %add3A_10 = arith.addi %mul3A_8, %add3A_9 : i32
    "tpu.region"() ({
      %run_scoped3A = tpu.sem_alloc : memref<!tpu.dma_semaphore, #tpu.memory_space<semaphore_mem>>
      %dma_start3A_53 = tpu.memref_slice %arg13[%add3A_10] : memref<10240xf32, #tpu.memory_space<vmem_shared>> -> memref<320xf32, #tpu.memory_space<vmem_shared>>
      %dma_start3A_54 = tpu.memref_slice %arg13[%add3A_10] : memref<10240xf32, #tpu.memory_space<vmem_shared>> -> memref<320xf32, #tpu.memory_space<vmem_shared>>
      tpu.enqueue_dma source(%arg10 : memref<320xf32, #tpu.memory_space<vmem>>) target(%dma_start3A_54 : memref<320xf32, #tpu.memory_space<vmem_shared>>) target_semaphore(%run_scoped3A : memref<!tpu.dma_semaphore, #tpu.memory_space<semaphore_mem>>)
      %dma_wait3A_55 = tpu.memref_slice %arg13[%add3A_10] : memref<10240xf32, #tpu.memory_space<vmem_shared>> -> memref<320xf32, #tpu.memory_space<vmem_shared>>
      %dma_wait3A_56 = tpu.memref_slice %arg13[%add3A_10] : memref<10240xf32, #tpu.memory_space<vmem_shared>> -> memref<320xf32, #tpu.memory_space<vmem_shared>>
      tpu.wait_dma2 semaphore(%run_scoped3A : memref<!tpu.dma_semaphore, #tpu.memory_space<semaphore_mem>>) src(%arg10 : memref<320xf32, #tpu.memory_space<vmem>>) dst(%dma_wait3A_56 : memref<320xf32, #tpu.memory_space<vmem_shared>>)
      tpu.yield
    }) : () -> ()
    %mul3A_11 = arith.constant 640 : i32
    %mul3A_12 = arith.muli %arg1, %mul3A_11 : i32
    %add3A_13 = arith.constant 320 : i32
    %add3A_14 = arith.addi %mul3A_12, %add3A_13 : i32
    "tpu.region"() ({
      %run_scoped3A = tpu.sem_alloc : memref<!tpu.dma_semaphore, #tpu.memory_space<semaphore_mem>>
      %dma_start3A_53 = tpu.memref_slice %arg13[%add3A_14] : memref<10240xf32, #tpu.memory_space<vmem_shared>> -> memref<320xf32, #tpu.memory_space<vmem_shared>>
      %dma_start3A_54 = tpu.memref_slice %arg13[%add3A_14] : memref<10240xf32, #tpu.memory_space<vmem_shared>> -> memref<320xf32, #tpu.memory_space<vmem_shared>>
      tpu.enqueue_dma source(%arg10 : memref<320xf32, #tpu.memory_space<vmem>>) target(%dma_start3A_54 : memref<320xf32, #tpu.memory_space<vmem_shared>>) target_semaphore(%run_scoped3A : memref<!tpu.dma_semaphore, #tpu.memory_space<semaphore_mem>>)
      %dma_wait3A_55 = tpu.memref_slice %arg13[%add3A_14] : memref<10240xf32, #tpu.memory_space<vmem_shared>> -> memref<320xf32, #tpu.memory_space<vmem_shared>>
      %dma_wait3A_56 = tpu.memref_slice %arg13[%add3A_14] : memref<10240xf32, #tpu.memory_space<vmem_shared>> -> memref<320xf32, #tpu.memory_space<vmem_shared>>
      tpu.wait_dma2 semaphore(%run_scoped3A : memref<!tpu.dma_semaphore, #tpu.memory_space<semaphore_mem>>) src(%arg10 : memref<320xf32, #tpu.memory_space<vmem>>) dst(%dma_wait3A_56 : memref<320xf32, #tpu.memory_space<vmem_shared>>)
      tpu.yield
    }) : () -> ()
    %barrier3A = arith.constant 0 : index
    tpu.barrier barrier_id(%barrier3A)
    %scan3A_15 = arith.constant 0 : i32
    %scan3A_16 = arith.constant 0 : i32
    %scan3A_17 = arith.constant 7 : i32
    %scan3A_18 = arith.addi %scan3A_16, %scan3A_17 : i32
    %scan3A_19 = arith.constant 1 : i32
    %scan3A_20 = scf.for %scan3A_53 = %scan3A_16 to %scan3A_18 step %scan3A_19 iter_args(%scan3A_54 = %scan3A_15) -> (i32)  : i32 {
      %broadcast_in_dim3A = arith.constant 1.000000e+00 : f32
      %broadcast_in_dim3A_55 = vector.broadcast %broadcast_in_dim3A : f32 to vector<16xf32>
      %mul3A_56 = arith.constant 16 : i32
      %mul3A_57 = arith.muli %scan3A_53, %mul3A_56 : i32
      %swap3A = arith.index_cast %mul3A_57 : i32 to index
      %swap3A_58 = tpu.vector_load %arg9[%swap3A] {strides = array<i32>} : memref<112xf32, #tpu.memory_space<vmem>>, vector<16xf32>,
      %swap3A_59 = vector.shape_cast %swap3A_58 : vector<16xf32> to vector<16xf32>
      %swap3A_60 = vector.shape_cast %broadcast_in_dim3A_55 : vector<16xf32> to vector<16xf32>
      tpu.vector_store %arg9[%swap3A], %swap3A_60 {strides = array<i32>} : memref<112xf32, #tpu.memory_space<vmem>>, vector<16xf32>,
      %scan3A_61 = arith.constant 0 : i32
      scf.yield %scan3A_61 : i32
    }
    %scan3A_21 = arith.constant 7 : i32
    %mul3A_22 = arith.constant 20160 : i32
    %mul3A_23 = arith.muli %arg1, %mul3A_22 : i32
    %add3A_24 = arith.constant 0 : i32
    %add3A_25 = arith.addi %mul3A_23, %add3A_24 : i32
    %dma_start3A = tpu.memref_slice %arg2[%add3A_25] : memref<322560xi32, #tpu.memory_space<hbm>> -> memref<112xi32, #tpu.memory_space<hbm>>
    %dma_start3A_26 = tpu.memref_slice %arg2[%add3A_25] : memref<322560xi32, #tpu.memory_space<hbm>> -> memref<112xi32, #tpu.memory_space<hbm>>
    tpu.enqueue_dma source(%dma_start3A_26 : memref<112xi32, #tpu.memory_space<hbm>>) target(%arg5 : memref<112xi32, #tpu.memory_space<vmem>>) target_semaphore(%arg14 : memref<!tpu.dma_semaphore, #tpu.memory_space<semaphore_mem>>)
    %add3A_27 = arith.constant 112 : i32
    %add3A_28 = arith.addi %mul3A_23, %add3A_27 : i32
    %dma_start3A_29 = tpu.memref_slice %arg2[%add3A_28] : memref<322560xi32, #tpu.memory_space<hbm>> -> memref<112xi32, #tpu.memory_space<hbm>>
    %dma_start3A_30 = tpu.memref_slice %arg2[%add3A_28] : memref<322560xi32, #tpu.memory_space<hbm>> -> memref<112xi32, #tpu.memory_space<hbm>>
    tpu.enqueue_dma source(%dma_start3A_30 : memref<112xi32, #tpu.memory_space<hbm>>) target(%arg6 : memref<112xi32, #tpu.memory_space<vmem>>) target_semaphore(%arg15 : memref<!tpu.dma_semaphore, #tpu.memory_space<semaphore_mem>>)
    %add3A_31 = arith.constant 224 : i32
    %add3A_32 = arith.addi %mul3A_23, %add3A_31 : i32
    %dma_start3A_33 = tpu.memref_slice %arg2[%add3A_32] : memref<322560xi32, #tpu.memory_space<hbm>> -> memref<112xi32, #tpu.memory_space<hbm>>
    %dma_start3A_34 = tpu.memref_slice %arg2[%add3A_32] : memref<322560xi32, #tpu.memory_space<hbm>> -> memref<112xi32, #tpu.memory_space<hbm>>
    tpu.enqueue_dma source(%dma_start3A_34 : memref<112xi32, #tpu.memory_space<hbm>>) target(%arg7 : memref<112xi32, #tpu.memory_space<vmem>>) target_semaphore(%arg16 : memref<!tpu.dma_semaphore, #tpu.memory_space<semaphore_mem>>)
    %scan3A_35 = arith.constant 0 : i32
    %scan3A_36 = arith.constant 0 : i32
    %scan3A_37 = arith.constant 45 : i32
    %scan3A_38 = arith.addi %scan3A_36, %scan3A_37 : i32
    %scan3A_39 = arith.constant 1 : i32
    %scan3A_40 = scf.for %scan3A_53 = %scan3A_36 to %scan3A_38 step %scan3A_39 iter_args(%scan3A_54 = %scan3A_35) -> (i32)  : i32 {
      %mul3A_55 = arith.constant 4 : i32
      %mul3A_56 = arith.muli %scan3A_53, %mul3A_55 : i32
      %add3A_57 = arith.constant 0 : i32
      %add3A_58 = arith.addi %mul3A_56, %add3A_57 : i32
      %dma_wait3A_59 = arith.constant 0 : i32
      %dma_wait3A_60 = tpu.memref_slice %arg2[%dma_wait3A_59] : memref<322560xi32, #tpu.memory_space<hbm>> -> memref<112xi32, #tpu.memory_space<hbm>>
      %dma_wait3A_61 = arith.constant 0 : i32
      %dma_wait3A_62 = tpu.memref_slice %arg2[%dma_wait3A_61] : memref<322560xi32, #tpu.memory_space<hbm>> -> memref<112xi32, #tpu.memory_space<hbm>>
      tpu.wait_dma2 semaphore(%arg14 : memref<!tpu.dma_semaphore, #tpu.memory_space<semaphore_mem>>) src(%dma_wait3A_62 : memref<112xi32, #tpu.memory_space<hbm>>) dst(%arg5 : memref<112xi32, #tpu.memory_space<vmem>>)
      %dma_start3A_63 = arith.constant 0 : i32
      %dma_start3A_64 = tpu.memref_slice %arg13[%dma_start3A_63] : memref<10240xf32, #tpu.memory_space<vmem_shared>> -> memref<10240xf32, #tpu.memory_space<vmem_shared>>
      tpu.enqueue_indirect_dma source(%arg9 : memref<112xf32, #tpu.memory_space<vmem>>) target(%dma_start3A_64 : memref<10240xf32, #tpu.memory_space<vmem_shared>>) offsets(%arg5 : memref<112xi32, #tpu.memory_space<vmem>>) semaphore(%arg18 : memref<!tpu.dma_semaphore, #tpu.memory_space<semaphore_mem>>) {add = true}
      %sub3A = arith.constant 1 : i32
      %sub3A_65 = arith.subi %add3A_58, %sub3A : i32
      %ge3A = arith.constant 0 : i32
      %ge3A_66 = arith.cmpi sge, %sub3A_65, %ge3A : i32
      %convert_element_type3A = arith.extui %ge3A_66 : i1 to i32
      %cond3A = arith.constant 0 : i32
      %cond3A_67 = arith.cmpi ne, %convert_element_type3A, %cond3A : i32
      scf.if %cond3A_67 {
        %dma_wait3A_147 = arith.constant 0 : i32
        %dma_wait3A_148 = tpu.memref_slice %arg13[%dma_wait3A_147] : memref<10240xf32, #tpu.memory_space<vmem_shared>> -> memref<10240xf32, #tpu.memory_space<vmem_shared>>
        tpu.wait_indirect_dma semaphore(%arg21 : memref<!tpu.dma_semaphore, #tpu.memory_space<semaphore_mem>>) src(%arg9 : memref<112xf32, #tpu.memory_space<vmem>>) dst(%dma_wait3A_148 : memref<10240xf32, #tpu.memory_space<vmem_shared>>)
      } else {
      }
      %add3A_68 = arith.constant 3 : i32
      %add3A_69 = arith.addi %add3A_58, %add3A_68 : i32
      %lt3A = arith.constant 180 : i32
      %lt3A_70 = arith.cmpi slt, %add3A_69, %lt3A : i32
      %convert_element_type3A_71 = arith.extui %lt3A_70 : i1 to i32
      %cond3A_72 = arith.constant 0 : i32
      %cond3A_73 = arith.cmpi ne, %convert_element_type3A_71, %cond3A_72 : i32
      scf.if %cond3A_73 {
        %add3A_147 = arith.constant 3 : i32
        %add3A_148 = arith.addi %add3A_58, %add3A_147 : i32
        %mul3A_149 = arith.constant 112 : i32
        %mul3A_150 = arith.muli %add3A_148, %mul3A_149 : i32
        %add3A_151 = arith.addi %mul3A_23, %mul3A_150 : i32
        %dma_start3A_152 = tpu.memref_slice %arg2[%add3A_151] : memref<322560xi32, #tpu.memory_space<hbm>> -> memref<112xi32, #tpu.memory_space<hbm>>
        %dma_start3A_153 = tpu.memref_slice %arg2[%add3A_151] : memref<322560xi32, #tpu.memory_space<hbm>> -> memref<112xi32, #tpu.memory_space<hbm>>
        tpu.enqueue_dma source(%dma_start3A_153 : memref<112xi32, #tpu.memory_space<hbm>>) target(%arg8 : memref<112xi32, #tpu.memory_space<vmem>>) target_semaphore(%arg17 : memref<!tpu.dma_semaphore, #tpu.memory_space<semaphore_mem>>)
      } else {
      }
      %mul3A_74 = arith.constant 4 : i32
      %mul3A_75 = arith.muli %scan3A_53, %mul3A_74 : i32
      %add3A_76 = arith.constant 1 : i32
      %add3A_77 = arith.addi %mul3A_75, %add3A_76 : i32
      %dma_wait3A_78 = arith.constant 0 : i32
      %dma_wait3A_79 = tpu.memref_slice %arg2[%dma_wait3A_78] : memref<322560xi32, #tpu.memory_space<hbm>> -> memref<112xi32, #tpu.memory_space<hbm>>
      %dma_wait3A_80 = arith.constant 0 : i32
      %dma_wait3A_81 = tpu.memref_slice %arg2[%dma_wait3A_80] : memref<322560xi32, #tpu.memory_space<hbm>> -> memref<112xi32, #tpu.memory_space<hbm>>
      tpu.wait_dma2 semaphore(%arg15 : memref<!tpu.dma_semaphore, #tpu.memory_space<semaphore_mem>>) src(%dma_wait3A_81 : memref<112xi32, #tpu.memory_space<hbm>>) dst(%arg6 : memref<112xi32, #tpu.memory_space<vmem>>)
      %dma_start3A_82 = arith.constant 0 : i32
      %dma_start3A_83 = tpu.memref_slice %arg13[%dma_start3A_82] : memref<10240xf32, #tpu.memory_space<vmem_shared>> -> memref<10240xf32, #tpu.memory_space<vmem_shared>>
      tpu.enqueue_indirect_dma source(%arg9 : memref<112xf32, #tpu.memory_space<vmem>>) target(%dma_start3A_83 : memref<10240xf32, #tpu.memory_space<vmem_shared>>) offsets(%arg6 : memref<112xi32, #tpu.memory_space<vmem>>) semaphore(%arg19 : memref<!tpu.dma_semaphore, #tpu.memory_space<semaphore_mem>>) {add = true}
      %sub3A_84 = arith.constant 1 : i32
      %sub3A_85 = arith.subi %add3A_77, %sub3A_84 : i32
      %ge3A_86 = arith.constant 0 : i32
      %ge3A_87 = arith.cmpi sge, %sub3A_85, %ge3A_86 : i32
      %convert_element_type3A_88 = arith.extui %ge3A_87 : i1 to i32
      %cond3A_89 = arith.constant 0 : i32
      %cond3A_90 = arith.cmpi ne, %convert_element_type3A_88, %cond3A_89 : i32
      scf.if %cond3A_90 {
        %dma_wait3A_147 = arith.constant 0 : i32
        %dma_wait3A_148 = tpu.memref_slice %arg13[%dma_wait3A_147] : memref<10240xf32, #tpu.memory_space<vmem_shared>> -> memref<10240xf32, #tpu.memory_space<vmem_shared>>
        tpu.wait_indirect_dma semaphore(%arg18 : memref<!tpu.dma_semaphore, #tpu.memory_space<semaphore_mem>>) src(%arg9 : memref<112xf32, #tpu.memory_space<vmem>>) dst(%dma_wait3A_148 : memref<10240xf32, #tpu.memory_space<vmem_shared>>)
      } else {
      }
      %add3A_91 = arith.constant 3 : i32
      %add3A_92 = arith.addi %add3A_77, %add3A_91 : i32
      %lt3A_93 = arith.constant 180 : i32
      %lt3A_94 = arith.cmpi slt, %add3A_92, %lt3A_93 : i32
      %convert_element_type3A_95 = arith.extui %lt3A_94 : i1 to i32
      %cond3A_96 = arith.constant 0 : i32
      %cond3A_97 = arith.cmpi ne, %convert_element_type3A_95, %cond3A_96 : i32
      scf.if %cond3A_97 {
        %add3A_147 = arith.constant 3 : i32
        %add3A_148 = arith.addi %add3A_77, %add3A_147 : i32
        %mul3A_149 = arith.constant 112 : i32
        %mul3A_150 = arith.muli %add3A_148, %mul3A_149 : i32
        %add3A_151 = arith.addi %mul3A_23, %mul3A_150 : i32
        %dma_start3A_152 = tpu.memref_slice %arg2[%add3A_151] : memref<322560xi32, #tpu.memory_space<hbm>> -> memref<112xi32, #tpu.memory_space<hbm>>
        %dma_start3A_153 = tpu.memref_slice %arg2[%add3A_151] : memref<322560xi32, #tpu.memory_space<hbm>> -> memref<112xi32, #tpu.memory_space<hbm>>
        tpu.enqueue_dma source(%dma_start3A_153 : memref<112xi32, #tpu.memory_space<hbm>>) target(%arg5 : memref<112xi32, #tpu.memory_space<vmem>>) target_semaphore(%arg14 : memref<!tpu.dma_semaphore, #tpu.memory_space<semaphore_mem>>)
      } else {
      }
      %mul3A_98 = arith.constant 4 : i32
      %mul3A_99 = arith.muli %scan3A_53, %mul3A_98 : i32
      %add3A_100 = arith.constant 2 : i32
      %add3A_101 = arith.addi %mul3A_99, %add3A_100 : i32
      %dma_wait3A_102 = arith.constant 0 : i32
      %dma_wait3A_103 = tpu.memref_slice %arg2[%dma_wait3A_102] : memref<322560xi32, #tpu.memory_space<hbm>> -> memref<112xi32, #tpu.memory_space<hbm>>
      %dma_wait3A_104 = arith.constant 0 : i32
      %dma_wait3A_105 = tpu.memref_slice %arg2[%dma_wait3A_104] : memref<322560xi32, #tpu.memory_space<hbm>> -> memref<112xi32, #tpu.memory_space<hbm>>
      tpu.wait_dma2 semaphore(%arg16 : memref<!tpu.dma_semaphore, #tpu.memory_space<semaphore_mem>>) src(%dma_wait3A_105 : memref<112xi32, #tpu.memory_space<hbm>>) dst(%arg7 : memref<112xi32, #tpu.memory_space<vmem>>)
      %dma_start3A_106 = arith.constant 0 : i32
      %dma_start3A_107 = tpu.memref_slice %arg13[%dma_start3A_106] : memref<10240xf32, #tpu.memory_space<vmem_shared>> -> memref<10240xf32, #tpu.memory_space<vmem_shared>>
      tpu.enqueue_indirect_dma source(%arg9 : memref<112xf32, #tpu.memory_space<vmem>>) target(%dma_start3A_107 : memref<10240xf32, #tpu.memory_space<vmem_shared>>) offsets(%arg7 : memref<112xi32, #tpu.memory_space<vmem>>) semaphore(%arg20 : memref<!tpu.dma_semaphore, #tpu.memory_space<semaphore_mem>>) {add = true}
      %sub3A_108 = arith.constant 1 : i32
      %sub3A_109 = arith.subi %add3A_101, %sub3A_108 : i32
      %ge3A_110 = arith.constant 0 : i32
      %ge3A_111 = arith.cmpi sge, %sub3A_109, %ge3A_110 : i32
      %convert_element_type3A_112 = arith.extui %ge3A_111 : i1 to i32
      %cond3A_113 = arith.constant 0 : i32
      %cond3A_114 = arith.cmpi ne, %convert_element_type3A_112, %cond3A_113 : i32
      scf.if %cond3A_114 {
        %dma_wait3A_147 = arith.constant 0 : i32
        %dma_wait3A_148 = tpu.memref_slice %arg13[%dma_wait3A_147] : memref<10240xf32, #tpu.memory_space<vmem_shared>> -> memref<10240xf32, #tpu.memory_space<vmem_shared>>
        tpu.wait_indirect_dma semaphore(%arg19 : memref<!tpu.dma_semaphore, #tpu.memory_space<semaphore_mem>>) src(%arg9 : memref<112xf32, #tpu.memory_space<vmem>>) dst(%dma_wait3A_148 : memref<10240xf32, #tpu.memory_space<vmem_shared>>)
      } else {
      }
      %add3A_115 = arith.constant 3 : i32
      %add3A_116 = arith.addi %add3A_101, %add3A_115 : i32
      %lt3A_117 = arith.constant 180 : i32
      %lt3A_118 = arith.cmpi slt, %add3A_116, %lt3A_117 : i32
      %convert_element_type3A_119 = arith.extui %lt3A_118 : i1 to i32
      %cond3A_120 = arith.constant 0 : i32
      %cond3A_121 = arith.cmpi ne, %convert_element_type3A_119, %cond3A_120 : i32
      scf.if %cond3A_121 {
        %add3A_147 = arith.constant 3 : i32
        %add3A_148 = arith.addi %add3A_101, %add3A_147 : i32
        %mul3A_149 = arith.constant 112 : i32
        %mul3A_150 = arith.muli %add3A_148, %mul3A_149 : i32
        %add3A_151 = arith.addi %mul3A_23, %mul3A_150 : i32
        %dma_start3A_152 = tpu.memref_slice %arg2[%add3A_151] : memref<322560xi32, #tpu.memory_space<hbm>> -> memref<112xi32, #tpu.memory_space<hbm>>
        %dma_start3A_153 = tpu.memref_slice %arg2[%add3A_151] : memref<322560xi32, #tpu.memory_space<hbm>> -> memref<112xi32, #tpu.memory_space<hbm>>
        tpu.enqueue_dma source(%dma_start3A_153 : memref<112xi32, #tpu.memory_space<hbm>>) target(%arg6 : memref<112xi32, #tpu.memory_space<vmem>>) target_semaphore(%arg15 : memref<!tpu.dma_semaphore, #tpu.memory_space<semaphore_mem>>)
      } else {
      }
      %mul3A_122 = arith.constant 4 : i32
      %mul3A_123 = arith.muli %scan3A_53, %mul3A_122 : i32
      %add3A_124 = arith.constant 3 : i32
      %add3A_125 = arith.addi %mul3A_123, %add3A_124 : i32
      %dma_wait3A_126 = arith.constant 0 : i32
      %dma_wait3A_127 = tpu.memref_slice %arg2[%dma_wait3A_126] : memref<322560xi32, #tpu.memory_space<hbm>> -> memref<112xi32, #tpu.memory_space<hbm>>
      %dma_wait3A_128 = arith.constant 0 : i32
      %dma_wait3A_129 = tpu.memref_slice %arg2[%dma_wait3A_128] : memref<322560xi32, #tpu.memory_space<hbm>> -> memref<112xi32, #tpu.memory_space<hbm>>
      tpu.wait_dma2 semaphore(%arg17 : memref<!tpu.dma_semaphore, #tpu.memory_space<semaphore_mem>>) src(%dma_wait3A_129 : memref<112xi32, #tpu.memory_space<hbm>>) dst(%arg8 : memref<112xi32, #tpu.memory_space<vmem>>)
      %dma_start3A_130 = arith.constant 0 : i32
      %dma_start3A_131 = tpu.memref_slice %arg13[%dma_start3A_130] : memref<10240xf32, #tpu.memory_space<vmem_shared>> -> memref<10240xf32, #tpu.memory_space<vmem_shared>>
      tpu.enqueue_indirect_dma source(%arg9 : memref<112xf32, #tpu.memory_space<vmem>>) target(%dma_start3A_131 : memref<10240xf32, #tpu.memory_space<vmem_shared>>) offsets(%arg8 : memref<112xi32, #tpu.memory_space<vmem>>) semaphore(%arg21 : memref<!tpu.dma_semaphore, #tpu.memory_space<semaphore_mem>>) {add = true}
      %sub3A_132 = arith.constant 1 : i32
      %sub3A_133 = arith.subi %add3A_125, %sub3A_132 : i32
      %ge3A_134 = arith.constant 0 : i32
      %ge3A_135 = arith.cmpi sge, %sub3A_133, %ge3A_134 : i32
      %convert_element_type3A_136 = arith.extui %ge3A_135 : i1 to i32
      %cond3A_137 = arith.constant 0 : i32
      %cond3A_138 = arith.cmpi ne, %convert_element_type3A_136, %cond3A_137 : i32
      scf.if %cond3A_138 {
        %dma_wait3A_147 = arith.constant 0 : i32
        %dma_wait3A_148 = tpu.memref_slice %arg13[%dma_wait3A_147] : memref<10240xf32, #tpu.memory_space<vmem_shared>> -> memref<10240xf32, #tpu.memory_space<vmem_shared>>
        tpu.wait_indirect_dma semaphore(%arg20 : memref<!tpu.dma_semaphore, #tpu.memory_space<semaphore_mem>>) src(%arg9 : memref<112xf32, #tpu.memory_space<vmem>>) dst(%dma_wait3A_148 : memref<10240xf32, #tpu.memory_space<vmem_shared>>)
      } else {
      }
      %add3A_139 = arith.constant 3 : i32
      %add3A_140 = arith.addi %add3A_125, %add3A_139 : i32
      %lt3A_141 = arith.constant 180 : i32
      %lt3A_142 = arith.cmpi slt, %add3A_140, %lt3A_141 : i32
      %convert_element_type3A_143 = arith.extui %lt3A_142 : i1 to i32
      %cond3A_144 = arith.constant 0 : i32
      %cond3A_145 = arith.cmpi ne, %convert_element_type3A_143, %cond3A_144 : i32
      scf.if %cond3A_145 {
        %add3A_147 = arith.constant 3 : i32
        %add3A_148 = arith.addi %add3A_125, %add3A_147 : i32
        %mul3A_149 = arith.constant 112 : i32
        %mul3A_150 = arith.muli %add3A_148, %mul3A_149 : i32
        %add3A_151 = arith.addi %mul3A_23, %mul3A_150 : i32
        %dma_start3A_152 = tpu.memref_slice %arg2[%add3A_151] : memref<322560xi32, #tpu.memory_space<hbm>> -> memref<112xi32, #tpu.memory_space<hbm>>
        %dma_start3A_153 = tpu.memref_slice %arg2[%add3A_151] : memref<322560xi32, #tpu.memory_space<hbm>> -> memref<112xi32, #tpu.memory_space<hbm>>
        tpu.enqueue_dma source(%dma_start3A_153 : memref<112xi32, #tpu.memory_space<hbm>>) target(%arg7 : memref<112xi32, #tpu.memory_space<vmem>>) target_semaphore(%arg16 : memref<!tpu.dma_semaphore, #tpu.memory_space<semaphore_mem>>)
      } else {
      }
      %scan3A_146 = arith.constant 0 : i32
      scf.yield %scan3A_146 : i32
    }
    %scan3A_41 = arith.constant 45 : i32
    %dma_wait3A = arith.constant 0 : i32
    %dma_wait3A_42 = tpu.memref_slice %arg13[%dma_wait3A] : memref<10240xf32, #tpu.memory_space<vmem_shared>> -> memref<10240xf32, #tpu.memory_space<vmem_shared>>
    tpu.wait_indirect_dma semaphore(%arg21 : memref<!tpu.dma_semaphore, #tpu.memory_space<semaphore_mem>>) src(%arg9 : memref<112xf32, #tpu.memory_space<vmem>>) dst(%dma_wait3A_42 : memref<10240xf32, #tpu.memory_space<vmem_shared>>)
    %barrier3A_43 = arith.constant 0 : index
    tpu.barrier barrier_id(%barrier3A_43)
    %mul3A_44 = arith.constant 320 : i32
    %mul3A_45 = arith.muli %add3A, %mul3A_44 : i32
    "tpu.region"() ({
      %run_scoped3A = tpu.sem_alloc : memref<!tpu.dma_semaphore, #tpu.memory_space<semaphore_mem>>
      %dma_start3A_53 = tpu.memref_slice %arg13[%mul3A_45] : memref<10240xf32, #tpu.memory_space<vmem_shared>> -> memref<320xf32, #tpu.memory_space<vmem_shared>>
      %dma_start3A_54 = tpu.memref_slice %arg13[%mul3A_45] : memref<10240xf32, #tpu.memory_space<vmem_shared>> -> memref<320xf32, #tpu.memory_space<vmem_shared>>
      tpu.enqueue_dma source(%dma_start3A_54 : memref<320xf32, #tpu.memory_space<vmem_shared>>) target(%arg10 : memref<320xf32, #tpu.memory_space<vmem>>) target_semaphore(%run_scoped3A : memref<!tpu.dma_semaphore, #tpu.memory_space<semaphore_mem>>)
      %dma_wait3A_55 = tpu.memref_slice %arg13[%mul3A_45] : memref<10240xf32, #tpu.memory_space<vmem_shared>> -> memref<320xf32, #tpu.memory_space<vmem_shared>>
      %dma_wait3A_56 = tpu.memref_slice %arg13[%mul3A_45] : memref<10240xf32, #tpu.memory_space<vmem_shared>> -> memref<320xf32, #tpu.memory_space<vmem_shared>>
      tpu.wait_dma2 semaphore(%run_scoped3A : memref<!tpu.dma_semaphore, #tpu.memory_space<semaphore_mem>>) src(%dma_wait3A_56 : memref<320xf32, #tpu.memory_space<vmem_shared>>) dst(%arg10 : memref<320xf32, #tpu.memory_space<vmem>>)
      tpu.yield
    }) : () -> ()
    %scan3A_46 = arith.constant 0 : i32
    %scan3A_47 = arith.constant 0 : i32
    %scan3A_48 = arith.constant 20 : i32
    %scan3A_49 = arith.addi %scan3A_47, %scan3A_48 : i32
    %scan3A_50 = arith.constant 1 : i32
    %scan3A_51 = scf.for %scan3A_53 = %scan3A_47 to %scan3A_49 step %scan3A_50 iter_args(%scan3A_54 = %scan3A_46) -> (i32)  : i32 {
      %mul3A_55 = arith.constant 16 : i32
      %mul3A_56 = arith.muli %scan3A_53, %mul3A_55 : i32
      %get3A = arith.index_cast %mul3A_56 : i32 to index
      %get3A_57 = tpu.vector_load %arg10[%get3A] {strides = array<i32>} : memref<320xf32, #tpu.memory_space<vmem>>, vector<16xf32>,
      %get3A_58 = vector.shape_cast %get3A_57 : vector<16xf32> to vector<16xf32>
      %add3A_59 = arith.constant 1.000000e+00 : f32
      %add3A_60 = vector.broadcast %add3A_59 : f32 to vector<16xf32>
      %add3A_61 = arith.addf %get3A_58, %add3A_60 : vector<16xf32>
      %bitcast_convert_type3A = tpu.bitcast %add3A_61 : vector<16xf32> -> vector<16xi32>
      %shift_right_arithmetic3A = arith.constant 1 : i32
      %shift_right_arithmetic3A_62 = vector.broadcast %shift_right_arithmetic3A : i32 to vector<16xi32>
      %shift_right_arithmetic3A_63 = arith.shrsi %bitcast_convert_type3A, %shift_right_arithmetic3A_62 : vector<16xi32>
      %sub3A = arith.constant 1597463007 : i32
      %sub3A_64 = vector.broadcast %sub3A : i32 to vector<16xi32>
      %sub3A_65 = arith.subi %sub3A_64, %shift_right_arithmetic3A_63 : vector<16xi32>
      %bitcast_convert_type3A_66 = tpu.bitcast %sub3A_65 : vector<16xi32> -> vector<16xf32>
      %mul3A_67 = arith.constant 5.000000e-01 : f32
      %mul3A_68 = vector.broadcast %mul3A_67 : f32 to vector<16xf32>
      %mul3A_69 = arith.mulf %mul3A_68, %add3A_61 : vector<16xf32>
      %mul3A_70 = arith.mulf %mul3A_69, %bitcast_convert_type3A_66 : vector<16xf32>
      %mul3A_71 = arith.mulf %mul3A_70, %bitcast_convert_type3A_66 : vector<16xf32>
      %sub3A_72 = arith.constant 1.500000e+00 : f32
      %sub3A_73 = vector.broadcast %sub3A_72 : f32 to vector<16xf32>
      %sub3A_74 = arith.subf %sub3A_73, %mul3A_71 : vector<16xf32>
      %mul3A_75 = arith.mulf %bitcast_convert_type3A_66, %sub3A_74 : vector<16xf32>
      %mul3A_76 = arith.constant 5.000000e-01 : f32
      %mul3A_77 = vector.broadcast %mul3A_76 : f32 to vector<16xf32>
      %mul3A_78 = arith.mulf %mul3A_77, %add3A_61 : vector<16xf32>
      %mul3A_79 = arith.mulf %mul3A_78, %mul3A_75 : vector<16xf32>
      %mul3A_80 = arith.mulf %mul3A_79, %mul3A_75 : vector<16xf32>
      %sub3A_81 = arith.constant 1.500000e+00 : f32
      %sub3A_82 = vector.broadcast %sub3A_81 : f32 to vector<16xf32>
      %sub3A_83 = arith.subf %sub3A_82, %mul3A_80 : vector<16xf32>
      %mul3A_84 = arith.mulf %mul3A_75, %sub3A_83 : vector<16xf32>
      %mul3A_85 = arith.constant 5.000000e-01 : f32
      %mul3A_86 = vector.broadcast %mul3A_85 : f32 to vector<16xf32>
      %mul3A_87 = arith.mulf %mul3A_86, %add3A_61 : vector<16xf32>
      %mul3A_88 = arith.mulf %mul3A_87, %mul3A_84 : vector<16xf32>
      %mul3A_89 = arith.mulf %mul3A_88, %mul3A_84 : vector<16xf32>
      %sub3A_90 = arith.constant 1.500000e+00 : f32
      %sub3A_91 = vector.broadcast %sub3A_90 : f32 to vector<16xf32>
      %sub3A_92 = arith.subf %sub3A_91, %mul3A_89 : vector<16xf32>
      %mul3A_93 = arith.mulf %mul3A_84, %sub3A_92 : vector<16xf32>
      %gt3A = arith.constant 0.000000e+00 : f32
      %gt3A_94 = vector.broadcast %gt3A : f32 to vector<16xf32>
      %gt3A_95 = arith.cmpf ogt, %get3A_58, %gt3A_94 : vector<16xf32>
      %max3A = arith.constant 1.000000e+00 : f32
      %max3A_96 = vector.broadcast %max3A : f32 to vector<16xf32>
      %max3A_97 = arith.maximumf %get3A_58, %max3A_96 : vector<16xf32>
      %bitcast_convert_type3A_98 = tpu.bitcast %max3A_97 : vector<16xf32> -> vector<16xi32>
      %shift_right_arithmetic3A_99 = arith.constant 1 : i32
      %shift_right_arithmetic3A_100 = vector.broadcast %shift_right_arithmetic3A_99 : i32 to vector<16xi32>
      %shift_right_arithmetic3A_101 = arith.shrsi %bitcast_convert_type3A_98, %shift_right_arithmetic3A_100 : vector<16xi32>
      %sub3A_102 = arith.constant 1597463007 : i32
      %sub3A_103 = vector.broadcast %sub3A_102 : i32 to vector<16xi32>
      %sub3A_104 = arith.subi %sub3A_103, %shift_right_arithmetic3A_101 : vector<16xi32>
      %bitcast_convert_type3A_105 = tpu.bitcast %sub3A_104 : vector<16xi32> -> vector<16xf32>
      %mul3A_106 = arith.constant 5.000000e-01 : f32
      %mul3A_107 = vector.broadcast %mul3A_106 : f32 to vector<16xf32>
      %mul3A_108 = arith.mulf %mul3A_107, %max3A_97 : vector<16xf32>
      %mul3A_109 = arith.mulf %mul3A_108, %bitcast_convert_type3A_105 : vector<16xf32>
      %mul3A_110 = arith.mulf %mul3A_109, %bitcast_convert_type3A_105 : vector<16xf32>
      %sub3A_111 = arith.constant 1.500000e+00 : f32
      %sub3A_112 = vector.broadcast %sub3A_111 : f32 to vector<16xf32>
      %sub3A_113 = arith.subf %sub3A_112, %mul3A_110 : vector<16xf32>
      %mul3A_114 = arith.mulf %bitcast_convert_type3A_105, %sub3A_113 : vector<16xf32>
      %mul3A_115 = arith.constant 5.000000e-01 : f32
      %mul3A_116 = vector.broadcast %mul3A_115 : f32 to vector<16xf32>
      %mul3A_117 = arith.mulf %mul3A_116, %max3A_97 : vector<16xf32>
      %mul3A_118 = arith.mulf %mul3A_117, %mul3A_114 : vector<16xf32>
      %mul3A_119 = arith.mulf %mul3A_118, %mul3A_114 : vector<16xf32>
      %sub3A_120 = arith.constant 1.500000e+00 : f32
      %sub3A_121 = vector.broadcast %sub3A_120 : f32 to vector<16xf32>
      %sub3A_122 = arith.subf %sub3A_121, %mul3A_119 : vector<16xf32>
      %mul3A_123 = arith.mulf %mul3A_114, %sub3A_122 : vector<16xf32>
      %mul3A_124 = arith.constant 5.000000e-01 : f32
      %mul3A_125 = vector.broadcast %mul3A_124 : f32 to vector<16xf32>
      %mul3A_126 = arith.mulf %mul3A_125, %max3A_97 : vector<16xf32>
      %mul3A_127 = arith.mulf %mul3A_126, %mul3A_123 : vector<16xf32>
      %mul3A_128 = arith.mulf %mul3A_127, %mul3A_123 : vector<16xf32>
      %sub3A_129 = arith.constant 1.500000e+00 : f32
      %sub3A_130 = vector.broadcast %sub3A_129 : f32 to vector<16xf32>
      %sub3A_131 = arith.subf %sub3A_130, %mul3A_128 : vector<16xf32>
      %mul3A_132 = arith.mulf %mul3A_123, %sub3A_131 : vector<16xf32>
      %jit3A = arith.constant 0.000000e+00 : f32
      %broadcast_in_dim3A = vector.broadcast %jit3A : f32 to vector<16xf32>
      %select_n3A = arith.select %gt3A_95, %mul3A_132, %broadcast_in_dim3A : vector<16xi1>, vector<16xf32>
      %mul3A_133 = arith.constant 16 : i32
      %mul3A_134 = arith.muli %scan3A_53, %mul3A_133 : i32
      %swap3A = arith.index_cast %mul3A_134 : i32 to index
      %swap3A_135 = tpu.vector_load %arg11[%swap3A] {strides = array<i32>} : memref<320xf32, #tpu.memory_space<vmem>>, vector<16xf32>,
      %swap3A_136 = vector.shape_cast %swap3A_135 : vector<16xf32> to vector<16xf32>
      %swap3A_137 = vector.shape_cast %mul3A_93 : vector<16xf32> to vector<16xf32>
      tpu.vector_store %arg11[%swap3A], %swap3A_137 {strides = array<i32>} : memref<320xf32, #tpu.memory_space<vmem>>, vector<16xf32>,
      %mul3A_138 = arith.constant 16 : i32
      %mul3A_139 = arith.muli %scan3A_53, %mul3A_138 : i32
      %swap3A_140 = arith.index_cast %mul3A_139 : i32 to index
      %swap3A_141 = tpu.vector_load %arg12[%swap3A_140] {strides = array<i32>} : memref<320xf32, #tpu.memory_space<vmem>>, vector<16xf32>,
      %swap3A_142 = vector.shape_cast %swap3A_141 : vector<16xf32> to vector<16xf32>
      %swap3A_143 = vector.shape_cast %select_n3A : vector<16xf32> to vector<16xf32>
      tpu.vector_store %arg12[%swap3A_140], %swap3A_143 {strides = array<i32>} : memref<320xf32, #tpu.memory_space<vmem>>, vector<16xf32>,
      %scan3A_144 = arith.constant 0 : i32
      scf.yield %scan3A_144 : i32
    }
    %scan3A_52 = arith.constant 20 : i32
    "tpu.region"() ({
      %run_scoped3A = tpu.sem_alloc : memref<!tpu.dma_semaphore, #tpu.memory_space<semaphore_mem>>
      %dma_start3A_53 = tpu.memref_slice %arg3[%mul3A_45] : memref<10240xf32, #tpu.memory_space<hbm>> -> memref<320xf32, #tpu.memory_space<hbm>>
      %dma_start3A_54 = tpu.memref_slice %arg3[%mul3A_45] : memref<10240xf32, #tpu.memory_space<hbm>> -> memref<320xf32, #tpu.memory_space<hbm>>
      tpu.enqueue_dma source(%arg11 : memref<320xf32, #tpu.memory_space<vmem>>) target(%dma_start3A_54 : memref<320xf32, #tpu.memory_space<hbm>>) target_semaphore(%run_scoped3A : memref<!tpu.dma_semaphore, #tpu.memory_space<semaphore_mem>>)
      %dma_wait3A_55 = tpu.memref_slice %arg3[%mul3A_45] : memref<10240xf32, #tpu.memory_space<hbm>> -> memref<320xf32, #tpu.memory_space<hbm>>
      %dma_wait3A_56 = tpu.memref_slice %arg3[%mul3A_45] : memref<10240xf32, #tpu.memory_space<hbm>> -> memref<320xf32, #tpu.memory_space<hbm>>
      tpu.wait_dma2 semaphore(%run_scoped3A : memref<!tpu.dma_semaphore, #tpu.memory_space<semaphore_mem>>) src(%arg11 : memref<320xf32, #tpu.memory_space<vmem>>) dst(%dma_wait3A_56 : memref<320xf32, #tpu.memory_space<hbm>>)
      tpu.yield
    }) : () -> ()
    "tpu.region"() ({
      %run_scoped3A = tpu.sem_alloc : memref<!tpu.dma_semaphore, #tpu.memory_space<semaphore_mem>>
      %dma_start3A_53 = tpu.memref_slice %arg4[%mul3A_45] : memref<10240xf32, #tpu.memory_space<hbm>> -> memref<320xf32, #tpu.memory_space<hbm>>
      %dma_start3A_54 = tpu.memref_slice %arg4[%mul3A_45] : memref<10240xf32, #tpu.memory_space<hbm>> -> memref<320xf32, #tpu.memory_space<hbm>>
      tpu.enqueue_dma source(%arg12 : memref<320xf32, #tpu.memory_space<vmem>>) target(%dma_start3A_54 : memref<320xf32, #tpu.memory_space<hbm>>) target_semaphore(%run_scoped3A : memref<!tpu.dma_semaphore, #tpu.memory_space<semaphore_mem>>)
      %dma_wait3A_55 = tpu.memref_slice %arg4[%mul3A_45] : memref<10240xf32, #tpu.memory_space<hbm>> -> memref<320xf32, #tpu.memory_space<hbm>>
      %dma_wait3A_56 = tpu.memref_slice %arg4[%mul3A_45] : memref<10240xf32, #tpu.memory_space<hbm>> -> memref<320xf32, #tpu.memory_space<hbm>>
      tpu.wait_dma2 semaphore(%run_scoped3A : memref<!tpu.dma_semaphore, #tpu.memory_space<semaphore_mem>>) src(%arg12 : memref<320xf32, #tpu.memory_space<vmem>>) dst(%dma_wait3A_56 : memref<320xf32, #tpu.memory_space<hbm>>)
      tpu.yield
    }) : () -> ()
    return
  }
}

#map = affine_map<(d0, d1) -> (0, 0, 0)>
#map1 = affine_map<(d0, d1) -> (0, 0)>
module attributes {stable_mosaic.version = 14 : i64} {
  func.func @propagate(%arg0: i32, %arg1: i32, %arg2: memref<2880x2x112xi32, #tpu.memory_space<hbm>>, %arg3: memref<10240x128xf32, #tpu.memory_space<hbm>>, %arg4: memref<10240x128xf32, #tpu.memory_space<hbm>>, %arg5: memref<10240x128xf32, #tpu.memory_space<hbm>>, %arg6: memref<2x112xi32, #tpu.memory_space<vmem>>, %arg7: memref<2x112xi32, #tpu.memory_space<vmem>>, %arg8: memref<2x112xi32, #tpu.memory_space<vmem>>, %arg9: memref<2x112xi32, #tpu.memory_space<vmem>>, %arg10: memref<2x112xi32, #tpu.memory_space<vmem>>, %arg11: memref<2x112xi32, #tpu.memory_space<vmem>>, %arg12: memref<112x128xf32, #tpu.memory_space<vmem>>, %arg13: memref<112x128xf32, #tpu.memory_space<vmem>>, %arg14: memref<112x128xf32, #tpu.memory_space<vmem>>, %arg15: memref<10240x128xf32, #tpu.memory_space<vmem_shared>>, %arg16: memref<!tpu.dma_semaphore, #tpu.memory_space<semaphore_mem>>, %arg17: memref<!tpu.dma_semaphore, #tpu.memory_space<semaphore_mem>>, %arg18: memref<!tpu.dma_semaphore, #tpu.memory_space<semaphore_mem>>, %arg19: memref<!tpu.dma_semaphore, #tpu.memory_space<semaphore_mem>>, %arg20: memref<!tpu.dma_semaphore, #tpu.memory_space<semaphore_mem>>, %arg21: memref<!tpu.dma_semaphore, #tpu.memory_space<semaphore_mem>>, %arg22: memref<!tpu.dma_semaphore, #tpu.memory_space<semaphore_mem>>, %arg23: memref<!tpu.dma_semaphore, #tpu.memory_space<semaphore_mem>>, %arg24: memref<!tpu.dma_semaphore, #tpu.memory_space<semaphore_mem>>, %arg25: memref<!tpu.dma_semaphore, #tpu.memory_space<semaphore_mem>>, %arg26: memref<!tpu.dma_semaphore, #tpu.memory_space<semaphore_mem>>, %arg27: memref<!tpu.dma_semaphore, #tpu.memory_space<semaphore_mem>>) attributes {dimension_semantics = [#tpu.dimension_semantics<core_parallel>, #tpu.dimension_semantics<subcore_parallel>], iteration_bounds = array<i64: 2, 16>, scalar_prefetch = 0 : i64, scratch_operands = 22 : i64, tpu.core_type = #tpu.core_type<sc_vector_subcore>, window_params = [{transform_indices = #map}, {transform_indices = #map1}, {transform_indices = #map1}, {transform_indices = #map1}]} {
    %broadcast_in_dim3A = arith.constant 0.000000e+00 : f32
    %broadcast_in_dim3A_0 = vector.broadcast %broadcast_in_dim3A : f32 to vector<16xf32>
    %scan3A = arith.constant 0 : i32
    %scan3A_1 = arith.constant 0 : i32
    %scan3A_2 = arith.constant 896 : i32
    %scan3A_3 = arith.addi %scan3A_1, %scan3A_2 : i32
    %scan3A_4 = arith.constant 1 : i32
    %scan3A_5 = scf.for %scan3A_152 = %scan3A_1 to %scan3A_3 step %scan3A_4 iter_args(%scan3A_153 = %scan3A) -> (i32)  : i32 {
      %jit3A_154 = arith.constant 8 : i32
      %div3A = arith.divsi %scan3A_152, %jit3A_154 : i32
      %sign3A = arith.constant 0 : i32
      %sign3A_155 = arith.cmpi sgt, %scan3A_152, %sign3A : i32
      %sign3A_156 = arith.extui %sign3A_155 : i1 to i32
      %sign3A_157 = arith.constant 0 : i32
      %sign3A_158 = arith.cmpi slt, %scan3A_152, %sign3A_157 : i32
      %sign3A_159 = arith.extui %sign3A_158 : i1 to i32
      %sign3A_160 = arith.subi %sign3A_156, %sign3A_159 : i32
      %sign3A_161 = arith.constant 0 : i32
      %sign3A_162 = arith.cmpi sgt, %jit3A_154, %sign3A_161 : i32
      %sign3A_163 = arith.extui %sign3A_162 : i1 to i32
      %sign3A_164 = arith.constant 0 : i32
      %sign3A_165 = arith.cmpi slt, %jit3A_154, %sign3A_164 : i32
      %sign3A_166 = arith.extui %sign3A_165 : i1 to i32
      %sign3A_167 = arith.subi %sign3A_163, %sign3A_166 : i32
      %ne3A = arith.cmpi ne, %sign3A_160, %sign3A_167 : i32
      %rem3A = arith.remsi %scan3A_152, %jit3A_154 : i32
      %ne3A_168 = arith.constant 0 : i32
      %ne3A_169 = arith.cmpi ne, %rem3A, %ne3A_168 : i32
      %and3A = arith.andi %ne3A, %ne3A_169 : i1
      %sub3A = arith.constant 1 : i32
      %sub3A_170 = arith.subi %div3A, %sub3A : i32
      %select_n3A_171 = arith.select %and3A, %sub3A_170, %div3A : i32
      %jit3A_172 = arith.constant 8 : i32
      %eq3A_173 = arith.constant 0 : i32
      %eq3A_174 = arith.cmpi eq, %jit3A_172, %eq3A_173 : i32
      %jit3A_175 = arith.constant 1 : i32
      %select_n3A_176 = arith.select %eq3A_174, %jit3A_175, %jit3A_172 : i32
      %rem3A_177 = arith.remsi %scan3A_152, %select_n3A_176 : i32
      %ne3A_178 = arith.constant 0 : i32
      %ne3A_179 = arith.cmpi ne, %rem3A_177, %ne3A_178 : i32
      %lt3A = arith.constant 0 : i32
      %lt3A_180 = arith.cmpi slt, %rem3A_177, %lt3A : i32
      %lt3A_181 = arith.constant 0 : i32
      %lt3A_182 = arith.cmpi slt, %select_n3A_176, %lt3A_181 : i32
      %ne3A_183 = arith.xori %lt3A_180, %lt3A_182 : i1
      %and3A_184 = arith.andi %ne3A_183, %ne3A_179 : i1
      %add3A_185 = arith.addi %rem3A_177, %select_n3A_176 : i32
      %select_n3A_186 = arith.select %and3A_184, %add3A_185, %rem3A_177 : i32
      %mul3A_187 = arith.constant 16 : i32
      %mul3A_188 = arith.muli %select_n3A_186, %mul3A_187 : i32
      %swap3A = arith.index_cast %select_n3A_171 : i32 to index
      %swap3A_189 = arith.index_cast %mul3A_188 : i32 to index
      %swap3A_190 = tpu.vector_load %arg12[%swap3A, %swap3A_189] {strides = array<i32>} : memref<112x128xf32, #tpu.memory_space<vmem>>, vector<1x16xf32>,
      %swap3A_191 = vector.shape_cast %swap3A_190 : vector<1x16xf32> to vector<16xf32>
      %swap3A_192 = vector.shape_cast %broadcast_in_dim3A_0 : vector<16xf32> to vector<1x16xf32>
      tpu.vector_store %arg12[%swap3A, %swap3A_189], %swap3A_192 {strides = array<i32>} : memref<112x128xf32, #tpu.memory_space<vmem>>, vector<1x16xf32>,
      %scan3A_193 = arith.constant 0 : i32
      scf.yield %scan3A_193 : i32
    }
    %scan3A_6 = arith.constant 896 : i32
    %mul3A = arith.constant 640 : i32
    %mul3A_7 = arith.muli %arg1, %mul3A : i32
    %add3A = arith.constant 0 : i32
    %add3A_8 = arith.addi %mul3A_7, %add3A : i32
    "tpu.region"() ({
      %run_scoped3A = tpu.sem_alloc : memref<!tpu.dma_semaphore, #tpu.memory_space<semaphore_mem>>
      %dma_start3A_152 = arith.constant 0 : i32
      %dma_start3A_153 = tpu.memref_slice %arg15[%add3A_8, %dma_start3A_152] : memref<10240x128xf32, #tpu.memory_space<vmem_shared>> -> memref<112x128xf32, #tpu.memory_space<vmem_shared>>
      %dma_start3A_154 = arith.constant 0 : i32
      %dma_start3A_155 = tpu.memref_slice %arg15[%add3A_8, %dma_start3A_154] : memref<10240x128xf32, #tpu.memory_space<vmem_shared>> -> memref<112x128xf32, #tpu.memory_space<vmem_shared>>
      tpu.enqueue_dma source(%arg12 : memref<112x128xf32, #tpu.memory_space<vmem>>) target(%dma_start3A_155 : memref<112x128xf32, #tpu.memory_space<vmem_shared>>) target_semaphore(%run_scoped3A : memref<!tpu.dma_semaphore, #tpu.memory_space<semaphore_mem>>)
      %dma_wait3A_156 = arith.constant 0 : i32
      %dma_wait3A_157 = tpu.memref_slice %arg15[%add3A_8, %dma_wait3A_156] : memref<10240x128xf32, #tpu.memory_space<vmem_shared>> -> memref<112x128xf32, #tpu.memory_space<vmem_shared>>
      %dma_wait3A_158 = arith.constant 0 : i32
      %dma_wait3A_159 = tpu.memref_slice %arg15[%add3A_8, %dma_wait3A_158] : memref<10240x128xf32, #tpu.memory_space<vmem_shared>> -> memref<112x128xf32, #tpu.memory_space<vmem_shared>>
      tpu.wait_dma2 semaphore(%run_scoped3A : memref<!tpu.dma_semaphore, #tpu.memory_space<semaphore_mem>>) src(%arg12 : memref<112x128xf32, #tpu.memory_space<vmem>>) dst(%dma_wait3A_159 : memref<112x128xf32, #tpu.memory_space<vmem_shared>>)
      tpu.yield
    }) : () -> ()
    %mul3A_9 = arith.constant 640 : i32
    %mul3A_10 = arith.muli %arg1, %mul3A_9 : i32
    %add3A_11 = arith.constant 112 : i32
    %add3A_12 = arith.addi %mul3A_10, %add3A_11 : i32
    "tpu.region"() ({
      %run_scoped3A = tpu.sem_alloc : memref<!tpu.dma_semaphore, #tpu.memory_space<semaphore_mem>>
      %dma_start3A_152 = arith.constant 0 : i32
      %dma_start3A_153 = tpu.memref_slice %arg15[%add3A_12, %dma_start3A_152] : memref<10240x128xf32, #tpu.memory_space<vmem_shared>> -> memref<112x128xf32, #tpu.memory_space<vmem_shared>>
      %dma_start3A_154 = arith.constant 0 : i32
      %dma_start3A_155 = tpu.memref_slice %arg15[%add3A_12, %dma_start3A_154] : memref<10240x128xf32, #tpu.memory_space<vmem_shared>> -> memref<112x128xf32, #tpu.memory_space<vmem_shared>>
      tpu.enqueue_dma source(%arg12 : memref<112x128xf32, #tpu.memory_space<vmem>>) target(%dma_start3A_155 : memref<112x128xf32, #tpu.memory_space<vmem_shared>>) target_semaphore(%run_scoped3A : memref<!tpu.dma_semaphore, #tpu.memory_space<semaphore_mem>>)
      %dma_wait3A_156 = arith.constant 0 : i32
      %dma_wait3A_157 = tpu.memref_slice %arg15[%add3A_12, %dma_wait3A_156] : memref<10240x128xf32, #tpu.memory_space<vmem_shared>> -> memref<112x128xf32, #tpu.memory_space<vmem_shared>>
      %dma_wait3A_158 = arith.constant 0 : i32
      %dma_wait3A_159 = tpu.memref_slice %arg15[%add3A_12, %dma_wait3A_158] : memref<10240x128xf32, #tpu.memory_space<vmem_shared>> -> memref<112x128xf32, #tpu.memory_space<vmem_shared>>
      tpu.wait_dma2 semaphore(%run_scoped3A : memref<!tpu.dma_semaphore, #tpu.memory_space<semaphore_mem>>) src(%arg12 : memref<112x128xf32, #tpu.memory_space<vmem>>) dst(%dma_wait3A_159 : memref<112x128xf32, #tpu.memory_space<vmem_shared>>)
      tpu.yield
    }) : () -> ()
    %mul3A_13 = arith.constant 640 : i32
    %mul3A_14 = arith.muli %arg1, %mul3A_13 : i32
    %add3A_15 = arith.constant 224 : i32
    %add3A_16 = arith.addi %mul3A_14, %add3A_15 : i32
    "tpu.region"() ({
      %run_scoped3A = tpu.sem_alloc : memref<!tpu.dma_semaphore, #tpu.memory_space<semaphore_mem>>
      %dma_start3A_152 = arith.constant 0 : i32
      %dma_start3A_153 = tpu.memref_slice %arg15[%add3A_16, %dma_start3A_152] : memref<10240x128xf32, #tpu.memory_space<vmem_shared>> -> memref<112x128xf32, #tpu.memory_space<vmem_shared>>
      %dma_start3A_154 = arith.constant 0 : i32
      %dma_start3A_155 = tpu.memref_slice %arg15[%add3A_16, %dma_start3A_154] : memref<10240x128xf32, #tpu.memory_space<vmem_shared>> -> memref<112x128xf32, #tpu.memory_space<vmem_shared>>
      tpu.enqueue_dma source(%arg12 : memref<112x128xf32, #tpu.memory_space<vmem>>) target(%dma_start3A_155 : memref<112x128xf32, #tpu.memory_space<vmem_shared>>) target_semaphore(%run_scoped3A : memref<!tpu.dma_semaphore, #tpu.memory_space<semaphore_mem>>)
      %dma_wait3A_156 = arith.constant 0 : i32
      %dma_wait3A_157 = tpu.memref_slice %arg15[%add3A_16, %dma_wait3A_156] : memref<10240x128xf32, #tpu.memory_space<vmem_shared>> -> memref<112x128xf32, #tpu.memory_space<vmem_shared>>
      %dma_wait3A_158 = arith.constant 0 : i32
      %dma_wait3A_159 = tpu.memref_slice %arg15[%add3A_16, %dma_wait3A_158] : memref<10240x128xf32, #tpu.memory_space<vmem_shared>> -> memref<112x128xf32, #tpu.memory_space<vmem_shared>>
      tpu.wait_dma2 semaphore(%run_scoped3A : memref<!tpu.dma_semaphore, #tpu.memory_space<semaphore_mem>>) src(%arg12 : memref<112x128xf32, #tpu.memory_space<vmem>>) dst(%dma_wait3A_159 : memref<112x128xf32, #tpu.memory_space<vmem_shared>>)
      tpu.yield
    }) : () -> ()
    %mul3A_17 = arith.constant 640 : i32
    %mul3A_18 = arith.muli %arg1, %mul3A_17 : i32
    %add3A_19 = arith.constant 336 : i32
    %add3A_20 = arith.addi %mul3A_18, %add3A_19 : i32
    "tpu.region"() ({
      %run_scoped3A = tpu.sem_alloc : memref<!tpu.dma_semaphore, #tpu.memory_space<semaphore_mem>>
      %dma_start3A_152 = arith.constant 0 : i32
      %dma_start3A_153 = tpu.memref_slice %arg15[%add3A_20, %dma_start3A_152] : memref<10240x128xf32, #tpu.memory_space<vmem_shared>> -> memref<112x128xf32, #tpu.memory_space<vmem_shared>>
      %dma_start3A_154 = arith.constant 0 : i32
      %dma_start3A_155 = tpu.memref_slice %arg15[%add3A_20, %dma_start3A_154] : memref<10240x128xf32, #tpu.memory_space<vmem_shared>> -> memref<112x128xf32, #tpu.memory_space<vmem_shared>>
      tpu.enqueue_dma source(%arg12 : memref<112x128xf32, #tpu.memory_space<vmem>>) target(%dma_start3A_155 : memref<112x128xf32, #tpu.memory_space<vmem_shared>>) target_semaphore(%run_scoped3A : memref<!tpu.dma_semaphore, #tpu.memory_space<semaphore_mem>>)
      %dma_wait3A_156 = arith.constant 0 : i32
      %dma_wait3A_157 = tpu.memref_slice %arg15[%add3A_20, %dma_wait3A_156] : memref<10240x128xf32, #tpu.memory_space<vmem_shared>> -> memref<112x128xf32, #tpu.memory_space<vmem_shared>>
      %dma_wait3A_158 = arith.constant 0 : i32
      %dma_wait3A_159 = tpu.memref_slice %arg15[%add3A_20, %dma_wait3A_158] : memref<10240x128xf32, #tpu.memory_space<vmem_shared>> -> memref<112x128xf32, #tpu.memory_space<vmem_shared>>
      tpu.wait_dma2 semaphore(%run_scoped3A : memref<!tpu.dma_semaphore, #tpu.memory_space<semaphore_mem>>) src(%arg12 : memref<112x128xf32, #tpu.memory_space<vmem>>) dst(%dma_wait3A_159 : memref<112x128xf32, #tpu.memory_space<vmem_shared>>)
      tpu.yield
    }) : () -> ()
    %mul3A_21 = arith.constant 640 : i32
    %mul3A_22 = arith.muli %arg1, %mul3A_21 : i32
    %add3A_23 = arith.constant 448 : i32
    %add3A_24 = arith.addi %mul3A_22, %add3A_23 : i32
    "tpu.region"() ({
      %run_scoped3A = tpu.sem_alloc : memref<!tpu.dma_semaphore, #tpu.memory_space<semaphore_mem>>
      %dma_start3A_152 = arith.constant 0 : i32
      %dma_start3A_153 = tpu.memref_slice %arg15[%add3A_24, %dma_start3A_152] : memref<10240x128xf32, #tpu.memory_space<vmem_shared>> -> memref<112x128xf32, #tpu.memory_space<vmem_shared>>
      %dma_start3A_154 = arith.constant 0 : i32
      %dma_start3A_155 = tpu.memref_slice %arg15[%add3A_24, %dma_start3A_154] : memref<10240x128xf32, #tpu.memory_space<vmem_shared>> -> memref<112x128xf32, #tpu.memory_space<vmem_shared>>
      tpu.enqueue_dma source(%arg12 : memref<112x128xf32, #tpu.memory_space<vmem>>) target(%dma_start3A_155 : memref<112x128xf32, #tpu.memory_space<vmem_shared>>) target_semaphore(%run_scoped3A : memref<!tpu.dma_semaphore, #tpu.memory_space<semaphore_mem>>)
      %dma_wait3A_156 = arith.constant 0 : i32
      %dma_wait3A_157 = tpu.memref_slice %arg15[%add3A_24, %dma_wait3A_156] : memref<10240x128xf32, #tpu.memory_space<vmem_shared>> -> memref<112x128xf32, #tpu.memory_space<vmem_shared>>
      %dma_wait3A_158 = arith.constant 0 : i32
      %dma_wait3A_159 = tpu.memref_slice %arg15[%add3A_24, %dma_wait3A_158] : memref<10240x128xf32, #tpu.memory_space<vmem_shared>> -> memref<112x128xf32, #tpu.memory_space<vmem_shared>>
      tpu.wait_dma2 semaphore(%run_scoped3A : memref<!tpu.dma_semaphore, #tpu.memory_space<semaphore_mem>>) src(%arg12 : memref<112x128xf32, #tpu.memory_space<vmem>>) dst(%dma_wait3A_159 : memref<112x128xf32, #tpu.memory_space<vmem_shared>>)
      tpu.yield
    }) : () -> ()
    %mul3A_25 = arith.constant 640 : i32
    %mul3A_26 = arith.muli %arg1, %mul3A_25 : i32
    %add3A_27 = arith.constant 560 : i32
    %add3A_28 = arith.addi %mul3A_26, %add3A_27 : i32
    "tpu.region"() ({
      %run_scoped3A = tpu.sem_alloc : memref<!tpu.dma_semaphore, #tpu.memory_space<semaphore_mem>>
      %dma_start3A_152 = arith.constant 0 : i32
      %dma_start3A_153 = arith.constant 0 : i32
      %dma_start3A_154 = tpu.memref_slice %arg12[%dma_start3A_152, %dma_start3A_153] : memref<112x128xf32, #tpu.memory_space<vmem>> -> memref<80x128xf32, #tpu.memory_space<vmem>>
      %dma_start3A_155 = arith.constant 0 : i32
      %dma_start3A_156 = tpu.memref_slice %arg15[%add3A_28, %dma_start3A_155] : memref<10240x128xf32, #tpu.memory_space<vmem_shared>> -> memref<80x128xf32, #tpu.memory_space<vmem_shared>>
      %dma_start3A_157 = arith.constant 0 : i32
      %dma_start3A_158 = tpu.memref_slice %arg15[%add3A_28, %dma_start3A_157] : memref<10240x128xf32, #tpu.memory_space<vmem_shared>> -> memref<80x128xf32, #tpu.memory_space<vmem_shared>>
      %dma_start3A_159 = arith.constant 0 : i32
      %dma_start3A_160 = arith.constant 0 : i32
      %dma_start3A_161 = tpu.memref_slice %arg12[%dma_start3A_159, %dma_start3A_160] : memref<112x128xf32, #tpu.memory_space<vmem>> -> memref<80x128xf32, #tpu.memory_space<vmem>>
      tpu.enqueue_dma source(%dma_start3A_161 : memref<80x128xf32, #tpu.memory_space<vmem>>) target(%dma_start3A_158 : memref<80x128xf32, #tpu.memory_space<vmem_shared>>) target_semaphore(%run_scoped3A : memref<!tpu.dma_semaphore, #tpu.memory_space<semaphore_mem>>)
      %dma_wait3A_162 = arith.constant 0 : i32
      %dma_wait3A_163 = arith.constant 0 : i32
      %dma_wait3A_164 = tpu.memref_slice %arg12[%dma_wait3A_162, %dma_wait3A_163] : memref<112x128xf32, #tpu.memory_space<vmem>> -> memref<80x128xf32, #tpu.memory_space<vmem>>
      %dma_wait3A_165 = arith.constant 0 : i32
      %dma_wait3A_166 = tpu.memref_slice %arg15[%add3A_28, %dma_wait3A_165] : memref<10240x128xf32, #tpu.memory_space<vmem_shared>> -> memref<80x128xf32, #tpu.memory_space<vmem_shared>>
      %dma_wait3A_167 = arith.constant 0 : i32
      %dma_wait3A_168 = tpu.memref_slice %arg15[%add3A_28, %dma_wait3A_167] : memref<10240x128xf32, #tpu.memory_space<vmem_shared>> -> memref<80x128xf32, #tpu.memory_space<vmem_shared>>
      %dma_wait3A_169 = arith.constant 0 : i32
      %dma_wait3A_170 = arith.constant 0 : i32
      %dma_wait3A_171 = tpu.memref_slice %arg12[%dma_wait3A_169, %dma_wait3A_170] : memref<112x128xf32, #tpu.memory_space<vmem>> -> memref<80x128xf32, #tpu.memory_space<vmem>>
      tpu.wait_dma2 semaphore(%run_scoped3A : memref<!tpu.dma_semaphore, #tpu.memory_space<semaphore_mem>>) src(%dma_wait3A_171 : memref<80x128xf32, #tpu.memory_space<vmem>>) dst(%dma_wait3A_168 : memref<80x128xf32, #tpu.memory_space<vmem_shared>>)
      tpu.yield
    }) : () -> ()
    %eq3A = arith.constant 0 : i32
    %eq3A_29 = arith.cmpi eq, %arg0, %eq3A : i32
    %jit3A = arith.constant 90 : i32
    %jit3A_30 = arith.constant 90 : i32
    %select_n3A = arith.select %eq3A_29, %jit3A, %jit3A_30 : i32
    %eq3A_31 = arith.constant 0 : i32
    %eq3A_32 = arith.cmpi eq, %arg0, %eq3A_31 : i32
    %jit3A_33 = arith.constant 15 : i32
    %jit3A_34 = arith.constant 15 : i32
    %select_n3A_35 = arith.select %eq3A_32, %jit3A_33, %jit3A_34 : i32
    %eq3A_36 = arith.constant 0 : i32
    %eq3A_37 = arith.cmpi eq, %arg0, %eq3A_36 : i32
    %mul3A_38 = arith.constant 90 : i32
    %mul3A_39 = arith.muli %arg1, %mul3A_38 : i32
    %mul3A_40 = arith.constant 90 : i32
    %mul3A_41 = arith.muli %arg1, %mul3A_40 : i32
    %add3A_42 = arith.constant 1440 : i32
    %add3A_43 = arith.addi %add3A_42, %mul3A_41 : i32
    %select_n3A_44 = arith.select %eq3A_37, %mul3A_39, %add3A_43 : i32
    %barrier3A = arith.constant 0 : index
    tpu.barrier barrier_id(%barrier3A)
    %add3A_45 = arith.constant 0 : i32
    %add3A_46 = arith.addi %select_n3A_44, %add3A_45 : i32
    %dma_start3A = arith.constant 0 : i32
    %dma_start3A_47 = arith.constant 0 : i32
    %dma_start3A_48 = tpu.memref_slice %arg2[%add3A_46, %dma_start3A, %dma_start3A_47] : memref<2880x2x112xi32, #tpu.memory_space<hbm>> -> memref<1x2x112xi32, #tpu.memory_space<hbm>>
    %dma_start3A_49 = tpu.memref_squeeze %dma_start3A_48 : memref<1x2x112xi32, #tpu.memory_space<hbm>> -> memref<2x112xi32, #tpu.memory_space<hbm>>
    %dma_start3A_50 = arith.constant 0 : i32
    %dma_start3A_51 = arith.constant 0 : i32
    %dma_start3A_52 = tpu.memref_slice %arg2[%add3A_46, %dma_start3A_50, %dma_start3A_51] : memref<2880x2x112xi32, #tpu.memory_space<hbm>> -> memref<1x2x112xi32, #tpu.memory_space<hbm>>
    %dma_start3A_53 = tpu.memref_squeeze %dma_start3A_52 : memref<1x2x112xi32, #tpu.memory_space<hbm>> -> memref<2x112xi32, #tpu.memory_space<hbm>>
    tpu.enqueue_dma source(%dma_start3A_53 : memref<2x112xi32, #tpu.memory_space<hbm>>) target(%arg6 : memref<2x112xi32, #tpu.memory_space<vmem>>) target_semaphore(%arg16 : memref<!tpu.dma_semaphore, #tpu.memory_space<semaphore_mem>>)
    %add3A_54 = arith.constant 1 : i32
    %add3A_55 = arith.addi %select_n3A_44, %add3A_54 : i32
    %dma_start3A_56 = arith.constant 0 : i32
    %dma_start3A_57 = arith.constant 0 : i32
    %dma_start3A_58 = tpu.memref_slice %arg2[%add3A_55, %dma_start3A_56, %dma_start3A_57] : memref<2880x2x112xi32, #tpu.memory_space<hbm>> -> memref<1x2x112xi32, #tpu.memory_space<hbm>>
    %dma_start3A_59 = tpu.memref_squeeze %dma_start3A_58 : memref<1x2x112xi32, #tpu.memory_space<hbm>> -> memref<2x112xi32, #tpu.memory_space<hbm>>
    %dma_start3A_60 = arith.constant 0 : i32
    %dma_start3A_61 = arith.constant 0 : i32
    %dma_start3A_62 = tpu.memref_slice %arg2[%add3A_55, %dma_start3A_60, %dma_start3A_61] : memref<2880x2x112xi32, #tpu.memory_space<hbm>> -> memref<1x2x112xi32, #tpu.memory_space<hbm>>
    %dma_start3A_63 = tpu.memref_squeeze %dma_start3A_62 : memref<1x2x112xi32, #tpu.memory_space<hbm>> -> memref<2x112xi32, #tpu.memory_space<hbm>>
    tpu.enqueue_dma source(%dma_start3A_63 : memref<2x112xi32, #tpu.memory_space<hbm>>) target(%arg7 : memref<2x112xi32, #tpu.memory_space<vmem>>) target_semaphore(%arg17 : memref<!tpu.dma_semaphore, #tpu.memory_space<semaphore_mem>>)
    %add3A_64 = arith.constant 2 : i32
    %add3A_65 = arith.addi %select_n3A_44, %add3A_64 : i32
    %dma_start3A_66 = arith.constant 0 : i32
    %dma_start3A_67 = arith.constant 0 : i32
    %dma_start3A_68 = tpu.memref_slice %arg2[%add3A_65, %dma_start3A_66, %dma_start3A_67] : memref<2880x2x112xi32, #tpu.memory_space<hbm>> -> memref<1x2x112xi32, #tpu.memory_space<hbm>>
    %dma_start3A_69 = tpu.memref_squeeze %dma_start3A_68 : memref<1x2x112xi32, #tpu.memory_space<hbm>> -> memref<2x112xi32, #tpu.memory_space<hbm>>
    %dma_start3A_70 = arith.constant 0 : i32
    %dma_start3A_71 = arith.constant 0 : i32
    %dma_start3A_72 = tpu.memref_slice %arg2[%add3A_65, %dma_start3A_70, %dma_start3A_71] : memref<2880x2x112xi32, #tpu.memory_space<hbm>> -> memref<1x2x112xi32, #tpu.memory_space<hbm>>
    %dma_start3A_73 = tpu.memref_squeeze %dma_start3A_72 : memref<1x2x112xi32, #tpu.memory_space<hbm>> -> memref<2x112xi32, #tpu.memory_space<hbm>>
    tpu.enqueue_dma source(%dma_start3A_73 : memref<2x112xi32, #tpu.memory_space<hbm>>) target(%arg8 : memref<2x112xi32, #tpu.memory_space<vmem>>) target_semaphore(%arg18 : memref<!tpu.dma_semaphore, #tpu.memory_space<semaphore_mem>>)
    %add3A_74 = arith.constant 3 : i32
    %add3A_75 = arith.addi %select_n3A_44, %add3A_74 : i32
    %dma_start3A_76 = arith.constant 0 : i32
    %dma_start3A_77 = arith.constant 0 : i32
    %dma_start3A_78 = tpu.memref_slice %arg2[%add3A_75, %dma_start3A_76, %dma_start3A_77] : memref<2880x2x112xi32, #tpu.memory_space<hbm>> -> memref<1x2x112xi32, #tpu.memory_space<hbm>>
    %dma_start3A_79 = tpu.memref_squeeze %dma_start3A_78 : memref<1x2x112xi32, #tpu.memory_space<hbm>> -> memref<2x112xi32, #tpu.memory_space<hbm>>
    %dma_start3A_80 = arith.constant 0 : i32
    %dma_start3A_81 = arith.constant 0 : i32
    %dma_start3A_82 = tpu.memref_slice %arg2[%add3A_75, %dma_start3A_80, %dma_start3A_81] : memref<2880x2x112xi32, #tpu.memory_space<hbm>> -> memref<1x2x112xi32, #tpu.memory_space<hbm>>
    %dma_start3A_83 = tpu.memref_squeeze %dma_start3A_82 : memref<1x2x112xi32, #tpu.memory_space<hbm>> -> memref<2x112xi32, #tpu.memory_space<hbm>>
    tpu.enqueue_dma source(%dma_start3A_83 : memref<2x112xi32, #tpu.memory_space<hbm>>) target(%arg9 : memref<2x112xi32, #tpu.memory_space<vmem>>) target_semaphore(%arg19 : memref<!tpu.dma_semaphore, #tpu.memory_space<semaphore_mem>>)
    %add3A_84 = arith.constant 4 : i32
    %add3A_85 = arith.addi %select_n3A_44, %add3A_84 : i32
    %dma_start3A_86 = arith.constant 0 : i32
    %dma_start3A_87 = arith.constant 0 : i32
    %dma_start3A_88 = tpu.memref_slice %arg2[%add3A_85, %dma_start3A_86, %dma_start3A_87] : memref<2880x2x112xi32, #tpu.memory_space<hbm>> -> memref<1x2x112xi32, #tpu.memory_space<hbm>>
    %dma_start3A_89 = tpu.memref_squeeze %dma_start3A_88 : memref<1x2x112xi32, #tpu.memory_space<hbm>> -> memref<2x112xi32, #tpu.memory_space<hbm>>
    %dma_start3A_90 = arith.constant 0 : i32
    %dma_start3A_91 = arith.constant 0 : i32
    %dma_start3A_92 = tpu.memref_slice %arg2[%add3A_85, %dma_start3A_90, %dma_start3A_91] : memref<2880x2x112xi32, #tpu.memory_space<hbm>> -> memref<1x2x112xi32, #tpu.memory_space<hbm>>
    %dma_start3A_93 = tpu.memref_squeeze %dma_start3A_92 : memref<1x2x112xi32, #tpu.memory_space<hbm>> -> memref<2x112xi32, #tpu.memory_space<hbm>>
    tpu.enqueue_dma source(%dma_start3A_93 : memref<2x112xi32, #tpu.memory_space<hbm>>) target(%arg10 : memref<2x112xi32, #tpu.memory_space<vmem>>) target_semaphore(%arg20 : memref<!tpu.dma_semaphore, #tpu.memory_space<semaphore_mem>>)
    %dma_wait3A = arith.constant 0 : i32
    %dma_wait3A_94 = arith.constant 0 : i32
    %dma_wait3A_95 = arith.constant 0 : i32
    %dma_wait3A_96 = tpu.memref_slice %arg2[%dma_wait3A, %dma_wait3A_94, %dma_wait3A_95] : memref<2880x2x112xi32, #tpu.memory_space<hbm>> -> memref<1x2x112xi32, #tpu.memory_space<hbm>>
    %dma_wait3A_97 = tpu.memref_squeeze %dma_wait3A_96 : memref<1x2x112xi32, #tpu.memory_space<hbm>> -> memref<2x112xi32, #tpu.memory_space<hbm>>
    %dma_wait3A_98 = arith.constant 0 : i32
    %dma_wait3A_99 = arith.constant 0 : i32
    %dma_wait3A_100 = tpu.memref_slice %arg2[%dma_wait3A, %dma_wait3A_98, %dma_wait3A_99] : memref<2880x2x112xi32, #tpu.memory_space<hbm>> -> memref<1x2x112xi32, #tpu.memory_space<hbm>>
    %dma_wait3A_101 = tpu.memref_squeeze %dma_wait3A_100 : memref<1x2x112xi32, #tpu.memory_space<hbm>> -> memref<2x112xi32, #tpu.memory_space<hbm>>
    tpu.wait_dma2 semaphore(%arg16 : memref<!tpu.dma_semaphore, #tpu.memory_space<semaphore_mem>>) src(%dma_wait3A_101 : memref<2x112xi32, #tpu.memory_space<hbm>>) dst(%arg6 : memref<2x112xi32, #tpu.memory_space<vmem>>)
    %dma_start3A_102 = arith.constant 0 : i32
    %dma_start3A_103 = arith.constant 0 : i32
    %dma_start3A_104 = tpu.memref_slice %arg6[%dma_start3A_102, %dma_start3A_103] : memref<2x112xi32, #tpu.memory_space<vmem>> -> memref<1x112xi32, #tpu.memory_space<vmem>>
    %dma_start3A_105 = tpu.memref_squeeze %dma_start3A_104 : memref<1x112xi32, #tpu.memory_space<vmem>> -> memref<112xi32, #tpu.memory_space<vmem>>
    %dma_start3A_106 = arith.constant 0 : i32
    %dma_start3A_107 = arith.constant 0 : i32
    %dma_start3A_108 = tpu.memref_slice %arg3[%dma_start3A_106, %dma_start3A_107] : memref<10240x128xf32, #tpu.memory_space<hbm>> -> memref<10240x128xf32, #tpu.memory_space<hbm>>
    tpu.enqueue_indirect_dma source(%dma_start3A_108 : memref<10240x128xf32, #tpu.memory_space<hbm>>) target(%arg12 : memref<112x128xf32, #tpu.memory_space<vmem>>) offsets(%dma_start3A_105 : memref<112xi32, #tpu.memory_space<vmem>>) semaphore(%arg22 : memref<!tpu.dma_semaphore, #tpu.memory_space<semaphore_mem>>)
    %dma_wait3A_109 = arith.constant 0 : i32
    %dma_wait3A_110 = arith.constant 0 : i32
    %dma_wait3A_111 = arith.constant 0 : i32
    %dma_wait3A_112 = tpu.memref_slice %arg2[%dma_wait3A_109, %dma_wait3A_110, %dma_wait3A_111] : memref<2880x2x112xi32, #tpu.memory_space<hbm>> -> memref<1x2x112xi32, #tpu.memory_space<hbm>>
    %dma_wait3A_113 = tpu.memref_squeeze %dma_wait3A_112 : memref<1x2x112xi32, #tpu.memory_space<hbm>> -> memref<2x112xi32, #tpu.memory_space<hbm>>
    %dma_wait3A_114 = arith.constant 0 : i32
    %dma_wait3A_115 = arith.constant 0 : i32
    %dma_wait3A_116 = tpu.memref_slice %arg2[%dma_wait3A_109, %dma_wait3A_114, %dma_wait3A_115] : memref<2880x2x112xi32, #tpu.memory_space<hbm>> -> memref<1x2x112xi32, #tpu.memory_space<hbm>>
    %dma_wait3A_117 = tpu.memref_squeeze %dma_wait3A_116 : memref<1x2x112xi32, #tpu.memory_space<hbm>> -> memref<2x112xi32, #tpu.memory_space<hbm>>
    tpu.wait_dma2 semaphore(%arg17 : memref<!tpu.dma_semaphore, #tpu.memory_space<semaphore_mem>>) src(%dma_wait3A_117 : memref<2x112xi32, #tpu.memory_space<hbm>>) dst(%arg7 : memref<2x112xi32, #tpu.memory_space<vmem>>)
    %dma_start3A_118 = arith.constant 0 : i32
    %dma_start3A_119 = arith.constant 0 : i32
    %dma_start3A_120 = tpu.memref_slice %arg7[%dma_start3A_118, %dma_start3A_119] : memref<2x112xi32, #tpu.memory_space<vmem>> -> memref<1x112xi32, #tpu.memory_space<vmem>>
    %dma_start3A_121 = tpu.memref_squeeze %dma_start3A_120 : memref<1x112xi32, #tpu.memory_space<vmem>> -> memref<112xi32, #tpu.memory_space<vmem>>
    %dma_start3A_122 = arith.constant 0 : i32
    %dma_start3A_123 = arith.constant 0 : i32
    %dma_start3A_124 = tpu.memref_slice %arg3[%dma_start3A_122, %dma_start3A_123] : memref<10240x128xf32, #tpu.memory_space<hbm>> -> memref<10240x128xf32, #tpu.memory_space<hbm>>
    tpu.enqueue_indirect_dma source(%dma_start3A_124 : memref<10240x128xf32, #tpu.memory_space<hbm>>) target(%arg13 : memref<112x128xf32, #tpu.memory_space<vmem>>) offsets(%dma_start3A_121 : memref<112xi32, #tpu.memory_space<vmem>>) semaphore(%arg23 : memref<!tpu.dma_semaphore, #tpu.memory_space<semaphore_mem>>)
    %while3A = arith.constant 0 : i32
    %while3A_125 = arith.constant 0 : i32
    %while3A_126 = arith.subi %select_n3A_35, %while3A : i32
    %while3A_127 = arith.addi %while3A, %while3A_126 : i32
    %while3A_128 = arith.constant 1 : i32
    %while3A_129 = arith.divsi %while3A_126, %while3A_128 : i32
    %while3A_130 = arith.muli %while3A_129, %while3A_128 : i32
    %while3A_131 = arith.addi %while3A, %while3A_130 : i32
    %while3A_132 = arith.constant 1 : i32
    %while3A_133 = scf.for %while3A_152 = %while3A to %while3A_131 step %while3A_132 iter_args(%while3A_153 = %while3A_125) -> (i32)  : i32 {
      %mul3A_154 = arith.constant 6 : i32
      %mul3A_155 = arith.muli %while3A_152, %mul3A_154 : i32
      %add3A_156 = arith.constant 0 : i32
      %add3A_157 = arith.addi %mul3A_155, %add3A_156 : i32
      %dma_wait3A_158 = arith.constant 0 : i32
      %dma_wait3A_159 = arith.constant 0 : i32
      %dma_wait3A_160 = tpu.memref_slice %arg6[%dma_wait3A_158, %dma_wait3A_159] : memref<2x112xi32, #tpu.memory_space<vmem>> -> memref<1x112xi32, #tpu.memory_space<vmem>>
      %dma_wait3A_161 = tpu.memref_squeeze %dma_wait3A_160 : memref<1x112xi32, #tpu.memory_space<vmem>> -> memref<112xi32, #tpu.memory_space<vmem>>
      %dma_wait3A_162 = arith.constant 0 : i32
      %dma_wait3A_163 = arith.constant 0 : i32
      %dma_wait3A_164 = tpu.memref_slice %arg3[%dma_wait3A_162, %dma_wait3A_163] : memref<10240x128xf32, #tpu.memory_space<hbm>> -> memref<10240x128xf32, #tpu.memory_space<hbm>>
      tpu.wait_indirect_dma semaphore(%arg22 : memref<!tpu.dma_semaphore, #tpu.memory_space<semaphore_mem>>) src(%dma_wait3A_164 : memref<10240x128xf32, #tpu.memory_space<hbm>>) dst(%arg12 : memref<112x128xf32, #tpu.memory_space<vmem>>)
      %dma_start3A_165 = arith.constant 1 : i32
      %dma_start3A_166 = arith.constant 0 : i32
      %dma_start3A_167 = tpu.memref_slice %arg6[%dma_start3A_165, %dma_start3A_166] : memref<2x112xi32, #tpu.memory_space<vmem>> -> memref<1x112xi32, #tpu.memory_space<vmem>>
      %dma_start3A_168 = tpu.memref_squeeze %dma_start3A_167 : memref<1x112xi32, #tpu.memory_space<vmem>> -> memref<112xi32, #tpu.memory_space<vmem>>
      %dma_start3A_169 = arith.constant 0 : i32
      %dma_start3A_170 = arith.constant 0 : i32
      %dma_start3A_171 = tpu.memref_slice %arg15[%dma_start3A_169, %dma_start3A_170] : memref<10240x128xf32, #tpu.memory_space<vmem_shared>> -> memref<10240x128xf32, #tpu.memory_space<vmem_shared>>
      tpu.enqueue_indirect_dma source(%arg12 : memref<112x128xf32, #tpu.memory_space<vmem>>) target(%dma_start3A_171 : memref<10240x128xf32, #tpu.memory_space<vmem_shared>>) offsets(%dma_start3A_168 : memref<112xi32, #tpu.memory_space<vmem>>) semaphore(%arg25 : memref<!tpu.dma_semaphore, #tpu.memory_space<semaphore_mem>>) {add = true}
      %sub3A = arith.constant 1 : i32
      %sub3A_172 = arith.subi %add3A_157, %sub3A : i32
      %ge3A = arith.constant 0 : i32
      %ge3A_173 = arith.cmpi sge, %sub3A_172, %ge3A : i32
      %convert_element_type3A_174 = arith.extui %ge3A_173 : i1 to i32
      %cond3A_175 = arith.constant 0 : i32
      %cond3A_176 = arith.cmpi ne, %convert_element_type3A_174, %cond3A_175 : i32
      scf.if %cond3A_176 {
        %dma_wait3A_398 = arith.constant 1 : i32
        %dma_wait3A_399 = arith.constant 0 : i32
        %dma_wait3A_400 = tpu.memref_slice %arg6[%dma_wait3A_398, %dma_wait3A_399] : memref<2x112xi32, #tpu.memory_space<vmem>> -> memref<1x112xi32, #tpu.memory_space<vmem>>
        %dma_wait3A_401 = tpu.memref_squeeze %dma_wait3A_400 : memref<1x112xi32, #tpu.memory_space<vmem>> -> memref<112xi32, #tpu.memory_space<vmem>>
        %dma_wait3A_402 = arith.constant 0 : i32
        %dma_wait3A_403 = arith.constant 0 : i32
        %dma_wait3A_404 = tpu.memref_slice %arg15[%dma_wait3A_402, %dma_wait3A_403] : memref<10240x128xf32, #tpu.memory_space<vmem_shared>> -> memref<10240x128xf32, #tpu.memory_space<vmem_shared>>
        tpu.wait_indirect_dma semaphore(%arg27 : memref<!tpu.dma_semaphore, #tpu.memory_space<semaphore_mem>>) src(%arg14 : memref<112x128xf32, #tpu.memory_space<vmem>>) dst(%dma_wait3A_404 : memref<10240x128xf32, #tpu.memory_space<vmem_shared>>)
      } else {
      }
      %add3A_177 = arith.constant 6 : i32
      %add3A_178 = arith.addi %add3A_157, %add3A_177 : i32
      %sub3A_179 = arith.constant 1 : i32
      %sub3A_180 = arith.subi %add3A_178, %sub3A_179 : i32
      %lt3A = arith.cmpi slt, %sub3A_180, %select_n3A : i32
      %convert_element_type3A_181 = arith.extui %lt3A : i1 to i32
      %cond3A_182 = arith.constant 0 : i32
      %cond3A_183 = arith.cmpi ne, %convert_element_type3A_181, %cond3A_182 : i32
      scf.if %cond3A_183 {
        %add3A_398 = arith.constant 6 : i32
        %add3A_399 = arith.addi %add3A_157, %add3A_398 : i32
        %sub3A_400 = arith.constant 1 : i32
        %sub3A_401 = arith.subi %add3A_399, %sub3A_400 : i32
        %add3A_402 = arith.addi %select_n3A_44, %sub3A_401 : i32
        %dma_start3A_403 = arith.constant 0 : i32
        %dma_start3A_404 = arith.constant 0 : i32
        %dma_start3A_405 = tpu.memref_slice %arg2[%add3A_402, %dma_start3A_403, %dma_start3A_404] : memref<2880x2x112xi32, #tpu.memory_space<hbm>> -> memref<1x2x112xi32, #tpu.memory_space<hbm>>
        %dma_start3A_406 = tpu.memref_squeeze %dma_start3A_405 : memref<1x2x112xi32, #tpu.memory_space<hbm>> -> memref<2x112xi32, #tpu.memory_space<hbm>>
        %dma_start3A_407 = arith.constant 0 : i32
        %dma_start3A_408 = arith.constant 0 : i32
        %dma_start3A_409 = tpu.memref_slice %arg2[%add3A_402, %dma_start3A_407, %dma_start3A_408] : memref<2880x2x112xi32, #tpu.memory_space<hbm>> -> memref<1x2x112xi32, #tpu.memory_space<hbm>>
        %dma_start3A_410 = tpu.memref_squeeze %dma_start3A_409 : memref<1x2x112xi32, #tpu.memory_space<hbm>> -> memref<2x112xi32, #tpu.memory_space<hbm>>
        tpu.enqueue_dma source(%dma_start3A_410 : memref<2x112xi32, #tpu.memory_space<hbm>>) target(%arg11 : memref<2x112xi32, #tpu.memory_space<vmem>>) target_semaphore(%arg21 : memref<!tpu.dma_semaphore, #tpu.memory_space<semaphore_mem>>)
      } else {
      }
      %add3A_184 = arith.constant 3 : i32
      %add3A_185 = arith.addi %add3A_157, %add3A_184 : i32
      %sub3A_186 = arith.constant 1 : i32
      %sub3A_187 = arith.subi %add3A_185, %sub3A_186 : i32
      %lt3A_188 = arith.cmpi slt, %sub3A_187, %select_n3A : i32
      %convert_element_type3A_189 = arith.extui %lt3A_188 : i1 to i32
      %cond3A_190 = arith.constant 0 : i32
      %cond3A_191 = arith.cmpi ne, %convert_element_type3A_189, %cond3A_190 : i32
      scf.if %cond3A_191 {
        %dma_wait3A_398 = arith.constant 0 : i32
        %dma_wait3A_399 = arith.constant 0 : i32
        %dma_wait3A_400 = arith.constant 0 : i32
        %dma_wait3A_401 = tpu.memref_slice %arg2[%dma_wait3A_398, %dma_wait3A_399, %dma_wait3A_400] : memref<2880x2x112xi32, #tpu.memory_space<hbm>> -> memref<1x2x112xi32, #tpu.memory_space<hbm>>
        %dma_wait3A_402 = tpu.memref_squeeze %dma_wait3A_401 : memref<1x2x112xi32, #tpu.memory_space<hbm>> -> memref<2x112xi32, #tpu.memory_space<hbm>>
        %dma_wait3A_403 = arith.constant 0 : i32
        %dma_wait3A_404 = arith.constant 0 : i32
        %dma_wait3A_405 = tpu.memref_slice %arg2[%dma_wait3A_398, %dma_wait3A_403, %dma_wait3A_404] : memref<2880x2x112xi32, #tpu.memory_space<hbm>> -> memref<1x2x112xi32, #tpu.memory_space<hbm>>
        %dma_wait3A_406 = tpu.memref_squeeze %dma_wait3A_405 : memref<1x2x112xi32, #tpu.memory_space<hbm>> -> memref<2x112xi32, #tpu.memory_space<hbm>>
        tpu.wait_dma2 semaphore(%arg18 : memref<!tpu.dma_semaphore, #tpu.memory_space<semaphore_mem>>) src(%dma_wait3A_406 : memref<2x112xi32, #tpu.memory_space<hbm>>) dst(%arg8 : memref<2x112xi32, #tpu.memory_space<vmem>>)
        %dma_start3A_407 = arith.constant 0 : i32
        %dma_start3A_408 = arith.constant 0 : i32
        %dma_start3A_409 = tpu.memref_slice %arg8[%dma_start3A_407, %dma_start3A_408] : memref<2x112xi32, #tpu.memory_space<vmem>> -> memref<1x112xi32, #tpu.memory_space<vmem>>
        %dma_start3A_410 = tpu.memref_squeeze %dma_start3A_409 : memref<1x112xi32, #tpu.memory_space<vmem>> -> memref<112xi32, #tpu.memory_space<vmem>>
        %dma_start3A_411 = arith.constant 0 : i32
        %dma_start3A_412 = arith.constant 0 : i32
        %dma_start3A_413 = tpu.memref_slice %arg3[%dma_start3A_411, %dma_start3A_412] : memref<10240x128xf32, #tpu.memory_space<hbm>> -> memref<10240x128xf32, #tpu.memory_space<hbm>>
        tpu.enqueue_indirect_dma source(%dma_start3A_413 : memref<10240x128xf32, #tpu.memory_space<hbm>>) target(%arg14 : memref<112x128xf32, #tpu.memory_space<vmem>>) offsets(%dma_start3A_410 : memref<112xi32, #tpu.memory_space<vmem>>) semaphore(%arg24 : memref<!tpu.dma_semaphore, #tpu.memory_space<semaphore_mem>>)
      } else {
      }
      %mul3A_192 = arith.constant 6 : i32
      %mul3A_193 = arith.muli %while3A_152, %mul3A_192 : i32
      %add3A_194 = arith.constant 1 : i32
      %add3A_195 = arith.addi %mul3A_193, %add3A_194 : i32
      %dma_wait3A_196 = arith.constant 0 : i32
      %dma_wait3A_197 = arith.constant 0 : i32
      %dma_wait3A_198 = tpu.memref_slice %arg6[%dma_wait3A_196, %dma_wait3A_197] : memref<2x112xi32, #tpu.memory_space<vmem>> -> memref<1x112xi32, #tpu.memory_space<vmem>>
      %dma_wait3A_199 = tpu.memref_squeeze %dma_wait3A_198 : memref<1x112xi32, #tpu.memory_space<vmem>> -> memref<112xi32, #tpu.memory_space<vmem>>
      %dma_wait3A_200 = arith.constant 0 : i32
      %dma_wait3A_201 = arith.constant 0 : i32
      %dma_wait3A_202 = tpu.memref_slice %arg3[%dma_wait3A_200, %dma_wait3A_201] : memref<10240x128xf32, #tpu.memory_space<hbm>> -> memref<10240x128xf32, #tpu.memory_space<hbm>>
      tpu.wait_indirect_dma semaphore(%arg23 : memref<!tpu.dma_semaphore, #tpu.memory_space<semaphore_mem>>) src(%dma_wait3A_202 : memref<10240x128xf32, #tpu.memory_space<hbm>>) dst(%arg13 : memref<112x128xf32, #tpu.memory_space<vmem>>)
      %dma_start3A_203 = arith.constant 1 : i32
      %dma_start3A_204 = arith.constant 0 : i32
      %dma_start3A_205 = tpu.memref_slice %arg7[%dma_start3A_203, %dma_start3A_204] : memref<2x112xi32, #tpu.memory_space<vmem>> -> memref<1x112xi32, #tpu.memory_space<vmem>>
      %dma_start3A_206 = tpu.memref_squeeze %dma_start3A_205 : memref<1x112xi32, #tpu.memory_space<vmem>> -> memref<112xi32, #tpu.memory_space<vmem>>
      %dma_start3A_207 = arith.constant 0 : i32
      %dma_start3A_208 = arith.constant 0 : i32
      %dma_start3A_209 = tpu.memref_slice %arg15[%dma_start3A_207, %dma_start3A_208] : memref<10240x128xf32, #tpu.memory_space<vmem_shared>> -> memref<10240x128xf32, #tpu.memory_space<vmem_shared>>
      tpu.enqueue_indirect_dma source(%arg13 : memref<112x128xf32, #tpu.memory_space<vmem>>) target(%dma_start3A_209 : memref<10240x128xf32, #tpu.memory_space<vmem_shared>>) offsets(%dma_start3A_206 : memref<112xi32, #tpu.memory_space<vmem>>) semaphore(%arg26 : memref<!tpu.dma_semaphore, #tpu.memory_space<semaphore_mem>>) {add = true}
      %sub3A_210 = arith.constant 1 : i32
      %sub3A_211 = arith.subi %add3A_195, %sub3A_210 : i32
      %ge3A_212 = arith.constant 0 : i32
      %ge3A_213 = arith.cmpi sge, %sub3A_211, %ge3A_212 : i32
      %convert_element_type3A_214 = arith.extui %ge3A_213 : i1 to i32
      %cond3A_215 = arith.constant 0 : i32
      %cond3A_216 = arith.cmpi ne, %convert_element_type3A_214, %cond3A_215 : i32
      scf.if %cond3A_216 {
        %dma_wait3A_398 = arith.constant 1 : i32
        %dma_wait3A_399 = arith.constant 0 : i32
        %dma_wait3A_400 = tpu.memref_slice %arg6[%dma_wait3A_398, %dma_wait3A_399] : memref<2x112xi32, #tpu.memory_space<vmem>> -> memref<1x112xi32, #tpu.memory_space<vmem>>
        %dma_wait3A_401 = tpu.memref_squeeze %dma_wait3A_400 : memref<1x112xi32, #tpu.memory_space<vmem>> -> memref<112xi32, #tpu.memory_space<vmem>>
        %dma_wait3A_402 = arith.constant 0 : i32
        %dma_wait3A_403 = arith.constant 0 : i32
        %dma_wait3A_404 = tpu.memref_slice %arg15[%dma_wait3A_402, %dma_wait3A_403] : memref<10240x128xf32, #tpu.memory_space<vmem_shared>> -> memref<10240x128xf32, #tpu.memory_space<vmem_shared>>
        tpu.wait_indirect_dma semaphore(%arg25 : memref<!tpu.dma_semaphore, #tpu.memory_space<semaphore_mem>>) src(%arg12 : memref<112x128xf32, #tpu.memory_space<vmem>>) dst(%dma_wait3A_404 : memref<10240x128xf32, #tpu.memory_space<vmem_shared>>)
      } else {
      }
      %add3A_217 = arith.constant 6 : i32
      %add3A_218 = arith.addi %add3A_195, %add3A_217 : i32
      %sub3A_219 = arith.constant 1 : i32
      %sub3A_220 = arith.subi %add3A_218, %sub3A_219 : i32
      %lt3A_221 = arith.cmpi slt, %sub3A_220, %select_n3A : i32
      %convert_element_type3A_222 = arith.extui %lt3A_221 : i1 to i32
      %cond3A_223 = arith.constant 0 : i32
      %cond3A_224 = arith.cmpi ne, %convert_element_type3A_222, %cond3A_223 : i32
      scf.if %cond3A_224 {
        %add3A_398 = arith.constant 6 : i32
        %add3A_399 = arith.addi %add3A_195, %add3A_398 : i32
        %sub3A_400 = arith.constant 1 : i32
        %sub3A_401 = arith.subi %add3A_399, %sub3A_400 : i32
        %add3A_402 = arith.addi %select_n3A_44, %sub3A_401 : i32
        %dma_start3A_403 = arith.constant 0 : i32
        %dma_start3A_404 = arith.constant 0 : i32
        %dma_start3A_405 = tpu.memref_slice %arg2[%add3A_402, %dma_start3A_403, %dma_start3A_404] : memref<2880x2x112xi32, #tpu.memory_space<hbm>> -> memref<1x2x112xi32, #tpu.memory_space<hbm>>
        %dma_start3A_406 = tpu.memref_squeeze %dma_start3A_405 : memref<1x2x112xi32, #tpu.memory_space<hbm>> -> memref<2x112xi32, #tpu.memory_space<hbm>>
        %dma_start3A_407 = arith.constant 0 : i32
        %dma_start3A_408 = arith.constant 0 : i32
        %dma_start3A_409 = tpu.memref_slice %arg2[%add3A_402, %dma_start3A_407, %dma_start3A_408] : memref<2880x2x112xi32, #tpu.memory_space<hbm>> -> memref<1x2x112xi32, #tpu.memory_space<hbm>>
        %dma_start3A_410 = tpu.memref_squeeze %dma_start3A_409 : memref<1x2x112xi32, #tpu.memory_space<hbm>> -> memref<2x112xi32, #tpu.memory_space<hbm>>
        tpu.enqueue_dma source(%dma_start3A_410 : memref<2x112xi32, #tpu.memory_space<hbm>>) target(%arg6 : memref<2x112xi32, #tpu.memory_space<vmem>>) target_semaphore(%arg16 : memref<!tpu.dma_semaphore, #tpu.memory_space<semaphore_mem>>)
      } else {
      }
      %add3A_225 = arith.constant 3 : i32
      %add3A_226 = arith.addi %add3A_195, %add3A_225 : i32
      %sub3A_227 = arith.constant 1 : i32
      %sub3A_228 = arith.subi %add3A_226, %sub3A_227 : i32
      %lt3A_229 = arith.cmpi slt, %sub3A_228, %select_n3A : i32
      %convert_element_type3A_230 = arith.extui %lt3A_229 : i1 to i32
      %cond3A_231 = arith.constant 0 : i32
      %cond3A_232 = arith.cmpi ne, %convert_element_type3A_230, %cond3A_231 : i32
      scf.if %cond3A_232 {
        %dma_wait3A_398 = arith.constant 0 : i32
        %dma_wait3A_399 = arith.constant 0 : i32
        %dma_wait3A_400 = arith.constant 0 : i32
        %dma_wait3A_401 = tpu.memref_slice %arg2[%dma_wait3A_398, %dma_wait3A_399, %dma_wait3A_400] : memref<2880x2x112xi32, #tpu.memory_space<hbm>> -> memref<1x2x112xi32, #tpu.memory_space<hbm>>
        %dma_wait3A_402 = tpu.memref_squeeze %dma_wait3A_401 : memref<1x2x112xi32, #tpu.memory_space<hbm>> -> memref<2x112xi32, #tpu.memory_space<hbm>>
        %dma_wait3A_403 = arith.constant 0 : i32
        %dma_wait3A_404 = arith.constant 0 : i32
        %dma_wait3A_405 = tpu.memref_slice %arg2[%dma_wait3A_398, %dma_wait3A_403, %dma_wait3A_404] : memref<2880x2x112xi32, #tpu.memory_space<hbm>> -> memref<1x2x112xi32, #tpu.memory_space<hbm>>
        %dma_wait3A_406 = tpu.memref_squeeze %dma_wait3A_405 : memref<1x2x112xi32, #tpu.memory_space<hbm>> -> memref<2x112xi32, #tpu.memory_space<hbm>>
        tpu.wait_dma2 semaphore(%arg19 : memref<!tpu.dma_semaphore, #tpu.memory_space<semaphore_mem>>) src(%dma_wait3A_406 : memref<2x112xi32, #tpu.memory_space<hbm>>) dst(%arg9 : memref<2x112xi32, #tpu.memory_space<vmem>>)
        %dma_start3A_407 = arith.constant 0 : i32
        %dma_start3A_408 = arith.constant 0 : i32
        %dma_start3A_409 = tpu.memref_slice %arg9[%dma_start3A_407, %dma_start3A_408] : memref<2x112xi32, #tpu.memory_space<vmem>> -> memref<1x112xi32, #tpu.memory_space<vmem>>
        %dma_start3A_410 = tpu.memref_squeeze %dma_start3A_409 : memref<1x112xi32, #tpu.memory_space<vmem>> -> memref<112xi32, #tpu.memory_space<vmem>>
        %dma_start3A_411 = arith.constant 0 : i32
        %dma_start3A_412 = arith.constant 0 : i32
        %dma_start3A_413 = tpu.memref_slice %arg3[%dma_start3A_411, %dma_start3A_412] : memref<10240x128xf32, #tpu.memory_space<hbm>> -> memref<10240x128xf32, #tpu.memory_space<hbm>>
        tpu.enqueue_indirect_dma source(%dma_start3A_413 : memref<10240x128xf32, #tpu.memory_space<hbm>>) target(%arg12 : memref<112x128xf32, #tpu.memory_space<vmem>>) offsets(%dma_start3A_410 : memref<112xi32, #tpu.memory_space<vmem>>) semaphore(%arg22 : memref<!tpu.dma_semaphore, #tpu.memory_space<semaphore_mem>>)
      } else {
      }
      %mul3A_233 = arith.constant 6 : i32
      %mul3A_234 = arith.muli %while3A_152, %mul3A_233 : i32
      %add3A_235 = arith.constant 2 : i32
      %add3A_236 = arith.addi %mul3A_234, %add3A_235 : i32
      %dma_wait3A_237 = arith.constant 0 : i32
      %dma_wait3A_238 = arith.constant 0 : i32
      %dma_wait3A_239 = tpu.memref_slice %arg6[%dma_wait3A_237, %dma_wait3A_238] : memref<2x112xi32, #tpu.memory_space<vmem>> -> memref<1x112xi32, #tpu.memory_space<vmem>>
      %dma_wait3A_240 = tpu.memref_squeeze %dma_wait3A_239 : memref<1x112xi32, #tpu.memory_space<vmem>> -> memref<112xi32, #tpu.memory_space<vmem>>
      %dma_wait3A_241 = arith.constant 0 : i32
      %dma_wait3A_242 = arith.constant 0 : i32
      %dma_wait3A_243 = tpu.memref_slice %arg3[%dma_wait3A_241, %dma_wait3A_242] : memref<10240x128xf32, #tpu.memory_space<hbm>> -> memref<10240x128xf32, #tpu.memory_space<hbm>>
      tpu.wait_indirect_dma semaphore(%arg24 : memref<!tpu.dma_semaphore, #tpu.memory_space<semaphore_mem>>) src(%dma_wait3A_243 : memref<10240x128xf32, #tpu.memory_space<hbm>>) dst(%arg14 : memref<112x128xf32, #tpu.memory_space<vmem>>)
      %dma_start3A_244 = arith.constant 1 : i32
      %dma_start3A_245 = arith.constant 0 : i32
      %dma_start3A_246 = tpu.memref_slice %arg8[%dma_start3A_244, %dma_start3A_245] : memref<2x112xi32, #tpu.memory_space<vmem>> -> memref<1x112xi32, #tpu.memory_space<vmem>>
      %dma_start3A_247 = tpu.memref_squeeze %dma_start3A_246 : memref<1x112xi32, #tpu.memory_space<vmem>> -> memref<112xi32, #tpu.memory_space<vmem>>
      %dma_start3A_248 = arith.constant 0 : i32
      %dma_start3A_249 = arith.constant 0 : i32
      %dma_start3A_250 = tpu.memref_slice %arg15[%dma_start3A_248, %dma_start3A_249] : memref<10240x128xf32, #tpu.memory_space<vmem_shared>> -> memref<10240x128xf32, #tpu.memory_space<vmem_shared>>
      tpu.enqueue_indirect_dma source(%arg14 : memref<112x128xf32, #tpu.memory_space<vmem>>) target(%dma_start3A_250 : memref<10240x128xf32, #tpu.memory_space<vmem_shared>>) offsets(%dma_start3A_247 : memref<112xi32, #tpu.memory_space<vmem>>) semaphore(%arg27 : memref<!tpu.dma_semaphore, #tpu.memory_space<semaphore_mem>>) {add = true}
      %sub3A_251 = arith.constant 1 : i32
      %sub3A_252 = arith.subi %add3A_236, %sub3A_251 : i32
      %ge3A_253 = arith.constant 0 : i32
      %ge3A_254 = arith.cmpi sge, %sub3A_252, %ge3A_253 : i32
      %convert_element_type3A_255 = arith.extui %ge3A_254 : i1 to i32
      %cond3A_256 = arith.constant 0 : i32
      %cond3A_257 = arith.cmpi ne, %convert_element_type3A_255, %cond3A_256 : i32
      scf.if %cond3A_257 {
        %dma_wait3A_398 = arith.constant 1 : i32
        %dma_wait3A_399 = arith.constant 0 : i32
        %dma_wait3A_400 = tpu.memref_slice %arg6[%dma_wait3A_398, %dma_wait3A_399] : memref<2x112xi32, #tpu.memory_space<vmem>> -> memref<1x112xi32, #tpu.memory_space<vmem>>
        %dma_wait3A_401 = tpu.memref_squeeze %dma_wait3A_400 : memref<1x112xi32, #tpu.memory_space<vmem>> -> memref<112xi32, #tpu.memory_space<vmem>>
        %dma_wait3A_402 = arith.constant 0 : i32
        %dma_wait3A_403 = arith.constant 0 : i32
        %dma_wait3A_404 = tpu.memref_slice %arg15[%dma_wait3A_402, %dma_wait3A_403] : memref<10240x128xf32, #tpu.memory_space<vmem_shared>> -> memref<10240x128xf32, #tpu.memory_space<vmem_shared>>
        tpu.wait_indirect_dma semaphore(%arg26 : memref<!tpu.dma_semaphore, #tpu.memory_space<semaphore_mem>>) src(%arg13 : memref<112x128xf32, #tpu.memory_space<vmem>>) dst(%dma_wait3A_404 : memref<10240x128xf32, #tpu.memory_space<vmem_shared>>)
      } else {
      }
      %add3A_258 = arith.constant 6 : i32
      %add3A_259 = arith.addi %add3A_236, %add3A_258 : i32
      %sub3A_260 = arith.constant 1 : i32
      %sub3A_261 = arith.subi %add3A_259, %sub3A_260 : i32
      %lt3A_262 = arith.cmpi slt, %sub3A_261, %select_n3A : i32
      %convert_element_type3A_263 = arith.extui %lt3A_262 : i1 to i32
      %cond3A_264 = arith.constant 0 : i32
      %cond3A_265 = arith.cmpi ne, %convert_element_type3A_263, %cond3A_264 : i32
      scf.if %cond3A_265 {
        %add3A_398 = arith.constant 6 : i32
        %add3A_399 = arith.addi %add3A_236, %add3A_398 : i32
        %sub3A_400 = arith.constant 1 : i32
        %sub3A_401 = arith.subi %add3A_399, %sub3A_400 : i32
        %add3A_402 = arith.addi %select_n3A_44, %sub3A_401 : i32
        %dma_start3A_403 = arith.constant 0 : i32
        %dma_start3A_404 = arith.constant 0 : i32
        %dma_start3A_405 = tpu.memref_slice %arg2[%add3A_402, %dma_start3A_403, %dma_start3A_404] : memref<2880x2x112xi32, #tpu.memory_space<hbm>> -> memref<1x2x112xi32, #tpu.memory_space<hbm>>
        %dma_start3A_406 = tpu.memref_squeeze %dma_start3A_405 : memref<1x2x112xi32, #tpu.memory_space<hbm>> -> memref<2x112xi32, #tpu.memory_space<hbm>>
        %dma_start3A_407 = arith.constant 0 : i32
        %dma_start3A_408 = arith.constant 0 : i32
        %dma_start3A_409 = tpu.memref_slice %arg2[%add3A_402, %dma_start3A_407, %dma_start3A_408] : memref<2880x2x112xi32, #tpu.memory_space<hbm>> -> memref<1x2x112xi32, #tpu.memory_space<hbm>>
        %dma_start3A_410 = tpu.memref_squeeze %dma_start3A_409 : memref<1x2x112xi32, #tpu.memory_space<hbm>> -> memref<2x112xi32, #tpu.memory_space<hbm>>
        tpu.enqueue_dma source(%dma_start3A_410 : memref<2x112xi32, #tpu.memory_space<hbm>>) target(%arg7 : memref<2x112xi32, #tpu.memory_space<vmem>>) target_semaphore(%arg17 : memref<!tpu.dma_semaphore, #tpu.memory_space<semaphore_mem>>)
      } else {
      }
      %add3A_266 = arith.constant 3 : i32
      %add3A_267 = arith.addi %add3A_236, %add3A_266 : i32
      %sub3A_268 = arith.constant 1 : i32
      %sub3A_269 = arith.subi %add3A_267, %sub3A_268 : i32
      %lt3A_270 = arith.cmpi slt, %sub3A_269, %select_n3A : i32
      %convert_element_type3A_271 = arith.extui %lt3A_270 : i1 to i32
      %cond3A_272 = arith.constant 0 : i32
      %cond3A_273 = arith.cmpi ne, %convert_element_type3A_271, %cond3A_272 : i32
      scf.if %cond3A_273 {
        %dma_wait3A_398 = arith.constant 0 : i32
        %dma_wait3A_399 = arith.constant 0 : i32
        %dma_wait3A_400 = arith.constant 0 : i32
        %dma_wait3A_401 = tpu.memref_slice %arg2[%dma_wait3A_398, %dma_wait3A_399, %dma_wait3A_400] : memref<2880x2x112xi32, #tpu.memory_space<hbm>> -> memref<1x2x112xi32, #tpu.memory_space<hbm>>
        %dma_wait3A_402 = tpu.memref_squeeze %dma_wait3A_401 : memref<1x2x112xi32, #tpu.memory_space<hbm>> -> memref<2x112xi32, #tpu.memory_space<hbm>>
        %dma_wait3A_403 = arith.constant 0 : i32
        %dma_wait3A_404 = arith.constant 0 : i32
        %dma_wait3A_405 = tpu.memref_slice %arg2[%dma_wait3A_398, %dma_wait3A_403, %dma_wait3A_404] : memref<2880x2x112xi32, #tpu.memory_space<hbm>> -> memref<1x2x112xi32, #tpu.memory_space<hbm>>
        %dma_wait3A_406 = tpu.memref_squeeze %dma_wait3A_405 : memref<1x2x112xi32, #tpu.memory_space<hbm>> -> memref<2x112xi32, #tpu.memory_space<hbm>>
        tpu.wait_dma2 semaphore(%arg20 : memref<!tpu.dma_semaphore, #tpu.memory_space<semaphore_mem>>) src(%dma_wait3A_406 : memref<2x112xi32, #tpu.memory_space<hbm>>) dst(%arg10 : memref<2x112xi32, #tpu.memory_space<vmem>>)
        %dma_start3A_407 = arith.constant 0 : i32
        %dma_start3A_408 = arith.constant 0 : i32
        %dma_start3A_409 = tpu.memref_slice %arg10[%dma_start3A_407, %dma_start3A_408] : memref<2x112xi32, #tpu.memory_space<vmem>> -> memref<1x112xi32, #tpu.memory_space<vmem>>
        %dma_start3A_410 = tpu.memref_squeeze %dma_start3A_409 : memref<1x112xi32, #tpu.memory_space<vmem>> -> memref<112xi32, #tpu.memory_space<vmem>>
        %dma_start3A_411 = arith.constant 0 : i32
        %dma_start3A_412 = arith.constant 0 : i32
        %dma_start3A_413 = tpu.memref_slice %arg3[%dma_start3A_411, %dma_start3A_412] : memref<10240x128xf32, #tpu.memory_space<hbm>> -> memref<10240x128xf32, #tpu.memory_space<hbm>>
        tpu.enqueue_indirect_dma source(%dma_start3A_413 : memref<10240x128xf32, #tpu.memory_space<hbm>>) target(%arg13 : memref<112x128xf32, #tpu.memory_space<vmem>>) offsets(%dma_start3A_410 : memref<112xi32, #tpu.memory_space<vmem>>) semaphore(%arg23 : memref<!tpu.dma_semaphore, #tpu.memory_space<semaphore_mem>>)
      } else {
      }
      %mul3A_274 = arith.constant 6 : i32
      %mul3A_275 = arith.muli %while3A_152, %mul3A_274 : i32
      %add3A_276 = arith.constant 3 : i32
      %add3A_277 = arith.addi %mul3A_275, %add3A_276 : i32
      %dma_wait3A_278 = arith.constant 0 : i32
      %dma_wait3A_279 = arith.constant 0 : i32
      %dma_wait3A_280 = tpu.memref_slice %arg6[%dma_wait3A_278, %dma_wait3A_279] : memref<2x112xi32, #tpu.memory_space<vmem>> -> memref<1x112xi32, #tpu.memory_space<vmem>>
      %dma_wait3A_281 = tpu.memref_squeeze %dma_wait3A_280 : memref<1x112xi32, #tpu.memory_space<vmem>> -> memref<112xi32, #tpu.memory_space<vmem>>
      %dma_wait3A_282 = arith.constant 0 : i32
      %dma_wait3A_283 = arith.constant 0 : i32
      %dma_wait3A_284 = tpu.memref_slice %arg3[%dma_wait3A_282, %dma_wait3A_283] : memref<10240x128xf32, #tpu.memory_space<hbm>> -> memref<10240x128xf32, #tpu.memory_space<hbm>>
      tpu.wait_indirect_dma semaphore(%arg22 : memref<!tpu.dma_semaphore, #tpu.memory_space<semaphore_mem>>) src(%dma_wait3A_284 : memref<10240x128xf32, #tpu.memory_space<hbm>>) dst(%arg12 : memref<112x128xf32, #tpu.memory_space<vmem>>)
      %dma_start3A_285 = arith.constant 1 : i32
      %dma_start3A_286 = arith.constant 0 : i32
      %dma_start3A_287 = tpu.memref_slice %arg9[%dma_start3A_285, %dma_start3A_286] : memref<2x112xi32, #tpu.memory_space<vmem>> -> memref<1x112xi32, #tpu.memory_space<vmem>>
      %dma_start3A_288 = tpu.memref_squeeze %dma_start3A_287 : memref<1x112xi32, #tpu.memory_space<vmem>> -> memref<112xi32, #tpu.memory_space<vmem>>
      %dma_start3A_289 = arith.constant 0 : i32
      %dma_start3A_290 = arith.constant 0 : i32
      %dma_start3A_291 = tpu.memref_slice %arg15[%dma_start3A_289, %dma_start3A_290] : memref<10240x128xf32, #tpu.memory_space<vmem_shared>> -> memref<10240x128xf32, #tpu.memory_space<vmem_shared>>
      tpu.enqueue_indirect_dma source(%arg12 : memref<112x128xf32, #tpu.memory_space<vmem>>) target(%dma_start3A_291 : memref<10240x128xf32, #tpu.memory_space<vmem_shared>>) offsets(%dma_start3A_288 : memref<112xi32, #tpu.memory_space<vmem>>) semaphore(%arg25 : memref<!tpu.dma_semaphore, #tpu.memory_space<semaphore_mem>>) {add = true}
      %sub3A_292 = arith.constant 1 : i32
      %sub3A_293 = arith.subi %add3A_277, %sub3A_292 : i32
      %ge3A_294 = arith.constant 0 : i32
      %ge3A_295 = arith.cmpi sge, %sub3A_293, %ge3A_294 : i32
      %convert_element_type3A_296 = arith.extui %ge3A_295 : i1 to i32
      %cond3A_297 = arith.constant 0 : i32
      %cond3A_298 = arith.cmpi ne, %convert_element_type3A_296, %cond3A_297 : i32
      scf.if %cond3A_298 {
        %dma_wait3A_398 = arith.constant 1 : i32
        %dma_wait3A_399 = arith.constant 0 : i32
        %dma_wait3A_400 = tpu.memref_slice %arg6[%dma_wait3A_398, %dma_wait3A_399] : memref<2x112xi32, #tpu.memory_space<vmem>> -> memref<1x112xi32, #tpu.memory_space<vmem>>
        %dma_wait3A_401 = tpu.memref_squeeze %dma_wait3A_400 : memref<1x112xi32, #tpu.memory_space<vmem>> -> memref<112xi32, #tpu.memory_space<vmem>>
        %dma_wait3A_402 = arith.constant 0 : i32
        %dma_wait3A_403 = arith.constant 0 : i32
        %dma_wait3A_404 = tpu.memref_slice %arg15[%dma_wait3A_402, %dma_wait3A_403] : memref<10240x128xf32, #tpu.memory_space<vmem_shared>> -> memref<10240x128xf32, #tpu.memory_space<vmem_shared>>
        tpu.wait_indirect_dma semaphore(%arg27 : memref<!tpu.dma_semaphore, #tpu.memory_space<semaphore_mem>>) src(%arg14 : memref<112x128xf32, #tpu.memory_space<vmem>>) dst(%dma_wait3A_404 : memref<10240x128xf32, #tpu.memory_space<vmem_shared>>)
      } else {
      }
      %add3A_299 = arith.constant 6 : i32
      %add3A_300 = arith.addi %add3A_277, %add3A_299 : i32
      %sub3A_301 = arith.constant 1 : i32
      %sub3A_302 = arith.subi %add3A_300, %sub3A_301 : i32
      %lt3A_303 = arith.cmpi slt, %sub3A_302, %select_n3A : i32
      %convert_element_type3A_304 = arith.extui %lt3A_303 : i1 to i32
      %cond3A_305 = arith.constant 0 : i32
      %cond3A_306 = arith.cmpi ne, %convert_element_type3A_304, %cond3A_305 : i32
      scf.if %cond3A_306 {
        %add3A_398 = arith.constant 6 : i32
        %add3A_399 = arith.addi %add3A_277, %add3A_398 : i32
        %sub3A_400 = arith.constant 1 : i32
        %sub3A_401 = arith.subi %add3A_399, %sub3A_400 : i32
        %add3A_402 = arith.addi %select_n3A_44, %sub3A_401 : i32
        %dma_start3A_403 = arith.constant 0 : i32
        %dma_start3A_404 = arith.constant 0 : i32
        %dma_start3A_405 = tpu.memref_slice %arg2[%add3A_402, %dma_start3A_403, %dma_start3A_404] : memref<2880x2x112xi32, #tpu.memory_space<hbm>> -> memref<1x2x112xi32, #tpu.memory_space<hbm>>
        %dma_start3A_406 = tpu.memref_squeeze %dma_start3A_405 : memref<1x2x112xi32, #tpu.memory_space<hbm>> -> memref<2x112xi32, #tpu.memory_space<hbm>>
        %dma_start3A_407 = arith.constant 0 : i32
        %dma_start3A_408 = arith.constant 0 : i32
        %dma_start3A_409 = tpu.memref_slice %arg2[%add3A_402, %dma_start3A_407, %dma_start3A_408] : memref<2880x2x112xi32, #tpu.memory_space<hbm>> -> memref<1x2x112xi32, #tpu.memory_space<hbm>>
        %dma_start3A_410 = tpu.memref_squeeze %dma_start3A_409 : memref<1x2x112xi32, #tpu.memory_space<hbm>> -> memref<2x112xi32, #tpu.memory_space<hbm>>
        tpu.enqueue_dma source(%dma_start3A_410 : memref<2x112xi32, #tpu.memory_space<hbm>>) target(%arg8 : memref<2x112xi32, #tpu.memory_space<vmem>>) target_semaphore(%arg18 : memref<!tpu.dma_semaphore, #tpu.memory_space<semaphore_mem>>)
      } else {
      }
      %add3A_307 = arith.constant 3 : i32
      %add3A_308 = arith.addi %add3A_277, %add3A_307 : i32
      %sub3A_309 = arith.constant 1 : i32
      %sub3A_310 = arith.subi %add3A_308, %sub3A_309 : i32
      %lt3A_311 = arith.cmpi slt, %sub3A_310, %select_n3A : i32
      %convert_element_type3A_312 = arith.extui %lt3A_311 : i1 to i32
      %cond3A_313 = arith.constant 0 : i32
      %cond3A_314 = arith.cmpi ne, %convert_element_type3A_312, %cond3A_313 : i32
      scf.if %cond3A_314 {
        %dma_wait3A_398 = arith.constant 0 : i32
        %dma_wait3A_399 = arith.constant 0 : i32
        %dma_wait3A_400 = arith.constant 0 : i32
        %dma_wait3A_401 = tpu.memref_slice %arg2[%dma_wait3A_398, %dma_wait3A_399, %dma_wait3A_400] : memref<2880x2x112xi32, #tpu.memory_space<hbm>> -> memref<1x2x112xi32, #tpu.memory_space<hbm>>
        %dma_wait3A_402 = tpu.memref_squeeze %dma_wait3A_401 : memref<1x2x112xi32, #tpu.memory_space<hbm>> -> memref<2x112xi32, #tpu.memory_space<hbm>>
        %dma_wait3A_403 = arith.constant 0 : i32
        %dma_wait3A_404 = arith.constant 0 : i32
        %dma_wait3A_405 = tpu.memref_slice %arg2[%dma_wait3A_398, %dma_wait3A_403, %dma_wait3A_404] : memref<2880x2x112xi32, #tpu.memory_space<hbm>> -> memref<1x2x112xi32, #tpu.memory_space<hbm>>
        %dma_wait3A_406 = tpu.memref_squeeze %dma_wait3A_405 : memref<1x2x112xi32, #tpu.memory_space<hbm>> -> memref<2x112xi32, #tpu.memory_space<hbm>>
        tpu.wait_dma2 semaphore(%arg21 : memref<!tpu.dma_semaphore, #tpu.memory_space<semaphore_mem>>) src(%dma_wait3A_406 : memref<2x112xi32, #tpu.memory_space<hbm>>) dst(%arg11 : memref<2x112xi32, #tpu.memory_space<vmem>>)
        %dma_start3A_407 = arith.constant 0 : i32
        %dma_start3A_408 = arith.constant 0 : i32
        %dma_start3A_409 = tpu.memref_slice %arg11[%dma_start3A_407, %dma_start3A_408] : memref<2x112xi32, #tpu.memory_space<vmem>> -> memref<1x112xi32, #tpu.memory_space<vmem>>
        %dma_start3A_410 = tpu.memref_squeeze %dma_start3A_409 : memref<1x112xi32, #tpu.memory_space<vmem>> -> memref<112xi32, #tpu.memory_space<vmem>>
        %dma_start3A_411 = arith.constant 0 : i32
        %dma_start3A_412 = arith.constant 0 : i32
        %dma_start3A_413 = tpu.memref_slice %arg3[%dma_start3A_411, %dma_start3A_412] : memref<10240x128xf32, #tpu.memory_space<hbm>> -> memref<10240x128xf32, #tpu.memory_space<hbm>>
        tpu.enqueue_indirect_dma source(%dma_start3A_413 : memref<10240x128xf32, #tpu.memory_space<hbm>>) target(%arg14 : memref<112x128xf32, #tpu.memory_space<vmem>>) offsets(%dma_start3A_410 : memref<112xi32, #tpu.memory_space<vmem>>) semaphore(%arg24 : memref<!tpu.dma_semaphore, #tpu.memory_space<semaphore_mem>>)
      } else {
      }
      %mul3A_315 = arith.constant 6 : i32
      %mul3A_316 = arith.muli %while3A_152, %mul3A_315 : i32
      %add3A_317 = arith.constant 4 : i32
      %add3A_318 = arith.addi %mul3A_316, %add3A_317 : i32
      %dma_wait3A_319 = arith.constant 0 : i32
      %dma_wait3A_320 = arith.constant 0 : i32
      %dma_wait3A_321 = tpu.memref_slice %arg6[%dma_wait3A_319, %dma_wait3A_320] : memref<2x112xi32, #tpu.memory_space<vmem>> -> memref<1x112xi32, #tpu.memory_space<vmem>>
      %dma_wait3A_322 = tpu.memref_squeeze %dma_wait3A_321 : memref<1x112xi32, #tpu.memory_space<vmem>> -> memref<112xi32, #tpu.memory_space<vmem>>
      %dma_wait3A_323 = arith.constant 0 : i32
      %dma_wait3A_324 = arith.constant 0 : i32
      %dma_wait3A_325 = tpu.memref_slice %arg3[%dma_wait3A_323, %dma_wait3A_324] : memref<10240x128xf32, #tpu.memory_space<hbm>> -> memref<10240x128xf32, #tpu.memory_space<hbm>>
      tpu.wait_indirect_dma semaphore(%arg23 : memref<!tpu.dma_semaphore, #tpu.memory_space<semaphore_mem>>) src(%dma_wait3A_325 : memref<10240x128xf32, #tpu.memory_space<hbm>>) dst(%arg13 : memref<112x128xf32, #tpu.memory_space<vmem>>)
      %dma_start3A_326 = arith.constant 1 : i32
      %dma_start3A_327 = arith.constant 0 : i32
      %dma_start3A_328 = tpu.memref_slice %arg10[%dma_start3A_326, %dma_start3A_327] : memref<2x112xi32, #tpu.memory_space<vmem>> -> memref<1x112xi32, #tpu.memory_space<vmem>>
      %dma_start3A_329 = tpu.memref_squeeze %dma_start3A_328 : memref<1x112xi32, #tpu.memory_space<vmem>> -> memref<112xi32, #tpu.memory_space<vmem>>
      %dma_start3A_330 = arith.constant 0 : i32
      %dma_start3A_331 = arith.constant 0 : i32
      %dma_start3A_332 = tpu.memref_slice %arg15[%dma_start3A_330, %dma_start3A_331] : memref<10240x128xf32, #tpu.memory_space<vmem_shared>> -> memref<10240x128xf32, #tpu.memory_space<vmem_shared>>
      tpu.enqueue_indirect_dma source(%arg13 : memref<112x128xf32, #tpu.memory_space<vmem>>) target(%dma_start3A_332 : memref<10240x128xf32, #tpu.memory_space<vmem_shared>>) offsets(%dma_start3A_329 : memref<112xi32, #tpu.memory_space<vmem>>) semaphore(%arg26 : memref<!tpu.dma_semaphore, #tpu.memory_space<semaphore_mem>>) {add = true}
      %sub3A_333 = arith.constant 1 : i32
      %sub3A_334 = arith.subi %add3A_318, %sub3A_333 : i32
      %ge3A_335 = arith.constant 0 : i32
      %ge3A_336 = arith.cmpi sge, %sub3A_334, %ge3A_335 : i32
      %convert_element_type3A_337 = arith.extui %ge3A_336 : i1 to i32
      %cond3A_338 = arith.constant 0 : i32
      %cond3A_339 = arith.cmpi ne, %convert_element_type3A_337, %cond3A_338 : i32
      scf.if %cond3A_339 {
        %dma_wait3A_398 = arith.constant 1 : i32
        %dma_wait3A_399 = arith.constant 0 : i32
        %dma_wait3A_400 = tpu.memref_slice %arg6[%dma_wait3A_398, %dma_wait3A_399] : memref<2x112xi32, #tpu.memory_space<vmem>> -> memref<1x112xi32, #tpu.memory_space<vmem>>
        %dma_wait3A_401 = tpu.memref_squeeze %dma_wait3A_400 : memref<1x112xi32, #tpu.memory_space<vmem>> -> memref<112xi32, #tpu.memory_space<vmem>>
        %dma_wait3A_402 = arith.constant 0 : i32
        %dma_wait3A_403 = arith.constant 0 : i32
        %dma_wait3A_404 = tpu.memref_slice %arg15[%dma_wait3A_402, %dma_wait3A_403] : memref<10240x128xf32, #tpu.memory_space<vmem_shared>> -> memref<10240x128xf32, #tpu.memory_space<vmem_shared>>
        tpu.wait_indirect_dma semaphore(%arg25 : memref<!tpu.dma_semaphore, #tpu.memory_space<semaphore_mem>>) src(%arg12 : memref<112x128xf32, #tpu.memory_space<vmem>>) dst(%dma_wait3A_404 : memref<10240x128xf32, #tpu.memory_space<vmem_shared>>)
      } else {
      }
      %add3A_340 = arith.constant 6 : i32
      %add3A_341 = arith.addi %add3A_318, %add3A_340 : i32
      %sub3A_342 = arith.constant 1 : i32
      %sub3A_343 = arith.subi %add3A_341, %sub3A_342 : i32
      %lt3A_344 = arith.cmpi slt, %sub3A_343, %select_n3A : i32
      %convert_element_type3A_345 = arith.extui %lt3A_344 : i1 to i32
      %cond3A_346 = arith.constant 0 : i32
      %cond3A_347 = arith.cmpi ne, %convert_element_type3A_345, %cond3A_346 : i32
      scf.if %cond3A_347 {
        %add3A_398 = arith.constant 6 : i32
        %add3A_399 = arith.addi %add3A_318, %add3A_398 : i32
        %sub3A_400 = arith.constant 1 : i32
        %sub3A_401 = arith.subi %add3A_399, %sub3A_400 : i32
        %add3A_402 = arith.addi %select_n3A_44, %sub3A_401 : i32
        %dma_start3A_403 = arith.constant 0 : i32
        %dma_start3A_404 = arith.constant 0 : i32
        %dma_start3A_405 = tpu.memref_slice %arg2[%add3A_402, %dma_start3A_403, %dma_start3A_404] : memref<2880x2x112xi32, #tpu.memory_space<hbm>> -> memref<1x2x112xi32, #tpu.memory_space<hbm>>
        %dma_start3A_406 = tpu.memref_squeeze %dma_start3A_405 : memref<1x2x112xi32, #tpu.memory_space<hbm>> -> memref<2x112xi32, #tpu.memory_space<hbm>>
        %dma_start3A_407 = arith.constant 0 : i32
        %dma_start3A_408 = arith.constant 0 : i32
        %dma_start3A_409 = tpu.memref_slice %arg2[%add3A_402, %dma_start3A_407, %dma_start3A_408] : memref<2880x2x112xi32, #tpu.memory_space<hbm>> -> memref<1x2x112xi32, #tpu.memory_space<hbm>>
        %dma_start3A_410 = tpu.memref_squeeze %dma_start3A_409 : memref<1x2x112xi32, #tpu.memory_space<hbm>> -> memref<2x112xi32, #tpu.memory_space<hbm>>
        tpu.enqueue_dma source(%dma_start3A_410 : memref<2x112xi32, #tpu.memory_space<hbm>>) target(%arg9 : memref<2x112xi32, #tpu.memory_space<vmem>>) target_semaphore(%arg19 : memref<!tpu.dma_semaphore, #tpu.memory_space<semaphore_mem>>)
      } else {
      }
      %add3A_348 = arith.constant 3 : i32
      %add3A_349 = arith.addi %add3A_318, %add3A_348 : i32
      %sub3A_350 = arith.constant 1 : i32
      %sub3A_351 = arith.subi %add3A_349, %sub3A_350 : i32
      %lt3A_352 = arith.cmpi slt, %sub3A_351, %select_n3A : i32
      %convert_element_type3A_353 = arith.extui %lt3A_352 : i1 to i32
      %cond3A_354 = arith.constant 0 : i32
      %cond3A_355 = arith.cmpi ne, %convert_element_type3A_353, %cond3A_354 : i32
      scf.if %cond3A_355 {
        %dma_wait3A_398 = arith.constant 0 : i32
        %dma_wait3A_399 = arith.constant 0 : i32
        %dma_wait3A_400 = arith.constant 0 : i32
        %dma_wait3A_401 = tpu.memref_slice %arg2[%dma_wait3A_398, %dma_wait3A_399, %dma_wait3A_400] : memref<2880x2x112xi32, #tpu.memory_space<hbm>> -> memref<1x2x112xi32, #tpu.memory_space<hbm>>
        %dma_wait3A_402 = tpu.memref_squeeze %dma_wait3A_401 : memref<1x2x112xi32, #tpu.memory_space<hbm>> -> memref<2x112xi32, #tpu.memory_space<hbm>>
        %dma_wait3A_403 = arith.constant 0 : i32
        %dma_wait3A_404 = arith.constant 0 : i32
        %dma_wait3A_405 = tpu.memref_slice %arg2[%dma_wait3A_398, %dma_wait3A_403, %dma_wait3A_404] : memref<2880x2x112xi32, #tpu.memory_space<hbm>> -> memref<1x2x112xi32, #tpu.memory_space<hbm>>
        %dma_wait3A_406 = tpu.memref_squeeze %dma_wait3A_405 : memref<1x2x112xi32, #tpu.memory_space<hbm>> -> memref<2x112xi32, #tpu.memory_space<hbm>>
        tpu.wait_dma2 semaphore(%arg16 : memref<!tpu.dma_semaphore, #tpu.memory_space<semaphore_mem>>) src(%dma_wait3A_406 : memref<2x112xi32, #tpu.memory_space<hbm>>) dst(%arg6 : memref<2x112xi32, #tpu.memory_space<vmem>>)
        %dma_start3A_407 = arith.constant 0 : i32
        %dma_start3A_408 = arith.constant 0 : i32
        %dma_start3A_409 = tpu.memref_slice %arg6[%dma_start3A_407, %dma_start3A_408] : memref<2x112xi32, #tpu.memory_space<vmem>> -> memref<1x112xi32, #tpu.memory_space<vmem>>
        %dma_start3A_410 = tpu.memref_squeeze %dma_start3A_409 : memref<1x112xi32, #tpu.memory_space<vmem>> -> memref<112xi32, #tpu.memory_space<vmem>>
        %dma_start3A_411 = arith.constant 0 : i32
        %dma_start3A_412 = arith.constant 0 : i32
        %dma_start3A_413 = tpu.memref_slice %arg3[%dma_start3A_411, %dma_start3A_412] : memref<10240x128xf32, #tpu.memory_space<hbm>> -> memref<10240x128xf32, #tpu.memory_space<hbm>>
        tpu.enqueue_indirect_dma source(%dma_start3A_413 : memref<10240x128xf32, #tpu.memory_space<hbm>>) target(%arg12 : memref<112x128xf32, #tpu.memory_space<vmem>>) offsets(%dma_start3A_410 : memref<112xi32, #tpu.memory_space<vmem>>) semaphore(%arg22 : memref<!tpu.dma_semaphore, #tpu.memory_space<semaphore_mem>>)
      } else {
      }
      %mul3A_356 = arith.constant 6 : i32
      %mul3A_357 = arith.muli %while3A_152, %mul3A_356 : i32
      %add3A_358 = arith.constant 5 : i32
      %add3A_359 = arith.addi %mul3A_357, %add3A_358 : i32
      %dma_wait3A_360 = arith.constant 0 : i32
      %dma_wait3A_361 = arith.constant 0 : i32
      %dma_wait3A_362 = tpu.memref_slice %arg6[%dma_wait3A_360, %dma_wait3A_361] : memref<2x112xi32, #tpu.memory_space<vmem>> -> memref<1x112xi32, #tpu.memory_space<vmem>>
      %dma_wait3A_363 = tpu.memref_squeeze %dma_wait3A_362 : memref<1x112xi32, #tpu.memory_space<vmem>> -> memref<112xi32, #tpu.memory_space<vmem>>
      %dma_wait3A_364 = arith.constant 0 : i32
      %dma_wait3A_365 = arith.constant 0 : i32
      %dma_wait3A_366 = tpu.memref_slice %arg3[%dma_wait3A_364, %dma_wait3A_365] : memref<10240x128xf32, #tpu.memory_space<hbm>> -> memref<10240x128xf32, #tpu.memory_space<hbm>>
      tpu.wait_indirect_dma semaphore(%arg24 : memref<!tpu.dma_semaphore, #tpu.memory_space<semaphore_mem>>) src(%dma_wait3A_366 : memref<10240x128xf32, #tpu.memory_space<hbm>>) dst(%arg14 : memref<112x128xf32, #tpu.memory_space<vmem>>)
      %dma_start3A_367 = arith.constant 1 : i32
      %dma_start3A_368 = arith.constant 0 : i32
      %dma_start3A_369 = tpu.memref_slice %arg11[%dma_start3A_367, %dma_start3A_368] : memref<2x112xi32, #tpu.memory_space<vmem>> -> memref<1x112xi32, #tpu.memory_space<vmem>>
      %dma_start3A_370 = tpu.memref_squeeze %dma_start3A_369 : memref<1x112xi32, #tpu.memory_space<vmem>> -> memref<112xi32, #tpu.memory_space<vmem>>
      %dma_start3A_371 = arith.constant 0 : i32
      %dma_start3A_372 = arith.constant 0 : i32
      %dma_start3A_373 = tpu.memref_slice %arg15[%dma_start3A_371, %dma_start3A_372] : memref<10240x128xf32, #tpu.memory_space<vmem_shared>> -> memref<10240x128xf32, #tpu.memory_space<vmem_shared>>
      tpu.enqueue_indirect_dma source(%arg14 : memref<112x128xf32, #tpu.memory_space<vmem>>) target(%dma_start3A_373 : memref<10240x128xf32, #tpu.memory_space<vmem_shared>>) offsets(%dma_start3A_370 : memref<112xi32, #tpu.memory_space<vmem>>) semaphore(%arg27 : memref<!tpu.dma_semaphore, #tpu.memory_space<semaphore_mem>>) {add = true}
      %sub3A_374 = arith.constant 1 : i32
      %sub3A_375 = arith.subi %add3A_359, %sub3A_374 : i32
      %ge3A_376 = arith.constant 0 : i32
      %ge3A_377 = arith.cmpi sge, %sub3A_375, %ge3A_376 : i32
      %convert_element_type3A_378 = arith.extui %ge3A_377 : i1 to i32
      %cond3A_379 = arith.constant 0 : i32
      %cond3A_380 = arith.cmpi ne, %convert_element_type3A_378, %cond3A_379 : i32
      scf.if %cond3A_380 {
        %dma_wait3A_398 = arith.constant 1 : i32
        %dma_wait3A_399 = arith.constant 0 : i32
        %dma_wait3A_400 = tpu.memref_slice %arg6[%dma_wait3A_398, %dma_wait3A_399] : memref<2x112xi32, #tpu.memory_space<vmem>> -> memref<1x112xi32, #tpu.memory_space<vmem>>
        %dma_wait3A_401 = tpu.memref_squeeze %dma_wait3A_400 : memref<1x112xi32, #tpu.memory_space<vmem>> -> memref<112xi32, #tpu.memory_space<vmem>>
        %dma_wait3A_402 = arith.constant 0 : i32
        %dma_wait3A_403 = arith.constant 0 : i32
        %dma_wait3A_404 = tpu.memref_slice %arg15[%dma_wait3A_402, %dma_wait3A_403] : memref<10240x128xf32, #tpu.memory_space<vmem_shared>> -> memref<10240x128xf32, #tpu.memory_space<vmem_shared>>
        tpu.wait_indirect_dma semaphore(%arg26 : memref<!tpu.dma_semaphore, #tpu.memory_space<semaphore_mem>>) src(%arg13 : memref<112x128xf32, #tpu.memory_space<vmem>>) dst(%dma_wait3A_404 : memref<10240x128xf32, #tpu.memory_space<vmem_shared>>)
      } else {
      }
      %add3A_381 = arith.constant 6 : i32
      %add3A_382 = arith.addi %add3A_359, %add3A_381 : i32
      %sub3A_383 = arith.constant 1 : i32
      %sub3A_384 = arith.subi %add3A_382, %sub3A_383 : i32
      %lt3A_385 = arith.cmpi slt, %sub3A_384, %select_n3A : i32
      %convert_element_type3A_386 = arith.extui %lt3A_385 : i1 to i32
      %cond3A_387 = arith.constant 0 : i32
      %cond3A_388 = arith.cmpi ne, %convert_element_type3A_386, %cond3A_387 : i32
      scf.if %cond3A_388 {
        %add3A_398 = arith.constant 6 : i32
        %add3A_399 = arith.addi %add3A_359, %add3A_398 : i32
        %sub3A_400 = arith.constant 1 : i32
        %sub3A_401 = arith.subi %add3A_399, %sub3A_400 : i32
        %add3A_402 = arith.addi %select_n3A_44, %sub3A_401 : i32
        %dma_start3A_403 = arith.constant 0 : i32
        %dma_start3A_404 = arith.constant 0 : i32
        %dma_start3A_405 = tpu.memref_slice %arg2[%add3A_402, %dma_start3A_403, %dma_start3A_404] : memref<2880x2x112xi32, #tpu.memory_space<hbm>> -> memref<1x2x112xi32, #tpu.memory_space<hbm>>
        %dma_start3A_406 = tpu.memref_squeeze %dma_start3A_405 : memref<1x2x112xi32, #tpu.memory_space<hbm>> -> memref<2x112xi32, #tpu.memory_space<hbm>>
        %dma_start3A_407 = arith.constant 0 : i32
        %dma_start3A_408 = arith.constant 0 : i32
        %dma_start3A_409 = tpu.memref_slice %arg2[%add3A_402, %dma_start3A_407, %dma_start3A_408] : memref<2880x2x112xi32, #tpu.memory_space<hbm>> -> memref<1x2x112xi32, #tpu.memory_space<hbm>>
        %dma_start3A_410 = tpu.memref_squeeze %dma_start3A_409 : memref<1x2x112xi32, #tpu.memory_space<hbm>> -> memref<2x112xi32, #tpu.memory_space<hbm>>
        tpu.enqueue_dma source(%dma_start3A_410 : memref<2x112xi32, #tpu.memory_space<hbm>>) target(%arg10 : memref<2x112xi32, #tpu.memory_space<vmem>>) target_semaphore(%arg20 : memref<!tpu.dma_semaphore, #tpu.memory_space<semaphore_mem>>)
      } else {
      }
      %add3A_389 = arith.constant 3 : i32
      %add3A_390 = arith.addi %add3A_359, %add3A_389 : i32
      %sub3A_391 = arith.constant 1 : i32
      %sub3A_392 = arith.subi %add3A_390, %sub3A_391 : i32
      %lt3A_393 = arith.cmpi slt, %sub3A_392, %select_n3A : i32
      %convert_element_type3A_394 = arith.extui %lt3A_393 : i1 to i32
      %cond3A_395 = arith.constant 0 : i32
      %cond3A_396 = arith.cmpi ne, %convert_element_type3A_394, %cond3A_395 : i32
      scf.if %cond3A_396 {
        %dma_wait3A_398 = arith.constant 0 : i32
        %dma_wait3A_399 = arith.constant 0 : i32
        %dma_wait3A_400 = arith.constant 0 : i32
        %dma_wait3A_401 = tpu.memref_slice %arg2[%dma_wait3A_398, %dma_wait3A_399, %dma_wait3A_400] : memref<2880x2x112xi32, #tpu.memory_space<hbm>> -> memref<1x2x112xi32, #tpu.memory_space<hbm>>
        %dma_wait3A_402 = tpu.memref_squeeze %dma_wait3A_401 : memref<1x2x112xi32, #tpu.memory_space<hbm>> -> memref<2x112xi32, #tpu.memory_space<hbm>>
        %dma_wait3A_403 = arith.constant 0 : i32
        %dma_wait3A_404 = arith.constant 0 : i32
        %dma_wait3A_405 = tpu.memref_slice %arg2[%dma_wait3A_398, %dma_wait3A_403, %dma_wait3A_404] : memref<2880x2x112xi32, #tpu.memory_space<hbm>> -> memref<1x2x112xi32, #tpu.memory_space<hbm>>
        %dma_wait3A_406 = tpu.memref_squeeze %dma_wait3A_405 : memref<1x2x112xi32, #tpu.memory_space<hbm>> -> memref<2x112xi32, #tpu.memory_space<hbm>>
        tpu.wait_dma2 semaphore(%arg17 : memref<!tpu.dma_semaphore, #tpu.memory_space<semaphore_mem>>) src(%dma_wait3A_406 : memref<2x112xi32, #tpu.memory_space<hbm>>) dst(%arg7 : memref<2x112xi32, #tpu.memory_space<vmem>>)
        %dma_start3A_407 = arith.constant 0 : i32
        %dma_start3A_408 = arith.constant 0 : i32
        %dma_start3A_409 = tpu.memref_slice %arg7[%dma_start3A_407, %dma_start3A_408] : memref<2x112xi32, #tpu.memory_space<vmem>> -> memref<1x112xi32, #tpu.memory_space<vmem>>
        %dma_start3A_410 = tpu.memref_squeeze %dma_start3A_409 : memref<1x112xi32, #tpu.memory_space<vmem>> -> memref<112xi32, #tpu.memory_space<vmem>>
        %dma_start3A_411 = arith.constant 0 : i32
        %dma_start3A_412 = arith.constant 0 : i32
        %dma_start3A_413 = tpu.memref_slice %arg3[%dma_start3A_411, %dma_start3A_412] : memref<10240x128xf32, #tpu.memory_space<hbm>> -> memref<10240x128xf32, #tpu.memory_space<hbm>>
        tpu.enqueue_indirect_dma source(%dma_start3A_413 : memref<10240x128xf32, #tpu.memory_space<hbm>>) target(%arg13 : memref<112x128xf32, #tpu.memory_space<vmem>>) offsets(%dma_start3A_410 : memref<112xi32, #tpu.memory_space<vmem>>) semaphore(%arg23 : memref<!tpu.dma_semaphore, #tpu.memory_space<semaphore_mem>>)
      } else {
      }
      %while3A_397 = arith.constant 0 : i32
      scf.yield %while3A_397 : i32
    }
    %while3A_134 = arith.constant 1 : i32
    %while3A_135 = scf.for %while3A_152 = %while3A_131 to %while3A_127 step %while3A_134 iter_args(%while3A_153 = %while3A_133) -> (i32)  : i32 {
      %mul3A_154 = arith.constant 6 : i32
      %mul3A_155 = arith.muli %while3A_152, %mul3A_154 : i32
      %add3A_156 = arith.constant 0 : i32
      %add3A_157 = arith.addi %mul3A_155, %add3A_156 : i32
      %dma_wait3A_158 = arith.constant 0 : i32
      %dma_wait3A_159 = arith.constant 0 : i32
      %dma_wait3A_160 = tpu.memref_slice %arg6[%dma_wait3A_158, %dma_wait3A_159] : memref<2x112xi32, #tpu.memory_space<vmem>> -> memref<1x112xi32, #tpu.memory_space<vmem>>
      %dma_wait3A_161 = tpu.memref_squeeze %dma_wait3A_160 : memref<1x112xi32, #tpu.memory_space<vmem>> -> memref<112xi32, #tpu.memory_space<vmem>>
      %dma_wait3A_162 = arith.constant 0 : i32
      %dma_wait3A_163 = arith.constant 0 : i32
      %dma_wait3A_164 = tpu.memref_slice %arg3[%dma_wait3A_162, %dma_wait3A_163] : memref<10240x128xf32, #tpu.memory_space<hbm>> -> memref<10240x128xf32, #tpu.memory_space<hbm>>
      tpu.wait_indirect_dma semaphore(%arg22 : memref<!tpu.dma_semaphore, #tpu.memory_space<semaphore_mem>>) src(%dma_wait3A_164 : memref<10240x128xf32, #tpu.memory_space<hbm>>) dst(%arg12 : memref<112x128xf32, #tpu.memory_space<vmem>>)
      %dma_start3A_165 = arith.constant 1 : i32
      %dma_start3A_166 = arith.constant 0 : i32
      %dma_start3A_167 = tpu.memref_slice %arg6[%dma_start3A_165, %dma_start3A_166] : memref<2x112xi32, #tpu.memory_space<vmem>> -> memref<1x112xi32, #tpu.memory_space<vmem>>
      %dma_start3A_168 = tpu.memref_squeeze %dma_start3A_167 : memref<1x112xi32, #tpu.memory_space<vmem>> -> memref<112xi32, #tpu.memory_space<vmem>>
      %dma_start3A_169 = arith.constant 0 : i32
      %dma_start3A_170 = arith.constant 0 : i32
      %dma_start3A_171 = tpu.memref_slice %arg15[%dma_start3A_169, %dma_start3A_170] : memref<10240x128xf32, #tpu.memory_space<vmem_shared>> -> memref<10240x128xf32, #tpu.memory_space<vmem_shared>>
      tpu.enqueue_indirect_dma source(%arg12 : memref<112x128xf32, #tpu.memory_space<vmem>>) target(%dma_start3A_171 : memref<10240x128xf32, #tpu.memory_space<vmem_shared>>) offsets(%dma_start3A_168 : memref<112xi32, #tpu.memory_space<vmem>>) semaphore(%arg25 : memref<!tpu.dma_semaphore, #tpu.memory_space<semaphore_mem>>) {add = true}
      %sub3A = arith.constant 1 : i32
      %sub3A_172 = arith.subi %add3A_157, %sub3A : i32
      %ge3A = arith.constant 0 : i32
      %ge3A_173 = arith.cmpi sge, %sub3A_172, %ge3A : i32
      %convert_element_type3A_174 = arith.extui %ge3A_173 : i1 to i32
      %cond3A_175 = arith.constant 0 : i32
      %cond3A_176 = arith.cmpi ne, %convert_element_type3A_174, %cond3A_175 : i32
      scf.if %cond3A_176 {
        %dma_wait3A_398 = arith.constant 1 : i32
        %dma_wait3A_399 = arith.constant 0 : i32
        %dma_wait3A_400 = tpu.memref_slice %arg6[%dma_wait3A_398, %dma_wait3A_399] : memref<2x112xi32, #tpu.memory_space<vmem>> -> memref<1x112xi32, #tpu.memory_space<vmem>>
        %dma_wait3A_401 = tpu.memref_squeeze %dma_wait3A_400 : memref<1x112xi32, #tpu.memory_space<vmem>> -> memref<112xi32, #tpu.memory_space<vmem>>
        %dma_wait3A_402 = arith.constant 0 : i32
        %dma_wait3A_403 = arith.constant 0 : i32
        %dma_wait3A_404 = tpu.memref_slice %arg15[%dma_wait3A_402, %dma_wait3A_403] : memref<10240x128xf32, #tpu.memory_space<vmem_shared>> -> memref<10240x128xf32, #tpu.memory_space<vmem_shared>>
        tpu.wait_indirect_dma semaphore(%arg27 : memref<!tpu.dma_semaphore, #tpu.memory_space<semaphore_mem>>) src(%arg14 : memref<112x128xf32, #tpu.memory_space<vmem>>) dst(%dma_wait3A_404 : memref<10240x128xf32, #tpu.memory_space<vmem_shared>>)
      } else {
      }
      %add3A_177 = arith.constant 6 : i32
      %add3A_178 = arith.addi %add3A_157, %add3A_177 : i32
      %sub3A_179 = arith.constant 1 : i32
      %sub3A_180 = arith.subi %add3A_178, %sub3A_179 : i32
      %lt3A = arith.cmpi slt, %sub3A_180, %select_n3A : i32
      %convert_element_type3A_181 = arith.extui %lt3A : i1 to i32
      %cond3A_182 = arith.constant 0 : i32
      %cond3A_183 = arith.cmpi ne, %convert_element_type3A_181, %cond3A_182 : i32
      scf.if %cond3A_183 {
        %add3A_398 = arith.constant 6 : i32
        %add3A_399 = arith.addi %add3A_157, %add3A_398 : i32
        %sub3A_400 = arith.constant 1 : i32
        %sub3A_401 = arith.subi %add3A_399, %sub3A_400 : i32
        %add3A_402 = arith.addi %select_n3A_44, %sub3A_401 : i32
        %dma_start3A_403 = arith.constant 0 : i32
        %dma_start3A_404 = arith.constant 0 : i32
        %dma_start3A_405 = tpu.memref_slice %arg2[%add3A_402, %dma_start3A_403, %dma_start3A_404] : memref<2880x2x112xi32, #tpu.memory_space<hbm>> -> memref<1x2x112xi32, #tpu.memory_space<hbm>>
        %dma_start3A_406 = tpu.memref_squeeze %dma_start3A_405 : memref<1x2x112xi32, #tpu.memory_space<hbm>> -> memref<2x112xi32, #tpu.memory_space<hbm>>
        %dma_start3A_407 = arith.constant 0 : i32
        %dma_start3A_408 = arith.constant 0 : i32
        %dma_start3A_409 = tpu.memref_slice %arg2[%add3A_402, %dma_start3A_407, %dma_start3A_408] : memref<2880x2x112xi32, #tpu.memory_space<hbm>> -> memref<1x2x112xi32, #tpu.memory_space<hbm>>
        %dma_start3A_410 = tpu.memref_squeeze %dma_start3A_409 : memref<1x2x112xi32, #tpu.memory_space<hbm>> -> memref<2x112xi32, #tpu.memory_space<hbm>>
        tpu.enqueue_dma source(%dma_start3A_410 : memref<2x112xi32, #tpu.memory_space<hbm>>) target(%arg11 : memref<2x112xi32, #tpu.memory_space<vmem>>) target_semaphore(%arg21 : memref<!tpu.dma_semaphore, #tpu.memory_space<semaphore_mem>>)
      } else {
      }
      %add3A_184 = arith.constant 3 : i32
      %add3A_185 = arith.addi %add3A_157, %add3A_184 : i32
      %sub3A_186 = arith.constant 1 : i32
      %sub3A_187 = arith.subi %add3A_185, %sub3A_186 : i32
      %lt3A_188 = arith.cmpi slt, %sub3A_187, %select_n3A : i32
      %convert_element_type3A_189 = arith.extui %lt3A_188 : i1 to i32
      %cond3A_190 = arith.constant 0 : i32
      %cond3A_191 = arith.cmpi ne, %convert_element_type3A_189, %cond3A_190 : i32
      scf.if %cond3A_191 {
        %dma_wait3A_398 = arith.constant 0 : i32
        %dma_wait3A_399 = arith.constant 0 : i32
        %dma_wait3A_400 = arith.constant 0 : i32
        %dma_wait3A_401 = tpu.memref_slice %arg2[%dma_wait3A_398, %dma_wait3A_399, %dma_wait3A_400] : memref<2880x2x112xi32, #tpu.memory_space<hbm>> -> memref<1x2x112xi32, #tpu.memory_space<hbm>>
        %dma_wait3A_402 = tpu.memref_squeeze %dma_wait3A_401 : memref<1x2x112xi32, #tpu.memory_space<hbm>> -> memref<2x112xi32, #tpu.memory_space<hbm>>
        %dma_wait3A_403 = arith.constant 0 : i32
        %dma_wait3A_404 = arith.constant 0 : i32
        %dma_wait3A_405 = tpu.memref_slice %arg2[%dma_wait3A_398, %dma_wait3A_403, %dma_wait3A_404] : memref<2880x2x112xi32, #tpu.memory_space<hbm>> -> memref<1x2x112xi32, #tpu.memory_space<hbm>>
        %dma_wait3A_406 = tpu.memref_squeeze %dma_wait3A_405 : memref<1x2x112xi32, #tpu.memory_space<hbm>> -> memref<2x112xi32, #tpu.memory_space<hbm>>
        tpu.wait_dma2 semaphore(%arg18 : memref<!tpu.dma_semaphore, #tpu.memory_space<semaphore_mem>>) src(%dma_wait3A_406 : memref<2x112xi32, #tpu.memory_space<hbm>>) dst(%arg8 : memref<2x112xi32, #tpu.memory_space<vmem>>)
        %dma_start3A_407 = arith.constant 0 : i32
        %dma_start3A_408 = arith.constant 0 : i32
        %dma_start3A_409 = tpu.memref_slice %arg8[%dma_start3A_407, %dma_start3A_408] : memref<2x112xi32, #tpu.memory_space<vmem>> -> memref<1x112xi32, #tpu.memory_space<vmem>>
        %dma_start3A_410 = tpu.memref_squeeze %dma_start3A_409 : memref<1x112xi32, #tpu.memory_space<vmem>> -> memref<112xi32, #tpu.memory_space<vmem>>
        %dma_start3A_411 = arith.constant 0 : i32
        %dma_start3A_412 = arith.constant 0 : i32
        %dma_start3A_413 = tpu.memref_slice %arg3[%dma_start3A_411, %dma_start3A_412] : memref<10240x128xf32, #tpu.memory_space<hbm>> -> memref<10240x128xf32, #tpu.memory_space<hbm>>
        tpu.enqueue_indirect_dma source(%dma_start3A_413 : memref<10240x128xf32, #tpu.memory_space<hbm>>) target(%arg14 : memref<112x128xf32, #tpu.memory_space<vmem>>) offsets(%dma_start3A_410 : memref<112xi32, #tpu.memory_space<vmem>>) semaphore(%arg24 : memref<!tpu.dma_semaphore, #tpu.memory_space<semaphore_mem>>)
      } else {
      }
      %mul3A_192 = arith.constant 6 : i32
      %mul3A_193 = arith.muli %while3A_152, %mul3A_192 : i32
      %add3A_194 = arith.constant 1 : i32
      %add3A_195 = arith.addi %mul3A_193, %add3A_194 : i32
      %dma_wait3A_196 = arith.constant 0 : i32
      %dma_wait3A_197 = arith.constant 0 : i32
      %dma_wait3A_198 = tpu.memref_slice %arg6[%dma_wait3A_196, %dma_wait3A_197] : memref<2x112xi32, #tpu.memory_space<vmem>> -> memref<1x112xi32, #tpu.memory_space<vmem>>
      %dma_wait3A_199 = tpu.memref_squeeze %dma_wait3A_198 : memref<1x112xi32, #tpu.memory_space<vmem>> -> memref<112xi32, #tpu.memory_space<vmem>>
      %dma_wait3A_200 = arith.constant 0 : i32
      %dma_wait3A_201 = arith.constant 0 : i32
      %dma_wait3A_202 = tpu.memref_slice %arg3[%dma_wait3A_200, %dma_wait3A_201] : memref<10240x128xf32, #tpu.memory_space<hbm>> -> memref<10240x128xf32, #tpu.memory_space<hbm>>
      tpu.wait_indirect_dma semaphore(%arg23 : memref<!tpu.dma_semaphore, #tpu.memory_space<semaphore_mem>>) src(%dma_wait3A_202 : memref<10240x128xf32, #tpu.memory_space<hbm>>) dst(%arg13 : memref<112x128xf32, #tpu.memory_space<vmem>>)
      %dma_start3A_203 = arith.constant 1 : i32
      %dma_start3A_204 = arith.constant 0 : i32
      %dma_start3A_205 = tpu.memref_slice %arg7[%dma_start3A_203, %dma_start3A_204] : memref<2x112xi32, #tpu.memory_space<vmem>> -> memref<1x112xi32, #tpu.memory_space<vmem>>
      %dma_start3A_206 = tpu.memref_squeeze %dma_start3A_205 : memref<1x112xi32, #tpu.memory_space<vmem>> -> memref<112xi32, #tpu.memory_space<vmem>>
      %dma_start3A_207 = arith.constant 0 : i32
      %dma_start3A_208 = arith.constant 0 : i32
      %dma_start3A_209 = tpu.memref_slice %arg15[%dma_start3A_207, %dma_start3A_208] : memref<10240x128xf32, #tpu.memory_space<vmem_shared>> -> memref<10240x128xf32, #tpu.memory_space<vmem_shared>>
      tpu.enqueue_indirect_dma source(%arg13 : memref<112x128xf32, #tpu.memory_space<vmem>>) target(%dma_start3A_209 : memref<10240x128xf32, #tpu.memory_space<vmem_shared>>) offsets(%dma_start3A_206 : memref<112xi32, #tpu.memory_space<vmem>>) semaphore(%arg26 : memref<!tpu.dma_semaphore, #tpu.memory_space<semaphore_mem>>) {add = true}
      %sub3A_210 = arith.constant 1 : i32
      %sub3A_211 = arith.subi %add3A_195, %sub3A_210 : i32
      %ge3A_212 = arith.constant 0 : i32
      %ge3A_213 = arith.cmpi sge, %sub3A_211, %ge3A_212 : i32
      %convert_element_type3A_214 = arith.extui %ge3A_213 : i1 to i32
      %cond3A_215 = arith.constant 0 : i32
      %cond3A_216 = arith.cmpi ne, %convert_element_type3A_214, %cond3A_215 : i32
      scf.if %cond3A_216 {
        %dma_wait3A_398 = arith.constant 1 : i32
        %dma_wait3A_399 = arith.constant 0 : i32
        %dma_wait3A_400 = tpu.memref_slice %arg6[%dma_wait3A_398, %dma_wait3A_399] : memref<2x112xi32, #tpu.memory_space<vmem>> -> memref<1x112xi32, #tpu.memory_space<vmem>>
        %dma_wait3A_401 = tpu.memref_squeeze %dma_wait3A_400 : memref<1x112xi32, #tpu.memory_space<vmem>> -> memref<112xi32, #tpu.memory_space<vmem>>
        %dma_wait3A_402 = arith.constant 0 : i32
        %dma_wait3A_403 = arith.constant 0 : i32
        %dma_wait3A_404 = tpu.memref_slice %arg15[%dma_wait3A_402, %dma_wait3A_403] : memref<10240x128xf32, #tpu.memory_space<vmem_shared>> -> memref<10240x128xf32, #tpu.memory_space<vmem_shared>>
        tpu.wait_indirect_dma semaphore(%arg25 : memref<!tpu.dma_semaphore, #tpu.memory_space<semaphore_mem>>) src(%arg12 : memref<112x128xf32, #tpu.memory_space<vmem>>) dst(%dma_wait3A_404 : memref<10240x128xf32, #tpu.memory_space<vmem_shared>>)
      } else {
      }
      %add3A_217 = arith.constant 6 : i32
      %add3A_218 = arith.addi %add3A_195, %add3A_217 : i32
      %sub3A_219 = arith.constant 1 : i32
      %sub3A_220 = arith.subi %add3A_218, %sub3A_219 : i32
      %lt3A_221 = arith.cmpi slt, %sub3A_220, %select_n3A : i32
      %convert_element_type3A_222 = arith.extui %lt3A_221 : i1 to i32
      %cond3A_223 = arith.constant 0 : i32
      %cond3A_224 = arith.cmpi ne, %convert_element_type3A_222, %cond3A_223 : i32
      scf.if %cond3A_224 {
        %add3A_398 = arith.constant 6 : i32
        %add3A_399 = arith.addi %add3A_195, %add3A_398 : i32
        %sub3A_400 = arith.constant 1 : i32
        %sub3A_401 = arith.subi %add3A_399, %sub3A_400 : i32
        %add3A_402 = arith.addi %select_n3A_44, %sub3A_401 : i32
        %dma_start3A_403 = arith.constant 0 : i32
        %dma_start3A_404 = arith.constant 0 : i32
        %dma_start3A_405 = tpu.memref_slice %arg2[%add3A_402, %dma_start3A_403, %dma_start3A_404] : memref<2880x2x112xi32, #tpu.memory_space<hbm>> -> memref<1x2x112xi32, #tpu.memory_space<hbm>>
        %dma_start3A_406 = tpu.memref_squeeze %dma_start3A_405 : memref<1x2x112xi32, #tpu.memory_space<hbm>> -> memref<2x112xi32, #tpu.memory_space<hbm>>
        %dma_start3A_407 = arith.constant 0 : i32
        %dma_start3A_408 = arith.constant 0 : i32
        %dma_start3A_409 = tpu.memref_slice %arg2[%add3A_402, %dma_start3A_407, %dma_start3A_408] : memref<2880x2x112xi32, #tpu.memory_space<hbm>> -> memref<1x2x112xi32, #tpu.memory_space<hbm>>
        %dma_start3A_410 = tpu.memref_squeeze %dma_start3A_409 : memref<1x2x112xi32, #tpu.memory_space<hbm>> -> memref<2x112xi32, #tpu.memory_space<hbm>>
        tpu.enqueue_dma source(%dma_start3A_410 : memref<2x112xi32, #tpu.memory_space<hbm>>) target(%arg6 : memref<2x112xi32, #tpu.memory_space<vmem>>) target_semaphore(%arg16 : memref<!tpu.dma_semaphore, #tpu.memory_space<semaphore_mem>>)
      } else {
      }
      %add3A_225 = arith.constant 3 : i32
      %add3A_226 = arith.addi %add3A_195, %add3A_225 : i32
      %sub3A_227 = arith.constant 1 : i32
      %sub3A_228 = arith.subi %add3A_226, %sub3A_227 : i32
      %lt3A_229 = arith.cmpi slt, %sub3A_228, %select_n3A : i32
      %convert_element_type3A_230 = arith.extui %lt3A_229 : i1 to i32
      %cond3A_231 = arith.constant 0 : i32
      %cond3A_232 = arith.cmpi ne, %convert_element_type3A_230, %cond3A_231 : i32
      scf.if %cond3A_232 {
        %dma_wait3A_398 = arith.constant 0 : i32
        %dma_wait3A_399 = arith.constant 0 : i32
        %dma_wait3A_400 = arith.constant 0 : i32
        %dma_wait3A_401 = tpu.memref_slice %arg2[%dma_wait3A_398, %dma_wait3A_399, %dma_wait3A_400] : memref<2880x2x112xi32, #tpu.memory_space<hbm>> -> memref<1x2x112xi32, #tpu.memory_space<hbm>>
        %dma_wait3A_402 = tpu.memref_squeeze %dma_wait3A_401 : memref<1x2x112xi32, #tpu.memory_space<hbm>> -> memref<2x112xi32, #tpu.memory_space<hbm>>
        %dma_wait3A_403 = arith.constant 0 : i32
        %dma_wait3A_404 = arith.constant 0 : i32
        %dma_wait3A_405 = tpu.memref_slice %arg2[%dma_wait3A_398, %dma_wait3A_403, %dma_wait3A_404] : memref<2880x2x112xi32, #tpu.memory_space<hbm>> -> memref<1x2x112xi32, #tpu.memory_space<hbm>>
        %dma_wait3A_406 = tpu.memref_squeeze %dma_wait3A_405 : memref<1x2x112xi32, #tpu.memory_space<hbm>> -> memref<2x112xi32, #tpu.memory_space<hbm>>
        tpu.wait_dma2 semaphore(%arg19 : memref<!tpu.dma_semaphore, #tpu.memory_space<semaphore_mem>>) src(%dma_wait3A_406 : memref<2x112xi32, #tpu.memory_space<hbm>>) dst(%arg9 : memref<2x112xi32, #tpu.memory_space<vmem>>)
        %dma_start3A_407 = arith.constant 0 : i32
        %dma_start3A_408 = arith.constant 0 : i32
        %dma_start3A_409 = tpu.memref_slice %arg9[%dma_start3A_407, %dma_start3A_408] : memref<2x112xi32, #tpu.memory_space<vmem>> -> memref<1x112xi32, #tpu.memory_space<vmem>>
        %dma_start3A_410 = tpu.memref_squeeze %dma_start3A_409 : memref<1x112xi32, #tpu.memory_space<vmem>> -> memref<112xi32, #tpu.memory_space<vmem>>
        %dma_start3A_411 = arith.constant 0 : i32
        %dma_start3A_412 = arith.constant 0 : i32
        %dma_start3A_413 = tpu.memref_slice %arg3[%dma_start3A_411, %dma_start3A_412] : memref<10240x128xf32, #tpu.memory_space<hbm>> -> memref<10240x128xf32, #tpu.memory_space<hbm>>
        tpu.enqueue_indirect_dma source(%dma_start3A_413 : memref<10240x128xf32, #tpu.memory_space<hbm>>) target(%arg12 : memref<112x128xf32, #tpu.memory_space<vmem>>) offsets(%dma_start3A_410 : memref<112xi32, #tpu.memory_space<vmem>>) semaphore(%arg22 : memref<!tpu.dma_semaphore, #tpu.memory_space<semaphore_mem>>)
      } else {
      }
      %mul3A_233 = arith.constant 6 : i32
      %mul3A_234 = arith.muli %while3A_152, %mul3A_233 : i32
      %add3A_235 = arith.constant 2 : i32
      %add3A_236 = arith.addi %mul3A_234, %add3A_235 : i32
      %dma_wait3A_237 = arith.constant 0 : i32
      %dma_wait3A_238 = arith.constant 0 : i32
      %dma_wait3A_239 = tpu.memref_slice %arg6[%dma_wait3A_237, %dma_wait3A_238] : memref<2x112xi32, #tpu.memory_space<vmem>> -> memref<1x112xi32, #tpu.memory_space<vmem>>
      %dma_wait3A_240 = tpu.memref_squeeze %dma_wait3A_239 : memref<1x112xi32, #tpu.memory_space<vmem>> -> memref<112xi32, #tpu.memory_space<vmem>>
      %dma_wait3A_241 = arith.constant 0 : i32
      %dma_wait3A_242 = arith.constant 0 : i32
      %dma_wait3A_243 = tpu.memref_slice %arg3[%dma_wait3A_241, %dma_wait3A_242] : memref<10240x128xf32, #tpu.memory_space<hbm>> -> memref<10240x128xf32, #tpu.memory_space<hbm>>
      tpu.wait_indirect_dma semaphore(%arg24 : memref<!tpu.dma_semaphore, #tpu.memory_space<semaphore_mem>>) src(%dma_wait3A_243 : memref<10240x128xf32, #tpu.memory_space<hbm>>) dst(%arg14 : memref<112x128xf32, #tpu.memory_space<vmem>>)
      %dma_start3A_244 = arith.constant 1 : i32
      %dma_start3A_245 = arith.constant 0 : i32
      %dma_start3A_246 = tpu.memref_slice %arg8[%dma_start3A_244, %dma_start3A_245] : memref<2x112xi32, #tpu.memory_space<vmem>> -> memref<1x112xi32, #tpu.memory_space<vmem>>
      %dma_start3A_247 = tpu.memref_squeeze %dma_start3A_246 : memref<1x112xi32, #tpu.memory_space<vmem>> -> memref<112xi32, #tpu.memory_space<vmem>>
      %dma_start3A_248 = arith.constant 0 : i32
      %dma_start3A_249 = arith.constant 0 : i32
      %dma_start3A_250 = tpu.memref_slice %arg15[%dma_start3A_248, %dma_start3A_249] : memref<10240x128xf32, #tpu.memory_space<vmem_shared>> -> memref<10240x128xf32, #tpu.memory_space<vmem_shared>>
      tpu.enqueue_indirect_dma source(%arg14 : memref<112x128xf32, #tpu.memory_space<vmem>>) target(%dma_start3A_250 : memref<10240x128xf32, #tpu.memory_space<vmem_shared>>) offsets(%dma_start3A_247 : memref<112xi32, #tpu.memory_space<vmem>>) semaphore(%arg27 : memref<!tpu.dma_semaphore, #tpu.memory_space<semaphore_mem>>) {add = true}
      %sub3A_251 = arith.constant 1 : i32
      %sub3A_252 = arith.subi %add3A_236, %sub3A_251 : i32
      %ge3A_253 = arith.constant 0 : i32
      %ge3A_254 = arith.cmpi sge, %sub3A_252, %ge3A_253 : i32
      %convert_element_type3A_255 = arith.extui %ge3A_254 : i1 to i32
      %cond3A_256 = arith.constant 0 : i32
      %cond3A_257 = arith.cmpi ne, %convert_element_type3A_255, %cond3A_256 : i32
      scf.if %cond3A_257 {
        %dma_wait3A_398 = arith.constant 1 : i32
        %dma_wait3A_399 = arith.constant 0 : i32
        %dma_wait3A_400 = tpu.memref_slice %arg6[%dma_wait3A_398, %dma_wait3A_399] : memref<2x112xi32, #tpu.memory_space<vmem>> -> memref<1x112xi32, #tpu.memory_space<vmem>>
        %dma_wait3A_401 = tpu.memref_squeeze %dma_wait3A_400 : memref<1x112xi32, #tpu.memory_space<vmem>> -> memref<112xi32, #tpu.memory_space<vmem>>
        %dma_wait3A_402 = arith.constant 0 : i32
        %dma_wait3A_403 = arith.constant 0 : i32
        %dma_wait3A_404 = tpu.memref_slice %arg15[%dma_wait3A_402, %dma_wait3A_403] : memref<10240x128xf32, #tpu.memory_space<vmem_shared>> -> memref<10240x128xf32, #tpu.memory_space<vmem_shared>>
        tpu.wait_indirect_dma semaphore(%arg26 : memref<!tpu.dma_semaphore, #tpu.memory_space<semaphore_mem>>) src(%arg13 : memref<112x128xf32, #tpu.memory_space<vmem>>) dst(%dma_wait3A_404 : memref<10240x128xf32, #tpu.memory_space<vmem_shared>>)
      } else {
      }
      %add3A_258 = arith.constant 6 : i32
      %add3A_259 = arith.addi %add3A_236, %add3A_258 : i32
      %sub3A_260 = arith.constant 1 : i32
      %sub3A_261 = arith.subi %add3A_259, %sub3A_260 : i32
      %lt3A_262 = arith.cmpi slt, %sub3A_261, %select_n3A : i32
      %convert_element_type3A_263 = arith.extui %lt3A_262 : i1 to i32
      %cond3A_264 = arith.constant 0 : i32
      %cond3A_265 = arith.cmpi ne, %convert_element_type3A_263, %cond3A_264 : i32
      scf.if %cond3A_265 {
        %add3A_398 = arith.constant 6 : i32
        %add3A_399 = arith.addi %add3A_236, %add3A_398 : i32
        %sub3A_400 = arith.constant 1 : i32
        %sub3A_401 = arith.subi %add3A_399, %sub3A_400 : i32
        %add3A_402 = arith.addi %select_n3A_44, %sub3A_401 : i32
        %dma_start3A_403 = arith.constant 0 : i32
        %dma_start3A_404 = arith.constant 0 : i32
        %dma_start3A_405 = tpu.memref_slice %arg2[%add3A_402, %dma_start3A_403, %dma_start3A_404] : memref<2880x2x112xi32, #tpu.memory_space<hbm>> -> memref<1x2x112xi32, #tpu.memory_space<hbm>>
        %dma_start3A_406 = tpu.memref_squeeze %dma_start3A_405 : memref<1x2x112xi32, #tpu.memory_space<hbm>> -> memref<2x112xi32, #tpu.memory_space<hbm>>
        %dma_start3A_407 = arith.constant 0 : i32
        %dma_start3A_408 = arith.constant 0 : i32
        %dma_start3A_409 = tpu.memref_slice %arg2[%add3A_402, %dma_start3A_407, %dma_start3A_408] : memref<2880x2x112xi32, #tpu.memory_space<hbm>> -> memref<1x2x112xi32, #tpu.memory_space<hbm>>
        %dma_start3A_410 = tpu.memref_squeeze %dma_start3A_409 : memref<1x2x112xi32, #tpu.memory_space<hbm>> -> memref<2x112xi32, #tpu.memory_space<hbm>>
        tpu.enqueue_dma source(%dma_start3A_410 : memref<2x112xi32, #tpu.memory_space<hbm>>) target(%arg7 : memref<2x112xi32, #tpu.memory_space<vmem>>) target_semaphore(%arg17 : memref<!tpu.dma_semaphore, #tpu.memory_space<semaphore_mem>>)
      } else {
      }
      %add3A_266 = arith.constant 3 : i32
      %add3A_267 = arith.addi %add3A_236, %add3A_266 : i32
      %sub3A_268 = arith.constant 1 : i32
      %sub3A_269 = arith.subi %add3A_267, %sub3A_268 : i32
      %lt3A_270 = arith.cmpi slt, %sub3A_269, %select_n3A : i32
      %convert_element_type3A_271 = arith.extui %lt3A_270 : i1 to i32
      %cond3A_272 = arith.constant 0 : i32
      %cond3A_273 = arith.cmpi ne, %convert_element_type3A_271, %cond3A_272 : i32
      scf.if %cond3A_273 {
        %dma_wait3A_398 = arith.constant 0 : i32
        %dma_wait3A_399 = arith.constant 0 : i32
        %dma_wait3A_400 = arith.constant 0 : i32
        %dma_wait3A_401 = tpu.memref_slice %arg2[%dma_wait3A_398, %dma_wait3A_399, %dma_wait3A_400] : memref<2880x2x112xi32, #tpu.memory_space<hbm>> -> memref<1x2x112xi32, #tpu.memory_space<hbm>>
        %dma_wait3A_402 = tpu.memref_squeeze %dma_wait3A_401 : memref<1x2x112xi32, #tpu.memory_space<hbm>> -> memref<2x112xi32, #tpu.memory_space<hbm>>
        %dma_wait3A_403 = arith.constant 0 : i32
        %dma_wait3A_404 = arith.constant 0 : i32
        %dma_wait3A_405 = tpu.memref_slice %arg2[%dma_wait3A_398, %dma_wait3A_403, %dma_wait3A_404] : memref<2880x2x112xi32, #tpu.memory_space<hbm>> -> memref<1x2x112xi32, #tpu.memory_space<hbm>>
        %dma_wait3A_406 = tpu.memref_squeeze %dma_wait3A_405 : memref<1x2x112xi32, #tpu.memory_space<hbm>> -> memref<2x112xi32, #tpu.memory_space<hbm>>
        tpu.wait_dma2 semaphore(%arg20 : memref<!tpu.dma_semaphore, #tpu.memory_space<semaphore_mem>>) src(%dma_wait3A_406 : memref<2x112xi32, #tpu.memory_space<hbm>>) dst(%arg10 : memref<2x112xi32, #tpu.memory_space<vmem>>)
        %dma_start3A_407 = arith.constant 0 : i32
        %dma_start3A_408 = arith.constant 0 : i32
        %dma_start3A_409 = tpu.memref_slice %arg10[%dma_start3A_407, %dma_start3A_408] : memref<2x112xi32, #tpu.memory_space<vmem>> -> memref<1x112xi32, #tpu.memory_space<vmem>>
        %dma_start3A_410 = tpu.memref_squeeze %dma_start3A_409 : memref<1x112xi32, #tpu.memory_space<vmem>> -> memref<112xi32, #tpu.memory_space<vmem>>
        %dma_start3A_411 = arith.constant 0 : i32
        %dma_start3A_412 = arith.constant 0 : i32
        %dma_start3A_413 = tpu.memref_slice %arg3[%dma_start3A_411, %dma_start3A_412] : memref<10240x128xf32, #tpu.memory_space<hbm>> -> memref<10240x128xf32, #tpu.memory_space<hbm>>
        tpu.enqueue_indirect_dma source(%dma_start3A_413 : memref<10240x128xf32, #tpu.memory_space<hbm>>) target(%arg13 : memref<112x128xf32, #tpu.memory_space<vmem>>) offsets(%dma_start3A_410 : memref<112xi32, #tpu.memory_space<vmem>>) semaphore(%arg23 : memref<!tpu.dma_semaphore, #tpu.memory_space<semaphore_mem>>)
      } else {
      }
      %mul3A_274 = arith.constant 6 : i32
      %mul3A_275 = arith.muli %while3A_152, %mul3A_274 : i32
      %add3A_276 = arith.constant 3 : i32
      %add3A_277 = arith.addi %mul3A_275, %add3A_276 : i32
      %dma_wait3A_278 = arith.constant 0 : i32
      %dma_wait3A_279 = arith.constant 0 : i32
      %dma_wait3A_280 = tpu.memref_slice %arg6[%dma_wait3A_278, %dma_wait3A_279] : memref<2x112xi32, #tpu.memory_space<vmem>> -> memref<1x112xi32, #tpu.memory_space<vmem>>
      %dma_wait3A_281 = tpu.memref_squeeze %dma_wait3A_280 : memref<1x112xi32, #tpu.memory_space<vmem>> -> memref<112xi32, #tpu.memory_space<vmem>>
      %dma_wait3A_282 = arith.constant 0 : i32
      %dma_wait3A_283 = arith.constant 0 : i32
      %dma_wait3A_284 = tpu.memref_slice %arg3[%dma_wait3A_282, %dma_wait3A_283] : memref<10240x128xf32, #tpu.memory_space<hbm>> -> memref<10240x128xf32, #tpu.memory_space<hbm>>
      tpu.wait_indirect_dma semaphore(%arg22 : memref<!tpu.dma_semaphore, #tpu.memory_space<semaphore_mem>>) src(%dma_wait3A_284 : memref<10240x128xf32, #tpu.memory_space<hbm>>) dst(%arg12 : memref<112x128xf32, #tpu.memory_space<vmem>>)
      %dma_start3A_285 = arith.constant 1 : i32
      %dma_start3A_286 = arith.constant 0 : i32
      %dma_start3A_287 = tpu.memref_slice %arg9[%dma_start3A_285, %dma_start3A_286] : memref<2x112xi32, #tpu.memory_space<vmem>> -> memref<1x112xi32, #tpu.memory_space<vmem>>
      %dma_start3A_288 = tpu.memref_squeeze %dma_start3A_287 : memref<1x112xi32, #tpu.memory_space<vmem>> -> memref<112xi32, #tpu.memory_space<vmem>>
      %dma_start3A_289 = arith.constant 0 : i32
      %dma_start3A_290 = arith.constant 0 : i32
      %dma_start3A_291 = tpu.memref_slice %arg15[%dma_start3A_289, %dma_start3A_290] : memref<10240x128xf32, #tpu.memory_space<vmem_shared>> -> memref<10240x128xf32, #tpu.memory_space<vmem_shared>>
      tpu.enqueue_indirect_dma source(%arg12 : memref<112x128xf32, #tpu.memory_space<vmem>>) target(%dma_start3A_291 : memref<10240x128xf32, #tpu.memory_space<vmem_shared>>) offsets(%dma_start3A_288 : memref<112xi32, #tpu.memory_space<vmem>>) semaphore(%arg25 : memref<!tpu.dma_semaphore, #tpu.memory_space<semaphore_mem>>) {add = true}
      %sub3A_292 = arith.constant 1 : i32
      %sub3A_293 = arith.subi %add3A_277, %sub3A_292 : i32
      %ge3A_294 = arith.constant 0 : i32
      %ge3A_295 = arith.cmpi sge, %sub3A_293, %ge3A_294 : i32
      %convert_element_type3A_296 = arith.extui %ge3A_295 : i1 to i32
      %cond3A_297 = arith.constant 0 : i32
      %cond3A_298 = arith.cmpi ne, %convert_element_type3A_296, %cond3A_297 : i32
      scf.if %cond3A_298 {
        %dma_wait3A_398 = arith.constant 1 : i32
        %dma_wait3A_399 = arith.constant 0 : i32
        %dma_wait3A_400 = tpu.memref_slice %arg6[%dma_wait3A_398, %dma_wait3A_399] : memref<2x112xi32, #tpu.memory_space<vmem>> -> memref<1x112xi32, #tpu.memory_space<vmem>>
        %dma_wait3A_401 = tpu.memref_squeeze %dma_wait3A_400 : memref<1x112xi32, #tpu.memory_space<vmem>> -> memref<112xi32, #tpu.memory_space<vmem>>
        %dma_wait3A_402 = arith.constant 0 : i32
        %dma_wait3A_403 = arith.constant 0 : i32
        %dma_wait3A_404 = tpu.memref_slice %arg15[%dma_wait3A_402, %dma_wait3A_403] : memref<10240x128xf32, #tpu.memory_space<vmem_shared>> -> memref<10240x128xf32, #tpu.memory_space<vmem_shared>>
        tpu.wait_indirect_dma semaphore(%arg27 : memref<!tpu.dma_semaphore, #tpu.memory_space<semaphore_mem>>) src(%arg14 : memref<112x128xf32, #tpu.memory_space<vmem>>) dst(%dma_wait3A_404 : memref<10240x128xf32, #tpu.memory_space<vmem_shared>>)
      } else {
      }
      %add3A_299 = arith.constant 6 : i32
      %add3A_300 = arith.addi %add3A_277, %add3A_299 : i32
      %sub3A_301 = arith.constant 1 : i32
      %sub3A_302 = arith.subi %add3A_300, %sub3A_301 : i32
      %lt3A_303 = arith.cmpi slt, %sub3A_302, %select_n3A : i32
      %convert_element_type3A_304 = arith.extui %lt3A_303 : i1 to i32
      %cond3A_305 = arith.constant 0 : i32
      %cond3A_306 = arith.cmpi ne, %convert_element_type3A_304, %cond3A_305 : i32
      scf.if %cond3A_306 {
        %add3A_398 = arith.constant 6 : i32
        %add3A_399 = arith.addi %add3A_277, %add3A_398 : i32
        %sub3A_400 = arith.constant 1 : i32
        %sub3A_401 = arith.subi %add3A_399, %sub3A_400 : i32
        %add3A_402 = arith.addi %select_n3A_44, %sub3A_401 : i32
        %dma_start3A_403 = arith.constant 0 : i32
        %dma_start3A_404 = arith.constant 0 : i32
        %dma_start3A_405 = tpu.memref_slice %arg2[%add3A_402, %dma_start3A_403, %dma_start3A_404] : memref<2880x2x112xi32, #tpu.memory_space<hbm>> -> memref<1x2x112xi32, #tpu.memory_space<hbm>>
        %dma_start3A_406 = tpu.memref_squeeze %dma_start3A_405 : memref<1x2x112xi32, #tpu.memory_space<hbm>> -> memref<2x112xi32, #tpu.memory_space<hbm>>
        %dma_start3A_407 = arith.constant 0 : i32
        %dma_start3A_408 = arith.constant 0 : i32
        %dma_start3A_409 = tpu.memref_slice %arg2[%add3A_402, %dma_start3A_407, %dma_start3A_408] : memref<2880x2x112xi32, #tpu.memory_space<hbm>> -> memref<1x2x112xi32, #tpu.memory_space<hbm>>
        %dma_start3A_410 = tpu.memref_squeeze %dma_start3A_409 : memref<1x2x112xi32, #tpu.memory_space<hbm>> -> memref<2x112xi32, #tpu.memory_space<hbm>>
        tpu.enqueue_dma source(%dma_start3A_410 : memref<2x112xi32, #tpu.memory_space<hbm>>) target(%arg8 : memref<2x112xi32, #tpu.memory_space<vmem>>) target_semaphore(%arg18 : memref<!tpu.dma_semaphore, #tpu.memory_space<semaphore_mem>>)
      } else {
      }
      %add3A_307 = arith.constant 3 : i32
      %add3A_308 = arith.addi %add3A_277, %add3A_307 : i32
      %sub3A_309 = arith.constant 1 : i32
      %sub3A_310 = arith.subi %add3A_308, %sub3A_309 : i32
      %lt3A_311 = arith.cmpi slt, %sub3A_310, %select_n3A : i32
      %convert_element_type3A_312 = arith.extui %lt3A_311 : i1 to i32
      %cond3A_313 = arith.constant 0 : i32
      %cond3A_314 = arith.cmpi ne, %convert_element_type3A_312, %cond3A_313 : i32
      scf.if %cond3A_314 {
        %dma_wait3A_398 = arith.constant 0 : i32
        %dma_wait3A_399 = arith.constant 0 : i32
        %dma_wait3A_400 = arith.constant 0 : i32
        %dma_wait3A_401 = tpu.memref_slice %arg2[%dma_wait3A_398, %dma_wait3A_399, %dma_wait3A_400] : memref<2880x2x112xi32, #tpu.memory_space<hbm>> -> memref<1x2x112xi32, #tpu.memory_space<hbm>>
        %dma_wait3A_402 = tpu.memref_squeeze %dma_wait3A_401 : memref<1x2x112xi32, #tpu.memory_space<hbm>> -> memref<2x112xi32, #tpu.memory_space<hbm>>
        %dma_wait3A_403 = arith.constant 0 : i32
        %dma_wait3A_404 = arith.constant 0 : i32
        %dma_wait3A_405 = tpu.memref_slice %arg2[%dma_wait3A_398, %dma_wait3A_403, %dma_wait3A_404] : memref<2880x2x112xi32, #tpu.memory_space<hbm>> -> memref<1x2x112xi32, #tpu.memory_space<hbm>>
        %dma_wait3A_406 = tpu.memref_squeeze %dma_wait3A_405 : memref<1x2x112xi32, #tpu.memory_space<hbm>> -> memref<2x112xi32, #tpu.memory_space<hbm>>
        tpu.wait_dma2 semaphore(%arg21 : memref<!tpu.dma_semaphore, #tpu.memory_space<semaphore_mem>>) src(%dma_wait3A_406 : memref<2x112xi32, #tpu.memory_space<hbm>>) dst(%arg11 : memref<2x112xi32, #tpu.memory_space<vmem>>)
        %dma_start3A_407 = arith.constant 0 : i32
        %dma_start3A_408 = arith.constant 0 : i32
        %dma_start3A_409 = tpu.memref_slice %arg11[%dma_start3A_407, %dma_start3A_408] : memref<2x112xi32, #tpu.memory_space<vmem>> -> memref<1x112xi32, #tpu.memory_space<vmem>>
        %dma_start3A_410 = tpu.memref_squeeze %dma_start3A_409 : memref<1x112xi32, #tpu.memory_space<vmem>> -> memref<112xi32, #tpu.memory_space<vmem>>
        %dma_start3A_411 = arith.constant 0 : i32
        %dma_start3A_412 = arith.constant 0 : i32
        %dma_start3A_413 = tpu.memref_slice %arg3[%dma_start3A_411, %dma_start3A_412] : memref<10240x128xf32, #tpu.memory_space<hbm>> -> memref<10240x128xf32, #tpu.memory_space<hbm>>
        tpu.enqueue_indirect_dma source(%dma_start3A_413 : memref<10240x128xf32, #tpu.memory_space<hbm>>) target(%arg14 : memref<112x128xf32, #tpu.memory_space<vmem>>) offsets(%dma_start3A_410 : memref<112xi32, #tpu.memory_space<vmem>>) semaphore(%arg24 : memref<!tpu.dma_semaphore, #tpu.memory_space<semaphore_mem>>)
      } else {
      }
      %mul3A_315 = arith.constant 6 : i32
      %mul3A_316 = arith.muli %while3A_152, %mul3A_315 : i32
      %add3A_317 = arith.constant 4 : i32
      %add3A_318 = arith.addi %mul3A_316, %add3A_317 : i32
      %dma_wait3A_319 = arith.constant 0 : i32
      %dma_wait3A_320 = arith.constant 0 : i32
      %dma_wait3A_321 = tpu.memref_slice %arg6[%dma_wait3A_319, %dma_wait3A_320] : memref<2x112xi32, #tpu.memory_space<vmem>> -> memref<1x112xi32, #tpu.memory_space<vmem>>
      %dma_wait3A_322 = tpu.memref_squeeze %dma_wait3A_321 : memref<1x112xi32, #tpu.memory_space<vmem>> -> memref<112xi32, #tpu.memory_space<vmem>>
      %dma_wait3A_323 = arith.constant 0 : i32
      %dma_wait3A_324 = arith.constant 0 : i32
      %dma_wait3A_325 = tpu.memref_slice %arg3[%dma_wait3A_323, %dma_wait3A_324] : memref<10240x128xf32, #tpu.memory_space<hbm>> -> memref<10240x128xf32, #tpu.memory_space<hbm>>
      tpu.wait_indirect_dma semaphore(%arg23 : memref<!tpu.dma_semaphore, #tpu.memory_space<semaphore_mem>>) src(%dma_wait3A_325 : memref<10240x128xf32, #tpu.memory_space<hbm>>) dst(%arg13 : memref<112x128xf32, #tpu.memory_space<vmem>>)
      %dma_start3A_326 = arith.constant 1 : i32
      %dma_start3A_327 = arith.constant 0 : i32
      %dma_start3A_328 = tpu.memref_slice %arg10[%dma_start3A_326, %dma_start3A_327] : memref<2x112xi32, #tpu.memory_space<vmem>> -> memref<1x112xi32, #tpu.memory_space<vmem>>
      %dma_start3A_329 = tpu.memref_squeeze %dma_start3A_328 : memref<1x112xi32, #tpu.memory_space<vmem>> -> memref<112xi32, #tpu.memory_space<vmem>>
      %dma_start3A_330 = arith.constant 0 : i32
      %dma_start3A_331 = arith.constant 0 : i32
      %dma_start3A_332 = tpu.memref_slice %arg15[%dma_start3A_330, %dma_start3A_331] : memref<10240x128xf32, #tpu.memory_space<vmem_shared>> -> memref<10240x128xf32, #tpu.memory_space<vmem_shared>>
      tpu.enqueue_indirect_dma source(%arg13 : memref<112x128xf32, #tpu.memory_space<vmem>>) target(%dma_start3A_332 : memref<10240x128xf32, #tpu.memory_space<vmem_shared>>) offsets(%dma_start3A_329 : memref<112xi32, #tpu.memory_space<vmem>>) semaphore(%arg26 : memref<!tpu.dma_semaphore, #tpu.memory_space<semaphore_mem>>) {add = true}
      %sub3A_333 = arith.constant 1 : i32
      %sub3A_334 = arith.subi %add3A_318, %sub3A_333 : i32
      %ge3A_335 = arith.constant 0 : i32
      %ge3A_336 = arith.cmpi sge, %sub3A_334, %ge3A_335 : i32
      %convert_element_type3A_337 = arith.extui %ge3A_336 : i1 to i32
      %cond3A_338 = arith.constant 0 : i32
      %cond3A_339 = arith.cmpi ne, %convert_element_type3A_337, %cond3A_338 : i32
      scf.if %cond3A_339 {
        %dma_wait3A_398 = arith.constant 1 : i32
        %dma_wait3A_399 = arith.constant 0 : i32
        %dma_wait3A_400 = tpu.memref_slice %arg6[%dma_wait3A_398, %dma_wait3A_399] : memref<2x112xi32, #tpu.memory_space<vmem>> -> memref<1x112xi32, #tpu.memory_space<vmem>>
        %dma_wait3A_401 = tpu.memref_squeeze %dma_wait3A_400 : memref<1x112xi32, #tpu.memory_space<vmem>> -> memref<112xi32, #tpu.memory_space<vmem>>
        %dma_wait3A_402 = arith.constant 0 : i32
        %dma_wait3A_403 = arith.constant 0 : i32
        %dma_wait3A_404 = tpu.memref_slice %arg15[%dma_wait3A_402, %dma_wait3A_403] : memref<10240x128xf32, #tpu.memory_space<vmem_shared>> -> memref<10240x128xf32, #tpu.memory_space<vmem_shared>>
        tpu.wait_indirect_dma semaphore(%arg25 : memref<!tpu.dma_semaphore, #tpu.memory_space<semaphore_mem>>) src(%arg12 : memref<112x128xf32, #tpu.memory_space<vmem>>) dst(%dma_wait3A_404 : memref<10240x128xf32, #tpu.memory_space<vmem_shared>>)
      } else {
      }
      %add3A_340 = arith.constant 6 : i32
      %add3A_341 = arith.addi %add3A_318, %add3A_340 : i32
      %sub3A_342 = arith.constant 1 : i32
      %sub3A_343 = arith.subi %add3A_341, %sub3A_342 : i32
      %lt3A_344 = arith.cmpi slt, %sub3A_343, %select_n3A : i32
      %convert_element_type3A_345 = arith.extui %lt3A_344 : i1 to i32
      %cond3A_346 = arith.constant 0 : i32
      %cond3A_347 = arith.cmpi ne, %convert_element_type3A_345, %cond3A_346 : i32
      scf.if %cond3A_347 {
        %add3A_398 = arith.constant 6 : i32
        %add3A_399 = arith.addi %add3A_318, %add3A_398 : i32
        %sub3A_400 = arith.constant 1 : i32
        %sub3A_401 = arith.subi %add3A_399, %sub3A_400 : i32
        %add3A_402 = arith.addi %select_n3A_44, %sub3A_401 : i32
        %dma_start3A_403 = arith.constant 0 : i32
        %dma_start3A_404 = arith.constant 0 : i32
        %dma_start3A_405 = tpu.memref_slice %arg2[%add3A_402, %dma_start3A_403, %dma_start3A_404] : memref<2880x2x112xi32, #tpu.memory_space<hbm>> -> memref<1x2x112xi32, #tpu.memory_space<hbm>>
        %dma_start3A_406 = tpu.memref_squeeze %dma_start3A_405 : memref<1x2x112xi32, #tpu.memory_space<hbm>> -> memref<2x112xi32, #tpu.memory_space<hbm>>
        %dma_start3A_407 = arith.constant 0 : i32
        %dma_start3A_408 = arith.constant 0 : i32
        %dma_start3A_409 = tpu.memref_slice %arg2[%add3A_402, %dma_start3A_407, %dma_start3A_408] : memref<2880x2x112xi32, #tpu.memory_space<hbm>> -> memref<1x2x112xi32, #tpu.memory_space<hbm>>
        %dma_start3A_410 = tpu.memref_squeeze %dma_start3A_409 : memref<1x2x112xi32, #tpu.memory_space<hbm>> -> memref<2x112xi32, #tpu.memory_space<hbm>>
        tpu.enqueue_dma source(%dma_start3A_410 : memref<2x112xi32, #tpu.memory_space<hbm>>) target(%arg9 : memref<2x112xi32, #tpu.memory_space<vmem>>) target_semaphore(%arg19 : memref<!tpu.dma_semaphore, #tpu.memory_space<semaphore_mem>>)
      } else {
      }
      %add3A_348 = arith.constant 3 : i32
      %add3A_349 = arith.addi %add3A_318, %add3A_348 : i32
      %sub3A_350 = arith.constant 1 : i32
      %sub3A_351 = arith.subi %add3A_349, %sub3A_350 : i32
      %lt3A_352 = arith.cmpi slt, %sub3A_351, %select_n3A : i32
      %convert_element_type3A_353 = arith.extui %lt3A_352 : i1 to i32
      %cond3A_354 = arith.constant 0 : i32
      %cond3A_355 = arith.cmpi ne, %convert_element_type3A_353, %cond3A_354 : i32
      scf.if %cond3A_355 {
        %dma_wait3A_398 = arith.constant 0 : i32
        %dma_wait3A_399 = arith.constant 0 : i32
        %dma_wait3A_400 = arith.constant 0 : i32
        %dma_wait3A_401 = tpu.memref_slice %arg2[%dma_wait3A_398, %dma_wait3A_399, %dma_wait3A_400] : memref<2880x2x112xi32, #tpu.memory_space<hbm>> -> memref<1x2x112xi32, #tpu.memory_space<hbm>>
        %dma_wait3A_402 = tpu.memref_squeeze %dma_wait3A_401 : memref<1x2x112xi32, #tpu.memory_space<hbm>> -> memref<2x112xi32, #tpu.memory_space<hbm>>
        %dma_wait3A_403 = arith.constant 0 : i32
        %dma_wait3A_404 = arith.constant 0 : i32
        %dma_wait3A_405 = tpu.memref_slice %arg2[%dma_wait3A_398, %dma_wait3A_403, %dma_wait3A_404] : memref<2880x2x112xi32, #tpu.memory_space<hbm>> -> memref<1x2x112xi32, #tpu.memory_space<hbm>>
        %dma_wait3A_406 = tpu.memref_squeeze %dma_wait3A_405 : memref<1x2x112xi32, #tpu.memory_space<hbm>> -> memref<2x112xi32, #tpu.memory_space<hbm>>
        tpu.wait_dma2 semaphore(%arg16 : memref<!tpu.dma_semaphore, #tpu.memory_space<semaphore_mem>>) src(%dma_wait3A_406 : memref<2x112xi32, #tpu.memory_space<hbm>>) dst(%arg6 : memref<2x112xi32, #tpu.memory_space<vmem>>)
        %dma_start3A_407 = arith.constant 0 : i32
        %dma_start3A_408 = arith.constant 0 : i32
        %dma_start3A_409 = tpu.memref_slice %arg6[%dma_start3A_407, %dma_start3A_408] : memref<2x112xi32, #tpu.memory_space<vmem>> -> memref<1x112xi32, #tpu.memory_space<vmem>>
        %dma_start3A_410 = tpu.memref_squeeze %dma_start3A_409 : memref<1x112xi32, #tpu.memory_space<vmem>> -> memref<112xi32, #tpu.memory_space<vmem>>
        %dma_start3A_411 = arith.constant 0 : i32
        %dma_start3A_412 = arith.constant 0 : i32
        %dma_start3A_413 = tpu.memref_slice %arg3[%dma_start3A_411, %dma_start3A_412] : memref<10240x128xf32, #tpu.memory_space<hbm>> -> memref<10240x128xf32, #tpu.memory_space<hbm>>
        tpu.enqueue_indirect_dma source(%dma_start3A_413 : memref<10240x128xf32, #tpu.memory_space<hbm>>) target(%arg12 : memref<112x128xf32, #tpu.memory_space<vmem>>) offsets(%dma_start3A_410 : memref<112xi32, #tpu.memory_space<vmem>>) semaphore(%arg22 : memref<!tpu.dma_semaphore, #tpu.memory_space<semaphore_mem>>)
      } else {
      }
      %mul3A_356 = arith.constant 6 : i32
      %mul3A_357 = arith.muli %while3A_152, %mul3A_356 : i32
      %add3A_358 = arith.constant 5 : i32
      %add3A_359 = arith.addi %mul3A_357, %add3A_358 : i32
      %dma_wait3A_360 = arith.constant 0 : i32
      %dma_wait3A_361 = arith.constant 0 : i32
      %dma_wait3A_362 = tpu.memref_slice %arg6[%dma_wait3A_360, %dma_wait3A_361] : memref<2x112xi32, #tpu.memory_space<vmem>> -> memref<1x112xi32, #tpu.memory_space<vmem>>
      %dma_wait3A_363 = tpu.memref_squeeze %dma_wait3A_362 : memref<1x112xi32, #tpu.memory_space<vmem>> -> memref<112xi32, #tpu.memory_space<vmem>>
      %dma_wait3A_364 = arith.constant 0 : i32
      %dma_wait3A_365 = arith.constant 0 : i32
      %dma_wait3A_366 = tpu.memref_slice %arg3[%dma_wait3A_364, %dma_wait3A_365] : memref<10240x128xf32, #tpu.memory_space<hbm>> -> memref<10240x128xf32, #tpu.memory_space<hbm>>
      tpu.wait_indirect_dma semaphore(%arg24 : memref<!tpu.dma_semaphore, #tpu.memory_space<semaphore_mem>>) src(%dma_wait3A_366 : memref<10240x128xf32, #tpu.memory_space<hbm>>) dst(%arg14 : memref<112x128xf32, #tpu.memory_space<vmem>>)
      %dma_start3A_367 = arith.constant 1 : i32
      %dma_start3A_368 = arith.constant 0 : i32
      %dma_start3A_369 = tpu.memref_slice %arg11[%dma_start3A_367, %dma_start3A_368] : memref<2x112xi32, #tpu.memory_space<vmem>> -> memref<1x112xi32, #tpu.memory_space<vmem>>
      %dma_start3A_370 = tpu.memref_squeeze %dma_start3A_369 : memref<1x112xi32, #tpu.memory_space<vmem>> -> memref<112xi32, #tpu.memory_space<vmem>>
      %dma_start3A_371 = arith.constant 0 : i32
      %dma_start3A_372 = arith.constant 0 : i32
      %dma_start3A_373 = tpu.memref_slice %arg15[%dma_start3A_371, %dma_start3A_372] : memref<10240x128xf32, #tpu.memory_space<vmem_shared>> -> memref<10240x128xf32, #tpu.memory_space<vmem_shared>>
      tpu.enqueue_indirect_dma source(%arg14 : memref<112x128xf32, #tpu.memory_space<vmem>>) target(%dma_start3A_373 : memref<10240x128xf32, #tpu.memory_space<vmem_shared>>) offsets(%dma_start3A_370 : memref<112xi32, #tpu.memory_space<vmem>>) semaphore(%arg27 : memref<!tpu.dma_semaphore, #tpu.memory_space<semaphore_mem>>) {add = true}
      %sub3A_374 = arith.constant 1 : i32
      %sub3A_375 = arith.subi %add3A_359, %sub3A_374 : i32
      %ge3A_376 = arith.constant 0 : i32
      %ge3A_377 = arith.cmpi sge, %sub3A_375, %ge3A_376 : i32
      %convert_element_type3A_378 = arith.extui %ge3A_377 : i1 to i32
      %cond3A_379 = arith.constant 0 : i32
      %cond3A_380 = arith.cmpi ne, %convert_element_type3A_378, %cond3A_379 : i32
      scf.if %cond3A_380 {
        %dma_wait3A_398 = arith.constant 1 : i32
        %dma_wait3A_399 = arith.constant 0 : i32
        %dma_wait3A_400 = tpu.memref_slice %arg6[%dma_wait3A_398, %dma_wait3A_399] : memref<2x112xi32, #tpu.memory_space<vmem>> -> memref<1x112xi32, #tpu.memory_space<vmem>>
        %dma_wait3A_401 = tpu.memref_squeeze %dma_wait3A_400 : memref<1x112xi32, #tpu.memory_space<vmem>> -> memref<112xi32, #tpu.memory_space<vmem>>
        %dma_wait3A_402 = arith.constant 0 : i32
        %dma_wait3A_403 = arith.constant 0 : i32
        %dma_wait3A_404 = tpu.memref_slice %arg15[%dma_wait3A_402, %dma_wait3A_403] : memref<10240x128xf32, #tpu.memory_space<vmem_shared>> -> memref<10240x128xf32, #tpu.memory_space<vmem_shared>>
        tpu.wait_indirect_dma semaphore(%arg26 : memref<!tpu.dma_semaphore, #tpu.memory_space<semaphore_mem>>) src(%arg13 : memref<112x128xf32, #tpu.memory_space<vmem>>) dst(%dma_wait3A_404 : memref<10240x128xf32, #tpu.memory_space<vmem_shared>>)
      } else {
      }
      %add3A_381 = arith.constant 6 : i32
      %add3A_382 = arith.addi %add3A_359, %add3A_381 : i32
      %sub3A_383 = arith.constant 1 : i32
      %sub3A_384 = arith.subi %add3A_382, %sub3A_383 : i32
      %lt3A_385 = arith.cmpi slt, %sub3A_384, %select_n3A : i32
      %convert_element_type3A_386 = arith.extui %lt3A_385 : i1 to i32
      %cond3A_387 = arith.constant 0 : i32
      %cond3A_388 = arith.cmpi ne, %convert_element_type3A_386, %cond3A_387 : i32
      scf.if %cond3A_388 {
        %add3A_398 = arith.constant 6 : i32
        %add3A_399 = arith.addi %add3A_359, %add3A_398 : i32
        %sub3A_400 = arith.constant 1 : i32
        %sub3A_401 = arith.subi %add3A_399, %sub3A_400 : i32
        %add3A_402 = arith.addi %select_n3A_44, %sub3A_401 : i32
        %dma_start3A_403 = arith.constant 0 : i32
        %dma_start3A_404 = arith.constant 0 : i32
        %dma_start3A_405 = tpu.memref_slice %arg2[%add3A_402, %dma_start3A_403, %dma_start3A_404] : memref<2880x2x112xi32, #tpu.memory_space<hbm>> -> memref<1x2x112xi32, #tpu.memory_space<hbm>>
        %dma_start3A_406 = tpu.memref_squeeze %dma_start3A_405 : memref<1x2x112xi32, #tpu.memory_space<hbm>> -> memref<2x112xi32, #tpu.memory_space<hbm>>
        %dma_start3A_407 = arith.constant 0 : i32
        %dma_start3A_408 = arith.constant 0 : i32
        %dma_start3A_409 = tpu.memref_slice %arg2[%add3A_402, %dma_start3A_407, %dma_start3A_408] : memref<2880x2x112xi32, #tpu.memory_space<hbm>> -> memref<1x2x112xi32, #tpu.memory_space<hbm>>
        %dma_start3A_410 = tpu.memref_squeeze %dma_start3A_409 : memref<1x2x112xi32, #tpu.memory_space<hbm>> -> memref<2x112xi32, #tpu.memory_space<hbm>>
        tpu.enqueue_dma source(%dma_start3A_410 : memref<2x112xi32, #tpu.memory_space<hbm>>) target(%arg10 : memref<2x112xi32, #tpu.memory_space<vmem>>) target_semaphore(%arg20 : memref<!tpu.dma_semaphore, #tpu.memory_space<semaphore_mem>>)
      } else {
      }
      %add3A_389 = arith.constant 3 : i32
      %add3A_390 = arith.addi %add3A_359, %add3A_389 : i32
      %sub3A_391 = arith.constant 1 : i32
      %sub3A_392 = arith.subi %add3A_390, %sub3A_391 : i32
      %lt3A_393 = arith.cmpi slt, %sub3A_392, %select_n3A : i32
      %convert_element_type3A_394 = arith.extui %lt3A_393 : i1 to i32
      %cond3A_395 = arith.constant 0 : i32
      %cond3A_396 = arith.cmpi ne, %convert_element_type3A_394, %cond3A_395 : i32
      scf.if %cond3A_396 {
        %dma_wait3A_398 = arith.constant 0 : i32
        %dma_wait3A_399 = arith.constant 0 : i32
        %dma_wait3A_400 = arith.constant 0 : i32
        %dma_wait3A_401 = tpu.memref_slice %arg2[%dma_wait3A_398, %dma_wait3A_399, %dma_wait3A_400] : memref<2880x2x112xi32, #tpu.memory_space<hbm>> -> memref<1x2x112xi32, #tpu.memory_space<hbm>>
        %dma_wait3A_402 = tpu.memref_squeeze %dma_wait3A_401 : memref<1x2x112xi32, #tpu.memory_space<hbm>> -> memref<2x112xi32, #tpu.memory_space<hbm>>
        %dma_wait3A_403 = arith.constant 0 : i32
        %dma_wait3A_404 = arith.constant 0 : i32
        %dma_wait3A_405 = tpu.memref_slice %arg2[%dma_wait3A_398, %dma_wait3A_403, %dma_wait3A_404] : memref<2880x2x112xi32, #tpu.memory_space<hbm>> -> memref<1x2x112xi32, #tpu.memory_space<hbm>>
        %dma_wait3A_406 = tpu.memref_squeeze %dma_wait3A_405 : memref<1x2x112xi32, #tpu.memory_space<hbm>> -> memref<2x112xi32, #tpu.memory_space<hbm>>
        tpu.wait_dma2 semaphore(%arg17 : memref<!tpu.dma_semaphore, #tpu.memory_space<semaphore_mem>>) src(%dma_wait3A_406 : memref<2x112xi32, #tpu.memory_space<hbm>>) dst(%arg7 : memref<2x112xi32, #tpu.memory_space<vmem>>)
        %dma_start3A_407 = arith.constant 0 : i32
        %dma_start3A_408 = arith.constant 0 : i32
        %dma_start3A_409 = tpu.memref_slice %arg7[%dma_start3A_407, %dma_start3A_408] : memref<2x112xi32, #tpu.memory_space<vmem>> -> memref<1x112xi32, #tpu.memory_space<vmem>>
        %dma_start3A_410 = tpu.memref_squeeze %dma_start3A_409 : memref<1x112xi32, #tpu.memory_space<vmem>> -> memref<112xi32, #tpu.memory_space<vmem>>
        %dma_start3A_411 = arith.constant 0 : i32
        %dma_start3A_412 = arith.constant 0 : i32
        %dma_start3A_413 = tpu.memref_slice %arg3[%dma_start3A_411, %dma_start3A_412] : memref<10240x128xf32, #tpu.memory_space<hbm>> -> memref<10240x128xf32, #tpu.memory_space<hbm>>
        tpu.enqueue_indirect_dma source(%dma_start3A_413 : memref<10240x128xf32, #tpu.memory_space<hbm>>) target(%arg13 : memref<112x128xf32, #tpu.memory_space<vmem>>) offsets(%dma_start3A_410 : memref<112xi32, #tpu.memory_space<vmem>>) semaphore(%arg23 : memref<!tpu.dma_semaphore, #tpu.memory_space<semaphore_mem>>)
      } else {
      }
      %while3A_397 = arith.constant 0 : i32
      scf.yield %while3A_397 : i32
    }
    %dma_wait3A_136 = arith.constant 1 : i32
    %dma_wait3A_137 = arith.constant 0 : i32
    %dma_wait3A_138 = tpu.memref_slice %arg6[%dma_wait3A_136, %dma_wait3A_137] : memref<2x112xi32, #tpu.memory_space<vmem>> -> memref<1x112xi32, #tpu.memory_space<vmem>>
    %dma_wait3A_139 = tpu.memref_squeeze %dma_wait3A_138 : memref<1x112xi32, #tpu.memory_space<vmem>> -> memref<112xi32, #tpu.memory_space<vmem>>
    %dma_wait3A_140 = arith.constant 0 : i32
    %dma_wait3A_141 = arith.constant 0 : i32
    %dma_wait3A_142 = tpu.memref_slice %arg15[%dma_wait3A_140, %dma_wait3A_141] : memref<10240x128xf32, #tpu.memory_space<vmem_shared>> -> memref<10240x128xf32, #tpu.memory_space<vmem_shared>>
    tpu.wait_indirect_dma semaphore(%arg27 : memref<!tpu.dma_semaphore, #tpu.memory_space<semaphore_mem>>) src(%arg14 : memref<112x128xf32, #tpu.memory_space<vmem>>) dst(%dma_wait3A_142 : memref<10240x128xf32, #tpu.memory_space<vmem_shared>>)
    %barrier3A_143 = arith.constant 0 : index
    tpu.barrier barrier_id(%barrier3A_143)
    %eq3A_144 = arith.constant 0 : i32
    %eq3A_145 = arith.cmpi eq, %arg0, %eq3A_144 : i32
    %convert_element_type3A = arith.extui %eq3A_145 : i1 to i32
    %cond3A = arith.constant 0 : i32
    %cond3A_146 = arith.cmpi ne, %convert_element_type3A, %cond3A : i32
    scf.if %cond3A_146 {
      %mul3A_152 = arith.constant 640 : i32
      %mul3A_153 = arith.muli %arg1, %mul3A_152 : i32
      %mul3A_154 = arith.constant 640 : i32
      %mul3A_155 = arith.muli %arg1, %mul3A_154 : i32
      "tpu.region"() ({
        %run_scoped3A = tpu.sem_alloc : memref<!tpu.dma_semaphore, #tpu.memory_space<semaphore_mem>>
        %dma_start3A_156 = arith.constant 0 : i32
        %dma_start3A_157 = tpu.memref_slice %arg4[%mul3A_155, %dma_start3A_156] : memref<10240x128xf32, #tpu.memory_space<hbm>> -> memref<640x128xf32, #tpu.memory_space<hbm>>
        %dma_start3A_158 = arith.constant 0 : i32
        %dma_start3A_159 = tpu.memref_slice %arg15[%mul3A_153, %dma_start3A_158] : memref<10240x128xf32, #tpu.memory_space<vmem_shared>> -> memref<640x128xf32, #tpu.memory_space<vmem_shared>>
        tpu.enqueue_dma source(%dma_start3A_159 : memref<640x128xf32, #tpu.memory_space<vmem_shared>>) target(%dma_start3A_157 : memref<640x128xf32, #tpu.memory_space<hbm>>) target_semaphore(%run_scoped3A : memref<!tpu.dma_semaphore, #tpu.memory_space<semaphore_mem>>)
        %dma_wait3A_160 = arith.constant 0 : i32
        %dma_wait3A_161 = tpu.memref_slice %arg4[%mul3A_155, %dma_wait3A_160] : memref<10240x128xf32, #tpu.memory_space<hbm>> -> memref<640x128xf32, #tpu.memory_space<hbm>>
        %dma_wait3A_162 = arith.constant 0 : i32
        %dma_wait3A_163 = tpu.memref_slice %arg15[%mul3A_153, %dma_wait3A_162] : memref<10240x128xf32, #tpu.memory_space<vmem_shared>> -> memref<640x128xf32, #tpu.memory_space<vmem_shared>>
        tpu.wait_dma2 semaphore(%run_scoped3A : memref<!tpu.dma_semaphore, #tpu.memory_space<semaphore_mem>>) src(%dma_wait3A_163 : memref<640x128xf32, #tpu.memory_space<vmem_shared>>) dst(%dma_wait3A_161 : memref<640x128xf32, #tpu.memory_space<hbm>>)
        tpu.yield
      }) : () -> ()
    } else {
    }
    %eq3A_147 = arith.constant 1 : i32
    %eq3A_148 = arith.cmpi eq, %arg0, %eq3A_147 : i32
    %convert_element_type3A_149 = arith.extui %eq3A_148 : i1 to i32
    %cond3A_150 = arith.constant 0 : i32
    %cond3A_151 = arith.cmpi ne, %convert_element_type3A_149, %cond3A_150 : i32
    scf.if %cond3A_151 {
      %mul3A_152 = arith.constant 640 : i32
      %mul3A_153 = arith.muli %arg1, %mul3A_152 : i32
      %mul3A_154 = arith.constant 640 : i32
      %mul3A_155 = arith.muli %arg1, %mul3A_154 : i32
      "tpu.region"() ({
        %run_scoped3A = tpu.sem_alloc : memref<!tpu.dma_semaphore, #tpu.memory_space<semaphore_mem>>
        %dma_start3A_156 = arith.constant 0 : i32
        %dma_start3A_157 = tpu.memref_slice %arg5[%mul3A_155, %dma_start3A_156] : memref<10240x128xf32, #tpu.memory_space<hbm>> -> memref<640x128xf32, #tpu.memory_space<hbm>>
        %dma_start3A_158 = arith.constant 0 : i32
        %dma_start3A_159 = tpu.memref_slice %arg15[%mul3A_153, %dma_start3A_158] : memref<10240x128xf32, #tpu.memory_space<vmem_shared>> -> memref<640x128xf32, #tpu.memory_space<vmem_shared>>
        tpu.enqueue_dma source(%dma_start3A_159 : memref<640x128xf32, #tpu.memory_space<vmem_shared>>) target(%dma_start3A_157 : memref<640x128xf32, #tpu.memory_space<hbm>>) target_semaphore(%run_scoped3A : memref<!tpu.dma_semaphore, #tpu.memory_space<semaphore_mem>>)
        %dma_wait3A_160 = arith.constant 0 : i32
        %dma_wait3A_161 = tpu.memref_slice %arg5[%mul3A_155, %dma_wait3A_160] : memref<10240x128xf32, #tpu.memory_space<hbm>> -> memref<640x128xf32, #tpu.memory_space<hbm>>
        %dma_wait3A_162 = arith.constant 0 : i32
        %dma_wait3A_163 = tpu.memref_slice %arg15[%mul3A_153, %dma_wait3A_162] : memref<10240x128xf32, #tpu.memory_space<vmem_shared>> -> memref<640x128xf32, #tpu.memory_space<vmem_shared>>
        tpu.wait_dma2 semaphore(%run_scoped3A : memref<!tpu.dma_semaphore, #tpu.memory_space<semaphore_mem>>) src(%dma_wait3A_163 : memref<640x128xf32, #tpu.memory_space<vmem_shared>>) dst(%dma_wait3A_161 : memref<640x128xf32, #tpu.memory_space<hbm>>)
        tpu.yield
      }) : () -> ()
    } else {
    }
    return
  }
}

module attributes {stable_mosaic.version = 14 : i64} {
  func.func @_mm_body(%arg0: i32, %arg1: memref<1280x128xf32, #tpu.memory_space<vmem>>, %arg2: memref<128x128xf32, #tpu.memory_space<vmem>>, %arg3: memref<1280x128xf32, #tpu.memory_space<vmem>>) attributes {dimension_semantics = [#tpu.dimension_semantics<arbitrary>], iteration_bounds = array<i64: 8>, scalar_prefetch = 0 : i64, scratch_operands = 0 : i64, tpu.core_type = #tpu.core_type<tc>, window_params = [{transform_indices = @transform_0, window_bounds = array<i64: 1280, 128>}, {pipeline_mode = #tpu.pipeline_mode<synchronous>, transform_indices = @transform_1, window_bounds = array<i64: 128, 128>}, {transform_indices = @transform_2, window_bounds = array<i64: 1280, 128>}]} {
    %get3A = arith.constant 0 : index
    %get3A_0 = arith.constant 0 : index
    %get3A_1 = vector.load %arg1[%get3A, %get3A_0] : memref<1280x128xf32, #tpu.memory_space<vmem>>, vector<1280x128xf32>
    %get3A_2 = arith.constant 0 : index
    %get3A_3 = arith.constant 0 : index
    %get3A_4 = vector.load %arg2[%get3A_2, %get3A_3] : memref<128x128xf32, #tpu.memory_space<vmem>>, vector<128x128xf32>
    %dot_general3A = arith.constant dense<0.000000e+00> : vector<1280x128xf32>
    %dot_general3A_5 = tpu.matmul %get3A_1, %get3A_4, %dot_general3A {dimension_numbers = #tpu.dot_dimension_numbers<[1], [0], [0], [1], [0, 0, 1, 1], [], []>, transpose_lhs_hint = false} : vector<1280x128xf32>, vector<128x128xf32>, vector<1280x128xf32> -> vector<1280x128xf32>
    %swap3A = arith.constant 0 : index
    %swap3A_6 = arith.constant 0 : index
    %swap3A_7 = vector.load %arg3[%swap3A, %swap3A_6] : memref<1280x128xf32, #tpu.memory_space<vmem>>, vector<1280x128xf32>
    tpu.vector_store %arg3[%swap3A, %swap3A_6], %dot_general3A_5 {strides = array<i32>} : memref<1280x128xf32, #tpu.memory_space<vmem>>, vector<1280x128xf32>,
    return
  }
  func.func @transform_0(%arg0: i32) -> (i32, i32) {
    %c0_i32 = arith.constant 0 : i32
    %c0_i32_0 = arith.constant 0 : i32
    return %arg0, %c0_i32 : i32, i32
  }
  func.func @transform_1(%arg0: i32) -> (i32, i32) {
    %c0_i32 = arith.constant 0 : i32
    %c0_i32_0 = arith.constant 0 : i32
    %c0_i32_1 = arith.constant 0 : i32
    return %c0_i32, %c0_i32_0 : i32, i32
  }
  func.func @transform_2(%arg0: i32) -> (i32, i32) {
    %c0_i32 = arith.constant 0 : i32
    %c0_i32_0 = arith.constant 0 : i32
    return %arg0, %c0_i32 : i32, i32
  }
}

module attributes {stable_mosaic.version = 14 : i64} {
  func.func @_sc_body(%arg0: i32, %arg1: memref<1280x128xf32, #tpu.memory_space<vmem>>, %arg2: memref<1280x1xf32, #tpu.memory_space<vmem>>, %arg3: memref<1280x128xf32, #tpu.memory_space<vmem>>) attributes {dimension_semantics = [#tpu.dimension_semantics<arbitrary>], iteration_bounds = array<i64: 8>, scalar_prefetch = 0 : i64, scratch_operands = 0 : i64, tpu.core_type = #tpu.core_type<tc>, window_params = [{transform_indices = @transform_0, window_bounds = array<i64: 1280, 128>}, {transform_indices = @transform_1, window_bounds = array<i64: 1280, 1>}, {transform_indices = @transform_2, window_bounds = array<i64: 1280, 128>}]} {
    %get3A = arith.constant 0 : index
    %get3A_0 = arith.constant 0 : index
    %get3A_1 = vector.load %arg1[%get3A, %get3A_0] : memref<1280x128xf32, #tpu.memory_space<vmem>>, vector<1280x128xf32>
    %get3A_2 = arith.constant 0 : index
    %get3A_3 = arith.constant 0 : index
    %get3A_4 = vector.load %arg2[%get3A_2, %get3A_3] : memref<1280x1xf32, #tpu.memory_space<vmem>>, vector<1280x1xf32>
    %mul3A = vector.broadcast %get3A_4 : vector<1280x1xf32> to vector<1280x128xf32>
    %mul3A_5 = arith.mulf %get3A_1, %mul3A : vector<1280x128xf32>
    %swap3A = arith.constant 0 : index
    %swap3A_6 = arith.constant 0 : index
    %swap3A_7 = vector.load %arg3[%swap3A, %swap3A_6] : memref<1280x128xf32, #tpu.memory_space<vmem>>, vector<1280x128xf32>
    tpu.vector_store %arg3[%swap3A, %swap3A_6], %mul3A_5 {strides = array<i32>} : memref<1280x128xf32, #tpu.memory_space<vmem>>, vector<1280x128xf32>,
    return
  }
  func.func @transform_0(%arg0: i32) -> (i32, i32) {
    %c0_i32 = arith.constant 0 : i32
    %c0_i32_0 = arith.constant 0 : i32
    return %arg0, %c0_i32 : i32, i32
  }
  func.func @transform_1(%arg0: i32) -> (i32, i32) {
    %c0_i32 = arith.constant 0 : i32
    %c0_i32_0 = arith.constant 0 : i32
    return %arg0, %c0_i32 : i32, i32
  }
  func.func @transform_2(%arg0: i32) -> (i32, i32) {
    %c0_i32 = arith.constant 0 : i32
    %c0_i32_0 = arith.constant 0 : i32
    return %arg0, %c0_i32 : i32, i32
  }
}

module attributes {stable_mosaic.version = 14 : i64} {
  func.func @_c1_body(%arg0: i32, %arg1: memref<1280x128xf32, #tpu.memory_space<vmem>>, %arg2: memref<1280x128xf32, #tpu.memory_space<vmem>>, %arg3: memref<1280x128xf32, #tpu.memory_space<vmem>>, %arg4: memref<1280x1xf32, #tpu.memory_space<vmem>>, %arg5: memref<1280x1xf32, #tpu.memory_space<vmem>>, %arg6: memref<1x128xf32, #tpu.memory_space<vmem>>, %arg7: memref<1280x128xf32, #tpu.memory_space<vmem>>, %arg8: memref<1280x128xf32, #tpu.memory_space<vmem>>) attributes {dimension_semantics = [#tpu.dimension_semantics<arbitrary>], iteration_bounds = array<i64: 8>, scalar_prefetch = 0 : i64, scratch_operands = 0 : i64, tpu.core_type = #tpu.core_type<tc>, window_params = [{transform_indices = @transform_0, window_bounds = array<i64: 1280, 128>}, {transform_indices = @transform_1, window_bounds = array<i64: 1280, 128>}, {transform_indices = @transform_2, window_bounds = array<i64: 1280, 128>}, {transform_indices = @transform_3, window_bounds = array<i64: 1280, 1>}, {transform_indices = @transform_4, window_bounds = array<i64: 1280, 1>}, {pipeline_mode = #tpu.pipeline_mode<synchronous>, transform_indices = @transform_5, window_bounds = array<i64: 1, 128>}, {transform_indices = @transform_6, window_bounds = array<i64: 1280, 128>}, {transform_indices = @transform_7, window_bounds = array<i64: 1280, 128>}]} {
    %get3A = arith.constant 0 : index
    %get3A_0 = arith.constant 0 : index
    %get3A_1 = vector.load %arg4[%get3A, %get3A_0] : memref<1280x1xf32, #tpu.memory_space<vmem>>, vector<1280x1xf32>
    %get3A_2 = arith.constant 0 : index
    %get3A_3 = arith.constant 0 : index
    %get3A_4 = vector.load %arg1[%get3A_2, %get3A_3] : memref<1280x128xf32, #tpu.memory_space<vmem>>, vector<1280x128xf32>
    %get3A_5 = arith.constant 0 : index
    %get3A_6 = arith.constant 0 : index
    %get3A_7 = vector.load %arg2[%get3A_5, %get3A_6] : memref<1280x128xf32, #tpu.memory_space<vmem>>, vector<1280x128xf32>
    %add3A = arith.addf %get3A_4, %get3A_7 : vector<1280x128xf32>
    %mul3A = vector.broadcast %get3A_1 : vector<1280x1xf32> to vector<1280x128xf32>
    %mul3A_8 = arith.mulf %mul3A, %add3A : vector<1280x128xf32>
    %get3A_9 = arith.constant 0 : index
    %get3A_10 = arith.constant 0 : index
    %get3A_11 = vector.load %arg3[%get3A_9, %get3A_10] : memref<1280x128xf32, #tpu.memory_space<vmem>>, vector<1280x128xf32>
    %mul3A_12 = vector.broadcast %get3A_1 : vector<1280x1xf32> to vector<1280x128xf32>
    %mul3A_13 = arith.mulf %get3A_11, %mul3A_12 : vector<1280x128xf32>
    %mul3A_14 = vector.broadcast %get3A_1 : vector<1280x1xf32> to vector<1280x128xf32>
    %mul3A_15 = arith.mulf %mul3A_13, %mul3A_14 : vector<1280x128xf32>
    %add3A_16 = arith.addf %mul3A_8, %mul3A_15 : vector<1280x128xf32>
    %get3A_17 = arith.constant 0 : index
    %get3A_18 = arith.constant 0 : index
    %get3A_19 = vector.load %arg5[%get3A_17, %get3A_18] : memref<1280x1xf32, #tpu.memory_space<vmem>>, vector<1280x1xf32>
    %mul3A_20 = vector.broadcast %get3A_19 : vector<1280x1xf32> to vector<1280x128xf32>
    %mul3A_21 = arith.mulf %add3A_16, %mul3A_20 : vector<1280x128xf32>
    %swap3A = arith.constant 0 : index
    %swap3A_22 = arith.constant 0 : index
    %swap3A_23 = vector.load %arg7[%swap3A, %swap3A_22] : memref<1280x128xf32, #tpu.memory_space<vmem>>, vector<1280x128xf32>
    tpu.vector_store %arg7[%swap3A, %swap3A_22], %mul3A_21 {strides = array<i32>} : memref<1280x128xf32, #tpu.memory_space<vmem>>, vector<1280x128xf32>,
    %get3A_24 = arith.constant 0 : index
    %get3A_25 = arith.constant 0 : index
    %get3A_26 = vector.load %arg6[%get3A_24, %get3A_25] : memref<1x128xf32, #tpu.memory_space<vmem>>, vector<1x128xf32>
    %mul3A_27 = vector.broadcast %get3A_26 : vector<1x128xf32> to vector<1280x128xf32>
    %mul3A_28 = arith.mulf %add3A_16, %mul3A_27 : vector<1280x128xf32>
    %swap3A_29 = arith.constant 0 : index
    %swap3A_30 = arith.constant 0 : index
    %swap3A_31 = vector.load %arg8[%swap3A_29, %swap3A_30] : memref<1280x128xf32, #tpu.memory_space<vmem>>, vector<1280x128xf32>
    tpu.vector_store %arg8[%swap3A_29, %swap3A_30], %mul3A_28 {strides = array<i32>} : memref<1280x128xf32, #tpu.memory_space<vmem>>, vector<1280x128xf32>,
    return
  }
  func.func @transform_0(%arg0: i32) -> (i32, i32) {
    %c0_i32 = arith.constant 0 : i32
    %c0_i32_0 = arith.constant 0 : i32
    return %arg0, %c0_i32 : i32, i32
  }
  func.func @transform_1(%arg0: i32) -> (i32, i32) {
    %c0_i32 = arith.constant 0 : i32
    %c0_i32_0 = arith.constant 0 : i32
    return %arg0, %c0_i32 : i32, i32
  }
  func.func @transform_2(%arg0: i32) -> (i32, i32) {
    %c0_i32 = arith.constant 0 : i32
    %c0_i32_0 = arith.constant 0 : i32
    return %arg0, %c0_i32 : i32, i32
  }
  func.func @transform_3(%arg0: i32) -> (i32, i32) {
    %c0_i32 = arith.constant 0 : i32
    %c0_i32_0 = arith.constant 0 : i32
    return %arg0, %c0_i32 : i32, i32
  }
  func.func @transform_4(%arg0: i32) -> (i32, i32) {
    %c0_i32 = arith.constant 0 : i32
    %c0_i32_0 = arith.constant 0 : i32
    return %arg0, %c0_i32 : i32, i32
  }
  func.func @transform_5(%arg0: i32) -> (i32, i32) {
    %c0_i32 = arith.constant 0 : i32
    %c0_i32_0 = arith.constant 0 : i32
    %c0_i32_1 = arith.constant 0 : i32
    return %c0_i32, %c0_i32_0 : i32, i32
  }
  func.func @transform_6(%arg0: i32) -> (i32, i32) {
    %c0_i32 = arith.constant 0 : i32
    %c0_i32_0 = arith.constant 0 : i32
    return %arg0, %c0_i32 : i32, i32
  }
  func.func @transform_7(%arg0: i32) -> (i32, i32) {
    %c0_i32 = arith.constant 0 : i32
    %c0_i32_0 = arith.constant 0 : i32
    return %arg0, %c0_i32 : i32, i32
  }
}

module attributes {stable_mosaic.version = 14 : i64} {
  func.func @_c2_body(%arg0: i32, %arg1: memref<1000x128xf32, #tpu.memory_space<vmem>>, %arg2: memref<1000x128xf32, #tpu.memory_space<vmem>>, %arg3: memref<1000x128xf32, #tpu.memory_space<vmem>>, %arg4: memref<1000x1xf32, #tpu.memory_space<vmem>>, %arg5: memref<1x128xf32, #tpu.memory_space<vmem>>, %arg6: memref<1000x128xf32, #tpu.memory_space<vmem>>) attributes {dimension_semantics = [#tpu.dimension_semantics<arbitrary>], iteration_bounds = array<i64: 10>, scalar_prefetch = 0 : i64, scratch_operands = 0 : i64, tpu.core_type = #tpu.core_type<tc>, window_params = [{transform_indices = @transform_0, window_bounds = array<i64: 1000, 128>}, {transform_indices = @transform_1, window_bounds = array<i64: 1000, 128>}, {transform_indices = @transform_2, window_bounds = array<i64: 1000, 128>}, {transform_indices = @transform_3, window_bounds = array<i64: 1000, 1>}, {pipeline_mode = #tpu.pipeline_mode<synchronous>, transform_indices = @transform_4, window_bounds = array<i64: 1, 128>}, {transform_indices = @transform_5, window_bounds = array<i64: 1000, 128>}]} {
    %get3A = arith.constant 0 : index
    %get3A_0 = arith.constant 0 : index
    %get3A_1 = vector.load %arg3[%get3A, %get3A_0] : memref<1000x128xf32, #tpu.memory_space<vmem>>, vector<1000x128xf32>
    %get3A_2 = arith.constant 0 : index
    %get3A_3 = arith.constant 0 : index
    %get3A_4 = vector.load %arg5[%get3A_2, %get3A_3] : memref<1x128xf32, #tpu.memory_space<vmem>>, vector<1x128xf32>
    %get3A_5 = arith.constant 0 : index
    %get3A_6 = arith.constant 0 : index
    %get3A_7 = vector.load %arg4[%get3A_5, %get3A_6] : memref<1000x1xf32, #tpu.memory_space<vmem>>, vector<1000x1xf32>
    %mul3A = vector.broadcast %get3A_4 : vector<1x128xf32> to vector<1000x128xf32>
    %mul3A_8 = vector.broadcast %get3A_7 : vector<1000x1xf32> to vector<1000x128xf32>
    %mul3A_9 = arith.mulf %mul3A, %mul3A_8 : vector<1000x128xf32>
    %get3A_10 = arith.constant 0 : index
    %get3A_11 = arith.constant 0 : index
    %get3A_12 = vector.load %arg1[%get3A_10, %get3A_11] : memref<1000x128xf32, #tpu.memory_space<vmem>>, vector<1000x128xf32>
    %get3A_13 = arith.constant 0 : index
    %get3A_14 = arith.constant 0 : index
    %get3A_15 = vector.load %arg2[%get3A_13, %get3A_14] : memref<1000x128xf32, #tpu.memory_space<vmem>>, vector<1000x128xf32>
    %add3A = arith.addf %get3A_12, %get3A_15 : vector<1000x128xf32>
    %mul3A_16 = arith.mulf %mul3A_9, %add3A : vector<1000x128xf32>
    %add3A_17 = arith.addf %get3A_1, %mul3A_16 : vector<1000x128xf32>
    %swap3A = arith.constant 0 : index
    %swap3A_18 = arith.constant 0 : index
    %swap3A_19 = vector.load %arg6[%swap3A, %swap3A_18] : memref<1000x128xf32, #tpu.memory_space<vmem>>, vector<1000x128xf32>
    tpu.vector_store %arg6[%swap3A, %swap3A_18], %add3A_17 {strides = array<i32>} : memref<1000x128xf32, #tpu.memory_space<vmem>>, vector<1000x128xf32>,
    return
  }
  func.func @transform_0(%arg0: i32) -> (i32, i32) {
    %c0_i32 = arith.constant 0 : i32
    %c0_i32_0 = arith.constant 0 : i32
    return %arg0, %c0_i32 : i32, i32
  }
  func.func @transform_1(%arg0: i32) -> (i32, i32) {
    %c0_i32 = arith.constant 0 : i32
    %c0_i32_0 = arith.constant 0 : i32
    return %arg0, %c0_i32 : i32, i32
  }
  func.func @transform_2(%arg0: i32) -> (i32, i32) {
    %c0_i32 = arith.constant 0 : i32
    %c0_i32_0 = arith.constant 0 : i32
    return %arg0, %c0_i32 : i32, i32
  }
  func.func @transform_3(%arg0: i32) -> (i32, i32) {
    %c0_i32 = arith.constant 0 : i32
    %c0_i32_0 = arith.constant 0 : i32
    return %arg0, %c0_i32 : i32, i32
  }
  func.func @transform_4(%arg0: i32) -> (i32, i32) {
    %c0_i32 = arith.constant 0 : i32
    %c0_i32_0 = arith.constant 0 : i32
    %c0_i32_1 = arith.constant 0 : i32
    return %c0_i32, %c0_i32_0 : i32, i32
  }
  func.func @transform_5(%arg0: i32) -> (i32, i32) {
    %c0_i32 = arith.constant 0 : i32
    %c0_i32_0 = arith.constant 0 : i32
    return %arg0, %c0_i32 : i32, i32
  }
}

</mosaic_0001>

<sc_bundles>
// kernel: kernel.12.cloned.1.call-start
scs
__scs_entry_jumppad:
0x0: {  	(pc) =	sbr.rel $0x88, $3  }
0x1: {  	(tag) =	ssettag $0x0;
	lr =	simm.s32 $0x1  }
0x2: {  	[smem:$0x3F9D] =	sst lr;
	_ =	strace $0xD0000000  }
0x3: {  	_ = 	snop  }
0x4: {  	_ = 	snop  }
0x5: {  	_ = 	snop  }
0x6: {  	_ = 	snop  }
0x7: {  	_ = 	snop  }
__scs_overlays_trampoline_lowered:
0x8: {  	[smem:$0x3FAC] =	sst s0  }
0x9: {  	[smem:$0x3FAD] =	sst s1  }
0xa: {  	[smem:$0x3FAE] =	sst s2  }
0xb: {  	[smem:$0x3FAF] =	sst s3  }
0xc: {  	[smem:$0x3FB0] =	sst s4  }
0xd: {  	[smem:$0x3FB1] =	sst s5  }
0xe: {  	[smem:$0x3FB2] =	sst s6  }
0xf: {  	[smem:$0x3FB3] =	sst s7  }
0x10: {  	[smem:$0x3FB4] =	sst s8  }
0x11: {  	[smem:$0x3FB5] =	sst s9;
	s0 =	simm.s32 @!p0 $0x0  }
0x12: {  	s1 =	sld [smem:$0x3F9B];
	s0 =	simm.s32 @p0 $0x1  }
0x13: {  	[smem:$0x3FB6] =	sst s0;
	s0 =	simm.s32 @!p1 $0x0  }
0x14: {  	s2 =	sld [smem:$0x3F9A];
	s0 =	simm.s32 @p1 $0x1  }
0x15: {  	[smem:$0x3FB7] =	sst s0;
	s0 =	simm.s32 @!p2 $0x0  }
0x16: {  	s3 =	sld [smem:$0x3FDB];
	s0 =	simm.s32 @p2 $0x1  }
0x17: {  	s4 =	simm.s32 $0x1BF5;
	[smem:$0x3FB9] =	sst s0  }
0x18: {  	s0 =	sld [smem:$0x3F9C];
	_ =	swait.ge [sflag:s4], $0x0  }
0x19: {  	s7 =	sld [smem:$0x3F9D]  }
0x1a: {  	s8 =	sadd.s32 $0xFFFFE003, lr  }
0x1b: {  	s9 =	sadd.s32 $0xFFFFFEF7, lr;
	s5 =	simm.s32 $0xFFFFFFFF;
	p2 =	slt.u32 s8, $0xFFFFF086  }
0x1c: {  	p1 =	slt.u32 s9, $0xF7A;
	s5 =	simm.s32 @!p2 $0x0  }
0x1d: {  	s5 =	simm.s32 @p1 $0x1;
	p0 =	seq.s32 s7, s2  }
0x1e: {  	s7 =	smul.u32 @!p0 $0xF7A, s2;
	p2 =	seq.s32 @!p0 s5, $0x0  }
0x1f: {  	s9 =	smul.u32 $0xF7A, s1;
	s8 =	simm.s32 @!p0 $0x1BF5;
	p2 =	por !p2, p0  }
0x20: {  	[sflag:s8] =	ssyncset.s32 @!p0 $0xFFFFF086;
	s6 =	sadd.s32 @!p0 s3, s7;
	s7 =	simm.s32 @!p0 $0x108  }
0x21: {  	s3 =	sadd.s32 s3, s9;
	s6 =	sadd.s32 @!p0 $0x88, s6;
	s7 =	simm.s32 @p2 $0x1082  }
0x22: {  	[simem:s7], [sflag:s8] =	dma.local @!p0 [hbm:s6], $0xF7A  }
0x23: {  	s9 =	sor.u32 $0xD0000000, s2;
	s6 =	simm.s32 $0x108;
	_ =	swait.ge @!p0 [sflag:s8], $0x0  }
0x24: {  	s3 =	sadd.s32 $0x88, s3;
	s6 =	simm.s32 @!p1 $0x1082;
	[sflag:s4] =	ssyncset.s32 $0xFFFFF086  }
0x25: {  	[simem:s6], [sflag:s4] =	dma.local [hbm:s3], $0xF7A  }
0x26: {  	[smem:$0x3F9D] =	sst s1;
	(tag) =	ssettag s2;
	_ =	strace s9  }
0x27: {  	s1 =	sld [smem:$0x3FAD]  }
0x28: {  	s2 =	sld [smem:$0x3FAE]  }
0x29: {  	s4 =	sld [smem:$0x3FB0]  }
0x2a: {  	p0 =	seq.s32 s5, $0x0;
	s5 =	sld [smem:$0x3FB1]  }
0x2b: {  	s6 =	sld [smem:$0x3FB2]  }
0x2c: {  	s7 =	sld [smem:$0x3FB3]  }
0x2d: {  	s3 =	simm.s32 $0x108;
	s8 =	sld [smem:$0x3FB4]  }
0x2e: {  	s3 =	simm.s32 @!p0 $0x1082;
	s9 =	sld [smem:$0x3FB5]  }
0x2f: {  	lr =	sadd.s32 s0, s3;
	s0 =	sld [smem:$0x3FAC]  }
0x30: {  	s3 =	sld [smem:$0x3FAF]  }
0x31: {  	[smem:$0x3FB8] =	sst s10  }
0x32: {  	s10 =	sld [smem:$0x3FB6];
	_ =	sdelay $0x3  }
0x33: {  	p0 =	seq.s32 s10, $0x1;
	s10 =	sld [smem:$0x3FB8];
	_ =	sdelay $0x3  }
0x34: {  	[smem:$0x3FB8] =	sst s10  }
0x35: {  	s10 =	sld [smem:$0x3FB7];
	_ =	sdelay $0x3  }
0x36: {  	p1 =	seq.s32 s10, $0x1;
	s10 =	sld [smem:$0x3FB8];
	_ =	sdelay $0x3  }
0x37: {  	[smem:$0x3FB8] =	sst s10  }
0x38: {  	s10 =	sld [smem:$0x3FB9]  }
0x39: {  	_ = 	snop;
	(pc) =	sbr.ind lr, $3  }
0x3a: {  	_ = 	snop  }
0x3b: {  	_ = 	snop  }
0x3c: {  	p2 =	seq.s32 s10, $0x1;
	s10 =	sld [smem:$0x3FB8]  }
0x3d: {  	_ =	shalt  }
0x3e: {  	_ =	shalt  }
0x3f: {  	_ =	shalt  }
0x40: {  	_ =	shalt  }
0x41: {  	_ =	shalt  }
0x42: {  	_ =	shalt  }
0x43: {  	_ =	shalt  }
0x44: {  	_ =	shalt  }
0x45: {  	_ =	shalt  }
0x46: {  	_ =	shalt  }
0x47: {  	_ =	shalt  }
0x48: {  	_ =	shalt  }
0x49: {  	_ =	shalt  }
0x4a: {  	_ =	shalt  }
0x4b: {  	_ =	shalt  }
0x4c: {  	_ =	shalt  }
0x4d: {  	_ =	shalt  }
0x4e: {  	_ =	shalt  }
0x4f: {  	_ =	shalt  }
0x50: {  	_ =	shalt  }
0x51: {  	_ =	shalt  }
0x52: {  	_ =	shalt  }
0x53: {  	_ =	shalt  }
0x54: {  	_ =	shalt  }
0x55: {  	_ =	shalt  }
0x56: {  	_ =	shalt  }
0x57: {  	_ =	shalt  }
0x58: {  	_ =	shalt  }
0x59: {  	_ =	shalt  }
0x5a: {  	_ =	shalt  }
0x5b: {  	_ =	shalt  }
0x5c: {  	_ =	shalt  }
0x5d: {  	_ =	shalt  }
0x5e: {  	_ =	shalt  }
0x5f: {  	_ =	shalt  }
0x60: {  	_ =	shalt  }
0x61: {  	_ =	shalt  }
0x62: {  	_ =	shalt  }
0x63: {  	_ =	shalt  }
0x64: {  	_ =	shalt  }
0x65: {  	_ =	shalt  }
0x66: {  	_ =	shalt  }
0x67: {  	_ =	shalt  }
0x68: {  	_ =	shalt  }
0x69: {  	_ =	shalt  }
0x6a: {  	_ =	shalt  }
0x6b: {  	_ =	shalt  }
0x6c: {  	_ =	shalt  }
0x6d: {  	_ =	shalt  }
0x6e: {  	_ =	shalt  }
0x6f: {  	_ =	shalt  }
0x70: {  	_ =	shalt  }
0x71: {  	_ =	shalt  }
0x72: {  	_ =	shalt  }
0x73: {  	_ =	shalt  }
0x74: {  	_ =	shalt  }
0x75: {  	_ =	shalt  }
0x76: {  	_ =	shalt  }
0x77: {  	_ =	shalt  }
0x78: {  	_ =	shalt  }
0x79: {  	_ =	shalt  }
0x7a: {  	_ =	shalt  }
0x7b: {  	_ =	shalt  }
0x7c: {  	_ =	shalt  }
0x7d: {  	_ =	shalt  }
0x7e: {  	_ =	shalt  }
0x7f: {  	_ =	shalt  }
0x80: {  	_ =	shalt  }
0x81: {  	_ =	shalt  }
0x82: {  	_ =	shalt  }
0x83: {  	_ =	shalt  }
0x84: {  	_ =	shalt  }
0x85: {  	_ =	shalt  }
0x86: {  	_ =	shalt  }
0x87: {  	_ =	shalt  }
.Lfunc_end0:
.L_simem_size_0:
called_computation.1_lowered:
.L_overlay_start_0:
0x88: {  	s2 =	sld [smem:$0x3FD9]  }
0x89: {  	s3 =	sld [smem:$0x3FFE];
	_ =	sdelay $0x1  }
0x8a: {  	s1 =	srdreg.scid  }
0x8b: {  	s0 =	sand.u32 $0x1, s1  }
0x8c: {  	s17 =	sshll.u32 s0, $0xA;
	s2 =	sadd.s32 s3, s2  }
0x8d: {  	s2 =	sadd.s32 s2, s17  }
0x8e: {  	[smem:$0x3FC4] =	sst s2  }
0x8f: {  	_ = 	snop  }
0x90: {  	s2 =	sld [smem:$0x3FD0];
	(tm) =	ssettm $0x1  }
0x91: {  	s18 =	sld [smem:$0x3FFB];
	_ =	sdelay $0x3  }
0x92: {  	_ =	strace s18  }
0x93: {  	s3 =	sld [smem:$0x3FFC];
	_ =	sdelay $0x3  }
0x94: {  	_ =	strace s3  }
0x95: {  	s3 =	sld [smem:$0x3FFD];
	_ =	sdelay $0x3  }
0x96: {  	_ =	strace s3  }
0x97: {  	_ =	strace $0x8FFFFFFF  }
0x98: {  	s19 =	sld [smem:$0x3FDB];
	_ =	sdelay $0x1  }
0x99: {  	s4 =	simm.s32 $_scs_section_size  }
0x9a: {  	s5 =	simm.s32 $_size__tile_overlayer_lowered;
	s6 =	simm.s32 $_tile_overlayer_lowered  }
0x9b: {  	s22 =	simm.s32 $0x1BFF;
	s21 =	sshll.u32 s6, $0x1;
	s3 =	sadd.s32 s4, s19  }
0x9c: {  	s7 =	simm.s32 $0x0;
	s20 =	sshll.u32 s5, $0x1;
	s5 =	sadd.s32 s21, s3  }
0x9d: {  	[timem:s7], [sflag:s22] =	dma.local [hbm:s5], s20  }
0x9e: {  	_ =	swait.ge [sflag:s22], s20  }
0x9f: {  	s4 =	ssub.s32 $0x0, s20;
	[sflag:s22] =	ssyncset.done $0x0  }
0xa0: {  	[sflag:s22] =	ssyncadd.s32 s4;
	_ =	sdelay $0x1  }
0xa1: {  	s23 =	simm.s32 $0x1B8B  }
0xa2: {  	_ =	swait.ge [sflag:s23], $0x1  }
0xa3: {  	[sflag:s23] =	ssyncset.done $0x0  }
0xa4: {  	s25 =	simm.s32 $0x1B8E;
	s24 =	sld [smem:$0x3FFE];
	[sflag:s23] =	ssyncadd.s32 $0xFFFFFFFF  }
0xa5: {  	s26 =	simm.s32 $execute0_lowered;
	[smem:$0x3FD2] =	sst s25  }
0xa6: {  	s5 =	sshll.u32 s26, $0x1;
	_ =	strace $0x80000049;
	[dreg:$0x1] =	wrdreg $0xFFFFFFFF  }
0xa7: {  	s28 =	simm.s32 $_size_execute0_lowered;
	s3 =	sadd.s32 s3, s5;
	[dreg:$0x0] =	wrdreg $0x0  }
0xa8: {  	s5 =	sshll.u32 s28, $0x1;
	[dreg:$0x2] =	wrdreg s3  }
0xa9: {  	[dreg:$0x3] =	wrdreg s5  }
0xaa: {  	[dreg:$0x4] =	wrdreg $0xC0  }
0xab: {  	_ =	task [dreg:s7], $0x5FFFF  }
0xac: {  	[dreg:$0x1] =	wrdreg $0xFFFFFFFF  }
0xad: {  	[dreg:$0x0] =	wrdreg $0x60  }
0xae: {  	[dreg:$0x2] =	wrdreg s2  }
0xaf: {  	[dreg:$0x3] =	wrdreg s24  }
0xb0: {  	[dreg:$0x4] =	wrdreg $0xAE000  }
0xb1: {  	[dreg:$0x5] =	wrdreg $0x9  }
0xb2: {  	_ =	task.clear_ibuf [dreg:s7], $0x6FFFF;
	_ =	strace $0x90000049  }
0xb3: {  	s29 =	simm.s32 $0x9;
	_ =	strace $0x8000004B  }
0xb4: {  	_ =	swait.ge [sflag:s29], $0x1  }
0xb5: {  	[sflag:s29] =	ssyncadd.s32 $0xFFFFFFFF  }
0xb6: {  	_ =	strace $0x9000004B  }
0xb7: {  	_ =	sfence  }
0xb8: {  	s30 =	sld [smem:$0x0];
	_ =	sdelay $0x2  }
0xb9: {  	s31 =	sshll.u32 s1, $0xD;
	s1 =	sshrl.u32 s1, $0x2  }
0xba: {  	s3 =	sand.u32 $0x4000, s31;
	s1 =	sadd.s32 s1, s30  }
0xbb: {  	s0 =	sor.u32 s3, s0;
	s1 =	sshll.u32 s1, $0x11  }
0xbc: {  	s0 =	sor.u32 s1, s0  }
0xbd: {  	s0 =	sadd.s32 $0x8F2B, s0  }
0xbe: {  	[sflag:s0] =	ssyncadd.remote.s32 $0x1  }
0xbf: {  	_ =	sfence.sel $0xFFFF  }
0xc0: {  	[dreg:$0x0] =	wrdreg $0xFFFFFFFF;
	(pc) =	sbr.abs _section_cstart, $3  }
0xc1: {  	[dreg:$0x1] =	wrdreg $0xFFFFFFFF  }
0xc2: {  	_ =	task.clear_ibuf [dreg:s7], $0x2FFFF;
	_ =	strace $0x9FFFFFFF  }
0xc3: {  	(tm) =	ssettm $0x7FFFFFFF  }
tec
execute0_lowered:
.L_overlay_start_1:
0x0: {  	(tag) =	ssettag $0x1  }
0x1: {  	s0 =	rddreg [dreg:$0x0]  }
0x2: {  	s1 =	rddreg [dreg:$0x1]  }
0x3: {  	s2 =	rddreg [dreg:$0x2]  }
0x4: {  	s3 =	simm.s32 $0x0;
	s11 =	stileid.u32;
	s5 =	srdreg.scid  }
0x5: {  	s12 =	simm.s32 $0xD;
	s28 =	simm.s32 $0x3E00;
	s29 =	simm.s32 $0x7  }
0x6: {  	s31 =	simm.s32 $0x500;
	s13 =	simm.s32 $0xB;
	s14 =	simm.s32 $0x5  }
0x7: {  	s16 =	simm.s32 $0xC;
	[smem:$0x7FF] =	sst s3;
	s6 =	smul.u32 $0x50000, s11  }
0x8: {  	s4 =	sadd.s32 $0x5DC00, s1;
	s5 =	sand.u32 $0x1, s5;
	s7 =	smul.u32 $0x5A, s11  }
0x9: {  	s8 =	sadd.s32 $0x85C00, s1;
	s1 =	sadd.s32 $0xADC00, s1;
	s26 =	smul.u32 $0x2800, s11  }
0xa: {  	s11 =	simm.s32 $0x9;
	_ =	strace $0x8000004A;
	s9 =	ssub.s32 $0x2, s5  }
0xb: {  	p0 =	seq.s32 s5, $0x0;
	s6 =	sshrl.u32 s6, $0x2;
	s5 =	sadd.s32 $0x5A0, s7  }
0xc: {  	s10 =	sshrl.u32 s9, $0x1;
	s1 =	smov.u32 @p0 s8;
	s15 =	sadd.s32 s6, s2  }
0xd: {  	s8 =	simm.s32 $0xA;
	s18 =	sadd.s32 $0x3800, s15;
	[dreg:$0x4] =	wrdreg s15  }
0xe: {  	s5 =	smov.u32 @p0 s7;
	s19 =	sadd.s32 $0x7000, s15;
	[dreg:$0x5] =	wrdreg s18  }
0xf: {  	s17 =	ssub.s32 s9, s10;
	s20 =	sadd.s32 $0xA800, s15;
	[dreg:$0x6] =	wrdreg s19  }
0x10: {  	s6 =	simm.s32 $0x8;
	s21 =	sadd.s32 $0xE000, s15;
	[dreg:$0x7] =	wrdreg s20  }
0x11: {  	s10 =	simm.s32 $0x4;
	s22 =	sadd.s32 $0x11800, s15;
	[dreg:$0x8] =	wrdreg s21  }
0x12: {  	s5 =	sshll.u32 s5, $0x5;
	s30 =	smax.u32 s17, $0x1;
	[dreg:$0x9] =	wrdreg s22  }
0x13: {  	s17 =	simm.s32 $0x6;
	s9 =	sadd.s32 s0, s5;
	[dreg:$0xe] =	wrdreg s30  }
0x14: {  	s0 =	sadd.s32 s1, s26;
	s18 =	simm.s32 $0x600;
	s22 =	simm.s32 $0x300  }
0x15: {  	s26 =	simm.s32 $0x2;
	s23 =	sadd.s32 $0x20, s9;
	[dreg:$0xf] =	wrdreg s0  }
.Ltmp0:
0x16: {  	s24 =	sadd.s32 $0x40, s9;
	[dreg:$0xa] =	wrdreg s23;
	(pc) =	sbr.rel .LBB2_1-.Ltmp0, $4  }
0x17: {  	s1 =	simm.s32 $0x7600;
	s25 =	sadd.s32 $0x60, s9;
	[dreg:$0xb] =	wrdreg s24  }
0x18: {  	s19 =	simm.s32 $0x580;
	s5 =	sadd.s32 $0x80, s9;
	[dreg:$0xc] =	wrdreg s25  }
0x19: {  	s0 =	simm.s32 $0x3;
	[dreg:$0xd] =	wrdreg s5;
	s23 =	simm.s32 $0x400  }
0x1a: {  	v0 =	vimm.f32 $0.0e+00;
	s24 =	simm.s32 $0x1;
	s25 =	simm.s32 $0x70;
	s5 =	simm.s32 $0x0  }
.LBB2_6:
0x1b: {  	_ =	swait.ge [sflag:s11], $0x3800  }
0x1c: {  	[sflag:s11] =	ssyncset.done $0x0  }
0x1d: {  	[sflag:s11] =	ssyncadd.s32 $0xFFFFC800  }
0x1e: {  	[spmem:s2] =	stream.indirect.scatter.add.f32 [tilespmem:s1], [sflag:$0xC], $0x80, s19, s25, $0xb8;
	[tilespmem:$0x1EE00] =	vst v63  }
0x1f: {  	_ =	swait.ge [sflag:s13], $0x3800  }
0x20: {  	[sflag:s13] =	ssyncset.done $0x0  }
0x21: {  	[sflag:s13] =	ssyncadd.s32 $0xFFFFC800  }
0x22: {  	_ =	swait.ge [sflag:s16], $0x3800  }
0x23: {  	[sflag:s16] =	ssyncset.done $0x0  }
0x24: {  	[sflag:s16] =	ssyncadd.s32 $0xFFFFC800  }
0x25: {  	s7 =	stileid.u32;
	[bflag:$0x0] =	sbarrier.arrive $0xFFFF  }
0x26: {  	s7 =	sshll.u32 s7, $0x6;
	s15 =	rddreg [dreg:$0x4]  }
0x27: {  	s7 =	sor.u32 $0x1C0D, s7;
	s20 =	rddreg [dreg:$0xf];
	s12 =	sshrl.u32 s15, $0x3  }
0x28: {  	[hbm:s20], [sflag:s7] =	dma.local [spmem:s12], $0x2800  }
0x29: {  	s12 =	simm.s32 $0xD  }
0x2a: {  	_ =	swait.ge [sflag:s12], $0x2800  }
0x2b: {  	s5 =	rddreg [dreg:$0x10]  }
0x2c: {  	s30 =	rddreg [dreg:$0xe];
	s5 =	sadd.s32 $0x1, s5  }
0x2d: {  	p0 =	sne.s32 s5, s30  }
.Ltmp1:
0x2e: {  	_ = 	snop;
	(pc) =	sbr.rel @!p0 .LBB2_7-.Ltmp1, $3  }
0x2f: {  	_ =	sdelay $0x1  }
0x30: {  	[sflag:s12] =	ssyncset.done $0x0  }
0x31: {  	[sflag:s12] =	ssyncadd.s32 $0xFFFFD800  }
.LBB2_1:
0x32: {  	s20 =	sand.u32 $0xFE00, s3  }
0x33: {  	[dreg:$0x10] =	wrdreg s5;
	s21 =	sand.u32 $0x70, s3;
	s30 =	sshrl.u32 s20, $0x2  }
0x34: {  	s20 =	simm.s32 $0x40;
	s30 =	sor.u32 s21, s30;
	s21 =	simm.s32 $0x0  }
.LBB2_2:
0x35: {  	p0 =	sne.s32 s20, $0xDFC0  }
0x36: {  	[tilespmem:s30+$0x600] =	vst v0;
	s21 =	sadd.s32 $0x10, s21;
	s30 =	smov.u32 s20;
	s20 =	sadd.s32 $0x40, s20  }
.Ltmp2:
0x37: {  	(pc) =	sbr.rel @p0 .LBB2_2-.Ltmp2, $4  }
0x38: {  	_ = 	snop  }
0x39: {  	s30 =	sand.u32 $0xFE00, s30  }
0x3a: {  	s7 =	sand.u32 $0x70, s21;
	s30 =	sshrl.u32 s30, $0x2  }
0x3b: {  	s30 =	sor.u32 s7, s30  }
0x3c: {  	[tilespmem:s30+$0x600] =	vst v0  }
0x3d: {  	[spmem:s15] =	stream.linear.scatter [tilespmem:s18], [sflag:$0xD], $0x3800, $0x38;
	[tilespmem:$0x1EE00] =	vst v63  }
0x3e: {  	_ =	swait.ge [sflag:s12], $0x3800  }
0x3f: {  	[sflag:s12] =	ssyncset.done $0x0  }
0x40: {  	s7 =	rddreg [dreg:$0x5];
	[sflag:s12] =	ssyncadd.s32 $0xFFFFC800  }
0x41: {  	[spmem:s7] =	stream.linear.scatter [tilespmem:s18], [sflag:$0xD], $0x3800, $0x38;
	[tilespmem:$0x1EE00] =	vst v63  }
0x42: {  	_ =	swait.ge [sflag:s12], $0x3800  }
0x43: {  	[sflag:s12] =	ssyncset.done $0x0  }
0x44: {  	s15 =	rddreg [dreg:$0x6];
	[sflag:s12] =	ssyncadd.s32 $0xFFFFC800  }
0x45: {  	[spmem:s15] =	stream.linear.scatter [tilespmem:s18], [sflag:$0xD], $0x3800, $0x38;
	[tilespmem:$0x1EE00] =	vst v63  }
0x46: {  	_ =	swait.ge [sflag:s12], $0x3800  }
0x47: {  	[sflag:s12] =	ssyncset.done $0x0  }
0x48: {  	s20 =	rddreg [dreg:$0x7];
	[sflag:s12] =	ssyncadd.s32 $0xFFFFC800  }
0x49: {  	[spmem:s20] =	stream.linear.scatter [tilespmem:s18], [sflag:$0xD], $0x3800, $0x38;
	[tilespmem:$0x1EE00] =	vst v63  }
0x4a: {  	_ =	swait.ge [sflag:s12], $0x3800  }
0x4b: {  	[sflag:s12] =	ssyncset.done $0x0  }
0x4c: {  	s21 =	rddreg [dreg:$0x8];
	[sflag:s12] =	ssyncadd.s32 $0xFFFFC800  }
0x4d: {  	[spmem:s21] =	stream.linear.scatter [tilespmem:s18], [sflag:$0xD], $0x3800, $0x38;
	[tilespmem:$0x1EE00] =	vst v63  }
0x4e: {  	_ =	swait.ge [sflag:s12], $0x3800  }
0x4f: {  	[sflag:s12] =	ssyncset.done $0x0  }
0x50: {  	s30 =	rddreg [dreg:$0x9];
	[sflag:s12] =	ssyncadd.s32 $0xFFFFC800  }
0x51: {  	[spmem:s30] =	stream.linear.scatter [tilespmem:s18], [sflag:$0xD], $0x2800, $0x38;
	[tilespmem:$0x1EE00] =	vst v63  }
0x52: {  	_ =	swait.ge [sflag:s12], $0x2800  }
0x53: {  	[sflag:s12] =	ssyncset.done $0x0  }
0x54: {  	[sflag:s12] =	ssyncadd.s32 $0xFFFFD800  }
0x55: {  	s20 =	simm.s32 $0x0;
	[bflag:$0x0] =	sbarrier.arrive $0xFFFF  }
0x56: {  	[tilespmem:s20], [sflag:$0x1] =	stream.linear.gather [hbm4b:s9+s20], $0x100, $0x38;
	[tilespmem:$0x1EE00] =	vst v63  }
0x57: {  	s12 =	simm.s32 $0x100;
	s5 =	rddreg [dreg:$0xa]  }
0x58: {  	[tilespmem:s12], [sflag:$0x2] =	stream.linear.gather [hbm4b:s5+s20], $0x100, $0x38;
	[tilespmem:$0x1EE00] =	vst v63  }
0x59: {  	s15 =	rddreg [dreg:$0xb];
	s5 =	simm.s32 $0x200  }
0x5a: {  	[tilespmem:s5], [sflag:$0x3] =	stream.linear.gather [hbm4b:s15+s20], $0x100, $0x38;
	[tilespmem:$0x1EE00] =	vst v63  }
0x5b: {  	s21 =	rddreg [dreg:$0xc]  }
0x5c: {  	[tilespmem:s22], [sflag:$0x4] =	stream.linear.gather [hbm4b:s21+s20], $0x100, $0x38;
	[tilespmem:$0x1EE00] =	vst v63  }
0x5d: {  	s30 =	rddreg [dreg:$0xd]  }
0x5e: {  	[tilespmem:s23], [sflag:$0x5] =	stream.linear.gather [hbm4b:s30+s20], $0x100, $0x38;
	[tilespmem:$0x1EE00] =	vst v63  }
0x5f: {  	_ =	swait.ge [sflag:s24], $0x100  }
0x60: {  	[sflag:s24] =	ssyncset.done $0x0  }
0x61: {  	[sflag:s24] =	ssyncadd.s32 $0xFFFFFF00  }
0x62: {  	[tilespmem:s18], [sflag:$0x7] =	stream.indirect.gather [hbm4b:s4+s25], $0x80, s20, s25, $0xb8;
	[tilespmem:$0x1EE00] =	vst v63  }
0x63: {  	_ =	swait.ge [sflag:s26], $0x100  }
0x64: {  	[sflag:s26] =	ssyncset.done $0x0  }
0x65: {  	s5 =	simm.s32 $0x100;
	[sflag:s26] =	ssyncadd.s32 $0xFFFFFF00  }
0x66: {  	[tilespmem:s28], [sflag:$0x8] =	stream.indirect.gather [hbm4b:s4+s25], $0x80, s12, s25, $0xb8;
	[tilespmem:$0x1EE00] =	vst v63  }
.LBB2_4:
0x67: {  	_ =	swait.ge [sflag:s29], $0x3800  }
0x68: {  	[sflag:s29] =	ssyncset.done $0x0  }
0x69: {  	s7 =	simm.s32 $0x80;
	p0 =	seq.s32 s20, $0x0;
	[sflag:s29] =	ssyncadd.s32 $0xFFFFC800  }
0x6a: {  	[spmem:s2] =	stream.indirect.scatter.add.f32 [tilespmem:s18], [sflag:$0xA], $0x80, s7, s25, $0xb8;
	[tilespmem:$0x1EE00] =	vst v63  }
0x6b: {  	s7 =	simm.s32 @!p0 $0xC  }
0x6c: {  	_ =	swait.ge @!p0 [sflag:s7], $0x3800  }
0x6d: {  	s21 =	sadd.s32 s20, s9;
	[sflag:s7] =	ssyncset.done @!p0 $0x0  }
0x6e: {  	s30 =	sadd.s32 $0xA0, s21;
	[sflag:s7] =	ssyncadd.s32 @!p0 $0xFFFFC800  }
0x6f: {  	[tilespmem:s31], [sflag:$0x6] =	stream.linear.gather [hbm4b:s30+s3], $0x100, $0x38;
	[tilespmem:$0x1EE00] =	vst v63  }
0x70: {  	_ =	swait.ge [sflag:s0], $0x100  }
0x71: {  	[sflag:s0] =	ssyncset.done $0x0  }
0x72: {  	s12 =	simm.s32 $0x200;
	[sflag:s0] =	ssyncadd.s32 $0xFFFFFF00  }
0x73: {  	[tilespmem:s1], [sflag:$0x9] =	stream.indirect.gather [hbm4b:s4+s25], $0x80, s12, s25, $0xb8;
	[tilespmem:$0x1EE00] =	vst v63  }
0x74: {  	_ =	swait.ge [sflag:s6], $0x3800  }
0x75: {  	[sflag:s6] =	ssyncset.done $0x0  }
0x76: {  	s15 =	simm.s32 $0x180;
	[sflag:s6] =	ssyncadd.s32 $0xFFFFC800  }
0x77: {  	[spmem:s2] =	stream.indirect.scatter.add.f32 [tilespmem:s28], [sflag:$0xB], $0x80, s15, s25, $0xb8;
	[tilespmem:$0x1EE00] =	vst v63  }
0x78: {  	p0 =	seq.s32 s20, $0xA80;
	_ =	swait.ge [sflag:s8], $0x3800  }
0x79: {  	s7 =	sadd.s32 @!p0 s20, s9;
	[sflag:s8] =	ssyncset.done $0x0  }
0x7a: {  	s30 =	sadd.s32 @!p0 $0xC0, s7;
	s12 =	simm.s32 @!p0 $0x0;
	[sflag:s8] =	ssyncadd.s32 $0xFFFFC800  }
0x7b: {  	[tilespmem:s12], [sflag:$0x1] =	stream.linear.gather @!p0 [hbm4b:s30+s12], $0x100, $0x38;
	[tilespmem:$0x1EE00] =	vst v63  }
0x7c: {  	_ =	swait.ge [sflag:s10], $0x100  }
0x7d: {  	[sflag:s10] =	ssyncset.done $0x0  }
0x7e: {  	[sflag:s10] =	ssyncadd.s32 $0xFFFFFF00  }
0x7f: {  	[tilespmem:s18], [sflag:$0x7] =	stream.indirect.gather [hbm4b:s4+s25], $0x80, s22, s25, $0xb8;
	[tilespmem:$0x1EE00] =	vst v63  }
0x80: {  	_ =	swait.ge [sflag:s11], $0x3800  }
0x81: {  	[sflag:s11] =	ssyncset.done $0x0  }
0x82: {  	s15 =	simm.s32 $0x280;
	[sflag:s11] =	ssyncadd.s32 $0xFFFFC800  }
0x83: {  	[spmem:s2] =	stream.indirect.scatter.add.f32 [tilespmem:s1], [sflag:$0xC], $0x80, s15, s25, $0xb8;
	[tilespmem:$0x1EE00] =	vst v63  }
0x84: {  	_ =	swait.ge [sflag:s13], $0x3800  }
0x85: {  	[sflag:s13] =	ssyncset.done $0x0  }
0x86: {  	s30 =	sadd.s32 @!p0 $0xE0, s7;
	s15 =	simm.s32 @!p0 $0x100;
	[sflag:s13] =	ssyncadd.s32 $0xFFFFC800  }
0x87: {  	[tilespmem:s15], [sflag:$0x2] =	stream.linear.gather @!p0 [hbm4b:s30+s12], $0x100, $0x38;
	[tilespmem:$0x1EE00] =	vst v63  }
0x88: {  	_ =	swait.ge [sflag:s14], $0x100  }
0x89: {  	[sflag:s14] =	ssyncset.done $0x0  }
0x8a: {  	[sflag:s14] =	ssyncadd.s32 $0xFFFFFF00  }
0x8b: {  	[tilespmem:s28], [sflag:$0x8] =	stream.indirect.gather [hbm4b:s4+s25], $0x80, s23, s25, $0xb8;
	[tilespmem:$0x1EE00] =	vst v63  }
0x8c: {  	_ =	swait.ge [sflag:s29], $0x3800  }
0x8d: {  	[sflag:s29] =	ssyncset.done $0x0  }
0x8e: {  	s30 =	simm.s32 $0x380;
	[sflag:s29] =	ssyncadd.s32 $0xFFFFC800  }
0x8f: {  	[spmem:s2] =	stream.indirect.scatter.add.f32 [tilespmem:s18], [sflag:$0xA], $0x80, s30, s25, $0xb8;
	[tilespmem:$0x1EE00] =	vst v63  }
0x90: {  	_ =	swait.ge [sflag:s16], $0x3800  }
0x91: {  	[sflag:s16] =	ssyncset.done $0x0  }
0x92: {  	s7 =	sadd.s32 @!p0 $0x100, s7;
	s15 =	simm.s32 @!p0 $0x200;
	[sflag:s16] =	ssyncadd.s32 $0xFFFFC800  }
0x93: {  	[tilespmem:s15], [sflag:$0x3] =	stream.linear.gather @!p0 [hbm4b:s7+s12], $0x100, $0x38;
	[tilespmem:$0x1EE00] =	vst v63  }
0x94: {  	_ =	swait.ge [sflag:s17], $0x100  }
0x95: {  	[sflag:s17] =	ssyncset.done $0x0  }
0x96: {  	[sflag:s17] =	ssyncadd.s32 $0xFFFFFF00  }
0x97: {  	[tilespmem:s1], [sflag:$0x9] =	stream.indirect.gather [hbm4b:s4+s25], $0x80, s31, s25, $0xb8;
	[tilespmem:$0x1EE00] =	vst v63  }
0x98: {  	_ =	swait.ge [sflag:s6], $0x3800  }
0x99: {  	[sflag:s6] =	ssyncset.done $0x0  }
.Ltmp3:
0x9a: {  	s30 =	simm.s32 $0x480;
	[sflag:s6] =	ssyncadd.s32 $0xFFFFC800;
	(pc) =	sbr.rel @p0 .LBB2_6-.Ltmp3, $4  }
0x9b: {  	[spmem:s2] =	stream.indirect.scatter.add.f32 [tilespmem:s28], [sflag:$0xB], $0x80, s30, s25, $0xb8;
	[tilespmem:$0x1EE00] =	vst v63  }
0x9c: {  	_ =	swait.ge [sflag:s8], $0x3800  }
0x9d: {  	[sflag:s8] =	ssyncset.done $0x0  }
0x9e: {  	[sflag:s8] =	ssyncadd.s32 $0xFFFFC800  }
0x9f: {  	s7 =	sadd.s32 $0x120, s21  }
0xa0: {  	[tilespmem:s22], [sflag:$0x4] =	stream.linear.gather [hbm4b:s7+s3], $0x100, $0x38;
	[tilespmem:$0x1EE00] =	vst v63  }
0xa1: {  	_ =	swait.ge [sflag:s24], $0x100  }
0xa2: {  	[sflag:s24] =	ssyncset.done $0x0  }
0xa3: {  	[sflag:s24] =	ssyncadd.s32 $0xFFFFFF00  }
0xa4: {  	[tilespmem:s18], [sflag:$0x7] =	stream.indirect.gather [hbm4b:s4+s25], $0x80, s3, s25, $0xb8;
	[tilespmem:$0x1EE00] =	vst v63  }
0xa5: {  	_ =	swait.ge [sflag:s11], $0x3800  }
0xa6: {  	[sflag:s11] =	ssyncset.done $0x0  }
0xa7: {  	[sflag:s11] =	ssyncadd.s32 $0xFFFFC800  }
0xa8: {  	[spmem:s2] =	stream.indirect.scatter.add.f32 [tilespmem:s1], [sflag:$0xC], $0x80, s19, s25, $0xb8;
	[tilespmem:$0x1EE00] =	vst v63  }
0xa9: {  	_ =	swait.ge [sflag:s13], $0x3800  }
0xaa: {  	[sflag:s13] =	ssyncset.done $0x0  }
0xab: {  	s30 =	sadd.s32 $0x140, s21;
	[sflag:s13] =	ssyncadd.s32 $0xFFFFC800  }
0xac: {  	[tilespmem:s23], [sflag:$0x5] =	stream.linear.gather [hbm4b:s30+s3], $0x100, $0x38;
	[tilespmem:$0x1EE00] =	vst v63  }
.Ltmp4:
0xad: {  	_ = 	snop;
	(pc) =	sbr.rel .LBB2_4-.Ltmp4, $4  }
0xae: {  	_ =	swait.ge [sflag:s26], $0x100  }
0xaf: {  	[sflag:s26] =	ssyncset.done $0x0  }
0xb0: {  	s20 =	sadd.s32 $0xC0, s20;
	[sflag:s26] =	ssyncadd.s32 $0xFFFFFF00  }
0xb1: {  	[tilespmem:s28], [sflag:$0x8] =	stream.indirect.gather [hbm4b:s4+s25], $0x80, s5, s25, $0xb8;
	[tilespmem:$0x1EE00] =	vst v63  }
.LBB2_7:
0xb2: {  	_ =	sfence.sel $0x180000  }
0xb3: {  	[bflag:$0x0] =	sbarrier.arrive $0xFFFF  }
0xb4: {  	_ =	strace $0x9000004A  }
0xb5: {  	s0 =	stileid.u32;
	[bflag:$0x2] =	sbarrier.arrive $0xFFFF  }
0xb6: {  	p0 =	sne.s32 s0, $0x0;
	s0 =	rddreg [dreg:$0x3]  }
0xb7: {  	s0 =	sadd.s32 @!p0 $0x100000, s0  }
0xb8: {  	[sflag:s0] =	ssyncadd.tile.s32 @!p0 $0x1;
	_ =	shalt  }
.Lfunc_end2:
_tile_overlayer_lowered:
.L_overlay_start_2:
0xb9: {  	(tag) =	ssettag $0x2  }
0xba: {  	s0 =	rddreg [dreg:$0x0];
	s2 =	stileid.u32  }
0xbb: {  	s1 =	rddreg [dreg:$0x1];
	p0 =	sne.s32 s2, $0x0  }
0xbc: {  	s3 =	rddreg [dreg:$0x2];
	[bflag:$0x3] =	sbarrier.arrive $0xFFFF;
	s2 =	simm.s32 @!p0 $0x1C0D  }
0xbd: {  	[timem:s3], [sflag:s2] =	dma.local @!p0 [hbm:s0], s1  }
0xbe: {  	s0 =	simm.s32 @!p0 $0xD  }
0xbf: {  	_ =	swait.ge @!p0 [sflag:s0], s1  }
0xc0: {  	s1 =	ssub.s32 @!p0 $0x0, s1;
	[sflag:s0] =	ssyncset.done @!p0 $0x0  }
0xc1: {  	[sflag:s0] =	ssyncadd.s32 @!p0 s1  }
0xc2: {  	[bflag:$0x3] =	sbarrier.arrive $0xFFFF  }
0xc3: {  	_ =	shalt  }

// kernel: kernel.15.cloned.1.call-start
scs
__scs_entry_jumppad:
0x0: {  	(pc) =	sbr.rel $0x88, $3  }
0x1: {  	(tag) =	ssettag $0x0;
	lr =	simm.s32 $0x1  }
0x2: {  	[smem:$0x3F9D] =	sst lr;
	_ =	strace $0xD0000000  }
0x3: {  	_ = 	snop  }
0x4: {  	_ = 	snop  }
0x5: {  	_ = 	snop  }
0x6: {  	_ = 	snop  }
0x7: {  	_ = 	snop  }
__scs_overlays_trampoline_lowered:
0x8: {  	[smem:$0x3FAC] =	sst s0  }
0x9: {  	[smem:$0x3FAD] =	sst s1  }
0xa: {  	[smem:$0x3FAE] =	sst s2  }
0xb: {  	[smem:$0x3FAF] =	sst s3  }
0xc: {  	[smem:$0x3FB0] =	sst s4  }
0xd: {  	[smem:$0x3FB1] =	sst s5  }
0xe: {  	[smem:$0x3FB2] =	sst s6  }
0xf: {  	[smem:$0x3FB3] =	sst s7  }
0x10: {  	[smem:$0x3FB4] =	sst s8  }
0x11: {  	[smem:$0x3FB5] =	sst s9;
	s0 =	simm.s32 @!p0 $0x0  }
0x12: {  	s1 =	sld [smem:$0x3F9B];
	s0 =	simm.s32 @p0 $0x1  }
0x13: {  	[smem:$0x3FB6] =	sst s0;
	s0 =	simm.s32 @!p1 $0x0  }
0x14: {  	s2 =	sld [smem:$0x3F9A];
	s0 =	simm.s32 @p1 $0x1  }
0x15: {  	[smem:$0x3FB7] =	sst s0;
	s0 =	simm.s32 @!p2 $0x0  }
0x16: {  	s3 =	sld [smem:$0x3FDB];
	s0 =	simm.s32 @p2 $0x1  }
0x17: {  	s4 =	simm.s32 $0x1BF5;
	[smem:$0x3FB9] =	sst s0  }
0x18: {  	s0 =	sld [smem:$0x3F9C];
	_ =	swait.ge [sflag:s4], $0x0  }
0x19: {  	s7 =	sld [smem:$0x3F9D]  }
0x1a: {  	s8 =	sadd.s32 $0xFFFFE003, lr  }
0x1b: {  	s9 =	sadd.s32 $0xFFFFFEF7, lr;
	s5 =	simm.s32 $0xFFFFFFFF;
	p2 =	slt.u32 s8, $0xFFFFF086  }
0x1c: {  	p1 =	slt.u32 s9, $0xF7A;
	s5 =	simm.s32 @!p2 $0x0  }
0x1d: {  	s5 =	simm.s32 @p1 $0x1;
	p0 =	seq.s32 s7, s2  }
0x1e: {  	s7 =	smul.u32 @!p0 $0xF7A, s2;
	p2 =	seq.s32 @!p0 s5, $0x0  }
0x1f: {  	s9 =	smul.u32 $0xF7A, s1;
	s8 =	simm.s32 @!p0 $0x1BF5;
	p2 =	por !p2, p0  }
0x20: {  	[sflag:s8] =	ssyncset.s32 @!p0 $0xFFFFF086;
	s6 =	sadd.s32 @!p0 s3, s7;
	s7 =	simm.s32 @!p0 $0x108  }
0x21: {  	s3 =	sadd.s32 s3, s9;
	s6 =	sadd.s32 @!p0 $0x88, s6;
	s7 =	simm.s32 @p2 $0x1082  }
0x22: {  	[simem:s7], [sflag:s8] =	dma.local @!p0 [hbm:s6], $0xF7A  }
0x23: {  	s9 =	sor.u32 $0xD0000000, s2;
	s6 =	simm.s32 $0x108;
	_ =	swait.ge @!p0 [sflag:s8], $0x0  }
0x24: {  	s3 =	sadd.s32 $0x88, s3;
	s6 =	simm.s32 @!p1 $0x1082;
	[sflag:s4] =	ssyncset.s32 $0xFFFFF086  }
0x25: {  	[simem:s6], [sflag:s4] =	dma.local [hbm:s3], $0xF7A  }
0x26: {  	[smem:$0x3F9D] =	sst s1;
	(tag) =	ssettag s2;
	_ =	strace s9  }
0x27: {  	s1 =	sld [smem:$0x3FAD]  }
0x28: {  	s2 =	sld [smem:$0x3FAE]  }
0x29: {  	s4 =	sld [smem:$0x3FB0]  }
0x2a: {  	p0 =	seq.s32 s5, $0x0;
	s5 =	sld [smem:$0x3FB1]  }
0x2b: {  	s6 =	sld [smem:$0x3FB2]  }
0x2c: {  	s7 =	sld [smem:$0x3FB3]  }
0x2d: {  	s3 =	simm.s32 $0x108;
	s8 =	sld [smem:$0x3FB4]  }
0x2e: {  	s3 =	simm.s32 @!p0 $0x1082;
	s9 =	sld [smem:$0x3FB5]  }
0x2f: {  	lr =	sadd.s32 s0, s3;
	s0 =	sld [smem:$0x3FAC]  }
0x30: {  	s3 =	sld [smem:$0x3FAF]  }
0x31: {  	[smem:$0x3FB8] =	sst s10  }
0x32: {  	s10 =	sld [smem:$0x3FB6];
	_ =	sdelay $0x3  }
0x33: {  	p0 =	seq.s32 s10, $0x1;
	s10 =	sld [smem:$0x3FB8];
	_ =	sdelay $0x3  }
0x34: {  	[smem:$0x3FB8] =	sst s10  }
0x35: {  	s10 =	sld [smem:$0x3FB7];
	_ =	sdelay $0x3  }
0x36: {  	p1 =	seq.s32 s10, $0x1;
	s10 =	sld [smem:$0x3FB8];
	_ =	sdelay $0x3  }
0x37: {  	[smem:$0x3FB8] =	sst s10  }
0x38: {  	s10 =	sld [smem:$0x3FB9]  }
0x39: {  	_ = 	snop;
	(pc) =	sbr.ind lr, $3  }
0x3a: {  	_ = 	snop  }
0x3b: {  	_ = 	snop  }
0x3c: {  	p2 =	seq.s32 s10, $0x1;
	s10 =	sld [smem:$0x3FB8]  }
0x3d: {  	_ =	shalt  }
0x3e: {  	_ =	shalt  }
0x3f: {  	_ =	shalt  }
0x40: {  	_ =	shalt  }
0x41: {  	_ =	shalt  }
0x42: {  	_ =	shalt  }
0x43: {  	_ =	shalt  }
0x44: {  	_ =	shalt  }
0x45: {  	_ =	shalt  }
0x46: {  	_ =	shalt  }
0x47: {  	_ =	shalt  }
0x48: {  	_ =	shalt  }
0x49: {  	_ =	shalt  }
0x4a: {  	_ =	shalt  }
0x4b: {  	_ =	shalt  }
0x4c: {  	_ =	shalt  }
0x4d: {  	_ =	shalt  }
0x4e: {  	_ =	shalt  }
0x4f: {  	_ =	shalt  }
0x50: {  	_ =	shalt  }
0x51: {  	_ =	shalt  }
0x52: {  	_ =	shalt  }
0x53: {  	_ =	shalt  }
0x54: {  	_ =	shalt  }
0x55: {  	_ =	shalt  }
0x56: {  	_ =	shalt  }
0x57: {  	_ =	shalt  }
0x58: {  	_ =	shalt  }
0x59: {  	_ =	shalt  }
0x5a: {  	_ =	shalt  }
0x5b: {  	_ =	shalt  }
0x5c: {  	_ =	shalt  }
0x5d: {  	_ =	shalt  }
0x5e: {  	_ =	shalt  }
0x5f: {  	_ =	shalt  }
0x60: {  	_ =	shalt  }
0x61: {  	_ =	shalt  }
0x62: {  	_ =	shalt  }
0x63: {  	_ =	shalt  }
0x64: {  	_ =	shalt  }
0x65: {  	_ =	shalt  }
0x66: {  	_ =	shalt  }
0x67: {  	_ =	shalt  }
0x68: {  	_ =	shalt  }
0x69: {  	_ =	shalt  }
0x6a: {  	_ =	shalt  }
0x6b: {  	_ =	shalt  }
0x6c: {  	_ =	shalt  }
0x6d: {  	_ =	shalt  }
0x6e: {  	_ =	shalt  }
0x6f: {  	_ =	shalt  }
0x70: {  	_ =	shalt  }
0x71: {  	_ =	shalt  }
0x72: {  	_ =	shalt  }
0x73: {  	_ =	shalt  }
0x74: {  	_ =	shalt  }
0x75: {  	_ =	shalt  }
0x76: {  	_ =	shalt  }
0x77: {  	_ =	shalt  }
0x78: {  	_ =	shalt  }
0x79: {  	_ =	shalt  }
0x7a: {  	_ =	shalt  }
0x7b: {  	_ =	shalt  }
0x7c: {  	_ =	shalt  }
0x7d: {  	_ =	shalt  }
0x7e: {  	_ =	shalt  }
0x7f: {  	_ =	shalt  }
0x80: {  	_ =	shalt  }
0x81: {  	_ =	shalt  }
0x82: {  	_ =	shalt  }
0x83: {  	_ =	shalt  }
0x84: {  	_ =	shalt  }
0x85: {  	_ =	shalt  }
0x86: {  	_ =	shalt  }
0x87: {  	_ =	shalt  }
.Lfunc_end0:
.L_simem_size_0:
called_computation.2_lowered:
.L_overlay_start_0:
0x88: {  	s2 =	sld [smem:$0x3FD9]  }
0x89: {  	s3 =	sld [smem:$0x3FFE];
	_ =	sdelay $0x1  }
0x8a: {  	s1 =	srdreg.scid  }
0x8b: {  	s0 =	sand.u32 $0x1, s1  }
0x8c: {  	s17 =	sshll.u32 s0, $0xA;
	s2 =	sadd.s32 s3, s2  }
0x8d: {  	s2 =	sadd.s32 s2, s17  }
0x8e: {  	[smem:$0x3FC4] =	sst s2  }
0x8f: {  	_ = 	snop  }
0x90: {  	s2 =	sld [smem:$0x3FD0];
	(tm) =	ssettm $0x1  }
0x91: {  	s18 =	sld [smem:$0x3FFB];
	_ =	sdelay $0x3  }
0x92: {  	_ =	strace s18  }
0x93: {  	s3 =	sld [smem:$0x3FFC];
	_ =	sdelay $0x3  }
0x94: {  	_ =	strace s3  }
0x95: {  	s3 =	sld [smem:$0x3FFD];
	_ =	sdelay $0x3  }
0x96: {  	_ =	strace s3  }
0x97: {  	_ =	strace $0x8FFFFFFF  }
0x98: {  	s19 =	sld [smem:$0x3FDB];
	_ =	sdelay $0x1  }
0x99: {  	s4 =	simm.s32 $_scs_section_size  }
0x9a: {  	s5 =	simm.s32 $_size__tile_overlayer_lowered;
	s6 =	simm.s32 $_tile_overlayer_lowered  }
0x9b: {  	s22 =	simm.s32 $0x1BFF;
	s21 =	sshll.u32 s6, $0x1;
	s3 =	sadd.s32 s4, s19  }
0x9c: {  	s7 =	simm.s32 $0x0;
	s20 =	sshll.u32 s5, $0x1;
	s5 =	sadd.s32 s21, s3  }
0x9d: {  	[timem:s7], [sflag:s22] =	dma.local [hbm:s5], s20  }
0x9e: {  	_ =	swait.ge [sflag:s22], s20  }
0x9f: {  	s4 =	ssub.s32 $0x0, s20;
	[sflag:s22] =	ssyncset.done $0x0  }
0xa0: {  	[sflag:s22] =	ssyncadd.s32 s4;
	_ =	sdelay $0x1  }
0xa1: {  	s23 =	simm.s32 $0x1B8B  }
0xa2: {  	_ =	swait.ge [sflag:s23], $0x1  }
0xa3: {  	[sflag:s23] =	ssyncset.done $0x0  }
0xa4: {  	s25 =	simm.s32 $0x1B8E;
	s24 =	sld [smem:$0x3FFE];
	[sflag:s23] =	ssyncadd.s32 $0xFFFFFFFF  }
0xa5: {  	s26 =	simm.s32 $execute0_lowered;
	[smem:$0x3FD2] =	sst s25  }
0xa6: {  	s5 =	sshll.u32 s26, $0x1;
	_ =	strace $0x8000004C;
	[dreg:$0x1] =	wrdreg $0xFFFFFFFF  }
0xa7: {  	s28 =	simm.s32 $_size_execute0_lowered;
	s3 =	sadd.s32 s3, s5;
	[dreg:$0x0] =	wrdreg $0x0  }
0xa8: {  	s5 =	sshll.u32 s28, $0x1;
	[dreg:$0x2] =	wrdreg s3  }
0xa9: {  	[dreg:$0x3] =	wrdreg s5  }
0xaa: {  	[dreg:$0x4] =	wrdreg $0xC0  }
0xab: {  	_ =	task [dreg:s7], $0x5FFFF  }
0xac: {  	[dreg:$0x1] =	wrdreg $0xFFFFFFFF  }
0xad: {  	[dreg:$0x0] =	wrdreg $0x60  }
0xae: {  	[dreg:$0x2] =	wrdreg s2  }
0xaf: {  	[dreg:$0x3] =	wrdreg s24  }
0xb0: {  	[dreg:$0x4] =	wrdreg $0xAE000  }
0xb1: {  	[dreg:$0x5] =	wrdreg $0x9  }
0xb2: {  	_ =	task.clear_ibuf [dreg:s7], $0x6FFFF;
	_ =	strace $0x9000004C  }
0xb3: {  	s29 =	simm.s32 $0x9;
	_ =	strace $0x8000004E  }
0xb4: {  	_ =	swait.ge [sflag:s29], $0x1  }
0xb5: {  	[sflag:s29] =	ssyncadd.s32 $0xFFFFFFFF  }
0xb6: {  	_ =	strace $0x9000004E  }
0xb7: {  	_ =	sfence  }
0xb8: {  	s30 =	sld [smem:$0x0];
	_ =	sdelay $0x2  }
0xb9: {  	s31 =	sshll.u32 s1, $0xD;
	s1 =	sshrl.u32 s1, $0x2  }
0xba: {  	s3 =	sand.u32 $0x4000, s31;
	s1 =	sadd.s32 s1, s30  }
0xbb: {  	s0 =	sor.u32 s3, s0;
	s1 =	sshll.u32 s1, $0x11  }
0xbc: {  	s0 =	sor.u32 s1, s0  }
0xbd: {  	s0 =	sadd.s32 $0x8F2B, s0  }
0xbe: {  	[sflag:s0] =	ssyncadd.remote.s32 $0x1  }
0xbf: {  	_ =	sfence.sel $0xFFFF  }
0xc0: {  	[dreg:$0x0] =	wrdreg $0xFFFFFFFF;
	(pc) =	sbr.abs _section_cstart, $3  }
0xc1: {  	[dreg:$0x1] =	wrdreg $0xFFFFFFFF  }
0xc2: {  	_ =	task.clear_ibuf [dreg:s7], $0x2FFFF;
	_ =	strace $0x9FFFFFFF  }
0xc3: {  	(tm) =	ssettm $0x7FFFFFFF  }
tec
execute0_lowered:
.L_overlay_start_1:
0x0: {  	(tag) =	ssettag $0x1  }
0x1: {  	s0 =	rddreg [dreg:$0x0]  }
0x2: {  	s1 =	rddreg [dreg:$0x1]  }
0x3: {  	s2 =	rddreg [dreg:$0x2]  }
0x4: {  	s3 =	simm.s32 $0x0;
	s11 =	stileid.u32;
	s5 =	srdreg.scid  }
0x5: {  	s12 =	simm.s32 $0xD;
	s28 =	simm.s32 $0x3E00;
	s29 =	simm.s32 $0x7  }
0x6: {  	s31 =	simm.s32 $0x500;
	s13 =	simm.s32 $0xB;
	s14 =	simm.s32 $0x5  }
0x7: {  	s16 =	simm.s32 $0xC;
	[smem:$0x7FF] =	sst s3;
	s6 =	smul.u32 $0x50000, s11  }
0x8: {  	s4 =	sadd.s32 $0x3600, s1;
	s5 =	sand.u32 $0x1, s5;
	s7 =	smul.u32 $0x5A, s11  }
0x9: {  	s8 =	sadd.s32 $0x2B600, s1;
	s1 =	sadd.s32 $0x53600, s1;
	s26 =	smul.u32 $0x2800, s11  }
0xa: {  	s11 =	simm.s32 $0x9;
	_ =	strace $0x8000004D;
	s9 =	ssub.s32 $0x2, s5  }
0xb: {  	p0 =	seq.s32 s5, $0x0;
	s6 =	sshrl.u32 s6, $0x2;
	s5 =	sadd.s32 $0x5A0, s7  }
0xc: {  	s10 =	sshrl.u32 s9, $0x1;
	s1 =	smov.u32 @p0 s8;
	s15 =	sadd.s32 s6, s2  }
0xd: {  	s8 =	simm.s32 $0xA;
	s18 =	sadd.s32 $0x3800, s15;
	[dreg:$0x4] =	wrdreg s15  }
0xe: {  	s5 =	smov.u32 @p0 s7;
	s19 =	sadd.s32 $0x7000, s15;
	[dreg:$0x5] =	wrdreg s18  }
0xf: {  	s17 =	ssub.s32 s9, s10;
	s20 =	sadd.s32 $0xA800, s15;
	[dreg:$0x6] =	wrdreg s19  }
0x10: {  	s6 =	simm.s32 $0x8;
	s21 =	sadd.s32 $0xE000, s15;
	[dreg:$0x7] =	wrdreg s20  }
0x11: {  	s10 =	simm.s32 $0x4;
	s22 =	sadd.s32 $0x11800, s15;
	[dreg:$0x8] =	wrdreg s21  }
0x12: {  	s5 =	sshll.u32 s5, $0x5;
	s30 =	smax.u32 s17, $0x1;
	[dreg:$0x9] =	wrdreg s22  }
0x13: {  	s17 =	simm.s32 $0x6;
	s9 =	sadd.s32 s0, s5;
	[dreg:$0xe] =	wrdreg s30  }
0x14: {  	s0 =	sadd.s32 s1, s26;
	s18 =	simm.s32 $0x600;
	s22 =	simm.s32 $0x300  }
0x15: {  	s26 =	simm.s32 $0x2;
	s23 =	sadd.s32 $0x20, s9;
	[dreg:$0xf] =	wrdreg s0  }
.Ltmp0:
0x16: {  	s24 =	sadd.s32 $0x40, s9;
	[dreg:$0xa] =	wrdreg s23;
	(pc) =	sbr.rel .LBB2_1-.Ltmp0, $4  }
0x17: {  	s1 =	simm.s32 $0x7600;
	s25 =	sadd.s32 $0x60, s9;
	[dreg:$0xb] =	wrdreg s24  }
0x18: {  	s19 =	simm.s32 $0x580;
	s5 =	sadd.s32 $0x80, s9;
	[dreg:$0xc] =	wrdreg s25  }
0x19: {  	s0 =	simm.s32 $0x3;
	[dreg:$0xd] =	wrdreg s5;
	s23 =	simm.s32 $0x400  }
0x1a: {  	v0 =	vimm.f32 $0.0e+00;
	s24 =	simm.s32 $0x1;
	s25 =	simm.s32 $0x70;
	s5 =	simm.s32 $0x0  }
.LBB2_6:
0x1b: {  	_ =	swait.ge [sflag:s11], $0x3800  }
0x1c: {  	[sflag:s11] =	ssyncset.done $0x0  }
0x1d: {  	[sflag:s11] =	ssyncadd.s32 $0xFFFFC800  }
0x1e: {  	[spmem:s2] =	stream.indirect.scatter.add.f32 [tilespmem:s1], [sflag:$0xC], $0x80, s19, s25, $0xb8;
	[tilespmem:$0x1EE00] =	vst v63  }
0x1f: {  	_ =	swait.ge [sflag:s13], $0x3800  }
0x20: {  	[sflag:s13] =	ssyncset.done $0x0  }
0x21: {  	[sflag:s13] =	ssyncadd.s32 $0xFFFFC800  }
0x22: {  	_ =	swait.ge [sflag:s16], $0x3800  }
0x23: {  	[sflag:s16] =	ssyncset.done $0x0  }
0x24: {  	[sflag:s16] =	ssyncadd.s32 $0xFFFFC800  }
0x25: {  	s7 =	stileid.u32;
	[bflag:$0x0] =	sbarrier.arrive $0xFFFF  }
0x26: {  	s7 =	sshll.u32 s7, $0x6;
	s15 =	rddreg [dreg:$0x4]  }
0x27: {  	s7 =	sor.u32 $0x1C0D, s7;
	s20 =	rddreg [dreg:$0xf];
	s12 =	sshrl.u32 s15, $0x3  }
0x28: {  	[hbm:s20], [sflag:s7] =	dma.local [spmem:s12], $0x2800  }
0x29: {  	s12 =	simm.s32 $0xD  }
0x2a: {  	_ =	swait.ge [sflag:s12], $0x2800  }
0x2b: {  	s5 =	rddreg [dreg:$0x10]  }
0x2c: {  	s30 =	rddreg [dreg:$0xe];
	s5 =	sadd.s32 $0x1, s5  }
0x2d: {  	p0 =	sne.s32 s5, s30  }
.Ltmp1:
0x2e: {  	_ = 	snop;
	(pc) =	sbr.rel @!p0 .LBB2_7-.Ltmp1, $3  }
0x2f: {  	_ =	sdelay $0x1  }
0x30: {  	[sflag:s12] =	ssyncset.done $0x0  }
0x31: {  	[sflag:s12] =	ssyncadd.s32 $0xFFFFD800  }
.LBB2_1:
0x32: {  	s20 =	sand.u32 $0xFE00, s3  }
0x33: {  	[dreg:$0x10] =	wrdreg s5;
	s21 =	sand.u32 $0x70, s3;
	s30 =	sshrl.u32 s20, $0x2  }
0x34: {  	s20 =	simm.s32 $0x40;
	s30 =	sor.u32 s21, s30;
	s21 =	simm.s32 $0x0  }
.LBB2_2:
0x35: {  	p0 =	sne.s32 s20, $0xDFC0  }
0x36: {  	[tilespmem:s30+$0x600] =	vst v0;
	s21 =	sadd.s32 $0x10, s21;
	s30 =	smov.u32 s20;
	s20 =	sadd.s32 $0x40, s20  }
.Ltmp2:
0x37: {  	(pc) =	sbr.rel @p0 .LBB2_2-.Ltmp2, $4  }
0x38: {  	_ = 	snop  }
0x39: {  	s30 =	sand.u32 $0xFE00, s30  }
0x3a: {  	s7 =	sand.u32 $0x70, s21;
	s30 =	sshrl.u32 s30, $0x2  }
0x3b: {  	s30 =	sor.u32 s7, s30  }
0x3c: {  	[tilespmem:s30+$0x600] =	vst v0  }
0x3d: {  	[spmem:s15] =	stream.linear.scatter [tilespmem:s18], [sflag:$0xD], $0x3800, $0x38;
	[tilespmem:$0x1EE00] =	vst v63  }
0x3e: {  	_ =	swait.ge [sflag:s12], $0x3800  }
0x3f: {  	[sflag:s12] =	ssyncset.done $0x0  }
0x40: {  	s7 =	rddreg [dreg:$0x5];
	[sflag:s12] =	ssyncadd.s32 $0xFFFFC800  }
0x41: {  	[spmem:s7] =	stream.linear.scatter [tilespmem:s18], [sflag:$0xD], $0x3800, $0x38;
	[tilespmem:$0x1EE00] =	vst v63  }
0x42: {  	_ =	swait.ge [sflag:s12], $0x3800  }
0x43: {  	[sflag:s12] =	ssyncset.done $0x0  }
0x44: {  	s15 =	rddreg [dreg:$0x6];
	[sflag:s12] =	ssyncadd.s32 $0xFFFFC800  }
0x45: {  	[spmem:s15] =	stream.linear.scatter [tilespmem:s18], [sflag:$0xD], $0x3800, $0x38;
	[tilespmem:$0x1EE00] =	vst v63  }
0x46: {  	_ =	swait.ge [sflag:s12], $0x3800  }
0x47: {  	[sflag:s12] =	ssyncset.done $0x0  }
0x48: {  	s20 =	rddreg [dreg:$0x7];
	[sflag:s12] =	ssyncadd.s32 $0xFFFFC800  }
0x49: {  	[spmem:s20] =	stream.linear.scatter [tilespmem:s18], [sflag:$0xD], $0x3800, $0x38;
	[tilespmem:$0x1EE00] =	vst v63  }
0x4a: {  	_ =	swait.ge [sflag:s12], $0x3800  }
0x4b: {  	[sflag:s12] =	ssyncset.done $0x0  }
0x4c: {  	s21 =	rddreg [dreg:$0x8];
	[sflag:s12] =	ssyncadd.s32 $0xFFFFC800  }
0x4d: {  	[spmem:s21] =	stream.linear.scatter [tilespmem:s18], [sflag:$0xD], $0x3800, $0x38;
	[tilespmem:$0x1EE00] =	vst v63  }
0x4e: {  	_ =	swait.ge [sflag:s12], $0x3800  }
0x4f: {  	[sflag:s12] =	ssyncset.done $0x0  }
0x50: {  	s30 =	rddreg [dreg:$0x9];
	[sflag:s12] =	ssyncadd.s32 $0xFFFFC800  }
0x51: {  	[spmem:s30] =	stream.linear.scatter [tilespmem:s18], [sflag:$0xD], $0x2800, $0x38;
	[tilespmem:$0x1EE00] =	vst v63  }
0x52: {  	_ =	swait.ge [sflag:s12], $0x2800  }
0x53: {  	[sflag:s12] =	ssyncset.done $0x0  }
0x54: {  	[sflag:s12] =	ssyncadd.s32 $0xFFFFD800  }
0x55: {  	s20 =	simm.s32 $0x0;
	[bflag:$0x0] =	sbarrier.arrive $0xFFFF  }
0x56: {  	[tilespmem:s20], [sflag:$0x1] =	stream.linear.gather [hbm4b:s9+s20], $0x100, $0x38;
	[tilespmem:$0x1EE00] =	vst v63  }
0x57: {  	s12 =	simm.s32 $0x100;
	s5 =	rddreg [dreg:$0xa]  }
0x58: {  	[tilespmem:s12], [sflag:$0x2] =	stream.linear.gather [hbm4b:s5+s20], $0x100, $0x38;
	[tilespmem:$0x1EE00] =	vst v63  }
0x59: {  	s15 =	rddreg [dreg:$0xb];
	s5 =	simm.s32 $0x200  }
0x5a: {  	[tilespmem:s5], [sflag:$0x3] =	stream.linear.gather [hbm4b:s15+s20], $0x100, $0x38;
	[tilespmem:$0x1EE00] =	vst v63  }
0x5b: {  	s21 =	rddreg [dreg:$0xc]  }
0x5c: {  	[tilespmem:s22], [sflag:$0x4] =	stream.linear.gather [hbm4b:s21+s20], $0x100, $0x38;
	[tilespmem:$0x1EE00] =	vst v63  }
0x5d: {  	s30 =	rddreg [dreg:$0xd]  }
0x5e: {  	[tilespmem:s23], [sflag:$0x5] =	stream.linear.gather [hbm4b:s30+s20], $0x100, $0x38;
	[tilespmem:$0x1EE00] =	vst v63  }
0x5f: {  	_ =	swait.ge [sflag:s24], $0x100  }
0x60: {  	[sflag:s24] =	ssyncset.done $0x0  }
0x61: {  	[sflag:s24] =	ssyncadd.s32 $0xFFFFFF00  }
0x62: {  	[tilespmem:s18], [sflag:$0x7] =	stream.indirect.gather [hbm4b:s4+s25], $0x80, s20, s25, $0xb8;
	[tilespmem:$0x1EE00] =	vst v63  }
0x63: {  	_ =	swait.ge [sflag:s26], $0x100  }
0x64: {  	[sflag:s26] =	ssyncset.done $0x0  }
0x65: {  	s5 =	simm.s32 $0x100;
	[sflag:s26] =	ssyncadd.s32 $0xFFFFFF00  }
0x66: {  	[tilespmem:s28], [sflag:$0x8] =	stream.indirect.gather [hbm4b:s4+s25], $0x80, s12, s25, $0xb8;
	[tilespmem:$0x1EE00] =	vst v63  }
.LBB2_4:
0x67: {  	_ =	swait.ge [sflag:s29], $0x3800  }
0x68: {  	[sflag:s29] =	ssyncset.done $0x0  }
0x69: {  	s7 =	simm.s32 $0x80;
	p0 =	seq.s32 s20, $0x0;
	[sflag:s29] =	ssyncadd.s32 $0xFFFFC800  }
0x6a: {  	[spmem:s2] =	stream.indirect.scatter.add.f32 [tilespmem:s18], [sflag:$0xA], $0x80, s7, s25, $0xb8;
	[tilespmem:$0x1EE00] =	vst v63  }
0x6b: {  	s7 =	simm.s32 @!p0 $0xC  }
0x6c: {  	_ =	swait.ge @!p0 [sflag:s7], $0x3800  }
0x6d: {  	s21 =	sadd.s32 s20, s9;
	[sflag:s7] =	ssyncset.done @!p0 $0x0  }
0x6e: {  	s30 =	sadd.s32 $0xA0, s21;
	[sflag:s7] =	ssyncadd.s32 @!p0 $0xFFFFC800  }
0x6f: {  	[tilespmem:s31], [sflag:$0x6] =	stream.linear.gather [hbm4b:s30+s3], $0x100, $0x38;
	[tilespmem:$0x1EE00] =	vst v63  }
0x70: {  	_ =	swait.ge [sflag:s0], $0x100  }
0x71: {  	[sflag:s0] =	ssyncset.done $0x0  }
0x72: {  	s12 =	simm.s32 $0x200;
	[sflag:s0] =	ssyncadd.s32 $0xFFFFFF00  }
0x73: {  	[tilespmem:s1], [sflag:$0x9] =	stream.indirect.gather [hbm4b:s4+s25], $0x80, s12, s25, $0xb8;
	[tilespmem:$0x1EE00] =	vst v63  }
0x74: {  	_ =	swait.ge [sflag:s6], $0x3800  }
0x75: {  	[sflag:s6] =	ssyncset.done $0x0  }
0x76: {  	s15 =	simm.s32 $0x180;
	[sflag:s6] =	ssyncadd.s32 $0xFFFFC800  }
0x77: {  	[spmem:s2] =	stream.indirect.scatter.add.f32 [tilespmem:s28], [sflag:$0xB], $0x80, s15, s25, $0xb8;
	[tilespmem:$0x1EE00] =	vst v63  }
0x78: {  	p0 =	seq.s32 s20, $0xA80;
	_ =	swait.ge [sflag:s8], $0x3800  }
0x79: {  	s7 =	sadd.s32 @!p0 s20, s9;
	[sflag:s8] =	ssyncset.done $0x0  }
0x7a: {  	s30 =	sadd.s32 @!p0 $0xC0, s7;
	s12 =	simm.s32 @!p0 $0x0;
	[sflag:s8] =	ssyncadd.s32 $0xFFFFC800  }
0x7b: {  	[tilespmem:s12], [sflag:$0x1] =	stream.linear.gather @!p0 [hbm4b:s30+s12], $0x100, $0x38;
	[tilespmem:$0x1EE00] =	vst v63  }
0x7c: {  	_ =	swait.ge [sflag:s10], $0x100  }
0x7d: {  	[sflag:s10] =	ssyncset.done $0x0  }
0x7e: {  	[sflag:s10] =	ssyncadd.s32 $0xFFFFFF00  }
0x7f: {  	[tilespmem:s18], [sflag:$0x7] =	stream.indirect.gather [hbm4b:s4+s25], $0x80, s22, s25, $0xb8;
	[tilespmem:$0x1EE00] =	vst v63  }
0x80: {  	_ =	swait.ge [sflag:s11], $0x3800  }
0x81: {  	[sflag:s11] =	ssyncset.done $0x0  }
0x82: {  	s15 =	simm.s32 $0x280;
	[sflag:s11] =	ssyncadd.s32 $0xFFFFC800  }
0x83: {  	[spmem:s2] =	stream.indirect.scatter.add.f32 [tilespmem:s1], [sflag:$0xC], $0x80, s15, s25, $0xb8;
	[tilespmem:$0x1EE00] =	vst v63  }
0x84: {  	_ =	swait.ge [sflag:s13], $0x3800  }
0x85: {  	[sflag:s13] =	ssyncset.done $0x0  }
0x86: {  	s30 =	sadd.s32 @!p0 $0xE0, s7;
	s15 =	simm.s32 @!p0 $0x100;
	[sflag:s13] =	ssyncadd.s32 $0xFFFFC800  }
0x87: {  	[tilespmem:s15], [sflag:$0x2] =	stream.linear.gather @!p0 [hbm4b:s30+s12], $0x100, $0x38;
	[tilespmem:$0x1EE00] =	vst v63  }
0x88: {  	_ =	swait.ge [sflag:s14], $0x100  }
0x89: {  	[sflag:s14] =	ssyncset.done $0x0  }
0x8a: {  	[sflag:s14] =	ssyncadd.s32 $0xFFFFFF00  }
0x8b: {  	[tilespmem:s28], [sflag:$0x8] =	stream.indirect.gather [hbm4b:s4+s25], $0x80, s23, s25, $0xb8;
	[tilespmem:$0x1EE00] =	vst v63  }
0x8c: {  	_ =	swait.ge [sflag:s29], $0x3800  }
0x8d: {  	[sflag:s29] =	ssyncset.done $0x0  }
0x8e: {  	s30 =	simm.s32 $0x380;
	[sflag:s29] =	ssyncadd.s32 $0xFFFFC800  }
0x8f: {  	[spmem:s2] =	stream.indirect.scatter.add.f32 [tilespmem:s18], [sflag:$0xA], $0x80, s30, s25, $0xb8;
	[tilespmem:$0x1EE00] =	vst v63  }
0x90: {  	_ =	swait.ge [sflag:s16], $0x3800  }
0x91: {  	[sflag:s16] =	ssyncset.done $0x0  }
0x92: {  	s7 =	sadd.s32 @!p0 $0x100, s7;
	s15 =	simm.s32 @!p0 $0x200;
	[sflag:s16] =	ssyncadd.s32 $0xFFFFC800  }
0x93: {  	[tilespmem:s15], [sflag:$0x3] =	stream.linear.gather @!p0 [hbm4b:s7+s12], $0x100, $0x38;
	[tilespmem:$0x1EE00] =	vst v63  }
0x94: {  	_ =	swait.ge [sflag:s17], $0x100  }
0x95: {  	[sflag:s17] =	ssyncset.done $0x0  }
0x96: {  	[sflag:s17] =	ssyncadd.s32 $0xFFFFFF00  }
0x97: {  	[tilespmem:s1], [sflag:$0x9] =	stream.indirect.gather [hbm4b:s4+s25], $0x80, s31, s25, $0xb8;
	[tilespmem:$0x1EE00] =	vst v63  }
0x98: {  	_ =	swait.ge [sflag:s6], $0x3800  }
0x99: {  	[sflag:s6] =	ssyncset.done $0x0  }
.Ltmp3:
0x9a: {  	s30 =	simm.s32 $0x480;
	[sflag:s6] =	ssyncadd.s32 $0xFFFFC800;
	(pc) =	sbr.rel @p0 .LBB2_6-.Ltmp3, $4  }
0x9b: {  	[spmem:s2] =	stream.indirect.scatter.add.f32 [tilespmem:s28], [sflag:$0xB], $0x80, s30, s25, $0xb8;
	[tilespmem:$0x1EE00] =	vst v63  }
0x9c: {  	_ =	swait.ge [sflag:s8], $0x3800  }
0x9d: {  	[sflag:s8] =	ssyncset.done $0x0  }
0x9e: {  	[sflag:s8] =	ssyncadd.s32 $0xFFFFC800  }
0x9f: {  	s7 =	sadd.s32 $0x120, s21  }
0xa0: {  	[tilespmem:s22], [sflag:$0x4] =	stream.linear.gather [hbm4b:s7+s3], $0x100, $0x38;
	[tilespmem:$0x1EE00] =	vst v63  }
0xa1: {  	_ =	swait.ge [sflag:s24], $0x100  }
0xa2: {  	[sflag:s24] =	ssyncset.done $0x0  }
0xa3: {  	[sflag:s24] =	ssyncadd.s32 $0xFFFFFF00  }
0xa4: {  	[tilespmem:s18], [sflag:$0x7] =	stream.indirect.gather [hbm4b:s4+s25], $0x80, s3, s25, $0xb8;
	[tilespmem:$0x1EE00] =	vst v63  }
0xa5: {  	_ =	swait.ge [sflag:s11], $0x3800  }
0xa6: {  	[sflag:s11] =	ssyncset.done $0x0  }
0xa7: {  	[sflag:s11] =	ssyncadd.s32 $0xFFFFC800  }
0xa8: {  	[spmem:s2] =	stream.indirect.scatter.add.f32 [tilespmem:s1], [sflag:$0xC], $0x80, s19, s25, $0xb8;
	[tilespmem:$0x1EE00] =	vst v63  }
0xa9: {  	_ =	swait.ge [sflag:s13], $0x3800  }
0xaa: {  	[sflag:s13] =	ssyncset.done $0x0  }
0xab: {  	s30 =	sadd.s32 $0x140, s21;
	[sflag:s13] =	ssyncadd.s32 $0xFFFFC800  }
0xac: {  	[tilespmem:s23], [sflag:$0x5] =	stream.linear.gather [hbm4b:s30+s3], $0x100, $0x38;
	[tilespmem:$0x1EE00] =	vst v63  }
.Ltmp4:
0xad: {  	_ = 	snop;
	(pc) =	sbr.rel .LBB2_4-.Ltmp4, $4  }
0xae: {  	_ =	swait.ge [sflag:s26], $0x100  }
0xaf: {  	[sflag:s26] =	ssyncset.done $0x0  }
0xb0: {  	s20 =	sadd.s32 $0xC0, s20;
	[sflag:s26] =	ssyncadd.s32 $0xFFFFFF00  }
0xb1: {  	[tilespmem:s28], [sflag:$0x8] =	stream.indirect.gather [hbm4b:s4+s25], $0x80, s5, s25, $0xb8;
	[tilespmem:$0x1EE00] =	vst v63  }
.LBB2_7:
0xb2: {  	_ =	sfence.sel $0x180000  }
0xb3: {  	[bflag:$0x0] =	sbarrier.arrive $0xFFFF  }
0xb4: {  	_ =	strace $0x9000004D  }
0xb5: {  	s0 =	stileid.u32;
	[bflag:$0x2] =	sbarrier.arrive $0xFFFF  }
0xb6: {  	p0 =	sne.s32 s0, $0x0;
	s0 =	rddreg [dreg:$0x3]  }
0xb7: {  	s0 =	sadd.s32 @!p0 $0x100000, s0  }
0xb8: {  	[sflag:s0] =	ssyncadd.tile.s32 @!p0 $0x1;
	_ =	shalt  }
.Lfunc_end2:
_tile_overlayer_lowered:
.L_overlay_start_2:
0xb9: {  	(tag) =	ssettag $0x2  }
0xba: {  	s0 =	rddreg [dreg:$0x0];
	s2 =	stileid.u32  }
0xbb: {  	s1 =	rddreg [dreg:$0x1];
	p0 =	sne.s32 s2, $0x0  }
0xbc: {  	s3 =	rddreg [dreg:$0x2];
	[bflag:$0x3] =	sbarrier.arrive $0xFFFF;
	s2 =	simm.s32 @!p0 $0x1C0D  }
0xbd: {  	[timem:s3], [sflag:s2] =	dma.local @!p0 [hbm:s0], s1  }
0xbe: {  	s0 =	simm.s32 @!p0 $0xD  }
0xbf: {  	_ =	swait.ge @!p0 [sflag:s0], s1  }
0xc0: {  	s1 =	ssub.s32 @!p0 $0x0, s1;
	[sflag:s0] =	ssyncset.done @!p0 $0x0  }
0xc1: {  	[sflag:s0] =	ssyncadd.s32 @!p0 s1  }
0xc2: {  	[bflag:$0x3] =	sbarrier.arrive $0xFFFF  }
0xc3: {  	_ =	shalt  }

// kernel: kernel.9.cloned.1.call-start
scs
__scs_entry_jumppad:
0x0: {  	(pc) =	sbr.rel $0x88, $3  }
0x1: {  	(tag) =	ssettag $0x0;
	lr =	simm.s32 $0x1  }
0x2: {  	[smem:$0x3F9D] =	sst lr;
	_ =	strace $0xD0000000  }
0x3: {  	_ = 	snop  }
0x4: {  	_ = 	snop  }
0x5: {  	_ = 	snop  }
0x6: {  	_ = 	snop  }
0x7: {  	_ = 	snop  }
__scs_overlays_trampoline_lowered:
0x8: {  	[smem:$0x3FAC] =	sst s0  }
0x9: {  	[smem:$0x3FAD] =	sst s1  }
0xa: {  	[smem:$0x3FAE] =	sst s2  }
0xb: {  	[smem:$0x3FAF] =	sst s3  }
0xc: {  	[smem:$0x3FB0] =	sst s4  }
0xd: {  	[smem:$0x3FB1] =	sst s5  }
0xe: {  	[smem:$0x3FB2] =	sst s6  }
0xf: {  	[smem:$0x3FB3] =	sst s7  }
0x10: {  	[smem:$0x3FB4] =	sst s8  }
0x11: {  	[smem:$0x3FB5] =	sst s9;
	s0 =	simm.s32 @!p0 $0x0  }
0x12: {  	s1 =	sld [smem:$0x3F9B];
	s0 =	simm.s32 @p0 $0x1  }
0x13: {  	[smem:$0x3FB6] =	sst s0;
	s0 =	simm.s32 @!p1 $0x0  }
0x14: {  	s2 =	sld [smem:$0x3F9A];
	s0 =	simm.s32 @p1 $0x1  }
0x15: {  	[smem:$0x3FB7] =	sst s0;
	s0 =	simm.s32 @!p2 $0x0  }
0x16: {  	s3 =	sld [smem:$0x3FDB];
	s0 =	simm.s32 @p2 $0x1  }
0x17: {  	s4 =	simm.s32 $0x1BF5;
	[smem:$0x3FB9] =	sst s0  }
0x18: {  	s0 =	sld [smem:$0x3F9C];
	_ =	swait.ge [sflag:s4], $0x0  }
0x19: {  	s7 =	sld [smem:$0x3F9D]  }
0x1a: {  	s8 =	sadd.s32 $0xFFFFE003, lr  }
0x1b: {  	s9 =	sadd.s32 $0xFFFFFEF7, lr;
	s5 =	simm.s32 $0xFFFFFFFF;
	p2 =	slt.u32 s8, $0xFFFFF086  }
0x1c: {  	p1 =	slt.u32 s9, $0xF7A;
	s5 =	simm.s32 @!p2 $0x0  }
0x1d: {  	s5 =	simm.s32 @p1 $0x1;
	p0 =	seq.s32 s7, s2  }
0x1e: {  	s7 =	smul.u32 @!p0 $0xF7A, s2;
	p2 =	seq.s32 @!p0 s5, $0x0  }
0x1f: {  	s9 =	smul.u32 $0xF7A, s1;
	s8 =	simm.s32 @!p0 $0x1BF5;
	p2 =	por !p2, p0  }
0x20: {  	[sflag:s8] =	ssyncset.s32 @!p0 $0xFFFFF086;
	s6 =	sadd.s32 @!p0 s3, s7;
	s7 =	simm.s32 @!p0 $0x108  }
0x21: {  	s3 =	sadd.s32 s3, s9;
	s6 =	sadd.s32 @!p0 $0x88, s6;
	s7 =	simm.s32 @p2 $0x1082  }
0x22: {  	[simem:s7], [sflag:s8] =	dma.local @!p0 [hbm:s6], $0xF7A  }
0x23: {  	s9 =	sor.u32 $0xD0000000, s2;
	s6 =	simm.s32 $0x108;
	_ =	swait.ge @!p0 [sflag:s8], $0x0  }
0x24: {  	s3 =	sadd.s32 $0x88, s3;
	s6 =	simm.s32 @!p1 $0x1082;
	[sflag:s4] =	ssyncset.s32 $0xFFFFF086  }
0x25: {  	[simem:s6], [sflag:s4] =	dma.local [hbm:s3], $0xF7A  }
0x26: {  	[smem:$0x3F9D] =	sst s1;
	(tag) =	ssettag s2;
	_ =	strace s9  }
0x27: {  	s1 =	sld [smem:$0x3FAD]  }
0x28: {  	s2 =	sld [smem:$0x3FAE]  }
0x29: {  	s4 =	sld [smem:$0x3FB0]  }
0x2a: {  	p0 =	seq.s32 s5, $0x0;
	s5 =	sld [smem:$0x3FB1]  }
0x2b: {  	s6 =	sld [smem:$0x3FB2]  }
0x2c: {  	s7 =	sld [smem:$0x3FB3]  }
0x2d: {  	s3 =	simm.s32 $0x108;
	s8 =	sld [smem:$0x3FB4]  }
0x2e: {  	s3 =	simm.s32 @!p0 $0x1082;
	s9 =	sld [smem:$0x3FB5]  }
0x2f: {  	lr =	sadd.s32 s0, s3;
	s0 =	sld [smem:$0x3FAC]  }
0x30: {  	s3 =	sld [smem:$0x3FAF]  }
0x31: {  	[smem:$0x3FB8] =	sst s10  }
0x32: {  	s10 =	sld [smem:$0x3FB6];
	_ =	sdelay $0x3  }
0x33: {  	p0 =	seq.s32 s10, $0x1;
	s10 =	sld [smem:$0x3FB8];
	_ =	sdelay $0x3  }
0x34: {  	[smem:$0x3FB8] =	sst s10  }
0x35: {  	s10 =	sld [smem:$0x3FB7];
	_ =	sdelay $0x3  }
0x36: {  	p1 =	seq.s32 s10, $0x1;
	s10 =	sld [smem:$0x3FB8];
	_ =	sdelay $0x3  }
0x37: {  	[smem:$0x3FB8] =	sst s10  }
0x38: {  	s10 =	sld [smem:$0x3FB9]  }
0x39: {  	_ = 	snop;
	(pc) =	sbr.ind lr, $3  }
0x3a: {  	_ = 	snop  }
0x3b: {  	_ = 	snop  }
0x3c: {  	p2 =	seq.s32 s10, $0x1;
	s10 =	sld [smem:$0x3FB8]  }
0x3d: {  	_ =	shalt  }
0x3e: {  	_ =	shalt  }
0x3f: {  	_ =	shalt  }
0x40: {  	_ =	shalt  }
0x41: {  	_ =	shalt  }
0x42: {  	_ =	shalt  }
0x43: {  	_ =	shalt  }
0x44: {  	_ =	shalt  }
0x45: {  	_ =	shalt  }
0x46: {  	_ =	shalt  }
0x47: {  	_ =	shalt  }
0x48: {  	_ =	shalt  }
0x49: {  	_ =	shalt  }
0x4a: {  	_ =	shalt  }
0x4b: {  	_ =	shalt  }
0x4c: {  	_ =	shalt  }
0x4d: {  	_ =	shalt  }
0x4e: {  	_ =	shalt  }
0x4f: {  	_ =	shalt  }
0x50: {  	_ =	shalt  }
0x51: {  	_ =	shalt  }
0x52: {  	_ =	shalt  }
0x53: {  	_ =	shalt  }
0x54: {  	_ =	shalt  }
0x55: {  	_ =	shalt  }
0x56: {  	_ =	shalt  }
0x57: {  	_ =	shalt  }
0x58: {  	_ =	shalt  }
0x59: {  	_ =	shalt  }
0x5a: {  	_ =	shalt  }
0x5b: {  	_ =	shalt  }
0x5c: {  	_ =	shalt  }
0x5d: {  	_ =	shalt  }
0x5e: {  	_ =	shalt  }
0x5f: {  	_ =	shalt  }
0x60: {  	_ =	shalt  }
0x61: {  	_ =	shalt  }
0x62: {  	_ =	shalt  }
0x63: {  	_ =	shalt  }
0x64: {  	_ =	shalt  }
0x65: {  	_ =	shalt  }
0x66: {  	_ =	shalt  }
0x67: {  	_ =	shalt  }
0x68: {  	_ =	shalt  }
0x69: {  	_ =	shalt  }
0x6a: {  	_ =	shalt  }
0x6b: {  	_ =	shalt  }
0x6c: {  	_ =	shalt  }
0x6d: {  	_ =	shalt  }
0x6e: {  	_ =	shalt  }
0x6f: {  	_ =	shalt  }
0x70: {  	_ =	shalt  }
0x71: {  	_ =	shalt  }
0x72: {  	_ =	shalt  }
0x73: {  	_ =	shalt  }
0x74: {  	_ =	shalt  }
0x75: {  	_ =	shalt  }
0x76: {  	_ =	shalt  }
0x77: {  	_ =	shalt  }
0x78: {  	_ =	shalt  }
0x79: {  	_ =	shalt  }
0x7a: {  	_ =	shalt  }
0x7b: {  	_ =	shalt  }
0x7c: {  	_ =	shalt  }
0x7d: {  	_ =	shalt  }
0x7e: {  	_ =	shalt  }
0x7f: {  	_ =	shalt  }
0x80: {  	_ =	shalt  }
0x81: {  	_ =	shalt  }
0x82: {  	_ =	shalt  }
0x83: {  	_ =	shalt  }
0x84: {  	_ =	shalt  }
0x85: {  	_ =	shalt  }
0x86: {  	_ =	shalt  }
0x87: {  	_ =	shalt  }
.Lfunc_end0:
.L_simem_size_0:
called_computation_lowered:
.L_overlay_start_0:
0x88: {  	s2 =	sld [smem:$0x3FD9]  }
0x89: {  	s3 =	sld [smem:$0x3FFE];
	_ =	sdelay $0x1  }
0x8a: {  	s1 =	srdreg.scid  }
0x8b: {  	s0 =	sand.u32 $0x1, s1  }
0x8c: {  	s16 =	sshll.u32 s0, $0xA;
	s2 =	sadd.s32 s3, s2  }
0x8d: {  	s2 =	sadd.s32 s2, s16  }
0x8e: {  	[smem:$0x3FC4] =	sst s2  }
0x8f: {  	_ = 	snop  }
0x90: {  	(tm) =	ssettm $0x1  }
0x91: {  	s17 =	sld [smem:$0x3FFB];
	_ =	sdelay $0x3  }
0x92: {  	_ =	strace s17  }
0x93: {  	s2 =	sld [smem:$0x3FFC];
	_ =	sdelay $0x3  }
0x94: {  	_ =	strace s2  }
0x95: {  	s2 =	sld [smem:$0x3FFD];
	_ =	sdelay $0x3  }
0x96: {  	_ =	strace s2  }
0x97: {  	_ =	strace $0x8FFFFFFF  }
0x98: {  	s18 =	sld [smem:$0x3FDB];
	_ =	sdelay $0x1  }
0x99: {  	s19 =	simm.s32 $_scs_section_size  }
0x9a: {  	s4 =	simm.s32 $_size__tile_overlayer_lowered;
	s5 =	simm.s32 $_tile_overlayer_lowered  }
0x9b: {  	s22 =	simm.s32 $0x1BFF;
	s21 =	sshll.u32 s5, $0x1;
	s2 =	sadd.s32 s19, s18  }
0x9c: {  	s6 =	simm.s32 $0x0;
	s20 =	sshll.u32 s4, $0x1;
	s4 =	sadd.s32 s21, s2  }
0x9d: {  	[timem:s6], [sflag:s22] =	dma.local [hbm:s4], s20  }
0x9e: {  	_ =	swait.ge [sflag:s22], s20  }
0x9f: {  	s3 =	ssub.s32 $0x0, s20;
	[sflag:s22] =	ssyncset.done $0x0  }
0xa0: {  	[sflag:s22] =	ssyncadd.s32 s3;
	_ =	sdelay $0x1  }
0xa1: {  	s23 =	simm.s32 $0x1B8B  }
0xa2: {  	_ =	swait.ge [sflag:s23], $0x1  }
0xa3: {  	[sflag:s23] =	ssyncset.done $0x0  }
0xa4: {  	s25 =	simm.s32 $0x1B8E;
	s24 =	sld [smem:$0x3FFE];
	[sflag:s23] =	ssyncadd.s32 $0xFFFFFFFF  }
0xa5: {  	s26 =	simm.s32 $execute0_lowered;
	[smem:$0x3FD2] =	sst s25  }
0xa6: {  	s4 =	sshll.u32 s26, $0x1;
	_ =	strace $0x80000046;
	[dreg:$0x1] =	wrdreg $0xFFFFFFFF  }
0xa7: {  	s28 =	simm.s32 $_size_execute0_lowered;
	s2 =	sadd.s32 s2, s4;
	[dreg:$0x0] =	wrdreg $0x0  }
0xa8: {  	s4 =	sshll.u32 s28, $0x1;
	[dreg:$0x2] =	wrdreg s2  }
0xa9: {  	[dreg:$0x3] =	wrdreg s4  }
0xaa: {  	[dreg:$0x4] =	wrdreg $0xC0  }
0xab: {  	_ =	task [dreg:s6], $0x5FFFF  }
0xac: {  	[dreg:$0x1] =	wrdreg $0xFFFFFFFF  }
0xad: {  	[dreg:$0x0] =	wrdreg $0x60  }
0xae: {  	[dreg:$0x2] =	wrdreg s24  }
0xaf: {  	[dreg:$0x3] =	wrdreg $0x7000  }
0xb0: {  	[dreg:$0x4] =	wrdreg $0x9  }
0xb1: {  	_ =	task.clear_ibuf [dreg:s6], $0x5FFFF;
	_ =	strace $0x90000046  }
0xb2: {  	s29 =	simm.s32 $0x9;
	_ =	strace $0x80000048  }
0xb3: {  	_ =	swait.ge [sflag:s29], $0x1  }
0xb4: {  	[sflag:s29] =	ssyncadd.s32 $0xFFFFFFFF  }
0xb5: {  	_ =	strace $0x90000048  }
0xb6: {  	_ =	sfence  }
0xb7: {  	s30 =	sld [smem:$0x0];
	_ =	sdelay $0x2  }
0xb8: {  	s31 =	sshll.u32 s1, $0xD;
	s1 =	sshrl.u32 s1, $0x2  }
0xb9: {  	s3 =	sand.u32 $0x4000, s31;
	s1 =	sadd.s32 s1, s30  }
0xba: {  	s0 =	sor.u32 s3, s0;
	s1 =	sshll.u32 s1, $0x11  }
0xbb: {  	s0 =	sor.u32 s1, s0  }
0xbc: {  	s0 =	sadd.s32 $0x8F2B, s0  }
0xbd: {  	[sflag:s0] =	ssyncadd.remote.s32 $0x1  }
0xbe: {  	_ =	sfence.sel $0xFFFF  }
0xbf: {  	[dreg:$0x0] =	wrdreg $0xFFFFFFFF;
	(pc) =	sbr.abs _section_cstart, $3  }
0xc0: {  	[dreg:$0x1] =	wrdreg $0xFFFFFFFF  }
0xc1: {  	_ =	task.clear_ibuf [dreg:s6], $0x2FFFF;
	_ =	strace $0x9FFFFFFF  }
0xc2: {  	(tm) =	ssettm $0x7FFFFFFF  }
0xc3: {  	_ =	shalt  }
tec
execute0_lowered:
.L_overlay_start_1:
0x0: {  	(tag) =	ssettag $0x1  }
0x1: {  	s0 =	rddreg [dreg:$0x0]  }
0x2: {  	s1 =	srdreg.scid;
	s9 =	stileid.u32  }
0x3: {  	s2 =	rddreg [dreg:$0x1];
	s3 =	simm.s32 $0x0;
	s18 =	simm.s32 $0x280  }
0x4: {  	s19 =	simm.s32 $0x9;
	s28 =	simm.s32 $0x5;
	s29 =	simm.s32 $0x3  }
0x5: {  	s30 =	simm.s32 $0x6;
	s31 =	simm.s32 $0x4;
	s20 =	smul.u32 $0xA00, s9  }
0x6: {  	s1 =	sand.u32 $0x1, s1;
	s4 =	sshll.u32 s9, $0x1;
	s8 =	smul.u32 $0x4EC0, s9  }
0x7: {  	[smem:$0x7FF] =	sst s3;
	s7 =	sadd.s32 $0x3200, s0;
	s25 =	smul.u32 $0x9D8, s9  }
0x8: {  	s4 =	sor.u32 s1, s4;
	_ =	strace $0x80000047;
	s1 =	ssub.s32 $0x2, s1  }
0x9: {  	s5 =	smul.u32 $0x140, s4;
	s4 =	sshrl.u32 s20, $0x2;
	s21 =	sshrl.u32 s1, $0x1  }
0xa: {  	s8 =	sshrl.u32 s8, $0x3;
	s17 =	sadd.s32 s25, s7;
	s20 =	simm.s32 $0x80  }
0xb: {  	s25 =	simm.s32 $0x180;
	s4 =	sadd.s32 s4, s2;
	s1 =	ssub.s32 s1, s21  }
0xc: {  	s21 =	simm.s32 $0x100;
	s6 =	sshrl.u32 s5, $0x3;
	s22 =	sadd.s32 $0x140, s4  }
0xd: {  	s5 =	sadd.s32 s5, s2;
	s1 =	smax.u32 s1, $0x1;
	[dreg:$0x3] =	wrdreg s22  }
0xe: {  	s0 =	sadd.s32 s6, s0;
	s6 =	sadd.s32 s7, s8;
	[dreg:$0x6] =	wrdreg s5  }
0xf: {  	[dreg:$0x9] =	wrdreg s1;
	s22 =	simm.s32 $0x1;
	s8 =	sadd.s32 $0xE, s6  }
0x10: {  	s1 =	simm.s32 $0x7;
	s23 =	sadd.s32 $0x1C, s6;
	[dreg:$0x4] =	wrdreg s8  }
0x11: {  	s5 =	simm.s32 $0x0;
	s24 =	sadd.s32 $0xD000, s0;
	[dreg:$0x5] =	wrdreg s23  }
0x12: {  	s0 =	sadd.s32 $0xD600, s0;
	s26 =	sadd.s32 $0x2A, s6;
	[dreg:$0x7] =	wrdreg s24  }
0x13: {  	s14 =	sadd.s32 $0x38, s6;
	s15 =	sadd.s32 $0x46, s6;
	[dreg:$0x8] =	wrdreg s0  }
0x14: {  	s16 =	sadd.s32 $0x54, s6;
	[dreg:$0xa] =	wrdreg s26;
	s23 =	simm.s32 $0x70  }
0x15: {  	v0 =	vimm.f32 $0.0e+00;
	v1 =	vimm.f32 $1.000000000e+00;
	s24 =	simm.s32 $0x200;
	s26 =	simm.s32 $0x2;
	s0 =	simm.s32 $0x8  }
.LBB2_1:
0x16: {  	[tilespmem:$0x280] =	vst v0  }
0x17: {  	[tilespmem:$0x290] =	vst v0  }
0x18: {  	[tilespmem:$0x2A0] =	vst v0  }
0x19: {  	[tilespmem:$0x2B0] =	vst v0  }
0x1a: {  	[tilespmem:$0x2C0] =	vst v0  }
0x1b: {  	[tilespmem:$0x2D0] =	vst v0  }
0x1c: {  	[tilespmem:$0x2E0] =	vst v0  }
0x1d: {  	[tilespmem:$0x2F0] =	vst v0  }
0x1e: {  	[tilespmem:$0x300] =	vst v0  }
0x1f: {  	[tilespmem:$0x310] =	vst v0  }
0x20: {  	[tilespmem:$0x320] =	vst v0  }
0x21: {  	[tilespmem:$0x330] =	vst v0  }
0x22: {  	[tilespmem:$0x340] =	vst v0  }
0x23: {  	[tilespmem:$0x350] =	vst v0  }
0x24: {  	[tilespmem:$0x360] =	vst v0  }
0x25: {  	[tilespmem:$0x370] =	vst v0  }
0x26: {  	[tilespmem:$0x380] =	vst v0  }
0x27: {  	[tilespmem:$0x390] =	vst v0  }
0x28: {  	[tilespmem:$0x3A0] =	vst v0  }
0x29: {  	[tilespmem:$0x3B0] =	vst v0  }
0x2a: {  	[spmem:s4] =	stream.linear.scatter [tilespmem:s18], [sflag:$0x9], $0x140, $0x38;
	[tilespmem:$0x980] =	vst v63  }
0x2b: {  	_ =	swait.ge [sflag:s19], $0x140  }
0x2c: {  	[sflag:s19] =	ssyncset.done $0x0  }
0x2d: {  	s7 =	rddreg [dreg:$0x3];
	[sflag:s19] =	ssyncadd.s32 $0xFFFFFEC0  }
0x2e: {  	[spmem:s7] =	stream.linear.scatter [tilespmem:s18], [sflag:$0x9], $0x140, $0x38;
	[tilespmem:$0x980] =	vst v63  }
0x2f: {  	_ =	swait.ge [sflag:s19], $0x140  }
0x30: {  	[sflag:s19] =	ssyncset.done $0x0  }
0x31: {  	[sflag:s19] =	ssyncadd.s32 $0xFFFFFEC0  }
0x32: {  	[bflag:$0x0] =	sbarrier.arrive $0xFFFF  }
0x33: {  	[tilespmem:$0x200] =	vst v1  }
0x34: {  	[tilespmem:$0x210] =	vst v1  }
0x35: {  	[tilespmem:$0x220] =	vst v1  }
0x36: {  	[tilespmem:$0x230] =	vst v1  }
0x37: {  	[tilespmem:$0x240] =	vst v1  }
0x38: {  	[tilespmem:$0x250] =	vst v1  }
0x39: {  	[tilespmem:$0x260] =	vst v1  }
0x3a: {  	[tilespmem:s3], [sflag:$0x1] =	stream.linear.gather [hbm4b:s6+s3], $0x70, $0x38;
	[tilespmem:$0x980] =	vst v63  }
0x3b: {  	s11 =	rddreg [dreg:$0x4]  }
0x3c: {  	[tilespmem:s20], [sflag:$0x2] =	stream.linear.gather [hbm4b:s11+s3], $0x70, $0x38;
	[tilespmem:$0x980] =	vst v63  }
0x3d: {  	s12 =	rddreg [dreg:$0x5]  }
0x3e: {  	[tilespmem:s21], [sflag:$0x3] =	stream.linear.gather [hbm4b:s12+s3], $0x70, $0x38;
	[tilespmem:$0x980] =	vst v63  }
0x3f: {  	_ =	swait.ge [sflag:s22], $0x70  }
0x40: {  	[sflag:s22] =	ssyncset.done $0x0  }
0x41: {  	[sflag:s22] =	ssyncadd.s32 $0xFFFFFF90  }
0x42: {  	[spmem:s2] =	stream.indirect.scatter.add.f32 [tilespmem:s24], [sflag:$0x5], $0x1, s3, s23, $0xb8;
	[tilespmem:$0x980] =	vst v63  }
0x43: {  	s13 =	rddreg [dreg:$0xa]  }
0x44: {  	[tilespmem:s25], [sflag:$0x4] =	stream.linear.gather [hbm4b:s13+s3], $0x70, $0x38;
	[tilespmem:$0x980] =	vst v63  }
0x45: {  	_ =	swait.ge [sflag:s26], $0x70  }
0x46: {  	[sflag:s26] =	ssyncset.done $0x0  }
0x47: {  	[sflag:s26] =	ssyncadd.s32 $0xFFFFFF90  }
0x48: {  	[spmem:s2] =	stream.indirect.scatter.add.f32 [tilespmem:s24], [sflag:$0x6], $0x1, s20, s23, $0xb8;
	[tilespmem:$0x980] =	vst v63  }
0x49: {  	_ =	swait.ge [sflag:s28], $0x70  }
0x4a: {  	[sflag:s28] =	ssyncset.done $0x0  }
0x4b: {  	[sflag:s28] =	ssyncadd.s32 $0xFFFFFF90  }
0x4c: {  	[tilespmem:s3], [sflag:$0x1] =	stream.linear.gather [hbm4b:s14+s3], $0x70, $0x38;
	[tilespmem:$0x980] =	vst v63  }
0x4d: {  	_ =	swait.ge [sflag:s29], $0x70  }
0x4e: {  	[sflag:s29] =	ssyncset.done $0x0  }
0x4f: {  	[sflag:s29] =	ssyncadd.s32 $0xFFFFFF90  }
0x50: {  	[spmem:s2] =	stream.indirect.scatter.add.f32 [tilespmem:s24], [sflag:$0x7], $0x1, s21, s23, $0xb8;
	[tilespmem:$0x980] =	vst v63  }
0x51: {  	_ =	swait.ge [sflag:s30], $0x70  }
0x52: {  	[sflag:s30] =	ssyncset.done $0x0  }
0x53: {  	[sflag:s30] =	ssyncadd.s32 $0xFFFFFF90  }
0x54: {  	[tilespmem:s20], [sflag:$0x2] =	stream.linear.gather [hbm4b:s15+s3], $0x70, $0x38;
	[tilespmem:$0x980] =	vst v63  }
0x55: {  	_ =	swait.ge [sflag:s31], $0x70  }
0x56: {  	[sflag:s31] =	ssyncset.done $0x0  }
0x57: {  	[sflag:s31] =	ssyncadd.s32 $0xFFFFFF90  }
0x58: {  	[spmem:s2] =	stream.indirect.scatter.add.f32 [tilespmem:s24], [sflag:$0x8], $0x1, s25, s23, $0xb8;
	[tilespmem:$0x980] =	vst v63  }
0x59: {  	_ =	swait.ge [sflag:s1], $0x70  }
0x5a: {  	[sflag:s1] =	ssyncset.done $0x0  }
0x5b: {  	s7 =	simm.s32 $0xFFFFF698;
	[sflag:s1] =	ssyncadd.s32 $0xFFFFFF90  }
0x5c: {  	[tilespmem:s21], [sflag:$0x3] =	stream.linear.gather [hbm4b:s16+s3], $0x70, $0x38;
	[tilespmem:$0x980] =	vst v63  }
.LBB2_2:
0x5d: {  	_ =	swait.ge [sflag:s22], $0x70  }
0x5e: {  	[sflag:s22] =	ssyncset.done $0x0  }
0x5f: {  	[sflag:s22] =	ssyncadd.s32 $0xFFFFFF90  }
0x60: {  	[spmem:s2] =	stream.indirect.scatter.add.f32 [tilespmem:s24], [sflag:$0x5], $0x1, s3, s23, $0xb8;
	[tilespmem:$0x980] =	vst v63  }
0x61: {  	_ =	swait.ge [sflag:s0], $0x70  }
0x62: {  	s8 =	sadd.s32 s7, s17;
	[sflag:s0] =	ssyncset.done $0x0  }
0x63: {  	s9 =	sadd.s32 $0x9CA, s8;
	[sflag:s0] =	ssyncadd.s32 $0xFFFFFF90  }
0x64: {  	[tilespmem:s25], [sflag:$0x4] =	stream.linear.gather [hbm4b:s9+s3], $0x70, $0x38;
	[tilespmem:$0x980] =	vst v63  }
0x65: {  	_ =	swait.ge [sflag:s26], $0x70  }
0x66: {  	[sflag:s26] =	ssyncset.done $0x0  }
0x67: {  	[sflag:s26] =	ssyncadd.s32 $0xFFFFFF90  }
0x68: {  	[spmem:s2] =	stream.indirect.scatter.add.f32 [tilespmem:s24], [sflag:$0x6], $0x1, s20, s23, $0xb8;
	[tilespmem:$0x980] =	vst v63  }
0x69: {  	_ =	swait.ge [sflag:s28], $0x70  }
0x6a: {  	p0 =	seq.s32 s7, $0x0;
	[sflag:s28] =	ssyncset.done $0x0  }
0x6b: {  	s9 =	simm.s32 @p0 $0x3;
	[sflag:s28] =	ssyncadd.s32 $0xFFFFFF90  }
0x6c: {  	_ =	swait.ge @p0 [sflag:s9], $0x70  }
0x6d: {  	s10 =	simm.s32 @p0 $0x100;
	[sflag:s9] =	ssyncset.done @p0 $0x0  }
0x6e: {  	s11 =	simm.s32 @p0 $0x200;
	[sflag:s9] =	ssyncadd.s32 @p0 $0xFFFFFF90;
	s9 =	simm.s32 @p0 $0x70  }
0x6f: {  	[spmem:s2] =	stream.indirect.scatter.add.f32 @p0 [tilespmem:s11], [sflag:$0x7], $0x1, s10, s9, $0xb8;
	[tilespmem:$0x980] =	vst v63  }
0x70: {  	s9 =	simm.s32 @p0 $0x6  }
0x71: {  	_ =	swait.ge @p0 [sflag:s9], $0x70  }
0x72: {  	s10 =	sadd.s32 @!p0 s7, s17;
	[sflag:s9] =	ssyncset.done @p0 $0x0  }
0x73: {  	s11 =	simm.s32 @!p0 $0x0;
	[sflag:s9] =	ssyncadd.s32 @p0 $0xFFFFFF90;
	s9 =	sadd.s32 @!p0 $0x9D8, s10  }
0x74: {  	[tilespmem:s11], [sflag:$0x1] =	stream.linear.gather @!p0 [hbm4b:s9+s11], $0x70, $0x38;
	[tilespmem:$0x980] =	vst v63  }
0x75: {  	s9 =	simm.s32 @!p0 $0x3  }
0x76: {  	_ =	swait.ge @!p0 [sflag:s9], $0x70  }
0x77: {  	s12 =	simm.s32 @!p0 $0x100;
	[sflag:s9] =	ssyncset.done @!p0 $0x0  }
0x78: {  	s13 =	simm.s32 @!p0 $0x200;
	[sflag:s9] =	ssyncadd.s32 @!p0 $0xFFFFFF90;
	s9 =	simm.s32 @!p0 $0x70  }
0x79: {  	[spmem:s2] =	stream.indirect.scatter.add.f32 @!p0 [tilespmem:s13], [sflag:$0x7], $0x1, s12, s9, $0xb8;
	[tilespmem:$0x980] =	vst v63  }
0x7a: {  	s9 =	simm.s32 @!p0 $0x6  }
0x7b: {  	_ =	swait.ge @!p0 [sflag:s9], $0x70  }
0x7c: {  	[sflag:s9] =	ssyncset.done @!p0 $0x0  }
0x7d: {  	[sflag:s9] =	ssyncadd.s32 @!p0 $0xFFFFFF90;
	s9 =	sadd.s32 @!p0 $0x9E6, s10;
	s10 =	simm.s32 @!p0 $0x80  }
0x7e: {  	[tilespmem:s10], [sflag:$0x2] =	stream.linear.gather @!p0 [hbm4b:s9+s11], $0x70, $0x38;
	[tilespmem:$0x980] =	vst v63  }
0x7f: {  	_ =	swait.ge [sflag:s31], $0x70  }
0x80: {  	[sflag:s31] =	ssyncset.done $0x0  }
.Ltmp0:
0x81: {  	[sflag:s31] =	ssyncadd.s32 $0xFFFFFF90;
	(pc) =	sbr.rel @p0 .LBB2_4-.Ltmp0, $4  }
0x82: {  	[spmem:s2] =	stream.indirect.scatter.add.f32 [tilespmem:s24], [sflag:$0x8], $0x1, s25, s23, $0xb8;
	[tilespmem:$0x980] =	vst v63  }
0x83: {  	_ =	swait.ge [sflag:s1], $0x70  }
0x84: {  	[sflag:s1] =	ssyncset.done $0x0  }
0x85: {  	[sflag:s1] =	ssyncadd.s32 $0xFFFFFF90  }
.Ltmp1:
0x86: {  	(pc) =	sbr.rel .LBB2_2-.Ltmp1, $3  }
0x87: {  	_ =	sdelay $0x1  }
0x88: {  	s8 =	sadd.s32 $0x9F4, s8;
	s7 =	sadd.s32 $0x38, s7  }
0x89: {  	[tilespmem:s21], [sflag:$0x3] =	stream.linear.gather [hbm4b:s8+s3], $0x70, $0x38;
	[tilespmem:$0x980] =	vst v63  }
.LBB2_4:
0x8a: {  	_ =	swait.ge [sflag:s0], $0x70  }
0x8b: {  	[sflag:s0] =	ssyncset.done $0x0  }
0x8c: {  	[sflag:s0] =	ssyncadd.s32 $0xFFFFFF90  }
0x8d: {  	[bflag:$0x0] =	sbarrier.arrive $0xFFFF  }
0x8e: {  	s7 =	rddreg [dreg:$0x6]  }
0x8f: {  	[tilespmem:s18], [sflag:$0x9] =	stream.linear.gather [spmem:s7], $0x140, $0x38;
	[tilespmem:$0x980] =	vst v63  }
0x90: {  	_ =	swait.ge [sflag:s19], $0x140  }
0x91: {  	[sflag:s19] =	ssyncset.done $0x0  }
0x92: {  	s7 =	simm.s32 $0x0;
	[sflag:s19] =	ssyncadd.s32 $0xFFFFFEC0  }
0x93: {  	v4 =	vld [tilespmem:s7+$0x280];
	_ =	sdelay $0x4  }
0x94: {  	v2 =	vmax.f32 v4, $1.000000000e+00  }
0x95: {  	v5 =	vmul.f32 $5.000000000e-01, v2;
	v2 =	vshra.s32 v2, $0x1  }
0x96: {  	v2 =	vsub.s32 $0x5F3759DF, v2  }
0x97: {  	v3 =	vmul.f32 v2, v5;
	_ =	sdelay $0x1  }
0x98: {  	s8 =	simm.s32 $0x10;
	v6 =	vadd.f32 $1.000000000e+00, v4;
	v3 =	vmul.f32 v2, v3  }
0x99: {  	v8 =	vld [tilespmem:s8+$0x280]  }
0x9a: {  	v7 =	vshra.s32 v6, $0x1;
	v6 =	vmul.f32 $5.000000000e-01, v6;
	v3 =	vsub.f32 $1.500000000e+00, v3  }
0x9b: {  	v7 =	vsub.s32 $0x5F3759DF, v7  }
0x9c: {  	v9 =	vmul.f32 v7, v6;
	v2 =	vmul.f32 v2, v3;
	_ =	sdelay $0x1  }
0x9d: {  	v3 =	vmul.f32 v7, v9;
	v9 =	vmax.f32 v8, $1.000000000e+00;
	v10 =	vmul.f32 v2, v5  }
0x9e: {  	v11 =	vmul.f32 $5.000000000e-01, v9;
	v9 =	vshra.s32 v9, $0x1  }
0x9f: {  	v3 =	vsub.f32 $1.500000000e+00, v3;
	v9 =	vsub.s32 $0x5F3759DF, v9;
	v10 =	vmul.f32 v10, v2  }
0xa0: {  	v12 =	vadd.f32 $1.000000000e+00, v8;
	v13 =	vmul.f32 v9, v11  }
0xa1: {  	v14 =	vmul.f32 v7, v3;
	v7 =	vsub.f32 $1.500000000e+00, v10  }
0xa2: {  	s9 =	simm.s32 $0x20;
	v3 =	vmul.f32 $5.000000000e-01, v12;
	v10 =	vshra.s32 v12, $0x1;
	v12 =	vmul.f32 v9, v13  }
0xa3: {  	v13 =	vmul.f32 v14, v6;
	v10 =	vsub.s32 $0x5F3759DF, v10;
	v15 =	vmul.f32 v7, v2;
	v2 =	vld [tilespmem:s9+$0x280]  }
0xa4: {  	v7 =	vmul.f32 v10, v3;
	v12 =	vsub.f32 $1.500000000e+00, v12  }
0xa5: {  	v13 =	vmul.f32 v13, v14;
	v5 =	vmul.f32 v15, v5  }
0xa6: {  	v7 =	vmul.f32 v10, v7;
	v9 =	vmul.f32 v9, v12  }
0xa7: {  	v12 =	vsub.f32 $1.500000000e+00, v13;
	v5 =	vmul.f32 v5, v15  }
0xa8: {  	v13 =	vsub.f32 $1.500000000e+00, v7;
	v17 =	vmul.f32 v9, v11;
	v16 =	vmax.f32 v2, $1.000000000e+00  }
0xa9: {  	v18 =	vadd.f32 $1.000000000e+00, v2;
	v5 =	vsub.f32 $1.500000000e+00, v5;
	v7 =	vmul.f32 $5.000000000e-01, v16  }
0xaa: {  	v10 =	vmul.f32 v10, v13;
	v13 =	vshra.s32 v16, $0x1;
	v16 =	vmul.f32 v17, v9  }
0xab: {  	vm0 =	vgt.f32 v4, $0.0e+00;
	v13 =	vsub.s32 $0x5F3759DF, v13;
	v5 =	vmul.f32 v5, v15  }
0xac: {  	v15 =	vshra.s32 v18, $0x1;
	v4 =	vmul.f32 v13, v7;
	v16 =	vsub.f32 $1.500000000e+00, v16  }
0xad: {  	v17 =	vnsel vm0, $0x0, v5;
	v5 =	vmul.f32 $5.000000000e-01, v18;
	v18 =	vmul.f32 v10, v3  }
0xae: {  	v15 =	vsub.s32 $0x5F3759DF, v15;
	v16 =	vmul.f32 v16, v9;
	[tilespmem:s7+$0x580] =	vst v17;
	v17 =	vmul.f32 v13, v4  }
0xaf: {  	s10 =	simm.s32 $0x30;
	v19 =	vmul.f32 v15, v5;
	v18 =	vmul.f32 v18, v10  }
0xb0: {  	v9 =	vmul.f32 v12, v14;
	v4 =	vld [tilespmem:s10+$0x280];
	v12 =	vsub.f32 $1.500000000e+00, v17  }
0xb1: {  	v11 =	vmul.f32 v16, v11;
	v14 =	vmul.f32 v15, v19;
	v17 =	vsub.f32 $1.500000000e+00, v18  }
0xb2: {  	v18 =	vmul.f32 v9, v6;
	v20 =	vmul.f32 v13, v12  }
0xb3: {  	vm15 =	vgt.f32 v8, $0.0e+00;
	v11 =	vmul.f32 v11, v16;
	v6 =	vmul.f32 v17, v10  }
0xb4: {  	v12 =	vsub.f32 $1.500000000e+00, v14;
	v17 =	vmul.f32 v18, v9;
	v14 =	vmul.f32 v20, v7  }
0xb5: {  	v11 =	vsub.f32 $1.500000000e+00, v11;
	v13 =	vmax.f32 v4, $1.000000000e+00;
	v18 =	vadd.f32 $1.000000000e+00, v4  }
0xb6: {  	v10 =	vmul.f32 $5.000000000e-01, v13;
	v13 =	vshra.s32 v13, $0x1;
	v14 =	vmul.f32 v14, v20  }
0xb7: {  	v12 =	vmul.f32 v15, v12;
	v11 =	vmul.f32 v11, v16;
	v15 =	vsub.s32 $0x5F3759DF, v13  }
0xb8: {  	v16 =	vshra.s32 v18, $0x1;
	v8 =	vmul.f32 v15, v10;
	v14 =	vsub.f32 $1.500000000e+00, v14  }
0xb9: {  	v19 =	vnsel vm15, $0x0, v11;
	v11 =	vmul.f32 $5.000000000e-01, v18;
	v18 =	vmul.f32 v12, v5  }
0xba: {  	s11 =	simm.s32 $0x40;
	v13 =	vsub.s32 $0x5F3759DF, v16;
	[tilespmem:s8+$0x580] =	vst v19;
	v19 =	vmul.f32 v15, v8;
	v14 =	vmul.f32 v14, v20  }
0xbb: {  	s12 =	simm.s32 $0x140;
	v16 =	vsub.f32 $1.500000000e+00, v17;
	v8 =	vld [tilespmem:s11+$0x280];
	v17 =	vmul.f32 v13, v11;
	v18 =	vmul.f32 v18, v12  }
.LBB2_5:
0xbc: {  	p0 =	sne.s32 s12, $0x4C0;
	v19 =	vsub.f32 $1.500000000e+00, v19;
	v20 =	vmul.f32 v14, v7;
	v21 =	vmul.f32 v6, v3;
	v7 =	vmovc v10;
	v3 =	vmovc v5  }
0xbd: {  	v16 =	vmul.f32 v16, v9;
	v9 =	vmovc v6;
	v5 =	vmovc v11;
	v10 =	vmul.f32 v13, v17;
	v17 =	vsub.f32 $1.500000000e+00, v18  }
0xbe: {  	v18 =	vmul.f32 v15, v19;
	v11 =	vmul.f32 v20, v14  }
0xbf: {  	v15 =	vsub.f32 $1.500000000e+00, v10;
	v6 =	vmul.f32 v17, v12;
	v17 =	vmul.f32 v21, v9;
	[tilespmem:s7+$0x400] =	vst v16;
	s7 =	smov.u32 s8;
	s8 =	smov.u32 s9;
	s9 =	smov.u32 s10  }
0xc0: {  	s10 =	smov.u32 s11;
	v16 =	vmax.f32 v8, $1.000000000e+00;
	v19 =	vmul.f32 v18, v7;
	v11 =	vsub.f32 $1.500000000e+00, v11  }
0xc1: {  	v20 =	vadd.f32 $1.000000000e+00, v8;
	v10 =	vmul.f32 $5.000000000e-01, v16;
	v12 =	vmul.f32 v13, v15  }
0xc2: {  	v13 =	vshra.s32 v16, $0x1;
	v16 =	vmul.f32 v19, v18;
	v11 =	vmul.f32 v11, v14  }
.Ltmp2:
0xc3: {  	vm0 =	vgt.f32 v2, $0.0e+00;
	v2 =	vmovc v4;
	v4 =	vmovc v8;
	v14 =	vshra.s32 v20, $0x1;
	v15 =	vsub.s32 $0x5F3759DF, v13;
	(pc) =	sbr.rel @p0 .LBB2_5-.Ltmp2, $4  }
0xc4: {  	v8 =	vmul.f32 v15, v10;
	v16 =	vsub.f32 $1.500000000e+00, v16;
	v19 =	vnsel vm0, $0x0, v11  }
0xc5: {  	v13 =	vsub.s32 $0x5F3759DF, v14;
	v11 =	vmul.f32 $5.000000000e-01, v20;
	v20 =	vmul.f32 v12, v5;
	[tilespmem:s8+$0x580] =	vst v19  }
0xc6: {  	s11 =	sshra.s32 s12, $0x2;
	v19 =	vmul.f32 v15, v8;
	v14 =	vmul.f32 v16, v18;
	v16 =	vsub.f32 $1.500000000e+00, v17  }
0xc7: {  	s12 =	sadd.s32 $0x40, s12;
	v17 =	vmul.f32 v13, v11;
	v18 =	vmul.f32 v20, v12;
	v8 =	vld [tilespmem:s11+$0x280]  }
0xc8: {  	_ =	sdelay $0x3  }
0xc9: {  	v20 =	vmax.f32 v8, $1.000000000e+00  }
0xca: {  	v21 =	vmul.f32 $5.000000000e-01, v20;
	v20 =	vshra.s32 v20, $0x1  }
0xcb: {  	v22 =	vadd.f32 $1.000000000e+00, v8;
	v20 =	vsub.s32 $0x5F3759DF, v20  }
0xcc: {  	v19 =	vsub.f32 $1.500000000e+00, v19;
	v7 =	vmul.f32 v14, v7;
	v23 =	vmul.f32 v20, v21  }
0xcd: {  	v9 =	vmul.f32 v16, v9;
	v39 =	vshra.s32 v22, $0x1;
	v22 =	vmul.f32 $5.000000000e-01, v22  }
0xce: {  	v3 =	vmul.f32 v6, v3;
	v16 =	vsub.s32 $0x5F3759DF, v39;
	v40 =	vmul.f32 v20, v23  }
0xcf: {  	v17 =	vmul.f32 v13, v17;
	v18 =	vsub.f32 $1.500000000e+00, v18;
	v41 =	vmul.f32 v16, v22  }
0xd0: {  	v15 =	vmul.f32 v15, v19;
	v7 =	vmul.f32 v7, v14;
	v42 =	vsub.f32 $1.500000000e+00, v40  }
0xd1: {  	v3 =	vmul.f32 v3, v6;
	v17 =	vsub.f32 $1.500000000e+00, v17;
	v23 =	vmul.f32 v16, v41  }
0xd2: {  	v43 =	vmul.f32 v15, v10;
	v45 =	vmul.f32 v20, v42  }
0xd3: {  	v12 =	vmul.f32 v18, v12;
	v44 =	vmul.f32 v13, v17;
	v47 =	vsub.f32 $1.500000000e+00, v23  }
0xd4: {  	v7 =	vsub.f32 $1.500000000e+00, v7;
	v46 =	vmul.f32 v43, v15;
	v48 =	vmul.f32 v45, v21  }
0xd5: {  	v49 =	vmul.f32 v44, v11;
	v16 =	vmul.f32 v16, v47  }
0xd6: {  	v7 =	vmul.f32 v7, v14;
	v18 =	vsub.f32 $1.500000000e+00, v46;
	v14 =	vmul.f32 v48, v45  }
0xd7: {  	v19 =	vmul.f32 v49, v44;
	v50 =	vmul.f32 v16, v22  }
0xd8: {  	v3 =	vsub.f32 $1.500000000e+00, v3;
	v15 =	vmul.f32 v18, v15;
	v14 =	vsub.f32 $1.500000000e+00, v14  }
0xd9: {  	v5 =	vmul.f32 v12, v5;
	v53 =	vsub.f32 $1.500000000e+00, v19;
	v18 =	vmul.f32 v50, v16  }
0xda: {  	vm0 =	vgt.f32 v2, $0.0e+00;
	v51 =	vmul.f32 v15, v10;
	v52 =	vmul.f32 v14, v45  }
0xdb: {  	v3 =	vmul.f32 v3, v6;
	v2 =	vmul.f32 v53, v44;
	v54 =	vsub.f32 $1.500000000e+00, v18  }
0xdc: {  	v10 =	vmul.f32 v51, v15;
	v55 =	vmul.f32 v52, v21  }
0xdd: {  	v5 =	vmul.f32 v5, v12;
	v56 =	vmul.f32 v54, v16  }
0xde: {  	v57 =	vmul.f32 v2, v11;
	v10 =	vsub.f32 $1.500000000e+00, v10;
	v13 =	vmul.f32 v55, v52  }
0xdf: {  	[tilespmem:s7+$0x400] =	vst v9;
	v7 =	vnsel vm0, $0x0, v7;
	v5 =	vsub.f32 $1.500000000e+00, v5;
	v58 =	vmul.f32 v56, v22  }
0xe0: {  	[tilespmem:s9+$0x580] =	vst v7;
	v59 =	vmul.f32 v57, v2;
	v10 =	vmul.f32 v10, v15;
	v60 =	vsub.f32 $1.500000000e+00, v13  }
0xe1: {  	vm14 =	vgt.f32 v4, $0.0e+00;
	[tilespmem:s8+$0x400] =	vst v3;
	v3 =	vmul.f32 v5, v12;
	v4 =	vmul.f32 v58, v56  }
0xe2: {  	v63 =	vsub.f32 $1.500000000e+00, v59;
	v61 =	vnsel vm14, $0x0, v10;
	v62 =	vmul.f32 v60, v52  }
0xe3: {  	vm15 =	vgt.f32 v8, $0.0e+00;
	[tilespmem:s10+$0x580] =	vst v61;
	v4 =	vsub.f32 $1.500000000e+00, v4  }
0xe4: {  	v2 =	vmul.f32 v63, v2;
	[tilespmem:s9+$0x400] =	vst v3;
	v3 =	vnsel vm15, $0x0, v62  }
0xe5: {  	[tilespmem:s11+$0x580] =	vst v3;
	v3 =	vmul.f32 v4, v56  }
0xe6: {  	[tilespmem:s10+$0x400] =	vst v2  }
0xe7: {  	s9 =	rddreg [dreg:$0x7];
	s10 =	simm.s32 $0x400;
	[tilespmem:s11+$0x400] =	vst v3  }
0xe8: {  	[hbm4b:s9+s3] =	stream.linear.scatter [tilespmem:s10], [sflag:$0x9], $0x140, $0x38;
	[tilespmem:$0x980] =	vst v63  }
0xe9: {  	_ =	swait.ge [sflag:s19], $0x140  }
0xea: {  	[sflag:s19] =	ssyncset.done $0x0  }
0xeb: {  	s12 =	simm.s32 $0x580;
	s11 =	rddreg [dreg:$0x8];
	[sflag:s19] =	ssyncadd.s32 $0xFFFFFEC0  }
0xec: {  	[hbm4b:s11+s3] =	stream.linear.scatter [tilespmem:s12], [sflag:$0x9], $0x140, $0x38;
	[tilespmem:$0x980] =	vst v63  }
0xed: {  	_ =	swait.ge [sflag:s19], $0x140  }
0xee: {  	s5 =	sadd.s32 $0x1, s5;
	s13 =	rddreg [dreg:$0x9]  }
0xef: {  	p0 =	sne.s32 s5, s13  }
.Ltmp3:
0xf0: {  	_ = 	snop;
	(pc) =	sbr.rel @p0 .LBB2_1-.Ltmp3, $3  }
0xf1: {  	_ =	sdelay $0x1  }
0xf2: {  	[sflag:s19] =	ssyncset.done $0x0  }
0xf3: {  	[sflag:s19] =	ssyncadd.s32 $0xFFFFFEC0  }
0xf4: {  	_ =	sfence.sel $0x180000  }
0xf5: {  	[bflag:$0x0] =	sbarrier.arrive $0xFFFF  }
0xf6: {  	_ =	strace $0x90000047  }
0xf7: {  	s0 =	stileid.u32;
	[bflag:$0x2] =	sbarrier.arrive $0xFFFF  }
0xf8: {  	p0 =	sne.s32 s0, $0x0;
	s0 =	rddreg [dreg:$0x2]  }
0xf9: {  	s0 =	sadd.s32 @!p0 $0x100000, s0  }
0xfa: {  	[sflag:s0] =	ssyncadd.tile.s32 @!p0 $0x1;
	_ =	shalt  }
.Lfunc_end2:
_tile_overlayer_lowered:
.L_overlay_start_2:
0xfb: {  	(tag) =	ssettag $0x2  }
0xfc: {  	s0 =	rddreg [dreg:$0x0];
	s2 =	stileid.u32  }
0xfd: {  	s1 =	rddreg [dreg:$0x1];
	p0 =	sne.s32 s2, $0x0  }
0xfe: {  	s3 =	rddreg [dreg:$0x2];
	[bflag:$0x3] =	sbarrier.arrive $0xFFFF;
	s2 =	simm.s32 @!p0 $0x1C09  }
0xff: {  	[timem:s3], [sflag:s2] =	dma.local @!p0 [hbm:s0], s1  }
0x100: {  	s0 =	simm.s32 @!p0 $0x9  }
0x101: {  	_ =	swait.ge @!p0 [sflag:s0], s1  }
0x102: {  	s1 =	ssub.s32 @!p0 $0x0, s1;
	[sflag:s0] =	ssyncset.done @!p0 $0x0  }
0x103: {  	[sflag:s0] =	ssyncadd.s32 @!p0 s1  }
0x104: {  	[bflag:$0x3] =	sbarrier.arrive $0xFFFF  }
0x105: {  	_ =	shalt  }

</sc_bundles>
